<compile_context>
chip_gen: v7x
topology: tpu7x:2x2x1
jax: 0.10.2.dev20260603
libtpu: 0.0.44.dev20260713+nightly
codegen_flags: <defaults>
</compile_context>

<pallas_src>
import jax
import jax.numpy as jnp
from jax import lax
from jax.experimental import pallas as pl
from jax.experimental.pallas import tpu as pltpu
from jax.experimental.pallas import tpu_sc as plsc

D_MODEL = 64
PADL = 129
NUM_WORKERS = 32
LANE = 128
KSUB = 2
GTOK = KSUB * LANE
N_T = 50
N_BTILE = 128
GROUPS = N_T * N_BTILE // KSUB
GPW = GROUPS // NUM_WORKERS


def _body(loc_hbm, table_hbm, out_hbm, idx_v, g0, g1, t0, t1, gs0, gs1,
          ss0, ss1):
    nc = 2
    wid = lax.axis_index("s") * nc + lax.axis_index("c")
    u0 = wid * GPW
    pltpu.sync_copy(loc_hbm.at[pl.ds(u0, GPW)], idx_v)

    gbuf = (g0, g1)
    tbuf = (t0, t1)
    gs = (gs0, gs1)
    ss = (ss0, ss1)
    iota = lax.iota(jnp.int32, 16)

    def fire_gather(u, p):
        pltpu.async_copy(table_hbm.at[idx_v.at[u]], gbuf[p], gs[p])

    def wait_gather(p):
        pltpu.make_async_copy(table_hbm.at[idx_v.at[0]], gbuf[p],
                              gs[p]).wait()

    def transpose_group(p):
        @plsc.parallel_loop(0, GTOK, unroll=4)
        def _(l):
            kvec = jnp.full((16,), l // LANE, jnp.int32)
            lvec = jnp.full((16,), l % LANE, jnp.int32)
            for f0 in range(0, D_MODEL, 16):
                vec = gbuf[p][l, pl.ds(f0, 16)]
                plsc.store_scatter(tbuf[p], [kvec, iota + f0, lvec], vec)

    def fire_stores(u, p):
        c = (u0 + u) * KSUB
        t = c // N_BTILE
        k = c % N_BTILE
        for ksub in range(KSUB):
            for g in range(8):
                pltpu.async_copy(
                    tbuf[p].at[ksub, pl.ds(8 * g, 8), pl.ds(0, LANE)],
                    out_hbm.at[t, g, k + ksub], ss[p])

    def wait_stores(p):
        for _ in range(KSUB * 8):
            pltpu.make_async_copy(
                tbuf[p].at[0, pl.ds(0, 8), pl.ds(0, LANE)],
                out_hbm.at[0, 0, 0], ss[p]).wait()

    fire_gather(0, 0)

    def it_body(v, _):
        for j in (0, 1):
            u = 2 * v + j
            if j == 0:
                fire_gather(u + 1, 1)
            else:
                @pl.when(v < GPW // 2 - 1)
                def _():
                    fire_gather(u + 1, 0)
            wait_gather(j)

            @pl.when(v > 0)
            def _():
                wait_stores(j)

            transpose_group(j)
            fire_stores(u, j)
        return 0

    lax.fori_loop(0, GPW // 2, it_body, 0)
    wait_stores(0)
    wait_stores(1)


_TC_CHUNK = 2048


def _tc_transpose_pad(table):
    n = table.shape[0]

    def body(in_ref, out_ref):
        x = in_ref[...].T
        out_ref[...] = jnp.pad(x, ((0, 0), (0, 128 - D_MODEL)))

    return pl.pallas_call(
        body,
        grid=(pl.cdiv(n, _TC_CHUNK),),
        in_specs=[pl.BlockSpec((D_MODEL, _TC_CHUNK), lambda r: (0, r))],
        out_specs=pl.BlockSpec((_TC_CHUNK, 128), lambda r: (r, 0)),
        out_shape=jax.ShapeDtypeStruct((n, 128), jnp.float32),
    )(table.T)


def kernel(locations, table):
    b, t = locations.shape
    loc_groups = locations.T.reshape(GROUPS, GTOK).astype(jnp.int32)
    tab_pad = _tc_transpose_pad(table)

    mesh = plsc.VectorSubcoreMesh(core_axis_name="c", subcore_axis_name="s")
    run = pl.kernel(
        _body,
        mesh=mesh,
        out_type=jax.ShapeDtypeStruct((N_T, 8, N_BTILE, 8, LANE),
                                      jnp.float32),
        scratch_types=[
            pltpu.VMEM((GPW, GTOK), jnp.int32),
            pltpu.VMEM((GTOK, 128), jnp.float32),
            pltpu.VMEM((GTOK, 128), jnp.float32),
            pltpu.VMEM((KSUB, D_MODEL, PADL), jnp.float32),
            pltpu.VMEM((KSUB, D_MODEL, PADL), jnp.float32),
            pltpu.SemaphoreType.DMA,
            pltpu.SemaphoreType.DMA,
            pltpu.SemaphoreType.DMA,
            pltpu.SemaphoreType.DMA,
        ],
        compiler_params=pltpu.CompilerParams(use_tc_tiling_on_sc=False,
                                             needs_layout_passes=False),
    )
    p5 = run(loc_groups, tab_pad)
    out = p5.transpose(2, 4, 0, 1, 3).reshape(b, t, D_MODEL)
    return out

# --- scband reference (transcript-rebuilt; emitter-appended) ---
"""Pipeline reference for scband-spatial-embedding-231928234502 (READ-ONLY COPY).

The authoritative reference and input builder live on the scoring server;
editing this copy changes nothing except your own understanding.
"""

import jax, jax.numpy as jnp
import numpy as np

N_LOCATIONS = 1000000
D_MODEL = 64


def setup_inputs(seed: int = 0) -> dict:
    key = jax.random.key(seed)
    k_idx, k_tab = jax.random.split(key)
    locations = jax.random.randint(k_idx, (16384, 50), 0, N_LOCATIONS, dtype=jnp.int64 if jax.config.jax_enable_x64 else jnp.int32)
    table = jax.random.normal(k_tab, (N_LOCATIONS, D_MODEL), dtype=jnp.float32)
    return {"locations": locations, "table": table}


def reference(locations, table):
    # nn.Embedding forward: gather rows of the table by index
    return jnp.take(table, locations, axis=0)

if __name__ == "__main__":
    import jax
    _d = setup_inputs()
    print(jax.jit(kernel)(*tuple(_d.values())))

</pallas_src>

<mosaic_0001>
#map = affine_map<(d0, d1) -> (0, 0)>
#map1 = affine_map<(d0, d1) -> (0, 0, 0, 0, 0)>
module attributes {stable_mosaic.version = 14 : i64} {
  func.func @_body(%arg0: i32, %arg1: i32, %arg2: memref<3200x256xi32, #tpu.memory_space<hbm>>, %arg3: memref<1000000x128xf32, #tpu.memory_space<hbm>>, %arg4: memref<50x8x128x8x128xf32, #tpu.memory_space<hbm>>, %arg5: memref<100x256xi32, #tpu.memory_space<vmem>>, %arg6: memref<256x128xf32, #tpu.memory_space<vmem>>, %arg7: memref<256x128xf32, #tpu.memory_space<vmem>>, %arg8: memref<2x64x129xf32, #tpu.memory_space<vmem>>, %arg9: memref<2x64x129xf32, #tpu.memory_space<vmem>>, %arg10: memref<!tpu.dma_semaphore, #tpu.memory_space<semaphore_mem>>, %arg11: memref<!tpu.dma_semaphore, #tpu.memory_space<semaphore_mem>>, %arg12: memref<!tpu.dma_semaphore, #tpu.memory_space<semaphore_mem>>, %arg13: memref<!tpu.dma_semaphore, #tpu.memory_space<semaphore_mem>>) attributes {dimension_semantics = [#tpu.dimension_semantics<core_parallel>, #tpu.dimension_semantics<subcore_parallel>], iteration_bounds = array<i64: 2, 16>, scalar_prefetch = 0 : i64, scratch_operands = 9 : i64, tpu.core_type = #tpu.core_type<sc_vector_subcore>, window_params = [{transform_indices = #map}, {transform_indices = #map}, {transform_indices = #map1}]} {
    %mul3A = arith.constant 2 : i32
    %mul3A_0 = arith.muli %arg1, %mul3A : i32
    %add3A = arith.addi %mul3A_0, %arg0 : i32
    %mul3A_1 = arith.constant 100 : i32
    %mul3A_2 = arith.muli %add3A, %mul3A_1 : i32
    "tpu.region"() ({
      %run_scoped3A = tpu.sem_alloc : memref<!tpu.dma_semaphore, #tpu.memory_space<semaphore_mem>>
      %dma_start3A_654 = arith.constant 0 : i32
      %dma_start3A_655 = tpu.memref_slice %arg2[%mul3A_2, %dma_start3A_654] : memref<3200x256xi32, #tpu.memory_space<hbm>> -> memref<100x256xi32, #tpu.memory_space<hbm>>
      %dma_start3A_656 = arith.constant 0 : i32
      %dma_start3A_657 = tpu.memref_slice %arg2[%mul3A_2, %dma_start3A_656] : memref<3200x256xi32, #tpu.memory_space<hbm>> -> memref<100x256xi32, #tpu.memory_space<hbm>>
      tpu.enqueue_dma source(%dma_start3A_657 : memref<100x256xi32, #tpu.memory_space<hbm>>) target(%arg5 : memref<100x256xi32, #tpu.memory_space<vmem>>) target_semaphore(%run_scoped3A : memref<!tpu.dma_semaphore, #tpu.memory_space<semaphore_mem>>)
      %dma_wait3A_658 = arith.constant 0 : i32
      %dma_wait3A_659 = tpu.memref_slice %arg2[%mul3A_2, %dma_wait3A_658] : memref<3200x256xi32, #tpu.memory_space<hbm>> -> memref<100x256xi32, #tpu.memory_space<hbm>>
      %dma_wait3A_660 = arith.constant 0 : i32
      %dma_wait3A_661 = tpu.memref_slice %arg2[%mul3A_2, %dma_wait3A_660] : memref<3200x256xi32, #tpu.memory_space<hbm>> -> memref<100x256xi32, #tpu.memory_space<hbm>>
      tpu.wait_dma2 semaphore(%run_scoped3A : memref<!tpu.dma_semaphore, #tpu.memory_space<semaphore_mem>>) src(%dma_wait3A_661 : memref<100x256xi32, #tpu.memory_space<hbm>>) dst(%arg5 : memref<100x256xi32, #tpu.memory_space<vmem>>)
      tpu.yield
    }) : () -> ()
    %iota3A = tpu.iota {dimensions = array<i32: 0>} : vector<16xi32>
    %dma_start3A = arith.constant 0 : i32
    %dma_start3A_3 = arith.constant 0 : i32
    %dma_start3A_4 = tpu.memref_slice %arg5[%dma_start3A, %dma_start3A_3] : memref<100x256xi32, #tpu.memory_space<vmem>> -> memref<1x256xi32, #tpu.memory_space<vmem>>
    %dma_start3A_5 = tpu.memref_squeeze %dma_start3A_4 : memref<1x256xi32, #tpu.memory_space<vmem>> -> memref<256xi32, #tpu.memory_space<vmem>>
    %dma_start3A_6 = arith.constant 0 : i32
    %dma_start3A_7 = arith.constant 0 : i32
    %dma_start3A_8 = tpu.memref_slice %arg3[%dma_start3A_6, %dma_start3A_7] : memref<1000000x128xf32, #tpu.memory_space<hbm>> -> memref<1000000x128xf32, #tpu.memory_space<hbm>>
    tpu.enqueue_indirect_dma source(%dma_start3A_8 : memref<1000000x128xf32, #tpu.memory_space<hbm>>) target(%arg6 : memref<256x128xf32, #tpu.memory_space<vmem>>) offsets(%dma_start3A_5 : memref<256xi32, #tpu.memory_space<vmem>>) semaphore(%arg10 : memref<!tpu.dma_semaphore, #tpu.memory_space<semaphore_mem>>)
    %scan3A = arith.constant 0 : i32
    %scan3A_9 = arith.constant 0 : i32
    %scan3A_10 = arith.constant 50 : i32
    %scan3A_11 = arith.addi %scan3A_9, %scan3A_10 : i32
    %scan3A_12 = arith.constant 1 : i32
    %scan3A_13 = scf.for %scan3A_654 = %scan3A_9 to %scan3A_11 step %scan3A_12 iter_args(%scan3A_655 = %scan3A) -> (i32)  : i32 {
      %mul3A_656 = arith.constant 2 : i32
      %mul3A_657 = arith.muli %mul3A_656, %scan3A_654 : i32
      %add3A_658 = arith.constant 0 : i32
      %add3A_659 = arith.addi %mul3A_657, %add3A_658 : i32
      %add3A_660 = arith.constant 1 : i32
      %add3A_661 = arith.addi %add3A_659, %add3A_660 : i32
      %dma_start3A_662 = arith.constant 0 : i32
      %dma_start3A_663 = tpu.memref_slice %arg5[%add3A_661, %dma_start3A_662] : memref<100x256xi32, #tpu.memory_space<vmem>> -> memref<1x256xi32, #tpu.memory_space<vmem>>
      %dma_start3A_664 = tpu.memref_squeeze %dma_start3A_663 : memref<1x256xi32, #tpu.memory_space<vmem>> -> memref<256xi32, #tpu.memory_space<vmem>>
      %dma_start3A_665 = arith.constant 0 : i32
      %dma_start3A_666 = arith.constant 0 : i32
      %dma_start3A_667 = tpu.memref_slice %arg3[%dma_start3A_665, %dma_start3A_666] : memref<1000000x128xf32, #tpu.memory_space<hbm>> -> memref<1000000x128xf32, #tpu.memory_space<hbm>>
      tpu.enqueue_indirect_dma source(%dma_start3A_667 : memref<1000000x128xf32, #tpu.memory_space<hbm>>) target(%arg7 : memref<256x128xf32, #tpu.memory_space<vmem>>) offsets(%dma_start3A_664 : memref<256xi32, #tpu.memory_space<vmem>>) semaphore(%arg11 : memref<!tpu.dma_semaphore, #tpu.memory_space<semaphore_mem>>)
      %dma_wait3A_668 = arith.constant 0 : i32
      %dma_wait3A_669 = arith.constant 0 : i32
      %dma_wait3A_670 = tpu.memref_slice %arg5[%dma_wait3A_668, %dma_wait3A_669] : memref<100x256xi32, #tpu.memory_space<vmem>> -> memref<1x256xi32, #tpu.memory_space<vmem>>
      %dma_wait3A_671 = tpu.memref_squeeze %dma_wait3A_670 : memref<1x256xi32, #tpu.memory_space<vmem>> -> memref<256xi32, #tpu.memory_space<vmem>>
      %dma_wait3A_672 = arith.constant 0 : i32
      %dma_wait3A_673 = arith.constant 0 : i32
      %dma_wait3A_674 = tpu.memref_slice %arg3[%dma_wait3A_672, %dma_wait3A_673] : memref<1000000x128xf32, #tpu.memory_space<hbm>> -> memref<1000000x128xf32, #tpu.memory_space<hbm>>
      tpu.wait_indirect_dma semaphore(%arg10 : memref<!tpu.dma_semaphore, #tpu.memory_space<semaphore_mem>>) src(%dma_wait3A_674 : memref<1000000x128xf32, #tpu.memory_space<hbm>>) dst(%arg6 : memref<256x128xf32, #tpu.memory_space<vmem>>)
      %gt3A = arith.constant 0 : i32
      %gt3A_675 = arith.cmpi sgt, %scan3A_654, %gt3A : i32
      %convert_element_type3A = arith.extui %gt3A_675 : i1 to i32
      %cond3A = arith.constant 0 : i32
      %cond3A_676 = arith.cmpi ne, %convert_element_type3A, %cond3A : i32
      scf.if %cond3A_676 {
        %dma_wait3A_1420 = arith.constant 0 : i32
        %dma_wait3A_1421 = arith.constant 0 : i32
        %dma_wait3A_1422 = arith.constant 0 : i32
        %dma_wait3A_1423 = arith.constant 0 : i32
        %dma_wait3A_1424 = arith.constant 0 : i32
        %dma_wait3A_1425 = arith.constant 0 : i32
        %dma_wait3A_1426 = tpu.memref_slice %arg8[%dma_wait3A_1420, %dma_wait3A_1424, %dma_wait3A_1425] : memref<2x64x129xf32, #tpu.memory_space<vmem>> -> memref<1x8x128xf32, #tpu.memory_space<vmem>>
        %dma_wait3A_1427 = tpu.memref_squeeze %dma_wait3A_1426 : memref<1x8x128xf32, #tpu.memory_space<vmem>> -> memref<8x128xf32, #tpu.memory_space<vmem>>
        %dma_wait3A_1428 = arith.constant 0 : i32
        %dma_wait3A_1429 = arith.constant 0 : i32
        %dma_wait3A_1430 = tpu.memref_slice %arg4[%dma_wait3A_1421, %dma_wait3A_1422, %dma_wait3A_1423, %dma_wait3A_1428, %dma_wait3A_1429] : memref<50x8x128x8x128xf32, #tpu.memory_space<hbm>> -> memref<1x1x1x8x128xf32, #tpu.memory_space<hbm>>
        %dma_wait3A_1431 = tpu.memref_squeeze %dma_wait3A_1430 : memref<1x1x1x8x128xf32, #tpu.memory_space<hbm>> -> memref<8x128xf32, #tpu.memory_space<hbm>>
        %dma_wait3A_1432 = arith.constant 0 : i32
        %dma_wait3A_1433 = arith.constant 0 : i32
        %dma_wait3A_1434 = tpu.memref_slice %arg4[%dma_wait3A_1421, %dma_wait3A_1422, %dma_wait3A_1423, %dma_wait3A_1432, %dma_wait3A_1433] : memref<50x8x128x8x128xf32, #tpu.memory_space<hbm>> -> memref<1x1x1x8x128xf32, #tpu.memory_space<hbm>>
        %dma_wait3A_1435 = tpu.memref_squeeze %dma_wait3A_1434 : memref<1x1x1x8x128xf32, #tpu.memory_space<hbm>> -> memref<8x128xf32, #tpu.memory_space<hbm>>
        %dma_wait3A_1436 = arith.constant 0 : i32
        %dma_wait3A_1437 = arith.constant 0 : i32
        %dma_wait3A_1438 = tpu.memref_slice %arg8[%dma_wait3A_1420, %dma_wait3A_1436, %dma_wait3A_1437] : memref<2x64x129xf32, #tpu.memory_space<vmem>> -> memref<1x8x128xf32, #tpu.memory_space<vmem>>
        %dma_wait3A_1439 = tpu.memref_squeeze %dma_wait3A_1438 : memref<1x8x128xf32, #tpu.memory_space<vmem>> -> memref<8x128xf32, #tpu.memory_space<vmem>>
        tpu.wait_dma2 semaphore(%arg12 : memref<!tpu.dma_semaphore, #tpu.memory_space<semaphore_mem>>) src(%dma_wait3A_1439 : memref<8x128xf32, #tpu.memory_space<vmem>>) dst(%dma_wait3A_1435 : memref<8x128xf32, #tpu.memory_space<hbm>>)
        %dma_wait3A_1440 = arith.constant 0 : i32
        %dma_wait3A_1441 = arith.constant 0 : i32
        %dma_wait3A_1442 = arith.constant 0 : i32
        %dma_wait3A_1443 = arith.constant 0 : i32
        %dma_wait3A_1444 = arith.constant 0 : i32
        %dma_wait3A_1445 = arith.constant 0 : i32
        %dma_wait3A_1446 = tpu.memref_slice %arg8[%dma_wait3A_1440, %dma_wait3A_1444, %dma_wait3A_1445] : memref<2x64x129xf32, #tpu.memory_space<vmem>> -> memref<1x8x128xf32, #tpu.memory_space<vmem>>
        %dma_wait3A_1447 = tpu.memref_squeeze %dma_wait3A_1446 : memref<1x8x128xf32, #tpu.memory_space<vmem>> -> memref<8x128xf32, #tpu.memory_space<vmem>>
        %dma_wait3A_1448 = arith.constant 0 : i32
        %dma_wait3A_1449 = arith.constant 0 : i32
        %dma_wait3A_1450 = tpu.memref_slice %arg4[%dma_wait3A_1441, %dma_wait3A_1442, %dma_wait3A_1443, %dma_wait3A_1448, %dma_wait3A_1449] : memref<50x8x128x8x128xf32, #tpu.memory_space<hbm>> -> memref<1x1x1x8x128xf32, #tpu.memory_space<hbm>>
        %dma_wait3A_1451 = tpu.memref_squeeze %dma_wait3A_1450 : memref<1x1x1x8x128xf32, #tpu.memory_space<hbm>> -> memref<8x128xf32, #tpu.memory_space<hbm>>
        %dma_wait3A_1452 = arith.constant 0 : i32
        %dma_wait3A_1453 = arith.constant 0 : i32
        %dma_wait3A_1454 = tpu.memref_slice %arg4[%dma_wait3A_1441, %dma_wait3A_1442, %dma_wait3A_1443, %dma_wait3A_1452, %dma_wait3A_1453] : memref<50x8x128x8x128xf32, #tpu.memory_space<hbm>> -> memref<1x1x1x8x128xf32, #tpu.memory_space<hbm>>
        %dma_wait3A_1455 = tpu.memref_squeeze %dma_wait3A_1454 : memref<1x1x1x8x128xf32, #tpu.memory_space<hbm>> -> memref<8x128xf32, #tpu.memory_space<hbm>>
        %dma_wait3A_1456 = arith.constant 0 : i32
        %dma_wait3A_1457 = arith.constant 0 : i32
        %dma_wait3A_1458 = tpu.memref_slice %arg8[%dma_wait3A_1440, %dma_wait3A_1456, %dma_wait3A_1457] : memref<2x64x129xf32, #tpu.memory_space<vmem>> -> memref<1x8x128xf32, #tpu.memory_space<vmem>>
        %dma_wait3A_1459 = tpu.memref_squeeze %dma_wait3A_1458 : memref<1x8x128xf32, #tpu.memory_space<vmem>> -> memref<8x128xf32, #tpu.memory_space<vmem>>
        tpu.wait_dma2 semaphore(%arg12 : memref<!tpu.dma_semaphore, #tpu.memory_space<semaphore_mem>>) src(%dma_wait3A_1459 : memref<8x128xf32, #tpu.memory_space<vmem>>) dst(%dma_wait3A_1455 : memref<8x128xf32, #tpu.memory_space<hbm>>)
        %dma_wait3A_1460 = arith.constant 0 : i32
        %dma_wait3A_1461 = arith.constant 0 : i32
        %dma_wait3A_1462 = arith.constant 0 : i32
        %dma_wait3A_1463 = arith.constant 0 : i32
        %dma_wait3A_1464 = arith.constant 0 : i32
        %dma_wait3A_1465 = arith.constant 0 : i32
        %dma_wait3A_1466 = tpu.memref_slice %arg8[%dma_wait3A_1460, %dma_wait3A_1464, %dma_wait3A_1465] : memref<2x64x129xf32, #tpu.memory_space<vmem>> -> memref<1x8x128xf32, #tpu.memory_space<vmem>>
        %dma_wait3A_1467 = tpu.memref_squeeze %dma_wait3A_1466 : memref<1x8x128xf32, #tpu.memory_space<vmem>> -> memref<8x128xf32, #tpu.memory_space<vmem>>
        %dma_wait3A_1468 = arith.constant 0 : i32
        %dma_wait3A_1469 = arith.constant 0 : i32
        %dma_wait3A_1470 = tpu.memref_slice %arg4[%dma_wait3A_1461, %dma_wait3A_1462, %dma_wait3A_1463, %dma_wait3A_1468, %dma_wait3A_1469] : memref<50x8x128x8x128xf32, #tpu.memory_space<hbm>> -> memref<1x1x1x8x128xf32, #tpu.memory_space<hbm>>
        %dma_wait3A_1471 = tpu.memref_squeeze %dma_wait3A_1470 : memref<1x1x1x8x128xf32, #tpu.memory_space<hbm>> -> memref<8x128xf32, #tpu.memory_space<hbm>>
        %dma_wait3A_1472 = arith.constant 0 : i32
        %dma_wait3A_1473 = arith.constant 0 : i32
        %dma_wait3A_1474 = tpu.memref_slice %arg4[%dma_wait3A_1461, %dma_wait3A_1462, %dma_wait3A_1463, %dma_wait3A_1472, %dma_wait3A_1473] : memref<50x8x128x8x128xf32, #tpu.memory_space<hbm>> -> memref<1x1x1x8x128xf32, #tpu.memory_space<hbm>>
        %dma_wait3A_1475 = tpu.memref_squeeze %dma_wait3A_1474 : memref<1x1x1x8x128xf32, #tpu.memory_space<hbm>> -> memref<8x128xf32, #tpu.memory_space<hbm>>
        %dma_wait3A_1476 = arith.constant 0 : i32
        %dma_wait3A_1477 = arith.constant 0 : i32
        %dma_wait3A_1478 = tpu.memref_slice %arg8[%dma_wait3A_1460, %dma_wait3A_1476, %dma_wait3A_1477] : memref<2x64x129xf32, #tpu.memory_space<vmem>> -> memref<1x8x128xf32, #tpu.memory_space<vmem>>
        %dma_wait3A_1479 = tpu.memref_squeeze %dma_wait3A_1478 : memref<1x8x128xf32, #tpu.memory_space<vmem>> -> memref<8x128xf32, #tpu.memory_space<vmem>>
        tpu.wait_dma2 semaphore(%arg12 : memref<!tpu.dma_semaphore, #tpu.memory_space<semaphore_mem>>) src(%dma_wait3A_1479 : memref<8x128xf32, #tpu.memory_space<vmem>>) dst(%dma_wait3A_1475 : memref<8x128xf32, #tpu.memory_space<hbm>>)
        %dma_wait3A_1480 = arith.constant 0 : i32
        %dma_wait3A_1481 = arith.constant 0 : i32
        %dma_wait3A_1482 = arith.constant 0 : i32
        %dma_wait3A_1483 = arith.constant 0 : i32
        %dma_wait3A_1484 = arith.constant 0 : i32
        %dma_wait3A_1485 = arith.constant 0 : i32
        %dma_wait3A_1486 = tpu.memref_slice %arg8[%dma_wait3A_1480, %dma_wait3A_1484, %dma_wait3A_1485] : memref<2x64x129xf32, #tpu.memory_space<vmem>> -> memref<1x8x128xf32, #tpu.memory_space<vmem>>
        %dma_wait3A_1487 = tpu.memref_squeeze %dma_wait3A_1486 : memref<1x8x128xf32, #tpu.memory_space<vmem>> -> memref<8x128xf32, #tpu.memory_space<vmem>>
        %dma_wait3A_1488 = arith.constant 0 : i32
        %dma_wait3A_1489 = arith.constant 0 : i32
        %dma_wait3A_1490 = tpu.memref_slice %arg4[%dma_wait3A_1481, %dma_wait3A_1482, %dma_wait3A_1483, %dma_wait3A_1488, %dma_wait3A_1489] : memref<50x8x128x8x128xf32, #tpu.memory_space<hbm>> -> memref<1x1x1x8x128xf32, #tpu.memory_space<hbm>>
        %dma_wait3A_1491 = tpu.memref_squeeze %dma_wait3A_1490 : memref<1x1x1x8x128xf32, #tpu.memory_space<hbm>> -> memref<8x128xf32, #tpu.memory_space<hbm>>
        %dma_wait3A_1492 = arith.constant 0 : i32
        %dma_wait3A_1493 = arith.constant 0 : i32
        %dma_wait3A_1494 = tpu.memref_slice %arg4[%dma_wait3A_1481, %dma_wait3A_1482, %dma_wait3A_1483, %dma_wait3A_1492, %dma_wait3A_1493] : memref<50x8x128x8x128xf32, #tpu.memory_space<hbm>> -> memref<1x1x1x8x128xf32, #tpu.memory_space<hbm>>
        %dma_wait3A_1495 = tpu.memref_squeeze %dma_wait3A_1494 : memref<1x1x1x8x128xf32, #tpu.memory_space<hbm>> -> memref<8x128xf32, #tpu.memory_space<hbm>>
        %dma_wait3A_1496 = arith.constant 0 : i32
        %dma_wait3A_1497 = arith.constant 0 : i32
        %dma_wait3A_1498 = tpu.memref_slice %arg8[%dma_wait3A_1480, %dma_wait3A_1496, %dma_wait3A_1497] : memref<2x64x129xf32, #tpu.memory_space<vmem>> -> memref<1x8x128xf32, #tpu.memory_space<vmem>>
        %dma_wait3A_1499 = tpu.memref_squeeze %dma_wait3A_1498 : memref<1x8x128xf32, #tpu.memory_space<vmem>> -> memref<8x128xf32, #tpu.memory_space<vmem>>
        tpu.wait_dma2 semaphore(%arg12 : memref<!tpu.dma_semaphore, #tpu.memory_space<semaphore_mem>>) src(%dma_wait3A_1499 : memref<8x128xf32, #tpu.memory_space<vmem>>) dst(%dma_wait3A_1495 : memref<8x128xf32, #tpu.memory_space<hbm>>)
        %dma_wait3A_1500 = arith.constant 0 : i32
        %dma_wait3A_1501 = arith.constant 0 : i32
        %dma_wait3A_1502 = arith.constant 0 : i32
        %dma_wait3A_1503 = arith.constant 0 : i32
        %dma_wait3A_1504 = arith.constant 0 : i32
        %dma_wait3A_1505 = arith.constant 0 : i32
        %dma_wait3A_1506 = tpu.memref_slice %arg8[%dma_wait3A_1500, %dma_wait3A_1504, %dma_wait3A_1505] : memref<2x64x129xf32, #tpu.memory_space<vmem>> -> memref<1x8x128xf32, #tpu.memory_space<vmem>>
        %dma_wait3A_1507 = tpu.memref_squeeze %dma_wait3A_1506 : memref<1x8x128xf32, #tpu.memory_space<vmem>> -> memref<8x128xf32, #tpu.memory_space<vmem>>
        %dma_wait3A_1508 = arith.constant 0 : i32
        %dma_wait3A_1509 = arith.constant 0 : i32
        %dma_wait3A_1510 = tpu.memref_slice %arg4[%dma_wait3A_1501, %dma_wait3A_1502, %dma_wait3A_1503, %dma_wait3A_1508, %dma_wait3A_1509] : memref<50x8x128x8x128xf32, #tpu.memory_space<hbm>> -> memref<1x1x1x8x128xf32, #tpu.memory_space<hbm>>
        %dma_wait3A_1511 = tpu.memref_squeeze %dma_wait3A_1510 : memref<1x1x1x8x128xf32, #tpu.memory_space<hbm>> -> memref<8x128xf32, #tpu.memory_space<hbm>>
        %dma_wait3A_1512 = arith.constant 0 : i32
        %dma_wait3A_1513 = arith.constant 0 : i32
        %dma_wait3A_1514 = tpu.memref_slice %arg4[%dma_wait3A_1501, %dma_wait3A_1502, %dma_wait3A_1503, %dma_wait3A_1512, %dma_wait3A_1513] : memref<50x8x128x8x128xf32, #tpu.memory_space<hbm>> -> memref<1x1x1x8x128xf32, #tpu.memory_space<hbm>>
        %dma_wait3A_1515 = tpu.memref_squeeze %dma_wait3A_1514 : memref<1x1x1x8x128xf32, #tpu.memory_space<hbm>> -> memref<8x128xf32, #tpu.memory_space<hbm>>
        %dma_wait3A_1516 = arith.constant 0 : i32
        %dma_wait3A_1517 = arith.constant 0 : i32
        %dma_wait3A_1518 = tpu.memref_slice %arg8[%dma_wait3A_1500, %dma_wait3A_1516, %dma_wait3A_1517] : memref<2x64x129xf32, #tpu.memory_space<vmem>> -> memref<1x8x128xf32, #tpu.memory_space<vmem>>
        %dma_wait3A_1519 = tpu.memref_squeeze %dma_wait3A_1518 : memref<1x8x128xf32, #tpu.memory_space<vmem>> -> memref<8x128xf32, #tpu.memory_space<vmem>>
        tpu.wait_dma2 semaphore(%arg12 : memref<!tpu.dma_semaphore, #tpu.memory_space<semaphore_mem>>) src(%dma_wait3A_1519 : memref<8x128xf32, #tpu.memory_space<vmem>>) dst(%dma_wait3A_1515 : memref<8x128xf32, #tpu.memory_space<hbm>>)
        %dma_wait3A_1520 = arith.constant 0 : i32
        %dma_wait3A_1521 = arith.constant 0 : i32
        %dma_wait3A_1522 = arith.constant 0 : i32
        %dma_wait3A_1523 = arith.constant 0 : i32
        %dma_wait3A_1524 = arith.constant 0 : i32
        %dma_wait3A_1525 = arith.constant 0 : i32
        %dma_wait3A_1526 = tpu.memref_slice %arg8[%dma_wait3A_1520, %dma_wait3A_1524, %dma_wait3A_1525] : memref<2x64x129xf32, #tpu.memory_space<vmem>> -> memref<1x8x128xf32, #tpu.memory_space<vmem>>
        %dma_wait3A_1527 = tpu.memref_squeeze %dma_wait3A_1526 : memref<1x8x128xf32, #tpu.memory_space<vmem>> -> memref<8x128xf32, #tpu.memory_space<vmem>>
        %dma_wait3A_1528 = arith.constant 0 : i32
        %dma_wait3A_1529 = arith.constant 0 : i32
        %dma_wait3A_1530 = tpu.memref_slice %arg4[%dma_wait3A_1521, %dma_wait3A_1522, %dma_wait3A_1523, %dma_wait3A_1528, %dma_wait3A_1529] : memref<50x8x128x8x128xf32, #tpu.memory_space<hbm>> -> memref<1x1x1x8x128xf32, #tpu.memory_space<hbm>>
        %dma_wait3A_1531 = tpu.memref_squeeze %dma_wait3A_1530 : memref<1x1x1x8x128xf32, #tpu.memory_space<hbm>> -> memref<8x128xf32, #tpu.memory_space<hbm>>
        %dma_wait3A_1532 = arith.constant 0 : i32
        %dma_wait3A_1533 = arith.constant 0 : i32
        %dma_wait3A_1534 = tpu.memref_slice %arg4[%dma_wait3A_1521, %dma_wait3A_1522, %dma_wait3A_1523, %dma_wait3A_1532, %dma_wait3A_1533] : memref<50x8x128x8x128xf32, #tpu.memory_space<hbm>> -> memref<1x1x1x8x128xf32, #tpu.memory_space<hbm>>
        %dma_wait3A_1535 = tpu.memref_squeeze %dma_wait3A_1534 : memref<1x1x1x8x128xf32, #tpu.memory_space<hbm>> -> memref<8x128xf32, #tpu.memory_space<hbm>>
        %dma_wait3A_1536 = arith.constant 0 : i32
        %dma_wait3A_1537 = arith.constant 0 : i32
        %dma_wait3A_1538 = tpu.memref_slice %arg8[%dma_wait3A_1520, %dma_wait3A_1536, %dma_wait3A_1537] : memref<2x64x129xf32, #tpu.memory_space<vmem>> -> memref<1x8x128xf32, #tpu.memory_space<vmem>>
        %dma_wait3A_1539 = tpu.memref_squeeze %dma_wait3A_1538 : memref<1x8x128xf32, #tpu.memory_space<vmem>> -> memref<8x128xf32, #tpu.memory_space<vmem>>
        tpu.wait_dma2 semaphore(%arg12 : memref<!tpu.dma_semaphore, #tpu.memory_space<semaphore_mem>>) src(%dma_wait3A_1539 : memref<8x128xf32, #tpu.memory_space<vmem>>) dst(%dma_wait3A_1535 : memref<8x128xf32, #tpu.memory_space<hbm>>)
        %dma_wait3A_1540 = arith.constant 0 : i32
        %dma_wait3A_1541 = arith.constant 0 : i32
        %dma_wait3A_1542 = arith.constant 0 : i32
        %dma_wait3A_1543 = arith.constant 0 : i32
        %dma_wait3A_1544 = arith.constant 0 : i32
        %dma_wait3A_1545 = arith.constant 0 : i32
        %dma_wait3A_1546 = tpu.memref_slice %arg8[%dma_wait3A_1540, %dma_wait3A_1544, %dma_wait3A_1545] : memref<2x64x129xf32, #tpu.memory_space<vmem>> -> memref<1x8x128xf32, #tpu.memory_space<vmem>>
        %dma_wait3A_1547 = tpu.memref_squeeze %dma_wait3A_1546 : memref<1x8x128xf32, #tpu.memory_space<vmem>> -> memref<8x128xf32, #tpu.memory_space<vmem>>
        %dma_wait3A_1548 = arith.constant 0 : i32
        %dma_wait3A_1549 = arith.constant 0 : i32
        %dma_wait3A_1550 = tpu.memref_slice %arg4[%dma_wait3A_1541, %dma_wait3A_1542, %dma_wait3A_1543, %dma_wait3A_1548, %dma_wait3A_1549] : memref<50x8x128x8x128xf32, #tpu.memory_space<hbm>> -> memref<1x1x1x8x128xf32, #tpu.memory_space<hbm>>
        %dma_wait3A_1551 = tpu.memref_squeeze %dma_wait3A_1550 : memref<1x1x1x8x128xf32, #tpu.memory_space<hbm>> -> memref<8x128xf32, #tpu.memory_space<hbm>>
        %dma_wait3A_1552 = arith.constant 0 : i32
        %dma_wait3A_1553 = arith.constant 0 : i32
        %dma_wait3A_1554 = tpu.memref_slice %arg4[%dma_wait3A_1541, %dma_wait3A_1542, %dma_wait3A_1543, %dma_wait3A_1552, %dma_wait3A_1553] : memref<50x8x128x8x128xf32, #tpu.memory_space<hbm>> -> memref<1x1x1x8x128xf32, #tpu.memory_space<hbm>>
        %dma_wait3A_1555 = tpu.memref_squeeze %dma_wait3A_1554 : memref<1x1x1x8x128xf32, #tpu.memory_space<hbm>> -> memref<8x128xf32, #tpu.memory_space<hbm>>
        %dma_wait3A_1556 = arith.constant 0 : i32
        %dma_wait3A_1557 = arith.constant 0 : i32
        %dma_wait3A_1558 = tpu.memref_slice %arg8[%dma_wait3A_1540, %dma_wait3A_1556, %dma_wait3A_1557] : memref<2x64x129xf32, #tpu.memory_space<vmem>> -> memref<1x8x128xf32, #tpu.memory_space<vmem>>
        %dma_wait3A_1559 = tpu.memref_squeeze %dma_wait3A_1558 : memref<1x8x128xf32, #tpu.memory_space<vmem>> -> memref<8x128xf32, #tpu.memory_space<vmem>>
        tpu.wait_dma2 semaphore(%arg12 : memref<!tpu.dma_semaphore, #tpu.memory_space<semaphore_mem>>) src(%dma_wait3A_1559 : memref<8x128xf32, #tpu.memory_space<vmem>>) dst(%dma_wait3A_1555 : memref<8x128xf32, #tpu.memory_space<hbm>>)
        %dma_wait3A_1560 = arith.constant 0 : i32
        %dma_wait3A_1561 = arith.constant 0 : i32
        %dma_wait3A_1562 = arith.constant 0 : i32
        %dma_wait3A_1563 = arith.constant 0 : i32
        %dma_wait3A_1564 = arith.constant 0 : i32
        %dma_wait3A_1565 = arith.constant 0 : i32
        %dma_wait3A_1566 = tpu.memref_slice %arg8[%dma_wait3A_1560, %dma_wait3A_1564, %dma_wait3A_1565] : memref<2x64x129xf32, #tpu.memory_space<vmem>> -> memref<1x8x128xf32, #tpu.memory_space<vmem>>
        %dma_wait3A_1567 = tpu.memref_squeeze %dma_wait3A_1566 : memref<1x8x128xf32, #tpu.memory_space<vmem>> -> memref<8x128xf32, #tpu.memory_space<vmem>>
        %dma_wait3A_1568 = arith.constant 0 : i32
        %dma_wait3A_1569 = arith.constant 0 : i32
        %dma_wait3A_1570 = tpu.memref_slice %arg4[%dma_wait3A_1561, %dma_wait3A_1562, %dma_wait3A_1563, %dma_wait3A_1568, %dma_wait3A_1569] : memref<50x8x128x8x128xf32, #tpu.memory_space<hbm>> -> memref<1x1x1x8x128xf32, #tpu.memory_space<hbm>>
        %dma_wait3A_1571 = tpu.memref_squeeze %dma_wait3A_1570 : memref<1x1x1x8x128xf32, #tpu.memory_space<hbm>> -> memref<8x128xf32, #tpu.memory_space<hbm>>
        %dma_wait3A_1572 = arith.constant 0 : i32
        %dma_wait3A_1573 = arith.constant 0 : i32
        %dma_wait3A_1574 = tpu.memref_slice %arg4[%dma_wait3A_1561, %dma_wait3A_1562, %dma_wait3A_1563, %dma_wait3A_1572, %dma_wait3A_1573] : memref<50x8x128x8x128xf32, #tpu.memory_space<hbm>> -> memref<1x1x1x8x128xf32, #tpu.memory_space<hbm>>
        %dma_wait3A_1575 = tpu.memref_squeeze %dma_wait3A_1574 : memref<1x1x1x8x128xf32, #tpu.memory_space<hbm>> -> memref<8x128xf32, #tpu.memory_space<hbm>>
        %dma_wait3A_1576 = arith.constant 0 : i32
        %dma_wait3A_1577 = arith.constant 0 : i32
        %dma_wait3A_1578 = tpu.memref_slice %arg8[%dma_wait3A_1560, %dma_wait3A_1576, %dma_wait3A_1577] : memref<2x64x129xf32, #tpu.memory_space<vmem>> -> memref<1x8x128xf32, #tpu.memory_space<vmem>>
        %dma_wait3A_1579 = tpu.memref_squeeze %dma_wait3A_1578 : memref<1x8x128xf32, #tpu.memory_space<vmem>> -> memref<8x128xf32, #tpu.memory_space<vmem>>
        tpu.wait_dma2 semaphore(%arg12 : memref<!tpu.dma_semaphore, #tpu.memory_space<semaphore_mem>>) src(%dma_wait3A_1579 : memref<8x128xf32, #tpu.memory_space<vmem>>) dst(%dma_wait3A_1575 : memref<8x128xf32, #tpu.memory_space<hbm>>)
        %dma_wait3A_1580 = arith.constant 0 : i32
        %dma_wait3A_1581 = arith.constant 0 : i32
        %dma_wait3A_1582 = arith.constant 0 : i32
        %dma_wait3A_1583 = arith.constant 0 : i32
        %dma_wait3A_1584 = arith.constant 0 : i32
        %dma_wait3A_1585 = arith.constant 0 : i32
        %dma_wait3A_1586 = tpu.memref_slice %arg8[%dma_wait3A_1580, %dma_wait3A_1584, %dma_wait3A_1585] : memref<2x64x129xf32, #tpu.memory_space<vmem>> -> memref<1x8x128xf32, #tpu.memory_space<vmem>>
        %dma_wait3A_1587 = tpu.memref_squeeze %dma_wait3A_1586 : memref<1x8x128xf32, #tpu.memory_space<vmem>> -> memref<8x128xf32, #tpu.memory_space<vmem>>
        %dma_wait3A_1588 = arith.constant 0 : i32
        %dma_wait3A_1589 = arith.constant 0 : i32
        %dma_wait3A_1590 = tpu.memref_slice %arg4[%dma_wait3A_1581, %dma_wait3A_1582, %dma_wait3A_1583, %dma_wait3A_1588, %dma_wait3A_1589] : memref<50x8x128x8x128xf32, #tpu.memory_space<hbm>> -> memref<1x1x1x8x128xf32, #tpu.memory_space<hbm>>
        %dma_wait3A_1591 = tpu.memref_squeeze %dma_wait3A_1590 : memref<1x1x1x8x128xf32, #tpu.memory_space<hbm>> -> memref<8x128xf32, #tpu.memory_space<hbm>>
        %dma_wait3A_1592 = arith.constant 0 : i32
        %dma_wait3A_1593 = arith.constant 0 : i32
        %dma_wait3A_1594 = tpu.memref_slice %arg4[%dma_wait3A_1581, %dma_wait3A_1582, %dma_wait3A_1583, %dma_wait3A_1592, %dma_wait3A_1593] : memref<50x8x128x8x128xf32, #tpu.memory_space<hbm>> -> memref<1x1x1x8x128xf32, #tpu.memory_space<hbm>>
        %dma_wait3A_1595 = tpu.memref_squeeze %dma_wait3A_1594 : memref<1x1x1x8x128xf32, #tpu.memory_space<hbm>> -> memref<8x128xf32, #tpu.memory_space<hbm>>
        %dma_wait3A_1596 = arith.constant 0 : i32
        %dma_wait3A_1597 = arith.constant 0 : i32
        %dma_wait3A_1598 = tpu.memref_slice %arg8[%dma_wait3A_1580, %dma_wait3A_1596, %dma_wait3A_1597] : memref<2x64x129xf32, #tpu.memory_space<vmem>> -> memref<1x8x128xf32, #tpu.memory_space<vmem>>
        %dma_wait3A_1599 = tpu.memref_squeeze %dma_wait3A_1598 : memref<1x8x128xf32, #tpu.memory_space<vmem>> -> memref<8x128xf32, #tpu.memory_space<vmem>>
        tpu.wait_dma2 semaphore(%arg12 : memref<!tpu.dma_semaphore, #tpu.memory_space<semaphore_mem>>) src(%dma_wait3A_1599 : memref<8x128xf32, #tpu.memory_space<vmem>>) dst(%dma_wait3A_1595 : memref<8x128xf32, #tpu.memory_space<hbm>>)
        %dma_wait3A_1600 = arith.constant 0 : i32
        %dma_wait3A_1601 = arith.constant 0 : i32
        %dma_wait3A_1602 = arith.constant 0 : i32
        %dma_wait3A_1603 = arith.constant 0 : i32
        %dma_wait3A_1604 = arith.constant 0 : i32
        %dma_wait3A_1605 = arith.constant 0 : i32
        %dma_wait3A_1606 = tpu.memref_slice %arg8[%dma_wait3A_1600, %dma_wait3A_1604, %dma_wait3A_1605] : memref<2x64x129xf32, #tpu.memory_space<vmem>> -> memref<1x8x128xf32, #tpu.memory_space<vmem>>
        %dma_wait3A_1607 = tpu.memref_squeeze %dma_wait3A_1606 : memref<1x8x128xf32, #tpu.memory_space<vmem>> -> memref<8x128xf32, #tpu.memory_space<vmem>>
        %dma_wait3A_1608 = arith.constant 0 : i32
        %dma_wait3A_1609 = arith.constant 0 : i32
        %dma_wait3A_1610 = tpu.memref_slice %arg4[%dma_wait3A_1601, %dma_wait3A_1602, %dma_wait3A_1603, %dma_wait3A_1608, %dma_wait3A_1609] : memref<50x8x128x8x128xf32, #tpu.memory_space<hbm>> -> memref<1x1x1x8x128xf32, #tpu.memory_space<hbm>>
        %dma_wait3A_1611 = tpu.memref_squeeze %dma_wait3A_1610 : memref<1x1x1x8x128xf32, #tpu.memory_space<hbm>> -> memref<8x128xf32, #tpu.memory_space<hbm>>
        %dma_wait3A_1612 = arith.constant 0 : i32
        %dma_wait3A_1613 = arith.constant 0 : i32
        %dma_wait3A_1614 = tpu.memref_slice %arg4[%dma_wait3A_1601, %dma_wait3A_1602, %dma_wait3A_1603, %dma_wait3A_1612, %dma_wait3A_1613] : memref<50x8x128x8x128xf32, #tpu.memory_space<hbm>> -> memref<1x1x1x8x128xf32, #tpu.memory_space<hbm>>
        %dma_wait3A_1615 = tpu.memref_squeeze %dma_wait3A_1614 : memref<1x1x1x8x128xf32, #tpu.memory_space<hbm>> -> memref<8x128xf32, #tpu.memory_space<hbm>>
        %dma_wait3A_1616 = arith.constant 0 : i32
        %dma_wait3A_1617 = arith.constant 0 : i32
        %dma_wait3A_1618 = tpu.memref_slice %arg8[%dma_wait3A_1600, %dma_wait3A_1616, %dma_wait3A_1617] : memref<2x64x129xf32, #tpu.memory_space<vmem>> -> memref<1x8x128xf32, #tpu.memory_space<vmem>>
        %dma_wait3A_1619 = tpu.memref_squeeze %dma_wait3A_1618 : memref<1x8x128xf32, #tpu.memory_space<vmem>> -> memref<8x128xf32, #tpu.memory_space<vmem>>
        tpu.wait_dma2 semaphore(%arg12 : memref<!tpu.dma_semaphore, #tpu.memory_space<semaphore_mem>>) src(%dma_wait3A_1619 : memref<8x128xf32, #tpu.memory_space<vmem>>) dst(%dma_wait3A_1615 : memref<8x128xf32, #tpu.memory_space<hbm>>)
        %dma_wait3A_1620 = arith.constant 0 : i32
        %dma_wait3A_1621 = arith.constant 0 : i32
        %dma_wait3A_1622 = arith.constant 0 : i32
        %dma_wait3A_1623 = arith.constant 0 : i32
        %dma_wait3A_1624 = arith.constant 0 : i32
        %dma_wait3A_1625 = arith.constant 0 : i32
        %dma_wait3A_1626 = tpu.memref_slice %arg8[%dma_wait3A_1620, %dma_wait3A_1624, %dma_wait3A_1625] : memref<2x64x129xf32, #tpu.memory_space<vmem>> -> memref<1x8x128xf32, #tpu.memory_space<vmem>>
        %dma_wait3A_1627 = tpu.memref_squeeze %dma_wait3A_1626 : memref<1x8x128xf32, #tpu.memory_space<vmem>> -> memref<8x128xf32, #tpu.memory_space<vmem>>
        %dma_wait3A_1628 = arith.constant 0 : i32
        %dma_wait3A_1629 = arith.constant 0 : i32
        %dma_wait3A_1630 = tpu.memref_slice %arg4[%dma_wait3A_1621, %dma_wait3A_1622, %dma_wait3A_1623, %dma_wait3A_1628, %dma_wait3A_1629] : memref<50x8x128x8x128xf32, #tpu.memory_space<hbm>> -> memref<1x1x1x8x128xf32, #tpu.memory_space<hbm>>
        %dma_wait3A_1631 = tpu.memref_squeeze %dma_wait3A_1630 : memref<1x1x1x8x128xf32, #tpu.memory_space<hbm>> -> memref<8x128xf32, #tpu.memory_space<hbm>>
        %dma_wait3A_1632 = arith.constant 0 : i32
        %dma_wait3A_1633 = arith.constant 0 : i32
        %dma_wait3A_1634 = tpu.memref_slice %arg4[%dma_wait3A_1621, %dma_wait3A_1622, %dma_wait3A_1623, %dma_wait3A_1632, %dma_wait3A_1633] : memref<50x8x128x8x128xf32, #tpu.memory_space<hbm>> -> memref<1x1x1x8x128xf32, #tpu.memory_space<hbm>>
        %dma_wait3A_1635 = tpu.memref_squeeze %dma_wait3A_1634 : memref<1x1x1x8x128xf32, #tpu.memory_space<hbm>> -> memref<8x128xf32, #tpu.memory_space<hbm>>
        %dma_wait3A_1636 = arith.constant 0 : i32
        %dma_wait3A_1637 = arith.constant 0 : i32
        %dma_wait3A_1638 = tpu.memref_slice %arg8[%dma_wait3A_1620, %dma_wait3A_1636, %dma_wait3A_1637] : memref<2x64x129xf32, #tpu.memory_space<vmem>> -> memref<1x8x128xf32, #tpu.memory_space<vmem>>
        %dma_wait3A_1639 = tpu.memref_squeeze %dma_wait3A_1638 : memref<1x8x128xf32, #tpu.memory_space<vmem>> -> memref<8x128xf32, #tpu.memory_space<vmem>>
        tpu.wait_dma2 semaphore(%arg12 : memref<!tpu.dma_semaphore, #tpu.memory_space<semaphore_mem>>) src(%dma_wait3A_1639 : memref<8x128xf32, #tpu.memory_space<vmem>>) dst(%dma_wait3A_1635 : memref<8x128xf32, #tpu.memory_space<hbm>>)
        %dma_wait3A_1640 = arith.constant 0 : i32
        %dma_wait3A_1641 = arith.constant 0 : i32
        %dma_wait3A_1642 = arith.constant 0 : i32
        %dma_wait3A_1643 = arith.constant 0 : i32
        %dma_wait3A_1644 = arith.constant 0 : i32
        %dma_wait3A_1645 = arith.constant 0 : i32
        %dma_wait3A_1646 = tpu.memref_slice %arg8[%dma_wait3A_1640, %dma_wait3A_1644, %dma_wait3A_1645] : memref<2x64x129xf32, #tpu.memory_space<vmem>> -> memref<1x8x128xf32, #tpu.memory_space<vmem>>
        %dma_wait3A_1647 = tpu.memref_squeeze %dma_wait3A_1646 : memref<1x8x128xf32, #tpu.memory_space<vmem>> -> memref<8x128xf32, #tpu.memory_space<vmem>>
        %dma_wait3A_1648 = arith.constant 0 : i32
        %dma_wait3A_1649 = arith.constant 0 : i32
        %dma_wait3A_1650 = tpu.memref_slice %arg4[%dma_wait3A_1641, %dma_wait3A_1642, %dma_wait3A_1643, %dma_wait3A_1648, %dma_wait3A_1649] : memref<50x8x128x8x128xf32, #tpu.memory_space<hbm>> -> memref<1x1x1x8x128xf32, #tpu.memory_space<hbm>>
        %dma_wait3A_1651 = tpu.memref_squeeze %dma_wait3A_1650 : memref<1x1x1x8x128xf32, #tpu.memory_space<hbm>> -> memref<8x128xf32, #tpu.memory_space<hbm>>
        %dma_wait3A_1652 = arith.constant 0 : i32
        %dma_wait3A_1653 = arith.constant 0 : i32
        %dma_wait3A_1654 = tpu.memref_slice %arg4[%dma_wait3A_1641, %dma_wait3A_1642, %dma_wait3A_1643, %dma_wait3A_1652, %dma_wait3A_1653] : memref<50x8x128x8x128xf32, #tpu.memory_space<hbm>> -> memref<1x1x1x8x128xf32, #tpu.memory_space<hbm>>
        %dma_wait3A_1655 = tpu.memref_squeeze %dma_wait3A_1654 : memref<1x1x1x8x128xf32, #tpu.memory_space<hbm>> -> memref<8x128xf32, #tpu.memory_space<hbm>>
        %dma_wait3A_1656 = arith.constant 0 : i32
        %dma_wait3A_1657 = arith.constant 0 : i32
        %dma_wait3A_1658 = tpu.memref_slice %arg8[%dma_wait3A_1640, %dma_wait3A_1656, %dma_wait3A_1657] : memref<2x64x129xf32, #tpu.memory_space<vmem>> -> memref<1x8x128xf32, #tpu.memory_space<vmem>>
        %dma_wait3A_1659 = tpu.memref_squeeze %dma_wait3A_1658 : memref<1x8x128xf32, #tpu.memory_space<vmem>> -> memref<8x128xf32, #tpu.memory_space<vmem>>
        tpu.wait_dma2 semaphore(%arg12 : memref<!tpu.dma_semaphore, #tpu.memory_space<semaphore_mem>>) src(%dma_wait3A_1659 : memref<8x128xf32, #tpu.memory_space<vmem>>) dst(%dma_wait3A_1655 : memref<8x128xf32, #tpu.memory_space<hbm>>)
        %dma_wait3A_1660 = arith.constant 0 : i32
        %dma_wait3A_1661 = arith.constant 0 : i32
        %dma_wait3A_1662 = arith.constant 0 : i32
        %dma_wait3A_1663 = arith.constant 0 : i32
        %dma_wait3A_1664 = arith.constant 0 : i32
        %dma_wait3A_1665 = arith.constant 0 : i32
        %dma_wait3A_1666 = tpu.memref_slice %arg8[%dma_wait3A_1660, %dma_wait3A_1664, %dma_wait3A_1665] : memref<2x64x129xf32, #tpu.memory_space<vmem>> -> memref<1x8x128xf32, #tpu.memory_space<vmem>>
        %dma_wait3A_1667 = tpu.memref_squeeze %dma_wait3A_1666 : memref<1x8x128xf32, #tpu.memory_space<vmem>> -> memref<8x128xf32, #tpu.memory_space<vmem>>
        %dma_wait3A_1668 = arith.constant 0 : i32
        %dma_wait3A_1669 = arith.constant 0 : i32
        %dma_wait3A_1670 = tpu.memref_slice %arg4[%dma_wait3A_1661, %dma_wait3A_1662, %dma_wait3A_1663, %dma_wait3A_1668, %dma_wait3A_1669] : memref<50x8x128x8x128xf32, #tpu.memory_space<hbm>> -> memref<1x1x1x8x128xf32, #tpu.memory_space<hbm>>
        %dma_wait3A_1671 = tpu.memref_squeeze %dma_wait3A_1670 : memref<1x1x1x8x128xf32, #tpu.memory_space<hbm>> -> memref<8x128xf32, #tpu.memory_space<hbm>>
        %dma_wait3A_1672 = arith.constant 0 : i32
        %dma_wait3A_1673 = arith.constant 0 : i32
        %dma_wait3A_1674 = tpu.memref_slice %arg4[%dma_wait3A_1661, %dma_wait3A_1662, %dma_wait3A_1663, %dma_wait3A_1672, %dma_wait3A_1673] : memref<50x8x128x8x128xf32, #tpu.memory_space<hbm>> -> memref<1x1x1x8x128xf32, #tpu.memory_space<hbm>>
        %dma_wait3A_1675 = tpu.memref_squeeze %dma_wait3A_1674 : memref<1x1x1x8x128xf32, #tpu.memory_space<hbm>> -> memref<8x128xf32, #tpu.memory_space<hbm>>
        %dma_wait3A_1676 = arith.constant 0 : i32
        %dma_wait3A_1677 = arith.constant 0 : i32
        %dma_wait3A_1678 = tpu.memref_slice %arg8[%dma_wait3A_1660, %dma_wait3A_1676, %dma_wait3A_1677] : memref<2x64x129xf32, #tpu.memory_space<vmem>> -> memref<1x8x128xf32, #tpu.memory_space<vmem>>
        %dma_wait3A_1679 = tpu.memref_squeeze %dma_wait3A_1678 : memref<1x8x128xf32, #tpu.memory_space<vmem>> -> memref<8x128xf32, #tpu.memory_space<vmem>>
        tpu.wait_dma2 semaphore(%arg12 : memref<!tpu.dma_semaphore, #tpu.memory_space<semaphore_mem>>) src(%dma_wait3A_1679 : memref<8x128xf32, #tpu.memory_space<vmem>>) dst(%dma_wait3A_1675 : memref<8x128xf32, #tpu.memory_space<hbm>>)
        %dma_wait3A_1680 = arith.constant 0 : i32
        %dma_wait3A_1681 = arith.constant 0 : i32
        %dma_wait3A_1682 = arith.constant 0 : i32
        %dma_wait3A_1683 = arith.constant 0 : i32
        %dma_wait3A_1684 = arith.constant 0 : i32
        %dma_wait3A_1685 = arith.constant 0 : i32
        %dma_wait3A_1686 = tpu.memref_slice %arg8[%dma_wait3A_1680, %dma_wait3A_1684, %dma_wait3A_1685] : memref<2x64x129xf32, #tpu.memory_space<vmem>> -> memref<1x8x128xf32, #tpu.memory_space<vmem>>
        %dma_wait3A_1687 = tpu.memref_squeeze %dma_wait3A_1686 : memref<1x8x128xf32, #tpu.memory_space<vmem>> -> memref<8x128xf32, #tpu.memory_space<vmem>>
        %dma_wait3A_1688 = arith.constant 0 : i32
        %dma_wait3A_1689 = arith.constant 0 : i32
        %dma_wait3A_1690 = tpu.memref_slice %arg4[%dma_wait3A_1681, %dma_wait3A_1682, %dma_wait3A_1683, %dma_wait3A_1688, %dma_wait3A_1689] : memref<50x8x128x8x128xf32, #tpu.memory_space<hbm>> -> memref<1x1x1x8x128xf32, #tpu.memory_space<hbm>>
        %dma_wait3A_1691 = tpu.memref_squeeze %dma_wait3A_1690 : memref<1x1x1x8x128xf32, #tpu.memory_space<hbm>> -> memref<8x128xf32, #tpu.memory_space<hbm>>
        %dma_wait3A_1692 = arith.constant 0 : i32
        %dma_wait3A_1693 = arith.constant 0 : i32
        %dma_wait3A_1694 = tpu.memref_slice %arg4[%dma_wait3A_1681, %dma_wait3A_1682, %dma_wait3A_1683, %dma_wait3A_1692, %dma_wait3A_1693] : memref<50x8x128x8x128xf32, #tpu.memory_space<hbm>> -> memref<1x1x1x8x128xf32, #tpu.memory_space<hbm>>
        %dma_wait3A_1695 = tpu.memref_squeeze %dma_wait3A_1694 : memref<1x1x1x8x128xf32, #tpu.memory_space<hbm>> -> memref<8x128xf32, #tpu.memory_space<hbm>>
        %dma_wait3A_1696 = arith.constant 0 : i32
        %dma_wait3A_1697 = arith.constant 0 : i32
        %dma_wait3A_1698 = tpu.memref_slice %arg8[%dma_wait3A_1680, %dma_wait3A_1696, %dma_wait3A_1697] : memref<2x64x129xf32, #tpu.memory_space<vmem>> -> memref<1x8x128xf32, #tpu.memory_space<vmem>>
        %dma_wait3A_1699 = tpu.memref_squeeze %dma_wait3A_1698 : memref<1x8x128xf32, #tpu.memory_space<vmem>> -> memref<8x128xf32, #tpu.memory_space<vmem>>
        tpu.wait_dma2 semaphore(%arg12 : memref<!tpu.dma_semaphore, #tpu.memory_space<semaphore_mem>>) src(%dma_wait3A_1699 : memref<8x128xf32, #tpu.memory_space<vmem>>) dst(%dma_wait3A_1695 : memref<8x128xf32, #tpu.memory_space<hbm>>)
        %dma_wait3A_1700 = arith.constant 0 : i32
        %dma_wait3A_1701 = arith.constant 0 : i32
        %dma_wait3A_1702 = arith.constant 0 : i32
        %dma_wait3A_1703 = arith.constant 0 : i32
        %dma_wait3A_1704 = arith.constant 0 : i32
        %dma_wait3A_1705 = arith.constant 0 : i32
        %dma_wait3A_1706 = tpu.memref_slice %arg8[%dma_wait3A_1700, %dma_wait3A_1704, %dma_wait3A_1705] : memref<2x64x129xf32, #tpu.memory_space<vmem>> -> memref<1x8x128xf32, #tpu.memory_space<vmem>>
        %dma_wait3A_1707 = tpu.memref_squeeze %dma_wait3A_1706 : memref<1x8x128xf32, #tpu.memory_space<vmem>> -> memref<8x128xf32, #tpu.memory_space<vmem>>
        %dma_wait3A_1708 = arith.constant 0 : i32
        %dma_wait3A_1709 = arith.constant 0 : i32
        %dma_wait3A_1710 = tpu.memref_slice %arg4[%dma_wait3A_1701, %dma_wait3A_1702, %dma_wait3A_1703, %dma_wait3A_1708, %dma_wait3A_1709] : memref<50x8x128x8x128xf32, #tpu.memory_space<hbm>> -> memref<1x1x1x8x128xf32, #tpu.memory_space<hbm>>
        %dma_wait3A_1711 = tpu.memref_squeeze %dma_wait3A_1710 : memref<1x1x1x8x128xf32, #tpu.memory_space<hbm>> -> memref<8x128xf32, #tpu.memory_space<hbm>>
        %dma_wait3A_1712 = arith.constant 0 : i32
        %dma_wait3A_1713 = arith.constant 0 : i32
        %dma_wait3A_1714 = tpu.memref_slice %arg4[%dma_wait3A_1701, %dma_wait3A_1702, %dma_wait3A_1703, %dma_wait3A_1712, %dma_wait3A_1713] : memref<50x8x128x8x128xf32, #tpu.memory_space<hbm>> -> memref<1x1x1x8x128xf32, #tpu.memory_space<hbm>>
        %dma_wait3A_1715 = tpu.memref_squeeze %dma_wait3A_1714 : memref<1x1x1x8x128xf32, #tpu.memory_space<hbm>> -> memref<8x128xf32, #tpu.memory_space<hbm>>
        %dma_wait3A_1716 = arith.constant 0 : i32
        %dma_wait3A_1717 = arith.constant 0 : i32
        %dma_wait3A_1718 = tpu.memref_slice %arg8[%dma_wait3A_1700, %dma_wait3A_1716, %dma_wait3A_1717] : memref<2x64x129xf32, #tpu.memory_space<vmem>> -> memref<1x8x128xf32, #tpu.memory_space<vmem>>
        %dma_wait3A_1719 = tpu.memref_squeeze %dma_wait3A_1718 : memref<1x8x128xf32, #tpu.memory_space<vmem>> -> memref<8x128xf32, #tpu.memory_space<vmem>>
        tpu.wait_dma2 semaphore(%arg12 : memref<!tpu.dma_semaphore, #tpu.memory_space<semaphore_mem>>) src(%dma_wait3A_1719 : memref<8x128xf32, #tpu.memory_space<vmem>>) dst(%dma_wait3A_1715 : memref<8x128xf32, #tpu.memory_space<hbm>>)
        %dma_wait3A_1720 = arith.constant 0 : i32
        %dma_wait3A_1721 = arith.constant 0 : i32
        %dma_wait3A_1722 = arith.constant 0 : i32
        %dma_wait3A_1723 = arith.constant 0 : i32
        %dma_wait3A_1724 = arith.constant 0 : i32
        %dma_wait3A_1725 = arith.constant 0 : i32
        %dma_wait3A_1726 = tpu.memref_slice %arg8[%dma_wait3A_1720, %dma_wait3A_1724, %dma_wait3A_1725] : memref<2x64x129xf32, #tpu.memory_space<vmem>> -> memref<1x8x128xf32, #tpu.memory_space<vmem>>
        %dma_wait3A_1727 = tpu.memref_squeeze %dma_wait3A_1726 : memref<1x8x128xf32, #tpu.memory_space<vmem>> -> memref<8x128xf32, #tpu.memory_space<vmem>>
        %dma_wait3A_1728 = arith.constant 0 : i32
        %dma_wait3A_1729 = arith.constant 0 : i32
        %dma_wait3A_1730 = tpu.memref_slice %arg4[%dma_wait3A_1721, %dma_wait3A_1722, %dma_wait3A_1723, %dma_wait3A_1728, %dma_wait3A_1729] : memref<50x8x128x8x128xf32, #tpu.memory_space<hbm>> -> memref<1x1x1x8x128xf32, #tpu.memory_space<hbm>>
        %dma_wait3A_1731 = tpu.memref_squeeze %dma_wait3A_1730 : memref<1x1x1x8x128xf32, #tpu.memory_space<hbm>> -> memref<8x128xf32, #tpu.memory_space<hbm>>
        %dma_wait3A_1732 = arith.constant 0 : i32
        %dma_wait3A_1733 = arith.constant 0 : i32
        %dma_wait3A_1734 = tpu.memref_slice %arg4[%dma_wait3A_1721, %dma_wait3A_1722, %dma_wait3A_1723, %dma_wait3A_1732, %dma_wait3A_1733] : memref<50x8x128x8x128xf32, #tpu.memory_space<hbm>> -> memref<1x1x1x8x128xf32, #tpu.memory_space<hbm>>
        %dma_wait3A_1735 = tpu.memref_squeeze %dma_wait3A_1734 : memref<1x1x1x8x128xf32, #tpu.memory_space<hbm>> -> memref<8x128xf32, #tpu.memory_space<hbm>>
        %dma_wait3A_1736 = arith.constant 0 : i32
        %dma_wait3A_1737 = arith.constant 0 : i32
        %dma_wait3A_1738 = tpu.memref_slice %arg8[%dma_wait3A_1720, %dma_wait3A_1736, %dma_wait3A_1737] : memref<2x64x129xf32, #tpu.memory_space<vmem>> -> memref<1x8x128xf32, #tpu.memory_space<vmem>>
        %dma_wait3A_1739 = tpu.memref_squeeze %dma_wait3A_1738 : memref<1x8x128xf32, #tpu.memory_space<vmem>> -> memref<8x128xf32, #tpu.memory_space<vmem>>
        tpu.wait_dma2 semaphore(%arg12 : memref<!tpu.dma_semaphore, #tpu.memory_space<semaphore_mem>>) src(%dma_wait3A_1739 : memref<8x128xf32, #tpu.memory_space<vmem>>) dst(%dma_wait3A_1735 : memref<8x128xf32, #tpu.memory_space<hbm>>)
      } else {
      }
      %parallel_loop3A = arith.constant 0 : i32
      %parallel_loop3A_677 = arith.constant 256 : i32
      %parallel_loop3A_678 = arith.constant 1 : i32
      scf.for %parallel_loop3A_1420 = %parallel_loop3A to %parallel_loop3A_677 step %parallel_loop3A_678  : i32 {
        %parallel_loop3A_1421 = arith.constant 128 : i32
        %parallel_loop3A_1422 = arith.divsi %parallel_loop3A_1420, %parallel_loop3A_1421 : i32
        %parallel_loop3A_1423 = arith.constant 0 : i32
        %parallel_loop3A_1424 = arith.cmpi sgt, %parallel_loop3A_1420, %parallel_loop3A_1423 : i32
        %parallel_loop3A_1425 = arith.extui %parallel_loop3A_1424 : i1 to i32
        %parallel_loop3A_1426 = arith.constant 0 : i32
        %parallel_loop3A_1427 = arith.cmpi slt, %parallel_loop3A_1420, %parallel_loop3A_1426 : i32
        %parallel_loop3A_1428 = arith.extui %parallel_loop3A_1427 : i1 to i32
        %parallel_loop3A_1429 = arith.subi %parallel_loop3A_1425, %parallel_loop3A_1428 : i32
        %parallel_loop3A_1430 = arith.constant 0 : i32
        %parallel_loop3A_1431 = arith.cmpi sgt, %parallel_loop3A_1421, %parallel_loop3A_1430 : i32
        %parallel_loop3A_1432 = arith.extui %parallel_loop3A_1431 : i1 to i32
        %parallel_loop3A_1433 = arith.constant 0 : i32
        %parallel_loop3A_1434 = arith.cmpi slt, %parallel_loop3A_1421, %parallel_loop3A_1433 : i32
        %parallel_loop3A_1435 = arith.extui %parallel_loop3A_1434 : i1 to i32
        %parallel_loop3A_1436 = arith.subi %parallel_loop3A_1432, %parallel_loop3A_1435 : i32
        %parallel_loop3A_1437 = arith.cmpi ne, %parallel_loop3A_1429, %parallel_loop3A_1436 : i32
        %parallel_loop3A_1438 = arith.remsi %parallel_loop3A_1420, %parallel_loop3A_1421 : i32
        %parallel_loop3A_1439 = arith.constant 0 : i32
        %parallel_loop3A_1440 = arith.cmpi ne, %parallel_loop3A_1438, %parallel_loop3A_1439 : i32
        %parallel_loop3A_1441 = arith.andi %parallel_loop3A_1437, %parallel_loop3A_1440 : i1
        %parallel_loop3A_1442 = arith.constant 1 : i32
        %parallel_loop3A_1443 = arith.subi %parallel_loop3A_1422, %parallel_loop3A_1442 : i32
        %parallel_loop3A_1444 = arith.select %parallel_loop3A_1441, %parallel_loop3A_1443, %parallel_loop3A_1422 : i32
        %parallel_loop3A_1445 = vector.broadcast %parallel_loop3A_1444 : i32 to vector<16xi32>
        %parallel_loop3A_1446 = arith.constant 128 : i32
        %parallel_loop3A_1447 = arith.constant 0 : i32
        %parallel_loop3A_1448 = arith.cmpi eq, %parallel_loop3A_1446, %parallel_loop3A_1447 : i32
        %parallel_loop3A_1449 = arith.constant 1 : i32
        %parallel_loop3A_1450 = arith.select %parallel_loop3A_1448, %parallel_loop3A_1449, %parallel_loop3A_1446 : i32
        %parallel_loop3A_1451 = arith.remsi %parallel_loop3A_1420, %parallel_loop3A_1450 : i32
        %parallel_loop3A_1452 = arith.constant 0 : i32
        %parallel_loop3A_1453 = arith.cmpi ne, %parallel_loop3A_1451, %parallel_loop3A_1452 : i32
        %parallel_loop3A_1454 = arith.constant 0 : i32
        %parallel_loop3A_1455 = arith.cmpi slt, %parallel_loop3A_1451, %parallel_loop3A_1454 : i32
        %parallel_loop3A_1456 = arith.constant 0 : i32
        %parallel_loop3A_1457 = arith.cmpi slt, %parallel_loop3A_1450, %parallel_loop3A_1456 : i32
        %parallel_loop3A_1458 = arith.xori %parallel_loop3A_1455, %parallel_loop3A_1457 : i1
        %parallel_loop3A_1459 = arith.andi %parallel_loop3A_1458, %parallel_loop3A_1453 : i1
        %parallel_loop3A_1460 = arith.addi %parallel_loop3A_1451, %parallel_loop3A_1450 : i32
        %parallel_loop3A_1461 = arith.select %parallel_loop3A_1459, %parallel_loop3A_1460, %parallel_loop3A_1451 : i32
        %parallel_loop3A_1462 = vector.broadcast %parallel_loop3A_1461 : i32 to vector<16xi32>
        %parallel_loop3A_1463 = arith.index_cast %parallel_loop3A_1420 : i32 to index
        %parallel_loop3A_1464 = arith.constant 0 : index
        %parallel_loop3A_1465 = tpu.vector_load %arg6[%parallel_loop3A_1463, %parallel_loop3A_1464] {strides = array<i32>} : memref<256x128xf32, #tpu.memory_space<vmem>>, vector<16xf32>,
        %parallel_loop3A_1466 = arith.constant 0 : i32
        %parallel_loop3A_1467 = vector.broadcast %parallel_loop3A_1466 : i32 to vector<16xi32>
        %parallel_loop3A_1468 = arith.addi %iota3A, %parallel_loop3A_1467 : vector<16xi32>
        tpu.vector_store_idx %arg8[%parallel_loop3A_1445, %parallel_loop3A_1468, %parallel_loop3A_1462], %parallel_loop3A_1465 : memref<2x64x129xf32, #tpu.memory_space<vmem>>[vector<16xi32>, vector<16xi32>, vector<16xi32>], vector<16xf32>,
        %parallel_loop3A_1469 = arith.index_cast %parallel_loop3A_1420 : i32 to index
        %parallel_loop3A_1470 = arith.constant 16 : index
        %parallel_loop3A_1471 = tpu.vector_load %arg6[%parallel_loop3A_1469, %parallel_loop3A_1470] {strides = array<i32>} : memref<256x128xf32, #tpu.memory_space<vmem>>, vector<16xf32>,
        %parallel_loop3A_1472 = arith.constant 16 : i32
        %parallel_loop3A_1473 = vector.broadcast %parallel_loop3A_1472 : i32 to vector<16xi32>
        %parallel_loop3A_1474 = arith.addi %iota3A, %parallel_loop3A_1473 : vector<16xi32>
        tpu.vector_store_idx %arg8[%parallel_loop3A_1445, %parallel_loop3A_1474, %parallel_loop3A_1462], %parallel_loop3A_1471 : memref<2x64x129xf32, #tpu.memory_space<vmem>>[vector<16xi32>, vector<16xi32>, vector<16xi32>], vector<16xf32>,
        %parallel_loop3A_1475 = arith.index_cast %parallel_loop3A_1420 : i32 to index
        %parallel_loop3A_1476 = arith.constant 32 : index
        %parallel_loop3A_1477 = tpu.vector_load %arg6[%parallel_loop3A_1475, %parallel_loop3A_1476] {strides = array<i32>} : memref<256x128xf32, #tpu.memory_space<vmem>>, vector<16xf32>,
        %parallel_loop3A_1478 = arith.constant 32 : i32
        %parallel_loop3A_1479 = vector.broadcast %parallel_loop3A_1478 : i32 to vector<16xi32>
        %parallel_loop3A_1480 = arith.addi %iota3A, %parallel_loop3A_1479 : vector<16xi32>
        tpu.vector_store_idx %arg8[%parallel_loop3A_1445, %parallel_loop3A_1480, %parallel_loop3A_1462], %parallel_loop3A_1477 : memref<2x64x129xf32, #tpu.memory_space<vmem>>[vector<16xi32>, vector<16xi32>, vector<16xi32>], vector<16xf32>,
        %parallel_loop3A_1481 = arith.index_cast %parallel_loop3A_1420 : i32 to index
        %parallel_loop3A_1482 = arith.constant 48 : index
        %parallel_loop3A_1483 = tpu.vector_load %arg6[%parallel_loop3A_1481, %parallel_loop3A_1482] {strides = array<i32>} : memref<256x128xf32, #tpu.memory_space<vmem>>, vector<16xf32>,
        %parallel_loop3A_1484 = arith.constant 48 : i32
        %parallel_loop3A_1485 = vector.broadcast %parallel_loop3A_1484 : i32 to vector<16xi32>
        %parallel_loop3A_1486 = arith.addi %iota3A, %parallel_loop3A_1485 : vector<16xi32>
        tpu.vector_store_idx %arg8[%parallel_loop3A_1445, %parallel_loop3A_1486, %parallel_loop3A_1462], %parallel_loop3A_1483 : memref<2x64x129xf32, #tpu.memory_space<vmem>>[vector<16xi32>, vector<16xi32>, vector<16xi32>], vector<16xf32>,
      } {sc.loop_unroll_factor = 4 : i64, sc.parallel_access}
      %add3A_679 = arith.addi %mul3A_2, %add3A_659 : i32
      %mul3A_680 = arith.constant 2 : i32
      %mul3A_681 = arith.muli %add3A_679, %mul3A_680 : i32
      %jit3A = arith.constant 128 : i32
      %div3A = arith.divsi %mul3A_681, %jit3A : i32
      %sign3A = arith.constant 0 : i32
      %sign3A_682 = arith.cmpi sgt, %mul3A_681, %sign3A : i32
      %sign3A_683 = arith.extui %sign3A_682 : i1 to i32
      %sign3A_684 = arith.constant 0 : i32
      %sign3A_685 = arith.cmpi slt, %mul3A_681, %sign3A_684 : i32
      %sign3A_686 = arith.extui %sign3A_685 : i1 to i32
      %sign3A_687 = arith.subi %sign3A_683, %sign3A_686 : i32
      %sign3A_688 = arith.constant 0 : i32
      %sign3A_689 = arith.cmpi sgt, %jit3A, %sign3A_688 : i32
      %sign3A_690 = arith.extui %sign3A_689 : i1 to i32
      %sign3A_691 = arith.constant 0 : i32
      %sign3A_692 = arith.cmpi slt, %jit3A, %sign3A_691 : i32
      %sign3A_693 = arith.extui %sign3A_692 : i1 to i32
      %sign3A_694 = arith.subi %sign3A_690, %sign3A_693 : i32
      %ne3A = arith.cmpi ne, %sign3A_687, %sign3A_694 : i32
      %rem3A = arith.remsi %mul3A_681, %jit3A : i32
      %ne3A_695 = arith.constant 0 : i32
      %ne3A_696 = arith.cmpi ne, %rem3A, %ne3A_695 : i32
      %and3A = arith.andi %ne3A, %ne3A_696 : i1
      %sub3A = arith.constant 1 : i32
      %sub3A_697 = arith.subi %div3A, %sub3A : i32
      %select_n3A = arith.select %and3A, %sub3A_697, %div3A : i32
      %jit3A_698 = arith.constant 128 : i32
      %eq3A = arith.constant 0 : i32
      %eq3A_699 = arith.cmpi eq, %jit3A_698, %eq3A : i32
      %jit3A_700 = arith.constant 1 : i32
      %select_n3A_701 = arith.select %eq3A_699, %jit3A_700, %jit3A_698 : i32
      %rem3A_702 = arith.remsi %mul3A_681, %select_n3A_701 : i32
      %ne3A_703 = arith.constant 0 : i32
      %ne3A_704 = arith.cmpi ne, %rem3A_702, %ne3A_703 : i32
      %lt3A = arith.constant 0 : i32
      %lt3A_705 = arith.cmpi slt, %rem3A_702, %lt3A : i32
      %lt3A_706 = arith.constant 0 : i32
      %lt3A_707 = arith.cmpi slt, %select_n3A_701, %lt3A_706 : i32
      %ne3A_708 = arith.xori %lt3A_705, %lt3A_707 : i1
      %and3A_709 = arith.andi %ne3A_708, %ne3A_704 : i1
      %add3A_710 = arith.addi %rem3A_702, %select_n3A_701 : i32
      %select_n3A_711 = arith.select %and3A_709, %add3A_710, %rem3A_702 : i32
      %add3A_712 = arith.constant 0 : i32
      %add3A_713 = arith.addi %select_n3A_711, %add3A_712 : i32
      %dma_start3A_714 = arith.constant 0 : i32
      %dma_start3A_715 = arith.constant 0 : i32
      %dma_start3A_716 = arith.constant 0 : i32
      %dma_start3A_717 = arith.constant 0 : i32
      %dma_start3A_718 = tpu.memref_slice %arg8[%dma_start3A_714, %dma_start3A_716, %dma_start3A_717] : memref<2x64x129xf32, #tpu.memory_space<vmem>> -> memref<1x8x128xf32, #tpu.memory_space<vmem>>
      %dma_start3A_719 = tpu.memref_squeeze %dma_start3A_718 : memref<1x8x128xf32, #tpu.memory_space<vmem>> -> memref<8x128xf32, #tpu.memory_space<vmem>>
      %dma_start3A_720 = arith.constant 0 : i32
      %dma_start3A_721 = arith.constant 0 : i32
      %dma_start3A_722 = tpu.memref_slice %arg4[%select_n3A, %dma_start3A_715, %add3A_713, %dma_start3A_720, %dma_start3A_721] : memref<50x8x128x8x128xf32, #tpu.memory_space<hbm>> -> memref<1x1x1x8x128xf32, #tpu.memory_space<hbm>>
      %dma_start3A_723 = tpu.memref_squeeze %dma_start3A_722 : memref<1x1x1x8x128xf32, #tpu.memory_space<hbm>> -> memref<8x128xf32, #tpu.memory_space<hbm>>
      %dma_start3A_724 = arith.constant 0 : i32
      %dma_start3A_725 = arith.constant 0 : i32
      %dma_start3A_726 = tpu.memref_slice %arg4[%select_n3A, %dma_start3A_715, %add3A_713, %dma_start3A_724, %dma_start3A_725] : memref<50x8x128x8x128xf32, #tpu.memory_space<hbm>> -> memref<1x1x1x8x128xf32, #tpu.memory_space<hbm>>
      %dma_start3A_727 = tpu.memref_squeeze %dma_start3A_726 : memref<1x1x1x8x128xf32, #tpu.memory_space<hbm>> -> memref<8x128xf32, #tpu.memory_space<hbm>>
      %dma_start3A_728 = arith.constant 0 : i32
      %dma_start3A_729 = arith.constant 0 : i32
      %dma_start3A_730 = tpu.memref_slice %arg8[%dma_start3A_714, %dma_start3A_728, %dma_start3A_729] : memref<2x64x129xf32, #tpu.memory_space<vmem>> -> memref<1x8x128xf32, #tpu.memory_space<vmem>>
      %dma_start3A_731 = tpu.memref_squeeze %dma_start3A_730 : memref<1x8x128xf32, #tpu.memory_space<vmem>> -> memref<8x128xf32, #tpu.memory_space<vmem>>
      tpu.enqueue_dma source(%dma_start3A_731 : memref<8x128xf32, #tpu.memory_space<vmem>>) target(%dma_start3A_727 : memref<8x128xf32, #tpu.memory_space<hbm>>) target_semaphore(%arg12 : memref<!tpu.dma_semaphore, #tpu.memory_space<semaphore_mem>>)
      %add3A_732 = arith.constant 0 : i32
      %add3A_733 = arith.addi %select_n3A_711, %add3A_732 : i32
      %dma_start3A_734 = arith.constant 0 : i32
      %dma_start3A_735 = arith.constant 1 : i32
      %dma_start3A_736 = arith.constant 8 : i32
      %dma_start3A_737 = arith.constant 0 : i32
      %dma_start3A_738 = tpu.memref_slice %arg8[%dma_start3A_734, %dma_start3A_736, %dma_start3A_737] : memref<2x64x129xf32, #tpu.memory_space<vmem>> -> memref<1x8x128xf32, #tpu.memory_space<vmem>>
      %dma_start3A_739 = tpu.memref_squeeze %dma_start3A_738 : memref<1x8x128xf32, #tpu.memory_space<vmem>> -> memref<8x128xf32, #tpu.memory_space<vmem>>
      %dma_start3A_740 = arith.constant 0 : i32
      %dma_start3A_741 = arith.constant 0 : i32
      %dma_start3A_742 = tpu.memref_slice %arg4[%select_n3A, %dma_start3A_735, %add3A_733, %dma_start3A_740, %dma_start3A_741] : memref<50x8x128x8x128xf32, #tpu.memory_space<hbm>> -> memref<1x1x1x8x128xf32, #tpu.memory_space<hbm>>
      %dma_start3A_743 = tpu.memref_squeeze %dma_start3A_742 : memref<1x1x1x8x128xf32, #tpu.memory_space<hbm>> -> memref<8x128xf32, #tpu.memory_space<hbm>>
      %dma_start3A_744 = arith.constant 0 : i32
      %dma_start3A_745 = arith.constant 0 : i32
      %dma_start3A_746 = tpu.memref_slice %arg4[%select_n3A, %dma_start3A_735, %add3A_733, %dma_start3A_744, %dma_start3A_745] : memref<50x8x128x8x128xf32, #tpu.memory_space<hbm>> -> memref<1x1x1x8x128xf32, #tpu.memory_space<hbm>>
      %dma_start3A_747 = tpu.memref_squeeze %dma_start3A_746 : memref<1x1x1x8x128xf32, #tpu.memory_space<hbm>> -> memref<8x128xf32, #tpu.memory_space<hbm>>
      %dma_start3A_748 = arith.constant 8 : i32
      %dma_start3A_749 = arith.constant 0 : i32
      %dma_start3A_750 = tpu.memref_slice %arg8[%dma_start3A_734, %dma_start3A_748, %dma_start3A_749] : memref<2x64x129xf32, #tpu.memory_space<vmem>> -> memref<1x8x128xf32, #tpu.memory_space<vmem>>
      %dma_start3A_751 = tpu.memref_squeeze %dma_start3A_750 : memref<1x8x128xf32, #tpu.memory_space<vmem>> -> memref<8x128xf32, #tpu.memory_space<vmem>>
      tpu.enqueue_dma source(%dma_start3A_751 : memref<8x128xf32, #tpu.memory_space<vmem>>) target(%dma_start3A_747 : memref<8x128xf32, #tpu.memory_space<hbm>>) target_semaphore(%arg12 : memref<!tpu.dma_semaphore, #tpu.memory_space<semaphore_mem>>)
      %add3A_752 = arith.constant 0 : i32
      %add3A_753 = arith.addi %select_n3A_711, %add3A_752 : i32
      %dma_start3A_754 = arith.constant 0 : i32
      %dma_start3A_755 = arith.constant 2 : i32
      %dma_start3A_756 = arith.constant 16 : i32
      %dma_start3A_757 = arith.constant 0 : i32
      %dma_start3A_758 = tpu.memref_slice %arg8[%dma_start3A_754, %dma_start3A_756, %dma_start3A_757] : memref<2x64x129xf32, #tpu.memory_space<vmem>> -> memref<1x8x128xf32, #tpu.memory_space<vmem>>
      %dma_start3A_759 = tpu.memref_squeeze %dma_start3A_758 : memref<1x8x128xf32, #tpu.memory_space<vmem>> -> memref<8x128xf32, #tpu.memory_space<vmem>>
      %dma_start3A_760 = arith.constant 0 : i32
      %dma_start3A_761 = arith.constant 0 : i32
      %dma_start3A_762 = tpu.memref_slice %arg4[%select_n3A, %dma_start3A_755, %add3A_753, %dma_start3A_760, %dma_start3A_761] : memref<50x8x128x8x128xf32, #tpu.memory_space<hbm>> -> memref<1x1x1x8x128xf32, #tpu.memory_space<hbm>>
      %dma_start3A_763 = tpu.memref_squeeze %dma_start3A_762 : memref<1x1x1x8x128xf32, #tpu.memory_space<hbm>> -> memref<8x128xf32, #tpu.memory_space<hbm>>
      %dma_start3A_764 = arith.constant 0 : i32
      %dma_start3A_765 = arith.constant 0 : i32
      %dma_start3A_766 = tpu.memref_slice %arg4[%select_n3A, %dma_start3A_755, %add3A_753, %dma_start3A_764, %dma_start3A_765] : memref<50x8x128x8x128xf32, #tpu.memory_space<hbm>> -> memref<1x1x1x8x128xf32, #tpu.memory_space<hbm>>
      %dma_start3A_767 = tpu.memref_squeeze %dma_start3A_766 : memref<1x1x1x8x128xf32, #tpu.memory_space<hbm>> -> memref<8x128xf32, #tpu.memory_space<hbm>>
      %dma_start3A_768 = arith.constant 16 : i32
      %dma_start3A_769 = arith.constant 0 : i32
      %dma_start3A_770 = tpu.memref_slice %arg8[%dma_start3A_754, %dma_start3A_768, %dma_start3A_769] : memref<2x64x129xf32, #tpu.memory_space<vmem>> -> memref<1x8x128xf32, #tpu.memory_space<vmem>>
      %dma_start3A_771 = tpu.memref_squeeze %dma_start3A_770 : memref<1x8x128xf32, #tpu.memory_space<vmem>> -> memref<8x128xf32, #tpu.memory_space<vmem>>
      tpu.enqueue_dma source(%dma_start3A_771 : memref<8x128xf32, #tpu.memory_space<vmem>>) target(%dma_start3A_767 : memref<8x128xf32, #tpu.memory_space<hbm>>) target_semaphore(%arg12 : memref<!tpu.dma_semaphore, #tpu.memory_space<semaphore_mem>>)
      %add3A_772 = arith.constant 0 : i32
      %add3A_773 = arith.addi %select_n3A_711, %add3A_772 : i32
      %dma_start3A_774 = arith.constant 0 : i32
      %dma_start3A_775 = arith.constant 3 : i32
      %dma_start3A_776 = arith.constant 24 : i32
      %dma_start3A_777 = arith.constant 0 : i32
      %dma_start3A_778 = tpu.memref_slice %arg8[%dma_start3A_774, %dma_start3A_776, %dma_start3A_777] : memref<2x64x129xf32, #tpu.memory_space<vmem>> -> memref<1x8x128xf32, #tpu.memory_space<vmem>>
      %dma_start3A_779 = tpu.memref_squeeze %dma_start3A_778 : memref<1x8x128xf32, #tpu.memory_space<vmem>> -> memref<8x128xf32, #tpu.memory_space<vmem>>
      %dma_start3A_780 = arith.constant 0 : i32
      %dma_start3A_781 = arith.constant 0 : i32
      %dma_start3A_782 = tpu.memref_slice %arg4[%select_n3A, %dma_start3A_775, %add3A_773, %dma_start3A_780, %dma_start3A_781] : memref<50x8x128x8x128xf32, #tpu.memory_space<hbm>> -> memref<1x1x1x8x128xf32, #tpu.memory_space<hbm>>
      %dma_start3A_783 = tpu.memref_squeeze %dma_start3A_782 : memref<1x1x1x8x128xf32, #tpu.memory_space<hbm>> -> memref<8x128xf32, #tpu.memory_space<hbm>>
      %dma_start3A_784 = arith.constant 0 : i32
      %dma_start3A_785 = arith.constant 0 : i32
      %dma_start3A_786 = tpu.memref_slice %arg4[%select_n3A, %dma_start3A_775, %add3A_773, %dma_start3A_784, %dma_start3A_785] : memref<50x8x128x8x128xf32, #tpu.memory_space<hbm>> -> memref<1x1x1x8x128xf32, #tpu.memory_space<hbm>>
      %dma_start3A_787 = tpu.memref_squeeze %dma_start3A_786 : memref<1x1x1x8x128xf32, #tpu.memory_space<hbm>> -> memref<8x128xf32, #tpu.memory_space<hbm>>
      %dma_start3A_788 = arith.constant 24 : i32
      %dma_start3A_789 = arith.constant 0 : i32
      %dma_start3A_790 = tpu.memref_slice %arg8[%dma_start3A_774, %dma_start3A_788, %dma_start3A_789] : memref<2x64x129xf32, #tpu.memory_space<vmem>> -> memref<1x8x128xf32, #tpu.memory_space<vmem>>
      %dma_start3A_791 = tpu.memref_squeeze %dma_start3A_790 : memref<1x8x128xf32, #tpu.memory_space<vmem>> -> memref<8x128xf32, #tpu.memory_space<vmem>>
      tpu.enqueue_dma source(%dma_start3A_791 : memref<8x128xf32, #tpu.memory_space<vmem>>) target(%dma_start3A_787 : memref<8x128xf32, #tpu.memory_space<hbm>>) target_semaphore(%arg12 : memref<!tpu.dma_semaphore, #tpu.memory_space<semaphore_mem>>)
      %add3A_792 = arith.constant 0 : i32
      %add3A_793 = arith.addi %select_n3A_711, %add3A_792 : i32
      %dma_start3A_794 = arith.constant 0 : i32
      %dma_start3A_795 = arith.constant 4 : i32
      %dma_start3A_796 = arith.constant 32 : i32
      %dma_start3A_797 = arith.constant 0 : i32
      %dma_start3A_798 = tpu.memref_slice %arg8[%dma_start3A_794, %dma_start3A_796, %dma_start3A_797] : memref<2x64x129xf32, #tpu.memory_space<vmem>> -> memref<1x8x128xf32, #tpu.memory_space<vmem>>
      %dma_start3A_799 = tpu.memref_squeeze %dma_start3A_798 : memref<1x8x128xf32, #tpu.memory_space<vmem>> -> memref<8x128xf32, #tpu.memory_space<vmem>>
      %dma_start3A_800 = arith.constant 0 : i32
      %dma_start3A_801 = arith.constant 0 : i32
      %dma_start3A_802 = tpu.memref_slice %arg4[%select_n3A, %dma_start3A_795, %add3A_793, %dma_start3A_800, %dma_start3A_801] : memref<50x8x128x8x128xf32, #tpu.memory_space<hbm>> -> memref<1x1x1x8x128xf32, #tpu.memory_space<hbm>>
      %dma_start3A_803 = tpu.memref_squeeze %dma_start3A_802 : memref<1x1x1x8x128xf32, #tpu.memory_space<hbm>> -> memref<8x128xf32, #tpu.memory_space<hbm>>
      %dma_start3A_804 = arith.constant 0 : i32
      %dma_start3A_805 = arith.constant 0 : i32
      %dma_start3A_806 = tpu.memref_slice %arg4[%select_n3A, %dma_start3A_795, %add3A_793, %dma_start3A_804, %dma_start3A_805] : memref<50x8x128x8x128xf32, #tpu.memory_space<hbm>> -> memref<1x1x1x8x128xf32, #tpu.memory_space<hbm>>
      %dma_start3A_807 = tpu.memref_squeeze %dma_start3A_806 : memref<1x1x1x8x128xf32, #tpu.memory_space<hbm>> -> memref<8x128xf32, #tpu.memory_space<hbm>>
      %dma_start3A_808 = arith.constant 32 : i32
      %dma_start3A_809 = arith.constant 0 : i32
      %dma_start3A_810 = tpu.memref_slice %arg8[%dma_start3A_794, %dma_start3A_808, %dma_start3A_809] : memref<2x64x129xf32, #tpu.memory_space<vmem>> -> memref<1x8x128xf32, #tpu.memory_space<vmem>>
      %dma_start3A_811 = tpu.memref_squeeze %dma_start3A_810 : memref<1x8x128xf32, #tpu.memory_space<vmem>> -> memref<8x128xf32, #tpu.memory_space<vmem>>
      tpu.enqueue_dma source(%dma_start3A_811 : memref<8x128xf32, #tpu.memory_space<vmem>>) target(%dma_start3A_807 : memref<8x128xf32, #tpu.memory_space<hbm>>) target_semaphore(%arg12 : memref<!tpu.dma_semaphore, #tpu.memory_space<semaphore_mem>>)
      %add3A_812 = arith.constant 0 : i32
      %add3A_813 = arith.addi %select_n3A_711, %add3A_812 : i32
      %dma_start3A_814 = arith.constant 0 : i32
      %dma_start3A_815 = arith.constant 5 : i32
      %dma_start3A_816 = arith.constant 40 : i32
      %dma_start3A_817 = arith.constant 0 : i32
      %dma_start3A_818 = tpu.memref_slice %arg8[%dma_start3A_814, %dma_start3A_816, %dma_start3A_817] : memref<2x64x129xf32, #tpu.memory_space<vmem>> -> memref<1x8x128xf32, #tpu.memory_space<vmem>>
      %dma_start3A_819 = tpu.memref_squeeze %dma_start3A_818 : memref<1x8x128xf32, #tpu.memory_space<vmem>> -> memref<8x128xf32, #tpu.memory_space<vmem>>
      %dma_start3A_820 = arith.constant 0 : i32
      %dma_start3A_821 = arith.constant 0 : i32
      %dma_start3A_822 = tpu.memref_slice %arg4[%select_n3A, %dma_start3A_815, %add3A_813, %dma_start3A_820, %dma_start3A_821] : memref<50x8x128x8x128xf32, #tpu.memory_space<hbm>> -> memref<1x1x1x8x128xf32, #tpu.memory_space<hbm>>
      %dma_start3A_823 = tpu.memref_squeeze %dma_start3A_822 : memref<1x1x1x8x128xf32, #tpu.memory_space<hbm>> -> memref<8x128xf32, #tpu.memory_space<hbm>>
      %dma_start3A_824 = arith.constant 0 : i32
      %dma_start3A_825 = arith.constant 0 : i32
      %dma_start3A_826 = tpu.memref_slice %arg4[%select_n3A, %dma_start3A_815, %add3A_813, %dma_start3A_824, %dma_start3A_825] : memref<50x8x128x8x128xf32, #tpu.memory_space<hbm>> -> memref<1x1x1x8x128xf32, #tpu.memory_space<hbm>>
      %dma_start3A_827 = tpu.memref_squeeze %dma_start3A_826 : memref<1x1x1x8x128xf32, #tpu.memory_space<hbm>> -> memref<8x128xf32, #tpu.memory_space<hbm>>
      %dma_start3A_828 = arith.constant 40 : i32
      %dma_start3A_829 = arith.constant 0 : i32
      %dma_start3A_830 = tpu.memref_slice %arg8[%dma_start3A_814, %dma_start3A_828, %dma_start3A_829] : memref<2x64x129xf32, #tpu.memory_space<vmem>> -> memref<1x8x128xf32, #tpu.memory_space<vmem>>
      %dma_start3A_831 = tpu.memref_squeeze %dma_start3A_830 : memref<1x8x128xf32, #tpu.memory_space<vmem>> -> memref<8x128xf32, #tpu.memory_space<vmem>>
      tpu.enqueue_dma source(%dma_start3A_831 : memref<8x128xf32, #tpu.memory_space<vmem>>) target(%dma_start3A_827 : memref<8x128xf32, #tpu.memory_space<hbm>>) target_semaphore(%arg12 : memref<!tpu.dma_semaphore, #tpu.memory_space<semaphore_mem>>)
      %add3A_832 = arith.constant 0 : i32
      %add3A_833 = arith.addi %select_n3A_711, %add3A_832 : i32
      %dma_start3A_834 = arith.constant 0 : i32
      %dma_start3A_835 = arith.constant 6 : i32
      %dma_start3A_836 = arith.constant 48 : i32
      %dma_start3A_837 = arith.constant 0 : i32
      %dma_start3A_838 = tpu.memref_slice %arg8[%dma_start3A_834, %dma_start3A_836, %dma_start3A_837] : memref<2x64x129xf32, #tpu.memory_space<vmem>> -> memref<1x8x128xf32, #tpu.memory_space<vmem>>
      %dma_start3A_839 = tpu.memref_squeeze %dma_start3A_838 : memref<1x8x128xf32, #tpu.memory_space<vmem>> -> memref<8x128xf32, #tpu.memory_space<vmem>>
      %dma_start3A_840 = arith.constant 0 : i32
      %dma_start3A_841 = arith.constant 0 : i32
      %dma_start3A_842 = tpu.memref_slice %arg4[%select_n3A, %dma_start3A_835, %add3A_833, %dma_start3A_840, %dma_start3A_841] : memref<50x8x128x8x128xf32, #tpu.memory_space<hbm>> -> memref<1x1x1x8x128xf32, #tpu.memory_space<hbm>>
      %dma_start3A_843 = tpu.memref_squeeze %dma_start3A_842 : memref<1x1x1x8x128xf32, #tpu.memory_space<hbm>> -> memref<8x128xf32, #tpu.memory_space<hbm>>
      %dma_start3A_844 = arith.constant 0 : i32
      %dma_start3A_845 = arith.constant 0 : i32
      %dma_start3A_846 = tpu.memref_slice %arg4[%select_n3A, %dma_start3A_835, %add3A_833, %dma_start3A_844, %dma_start3A_845] : memref<50x8x128x8x128xf32, #tpu.memory_space<hbm>> -> memref<1x1x1x8x128xf32, #tpu.memory_space<hbm>>
      %dma_start3A_847 = tpu.memref_squeeze %dma_start3A_846 : memref<1x1x1x8x128xf32, #tpu.memory_space<hbm>> -> memref<8x128xf32, #tpu.memory_space<hbm>>
      %dma_start3A_848 = arith.constant 48 : i32
      %dma_start3A_849 = arith.constant 0 : i32
      %dma_start3A_850 = tpu.memref_slice %arg8[%dma_start3A_834, %dma_start3A_848, %dma_start3A_849] : memref<2x64x129xf32, #tpu.memory_space<vmem>> -> memref<1x8x128xf32, #tpu.memory_space<vmem>>
      %dma_start3A_851 = tpu.memref_squeeze %dma_start3A_850 : memref<1x8x128xf32, #tpu.memory_space<vmem>> -> memref<8x128xf32, #tpu.memory_space<vmem>>
      tpu.enqueue_dma source(%dma_start3A_851 : memref<8x128xf32, #tpu.memory_space<vmem>>) target(%dma_start3A_847 : memref<8x128xf32, #tpu.memory_space<hbm>>) target_semaphore(%arg12 : memref<!tpu.dma_semaphore, #tpu.memory_space<semaphore_mem>>)
      %add3A_852 = arith.constant 0 : i32
      %add3A_853 = arith.addi %select_n3A_711, %add3A_852 : i32
      %dma_start3A_854 = arith.constant 0 : i32
      %dma_start3A_855 = arith.constant 7 : i32
      %dma_start3A_856 = arith.constant 56 : i32
      %dma_start3A_857 = arith.constant 0 : i32
      %dma_start3A_858 = tpu.memref_slice %arg8[%dma_start3A_854, %dma_start3A_856, %dma_start3A_857] : memref<2x64x129xf32, #tpu.memory_space<vmem>> -> memref<1x8x128xf32, #tpu.memory_space<vmem>>
      %dma_start3A_859 = tpu.memref_squeeze %dma_start3A_858 : memref<1x8x128xf32, #tpu.memory_space<vmem>> -> memref<8x128xf32, #tpu.memory_space<vmem>>
      %dma_start3A_860 = arith.constant 0 : i32
      %dma_start3A_861 = arith.constant 0 : i32
      %dma_start3A_862 = tpu.memref_slice %arg4[%select_n3A, %dma_start3A_855, %add3A_853, %dma_start3A_860, %dma_start3A_861] : memref<50x8x128x8x128xf32, #tpu.memory_space<hbm>> -> memref<1x1x1x8x128xf32, #tpu.memory_space<hbm>>
      %dma_start3A_863 = tpu.memref_squeeze %dma_start3A_862 : memref<1x1x1x8x128xf32, #tpu.memory_space<hbm>> -> memref<8x128xf32, #tpu.memory_space<hbm>>
      %dma_start3A_864 = arith.constant 0 : i32
      %dma_start3A_865 = arith.constant 0 : i32
      %dma_start3A_866 = tpu.memref_slice %arg4[%select_n3A, %dma_start3A_855, %add3A_853, %dma_start3A_864, %dma_start3A_865] : memref<50x8x128x8x128xf32, #tpu.memory_space<hbm>> -> memref<1x1x1x8x128xf32, #tpu.memory_space<hbm>>
      %dma_start3A_867 = tpu.memref_squeeze %dma_start3A_866 : memref<1x1x1x8x128xf32, #tpu.memory_space<hbm>> -> memref<8x128xf32, #tpu.memory_space<hbm>>
      %dma_start3A_868 = arith.constant 56 : i32
      %dma_start3A_869 = arith.constant 0 : i32
      %dma_start3A_870 = tpu.memref_slice %arg8[%dma_start3A_854, %dma_start3A_868, %dma_start3A_869] : memref<2x64x129xf32, #tpu.memory_space<vmem>> -> memref<1x8x128xf32, #tpu.memory_space<vmem>>
      %dma_start3A_871 = tpu.memref_squeeze %dma_start3A_870 : memref<1x8x128xf32, #tpu.memory_space<vmem>> -> memref<8x128xf32, #tpu.memory_space<vmem>>
      tpu.enqueue_dma source(%dma_start3A_871 : memref<8x128xf32, #tpu.memory_space<vmem>>) target(%dma_start3A_867 : memref<8x128xf32, #tpu.memory_space<hbm>>) target_semaphore(%arg12 : memref<!tpu.dma_semaphore, #tpu.memory_space<semaphore_mem>>)
      %add3A_872 = arith.constant 1 : i32
      %add3A_873 = arith.addi %select_n3A_711, %add3A_872 : i32
      %dma_start3A_874 = arith.constant 1 : i32
      %dma_start3A_875 = arith.constant 0 : i32
      %dma_start3A_876 = arith.constant 0 : i32
      %dma_start3A_877 = arith.constant 0 : i32
      %dma_start3A_878 = tpu.memref_slice %arg8[%dma_start3A_874, %dma_start3A_876, %dma_start3A_877] : memref<2x64x129xf32, #tpu.memory_space<vmem>> -> memref<1x8x128xf32, #tpu.memory_space<vmem>>
      %dma_start3A_879 = tpu.memref_squeeze %dma_start3A_878 : memref<1x8x128xf32, #tpu.memory_space<vmem>> -> memref<8x128xf32, #tpu.memory_space<vmem>>
      %dma_start3A_880 = arith.constant 0 : i32
      %dma_start3A_881 = arith.constant 0 : i32
      %dma_start3A_882 = tpu.memref_slice %arg4[%select_n3A, %dma_start3A_875, %add3A_873, %dma_start3A_880, %dma_start3A_881] : memref<50x8x128x8x128xf32, #tpu.memory_space<hbm>> -> memref<1x1x1x8x128xf32, #tpu.memory_space<hbm>>
      %dma_start3A_883 = tpu.memref_squeeze %dma_start3A_882 : memref<1x1x1x8x128xf32, #tpu.memory_space<hbm>> -> memref<8x128xf32, #tpu.memory_space<hbm>>
      %dma_start3A_884 = arith.constant 0 : i32
      %dma_start3A_885 = arith.constant 0 : i32
      %dma_start3A_886 = tpu.memref_slice %arg4[%select_n3A, %dma_start3A_875, %add3A_873, %dma_start3A_884, %dma_start3A_885] : memref<50x8x128x8x128xf32, #tpu.memory_space<hbm>> -> memref<1x1x1x8x128xf32, #tpu.memory_space<hbm>>
      %dma_start3A_887 = tpu.memref_squeeze %dma_start3A_886 : memref<1x1x1x8x128xf32, #tpu.memory_space<hbm>> -> memref<8x128xf32, #tpu.memory_space<hbm>>
      %dma_start3A_888 = arith.constant 0 : i32
      %dma_start3A_889 = arith.constant 0 : i32
      %dma_start3A_890 = tpu.memref_slice %arg8[%dma_start3A_874, %dma_start3A_888, %dma_start3A_889] : memref<2x64x129xf32, #tpu.memory_space<vmem>> -> memref<1x8x128xf32, #tpu.memory_space<vmem>>
      %dma_start3A_891 = tpu.memref_squeeze %dma_start3A_890 : memref<1x8x128xf32, #tpu.memory_space<vmem>> -> memref<8x128xf32, #tpu.memory_space<vmem>>
      tpu.enqueue_dma source(%dma_start3A_891 : memref<8x128xf32, #tpu.memory_space<vmem>>) target(%dma_start3A_887 : memref<8x128xf32, #tpu.memory_space<hbm>>) target_semaphore(%arg12 : memref<!tpu.dma_semaphore, #tpu.memory_space<semaphore_mem>>)
      %add3A_892 = arith.constant 1 : i32
      %add3A_893 = arith.addi %select_n3A_711, %add3A_892 : i32
      %dma_start3A_894 = arith.constant 1 : i32
      %dma_start3A_895 = arith.constant 1 : i32
      %dma_start3A_896 = arith.constant 8 : i32
      %dma_start3A_897 = arith.constant 0 : i32
      %dma_start3A_898 = tpu.memref_slice %arg8[%dma_start3A_894, %dma_start3A_896, %dma_start3A_897] : memref<2x64x129xf32, #tpu.memory_space<vmem>> -> memref<1x8x128xf32, #tpu.memory_space<vmem>>
      %dma_start3A_899 = tpu.memref_squeeze %dma_start3A_898 : memref<1x8x128xf32, #tpu.memory_space<vmem>> -> memref<8x128xf32, #tpu.memory_space<vmem>>
      %dma_start3A_900 = arith.constant 0 : i32
      %dma_start3A_901 = arith.constant 0 : i32
      %dma_start3A_902 = tpu.memref_slice %arg4[%select_n3A, %dma_start3A_895, %add3A_893, %dma_start3A_900, %dma_start3A_901] : memref<50x8x128x8x128xf32, #tpu.memory_space<hbm>> -> memref<1x1x1x8x128xf32, #tpu.memory_space<hbm>>
      %dma_start3A_903 = tpu.memref_squeeze %dma_start3A_902 : memref<1x1x1x8x128xf32, #tpu.memory_space<hbm>> -> memref<8x128xf32, #tpu.memory_space<hbm>>
      %dma_start3A_904 = arith.constant 0 : i32
      %dma_start3A_905 = arith.constant 0 : i32
      %dma_start3A_906 = tpu.memref_slice %arg4[%select_n3A, %dma_start3A_895, %add3A_893, %dma_start3A_904, %dma_start3A_905] : memref<50x8x128x8x128xf32, #tpu.memory_space<hbm>> -> memref<1x1x1x8x128xf32, #tpu.memory_space<hbm>>
      %dma_start3A_907 = tpu.memref_squeeze %dma_start3A_906 : memref<1x1x1x8x128xf32, #tpu.memory_space<hbm>> -> memref<8x128xf32, #tpu.memory_space<hbm>>
      %dma_start3A_908 = arith.constant 8 : i32
      %dma_start3A_909 = arith.constant 0 : i32
      %dma_start3A_910 = tpu.memref_slice %arg8[%dma_start3A_894, %dma_start3A_908, %dma_start3A_909] : memref<2x64x129xf32, #tpu.memory_space<vmem>> -> memref<1x8x128xf32, #tpu.memory_space<vmem>>
      %dma_start3A_911 = tpu.memref_squeeze %dma_start3A_910 : memref<1x8x128xf32, #tpu.memory_space<vmem>> -> memref<8x128xf32, #tpu.memory_space<vmem>>
      tpu.enqueue_dma source(%dma_start3A_911 : memref<8x128xf32, #tpu.memory_space<vmem>>) target(%dma_start3A_907 : memref<8x128xf32, #tpu.memory_space<hbm>>) target_semaphore(%arg12 : memref<!tpu.dma_semaphore, #tpu.memory_space<semaphore_mem>>)
      %add3A_912 = arith.constant 1 : i32
      %add3A_913 = arith.addi %select_n3A_711, %add3A_912 : i32
      %dma_start3A_914 = arith.constant 1 : i32
      %dma_start3A_915 = arith.constant 2 : i32
      %dma_start3A_916 = arith.constant 16 : i32
      %dma_start3A_917 = arith.constant 0 : i32
      %dma_start3A_918 = tpu.memref_slice %arg8[%dma_start3A_914, %dma_start3A_916, %dma_start3A_917] : memref<2x64x129xf32, #tpu.memory_space<vmem>> -> memref<1x8x128xf32, #tpu.memory_space<vmem>>
      %dma_start3A_919 = tpu.memref_squeeze %dma_start3A_918 : memref<1x8x128xf32, #tpu.memory_space<vmem>> -> memref<8x128xf32, #tpu.memory_space<vmem>>
      %dma_start3A_920 = arith.constant 0 : i32
      %dma_start3A_921 = arith.constant 0 : i32
      %dma_start3A_922 = tpu.memref_slice %arg4[%select_n3A, %dma_start3A_915, %add3A_913, %dma_start3A_920, %dma_start3A_921] : memref<50x8x128x8x128xf32, #tpu.memory_space<hbm>> -> memref<1x1x1x8x128xf32, #tpu.memory_space<hbm>>
      %dma_start3A_923 = tpu.memref_squeeze %dma_start3A_922 : memref<1x1x1x8x128xf32, #tpu.memory_space<hbm>> -> memref<8x128xf32, #tpu.memory_space<hbm>>
      %dma_start3A_924 = arith.constant 0 : i32
      %dma_start3A_925 = arith.constant 0 : i32
      %dma_start3A_926 = tpu.memref_slice %arg4[%select_n3A, %dma_start3A_915, %add3A_913, %dma_start3A_924, %dma_start3A_925] : memref<50x8x128x8x128xf32, #tpu.memory_space<hbm>> -> memref<1x1x1x8x128xf32, #tpu.memory_space<hbm>>
      %dma_start3A_927 = tpu.memref_squeeze %dma_start3A_926 : memref<1x1x1x8x128xf32, #tpu.memory_space<hbm>> -> memref<8x128xf32, #tpu.memory_space<hbm>>
      %dma_start3A_928 = arith.constant 16 : i32
      %dma_start3A_929 = arith.constant 0 : i32
      %dma_start3A_930 = tpu.memref_slice %arg8[%dma_start3A_914, %dma_start3A_928, %dma_start3A_929] : memref<2x64x129xf32, #tpu.memory_space<vmem>> -> memref<1x8x128xf32, #tpu.memory_space<vmem>>
      %dma_start3A_931 = tpu.memref_squeeze %dma_start3A_930 : memref<1x8x128xf32, #tpu.memory_space<vmem>> -> memref<8x128xf32, #tpu.memory_space<vmem>>
      tpu.enqueue_dma source(%dma_start3A_931 : memref<8x128xf32, #tpu.memory_space<vmem>>) target(%dma_start3A_927 : memref<8x128xf32, #tpu.memory_space<hbm>>) target_semaphore(%arg12 : memref<!tpu.dma_semaphore, #tpu.memory_space<semaphore_mem>>)
      %add3A_932 = arith.constant 1 : i32
      %add3A_933 = arith.addi %select_n3A_711, %add3A_932 : i32
      %dma_start3A_934 = arith.constant 1 : i32
      %dma_start3A_935 = arith.constant 3 : i32
      %dma_start3A_936 = arith.constant 24 : i32
      %dma_start3A_937 = arith.constant 0 : i32
      %dma_start3A_938 = tpu.memref_slice %arg8[%dma_start3A_934, %dma_start3A_936, %dma_start3A_937] : memref<2x64x129xf32, #tpu.memory_space<vmem>> -> memref<1x8x128xf32, #tpu.memory_space<vmem>>
      %dma_start3A_939 = tpu.memref_squeeze %dma_start3A_938 : memref<1x8x128xf32, #tpu.memory_space<vmem>> -> memref<8x128xf32, #tpu.memory_space<vmem>>
      %dma_start3A_940 = arith.constant 0 : i32
      %dma_start3A_941 = arith.constant 0 : i32
      %dma_start3A_942 = tpu.memref_slice %arg4[%select_n3A, %dma_start3A_935, %add3A_933, %dma_start3A_940, %dma_start3A_941] : memref<50x8x128x8x128xf32, #tpu.memory_space<hbm>> -> memref<1x1x1x8x128xf32, #tpu.memory_space<hbm>>
      %dma_start3A_943 = tpu.memref_squeeze %dma_start3A_942 : memref<1x1x1x8x128xf32, #tpu.memory_space<hbm>> -> memref<8x128xf32, #tpu.memory_space<hbm>>
      %dma_start3A_944 = arith.constant 0 : i32
      %dma_start3A_945 = arith.constant 0 : i32
      %dma_start3A_946 = tpu.memref_slice %arg4[%select_n3A, %dma_start3A_935, %add3A_933, %dma_start3A_944, %dma_start3A_945] : memref<50x8x128x8x128xf32, #tpu.memory_space<hbm>> -> memref<1x1x1x8x128xf32, #tpu.memory_space<hbm>>
      %dma_start3A_947 = tpu.memref_squeeze %dma_start3A_946 : memref<1x1x1x8x128xf32, #tpu.memory_space<hbm>> -> memref<8x128xf32, #tpu.memory_space<hbm>>
      %dma_start3A_948 = arith.constant 24 : i32
      %dma_start3A_949 = arith.constant 0 : i32
      %dma_start3A_950 = tpu.memref_slice %arg8[%dma_start3A_934, %dma_start3A_948, %dma_start3A_949] : memref<2x64x129xf32, #tpu.memory_space<vmem>> -> memref<1x8x128xf32, #tpu.memory_space<vmem>>
      %dma_start3A_951 = tpu.memref_squeeze %dma_start3A_950 : memref<1x8x128xf32, #tpu.memory_space<vmem>> -> memref<8x128xf32, #tpu.memory_space<vmem>>
      tpu.enqueue_dma source(%dma_start3A_951 : memref<8x128xf32, #tpu.memory_space<vmem>>) target(%dma_start3A_947 : memref<8x128xf32, #tpu.memory_space<hbm>>) target_semaphore(%arg12 : memref<!tpu.dma_semaphore, #tpu.memory_space<semaphore_mem>>)
      %add3A_952 = arith.constant 1 : i32
      %add3A_953 = arith.addi %select_n3A_711, %add3A_952 : i32
      %dma_start3A_954 = arith.constant 1 : i32
      %dma_start3A_955 = arith.constant 4 : i32
      %dma_start3A_956 = arith.constant 32 : i32
      %dma_start3A_957 = arith.constant 0 : i32
      %dma_start3A_958 = tpu.memref_slice %arg8[%dma_start3A_954, %dma_start3A_956, %dma_start3A_957] : memref<2x64x129xf32, #tpu.memory_space<vmem>> -> memref<1x8x128xf32, #tpu.memory_space<vmem>>
      %dma_start3A_959 = tpu.memref_squeeze %dma_start3A_958 : memref<1x8x128xf32, #tpu.memory_space<vmem>> -> memref<8x128xf32, #tpu.memory_space<vmem>>
      %dma_start3A_960 = arith.constant 0 : i32
      %dma_start3A_961 = arith.constant 0 : i32
      %dma_start3A_962 = tpu.memref_slice %arg4[%select_n3A, %dma_start3A_955, %add3A_953, %dma_start3A_960, %dma_start3A_961] : memref<50x8x128x8x128xf32, #tpu.memory_space<hbm>> -> memref<1x1x1x8x128xf32, #tpu.memory_space<hbm>>
      %dma_start3A_963 = tpu.memref_squeeze %dma_start3A_962 : memref<1x1x1x8x128xf32, #tpu.memory_space<hbm>> -> memref<8x128xf32, #tpu.memory_space<hbm>>
      %dma_start3A_964 = arith.constant 0 : i32
      %dma_start3A_965 = arith.constant 0 : i32
      %dma_start3A_966 = tpu.memref_slice %arg4[%select_n3A, %dma_start3A_955, %add3A_953, %dma_start3A_964, %dma_start3A_965] : memref<50x8x128x8x128xf32, #tpu.memory_space<hbm>> -> memref<1x1x1x8x128xf32, #tpu.memory_space<hbm>>
      %dma_start3A_967 = tpu.memref_squeeze %dma_start3A_966 : memref<1x1x1x8x128xf32, #tpu.memory_space<hbm>> -> memref<8x128xf32, #tpu.memory_space<hbm>>
      %dma_start3A_968 = arith.constant 32 : i32
      %dma_start3A_969 = arith.constant 0 : i32
      %dma_start3A_970 = tpu.memref_slice %arg8[%dma_start3A_954, %dma_start3A_968, %dma_start3A_969] : memref<2x64x129xf32, #tpu.memory_space<vmem>> -> memref<1x8x128xf32, #tpu.memory_space<vmem>>
      %dma_start3A_971 = tpu.memref_squeeze %dma_start3A_970 : memref<1x8x128xf32, #tpu.memory_space<vmem>> -> memref<8x128xf32, #tpu.memory_space<vmem>>
      tpu.enqueue_dma source(%dma_start3A_971 : memref<8x128xf32, #tpu.memory_space<vmem>>) target(%dma_start3A_967 : memref<8x128xf32, #tpu.memory_space<hbm>>) target_semaphore(%arg12 : memref<!tpu.dma_semaphore, #tpu.memory_space<semaphore_mem>>)
      %add3A_972 = arith.constant 1 : i32
      %add3A_973 = arith.addi %select_n3A_711, %add3A_972 : i32
      %dma_start3A_974 = arith.constant 1 : i32
      %dma_start3A_975 = arith.constant 5 : i32
      %dma_start3A_976 = arith.constant 40 : i32
      %dma_start3A_977 = arith.constant 0 : i32
      %dma_start3A_978 = tpu.memref_slice %arg8[%dma_start3A_974, %dma_start3A_976, %dma_start3A_977] : memref<2x64x129xf32, #tpu.memory_space<vmem>> -> memref<1x8x128xf32, #tpu.memory_space<vmem>>
      %dma_start3A_979 = tpu.memref_squeeze %dma_start3A_978 : memref<1x8x128xf32, #tpu.memory_space<vmem>> -> memref<8x128xf32, #tpu.memory_space<vmem>>
      %dma_start3A_980 = arith.constant 0 : i32
      %dma_start3A_981 = arith.constant 0 : i32
      %dma_start3A_982 = tpu.memref_slice %arg4[%select_n3A, %dma_start3A_975, %add3A_973, %dma_start3A_980, %dma_start3A_981] : memref<50x8x128x8x128xf32, #tpu.memory_space<hbm>> -> memref<1x1x1x8x128xf32, #tpu.memory_space<hbm>>
      %dma_start3A_983 = tpu.memref_squeeze %dma_start3A_982 : memref<1x1x1x8x128xf32, #tpu.memory_space<hbm>> -> memref<8x128xf32, #tpu.memory_space<hbm>>
      %dma_start3A_984 = arith.constant 0 : i32
      %dma_start3A_985 = arith.constant 0 : i32
      %dma_start3A_986 = tpu.memref_slice %arg4[%select_n3A, %dma_start3A_975, %add3A_973, %dma_start3A_984, %dma_start3A_985] : memref<50x8x128x8x128xf32, #tpu.memory_space<hbm>> -> memref<1x1x1x8x128xf32, #tpu.memory_space<hbm>>
      %dma_start3A_987 = tpu.memref_squeeze %dma_start3A_986 : memref<1x1x1x8x128xf32, #tpu.memory_space<hbm>> -> memref<8x128xf32, #tpu.memory_space<hbm>>
      %dma_start3A_988 = arith.constant 40 : i32
      %dma_start3A_989 = arith.constant 0 : i32
      %dma_start3A_990 = tpu.memref_slice %arg8[%dma_start3A_974, %dma_start3A_988, %dma_start3A_989] : memref<2x64x129xf32, #tpu.memory_space<vmem>> -> memref<1x8x128xf32, #tpu.memory_space<vmem>>
      %dma_start3A_991 = tpu.memref_squeeze %dma_start3A_990 : memref<1x8x128xf32, #tpu.memory_space<vmem>> -> memref<8x128xf32, #tpu.memory_space<vmem>>
      tpu.enqueue_dma source(%dma_start3A_991 : memref<8x128xf32, #tpu.memory_space<vmem>>) target(%dma_start3A_987 : memref<8x128xf32, #tpu.memory_space<hbm>>) target_semaphore(%arg12 : memref<!tpu.dma_semaphore, #tpu.memory_space<semaphore_mem>>)
      %add3A_992 = arith.constant 1 : i32
      %add3A_993 = arith.addi %select_n3A_711, %add3A_992 : i32
      %dma_start3A_994 = arith.constant 1 : i32
      %dma_start3A_995 = arith.constant 6 : i32
      %dma_start3A_996 = arith.constant 48 : i32
      %dma_start3A_997 = arith.constant 0 : i32
      %dma_start3A_998 = tpu.memref_slice %arg8[%dma_start3A_994, %dma_start3A_996, %dma_start3A_997] : memref<2x64x129xf32, #tpu.memory_space<vmem>> -> memref<1x8x128xf32, #tpu.memory_space<vmem>>
      %dma_start3A_999 = tpu.memref_squeeze %dma_start3A_998 : memref<1x8x128xf32, #tpu.memory_space<vmem>> -> memref<8x128xf32, #tpu.memory_space<vmem>>
      %dma_start3A_1000 = arith.constant 0 : i32
      %dma_start3A_1001 = arith.constant 0 : i32
      %dma_start3A_1002 = tpu.memref_slice %arg4[%select_n3A, %dma_start3A_995, %add3A_993, %dma_start3A_1000, %dma_start3A_1001] : memref<50x8x128x8x128xf32, #tpu.memory_space<hbm>> -> memref<1x1x1x8x128xf32, #tpu.memory_space<hbm>>
      %dma_start3A_1003 = tpu.memref_squeeze %dma_start3A_1002 : memref<1x1x1x8x128xf32, #tpu.memory_space<hbm>> -> memref<8x128xf32, #tpu.memory_space<hbm>>
      %dma_start3A_1004 = arith.constant 0 : i32
      %dma_start3A_1005 = arith.constant 0 : i32
      %dma_start3A_1006 = tpu.memref_slice %arg4[%select_n3A, %dma_start3A_995, %add3A_993, %dma_start3A_1004, %dma_start3A_1005] : memref<50x8x128x8x128xf32, #tpu.memory_space<hbm>> -> memref<1x1x1x8x128xf32, #tpu.memory_space<hbm>>
      %dma_start3A_1007 = tpu.memref_squeeze %dma_start3A_1006 : memref<1x1x1x8x128xf32, #tpu.memory_space<hbm>> -> memref<8x128xf32, #tpu.memory_space<hbm>>
      %dma_start3A_1008 = arith.constant 48 : i32
      %dma_start3A_1009 = arith.constant 0 : i32
      %dma_start3A_1010 = tpu.memref_slice %arg8[%dma_start3A_994, %dma_start3A_1008, %dma_start3A_1009] : memref<2x64x129xf32, #tpu.memory_space<vmem>> -> memref<1x8x128xf32, #tpu.memory_space<vmem>>
      %dma_start3A_1011 = tpu.memref_squeeze %dma_start3A_1010 : memref<1x8x128xf32, #tpu.memory_space<vmem>> -> memref<8x128xf32, #tpu.memory_space<vmem>>
      tpu.enqueue_dma source(%dma_start3A_1011 : memref<8x128xf32, #tpu.memory_space<vmem>>) target(%dma_start3A_1007 : memref<8x128xf32, #tpu.memory_space<hbm>>) target_semaphore(%arg12 : memref<!tpu.dma_semaphore, #tpu.memory_space<semaphore_mem>>)
      %add3A_1012 = arith.constant 1 : i32
      %add3A_1013 = arith.addi %select_n3A_711, %add3A_1012 : i32
      %dma_start3A_1014 = arith.constant 1 : i32
      %dma_start3A_1015 = arith.constant 7 : i32
      %dma_start3A_1016 = arith.constant 56 : i32
      %dma_start3A_1017 = arith.constant 0 : i32
      %dma_start3A_1018 = tpu.memref_slice %arg8[%dma_start3A_1014, %dma_start3A_1016, %dma_start3A_1017] : memref<2x64x129xf32, #tpu.memory_space<vmem>> -> memref<1x8x128xf32, #tpu.memory_space<vmem>>
      %dma_start3A_1019 = tpu.memref_squeeze %dma_start3A_1018 : memref<1x8x128xf32, #tpu.memory_space<vmem>> -> memref<8x128xf32, #tpu.memory_space<vmem>>
      %dma_start3A_1020 = arith.constant 0 : i32
      %dma_start3A_1021 = arith.constant 0 : i32
      %dma_start3A_1022 = tpu.memref_slice %arg4[%select_n3A, %dma_start3A_1015, %add3A_1013, %dma_start3A_1020, %dma_start3A_1021] : memref<50x8x128x8x128xf32, #tpu.memory_space<hbm>> -> memref<1x1x1x8x128xf32, #tpu.memory_space<hbm>>
      %dma_start3A_1023 = tpu.memref_squeeze %dma_start3A_1022 : memref<1x1x1x8x128xf32, #tpu.memory_space<hbm>> -> memref<8x128xf32, #tpu.memory_space<hbm>>
      %dma_start3A_1024 = arith.constant 0 : i32
      %dma_start3A_1025 = arith.constant 0 : i32
      %dma_start3A_1026 = tpu.memref_slice %arg4[%select_n3A, %dma_start3A_1015, %add3A_1013, %dma_start3A_1024, %dma_start3A_1025] : memref<50x8x128x8x128xf32, #tpu.memory_space<hbm>> -> memref<1x1x1x8x128xf32, #tpu.memory_space<hbm>>
      %dma_start3A_1027 = tpu.memref_squeeze %dma_start3A_1026 : memref<1x1x1x8x128xf32, #tpu.memory_space<hbm>> -> memref<8x128xf32, #tpu.memory_space<hbm>>
      %dma_start3A_1028 = arith.constant 56 : i32
      %dma_start3A_1029 = arith.constant 0 : i32
      %dma_start3A_1030 = tpu.memref_slice %arg8[%dma_start3A_1014, %dma_start3A_1028, %dma_start3A_1029] : memref<2x64x129xf32, #tpu.memory_space<vmem>> -> memref<1x8x128xf32, #tpu.memory_space<vmem>>
      %dma_start3A_1031 = tpu.memref_squeeze %dma_start3A_1030 : memref<1x8x128xf32, #tpu.memory_space<vmem>> -> memref<8x128xf32, #tpu.memory_space<vmem>>
      tpu.enqueue_dma source(%dma_start3A_1031 : memref<8x128xf32, #tpu.memory_space<vmem>>) target(%dma_start3A_1027 : memref<8x128xf32, #tpu.memory_space<hbm>>) target_semaphore(%arg12 : memref<!tpu.dma_semaphore, #tpu.memory_space<semaphore_mem>>)
      %mul3A_1032 = arith.constant 2 : i32
      %mul3A_1033 = arith.muli %mul3A_1032, %scan3A_654 : i32
      %add3A_1034 = arith.constant 1 : i32
      %add3A_1035 = arith.addi %mul3A_1033, %add3A_1034 : i32
      %lt3A_1036 = arith.constant 49 : i32
      %lt3A_1037 = arith.cmpi slt, %scan3A_654, %lt3A_1036 : i32
      %convert_element_type3A_1038 = arith.extui %lt3A_1037 : i1 to i32
      %cond3A_1039 = arith.constant 0 : i32
      %cond3A_1040 = arith.cmpi ne, %convert_element_type3A_1038, %cond3A_1039 : i32
      scf.if %cond3A_1040 {
        %add3A_1420 = arith.constant 1 : i32
        %add3A_1421 = arith.addi %add3A_1035, %add3A_1420 : i32
        %dma_start3A_1422 = arith.constant 0 : i32
        %dma_start3A_1423 = tpu.memref_slice %arg5[%add3A_1421, %dma_start3A_1422] : memref<100x256xi32, #tpu.memory_space<vmem>> -> memref<1x256xi32, #tpu.memory_space<vmem>>
        %dma_start3A_1424 = tpu.memref_squeeze %dma_start3A_1423 : memref<1x256xi32, #tpu.memory_space<vmem>> -> memref<256xi32, #tpu.memory_space<vmem>>
        %dma_start3A_1425 = arith.constant 0 : i32
        %dma_start3A_1426 = arith.constant 0 : i32
        %dma_start3A_1427 = tpu.memref_slice %arg3[%dma_start3A_1425, %dma_start3A_1426] : memref<1000000x128xf32, #tpu.memory_space<hbm>> -> memref<1000000x128xf32, #tpu.memory_space<hbm>>
        tpu.enqueue_indirect_dma source(%dma_start3A_1427 : memref<1000000x128xf32, #tpu.memory_space<hbm>>) target(%arg6 : memref<256x128xf32, #tpu.memory_space<vmem>>) offsets(%dma_start3A_1424 : memref<256xi32, #tpu.memory_space<vmem>>) semaphore(%arg10 : memref<!tpu.dma_semaphore, #tpu.memory_space<semaphore_mem>>)
      } else {
      }
      %dma_wait3A_1041 = arith.constant 0 : i32
      %dma_wait3A_1042 = arith.constant 0 : i32
      %dma_wait3A_1043 = tpu.memref_slice %arg5[%dma_wait3A_1041, %dma_wait3A_1042] : memref<100x256xi32, #tpu.memory_space<vmem>> -> memref<1x256xi32, #tpu.memory_space<vmem>>
      %dma_wait3A_1044 = tpu.memref_squeeze %dma_wait3A_1043 : memref<1x256xi32, #tpu.memory_space<vmem>> -> memref<256xi32, #tpu.memory_space<vmem>>
      %dma_wait3A_1045 = arith.constant 0 : i32
      %dma_wait3A_1046 = arith.constant 0 : i32
      %dma_wait3A_1047 = tpu.memref_slice %arg3[%dma_wait3A_1045, %dma_wait3A_1046] : memref<1000000x128xf32, #tpu.memory_space<hbm>> -> memref<1000000x128xf32, #tpu.memory_space<hbm>>
      tpu.wait_indirect_dma semaphore(%arg11 : memref<!tpu.dma_semaphore, #tpu.memory_space<semaphore_mem>>) src(%dma_wait3A_1047 : memref<1000000x128xf32, #tpu.memory_space<hbm>>) dst(%arg7 : memref<256x128xf32, #tpu.memory_space<vmem>>)
      %gt3A_1048 = arith.constant 0 : i32
      %gt3A_1049 = arith.cmpi sgt, %scan3A_654, %gt3A_1048 : i32
      %convert_element_type3A_1050 = arith.extui %gt3A_1049 : i1 to i32
      %cond3A_1051 = arith.constant 0 : i32
      %cond3A_1052 = arith.cmpi ne, %convert_element_type3A_1050, %cond3A_1051 : i32
      scf.if %cond3A_1052 {
        %dma_wait3A_1420 = arith.constant 0 : i32
        %dma_wait3A_1421 = arith.constant 0 : i32
        %dma_wait3A_1422 = arith.constant 0 : i32
        %dma_wait3A_1423 = arith.constant 0 : i32
        %dma_wait3A_1424 = arith.constant 0 : i32
        %dma_wait3A_1425 = arith.constant 0 : i32
        %dma_wait3A_1426 = tpu.memref_slice %arg9[%dma_wait3A_1420, %dma_wait3A_1424, %dma_wait3A_1425] : memref<2x64x129xf32, #tpu.memory_space<vmem>> -> memref<1x8x128xf32, #tpu.memory_space<vmem>>
        %dma_wait3A_1427 = tpu.memref_squeeze %dma_wait3A_1426 : memref<1x8x128xf32, #tpu.memory_space<vmem>> -> memref<8x128xf32, #tpu.memory_space<vmem>>
        %dma_wait3A_1428 = arith.constant 0 : i32
        %dma_wait3A_1429 = arith.constant 0 : i32
        %dma_wait3A_1430 = tpu.memref_slice %arg4[%dma_wait3A_1421, %dma_wait3A_1422, %dma_wait3A_1423, %dma_wait3A_1428, %dma_wait3A_1429] : memref<50x8x128x8x128xf32, #tpu.memory_space<hbm>> -> memref<1x1x1x8x128xf32, #tpu.memory_space<hbm>>
        %dma_wait3A_1431 = tpu.memref_squeeze %dma_wait3A_1430 : memref<1x1x1x8x128xf32, #tpu.memory_space<hbm>> -> memref<8x128xf32, #tpu.memory_space<hbm>>
        %dma_wait3A_1432 = arith.constant 0 : i32
        %dma_wait3A_1433 = arith.constant 0 : i32
        %dma_wait3A_1434 = tpu.memref_slice %arg4[%dma_wait3A_1421, %dma_wait3A_1422, %dma_wait3A_1423, %dma_wait3A_1432, %dma_wait3A_1433] : memref<50x8x128x8x128xf32, #tpu.memory_space<hbm>> -> memref<1x1x1x8x128xf32, #tpu.memory_space<hbm>>
        %dma_wait3A_1435 = tpu.memref_squeeze %dma_wait3A_1434 : memref<1x1x1x8x128xf32, #tpu.memory_space<hbm>> -> memref<8x128xf32, #tpu.memory_space<hbm>>
        %dma_wait3A_1436 = arith.constant 0 : i32
        %dma_wait3A_1437 = arith.constant 0 : i32
        %dma_wait3A_1438 = tpu.memref_slice %arg9[%dma_wait3A_1420, %dma_wait3A_1436, %dma_wait3A_1437] : memref<2x64x129xf32, #tpu.memory_space<vmem>> -> memref<1x8x128xf32, #tpu.memory_space<vmem>>
        %dma_wait3A_1439 = tpu.memref_squeeze %dma_wait3A_1438 : memref<1x8x128xf32, #tpu.memory_space<vmem>> -> memref<8x128xf32, #tpu.memory_space<vmem>>
        tpu.wait_dma2 semaphore(%arg13 : memref<!tpu.dma_semaphore, #tpu.memory_space<semaphore_mem>>) src(%dma_wait3A_1439 : memref<8x128xf32, #tpu.memory_space<vmem>>) dst(%dma_wait3A_1435 : memref<8x128xf32, #tpu.memory_space<hbm>>)
        %dma_wait3A_1440 = arith.constant 0 : i32
        %dma_wait3A_1441 = arith.constant 0 : i32
        %dma_wait3A_1442 = arith.constant 0 : i32
        %dma_wait3A_1443 = arith.constant 0 : i32
        %dma_wait3A_1444 = arith.constant 0 : i32
        %dma_wait3A_1445 = arith.constant 0 : i32
        %dma_wait3A_1446 = tpu.memref_slice %arg9[%dma_wait3A_1440, %dma_wait3A_1444, %dma_wait3A_1445] : memref<2x64x129xf32, #tpu.memory_space<vmem>> -> memref<1x8x128xf32, #tpu.memory_space<vmem>>
        %dma_wait3A_1447 = tpu.memref_squeeze %dma_wait3A_1446 : memref<1x8x128xf32, #tpu.memory_space<vmem>> -> memref<8x128xf32, #tpu.memory_space<vmem>>
        %dma_wait3A_1448 = arith.constant 0 : i32
        %dma_wait3A_1449 = arith.constant 0 : i32
        %dma_wait3A_1450 = tpu.memref_slice %arg4[%dma_wait3A_1441, %dma_wait3A_1442, %dma_wait3A_1443, %dma_wait3A_1448, %dma_wait3A_1449] : memref<50x8x128x8x128xf32, #tpu.memory_space<hbm>> -> memref<1x1x1x8x128xf32, #tpu.memory_space<hbm>>
        %dma_wait3A_1451 = tpu.memref_squeeze %dma_wait3A_1450 : memref<1x1x1x8x128xf32, #tpu.memory_space<hbm>> -> memref<8x128xf32, #tpu.memory_space<hbm>>
        %dma_wait3A_1452 = arith.constant 0 : i32
        %dma_wait3A_1453 = arith.constant 0 : i32
        %dma_wait3A_1454 = tpu.memref_slice %arg4[%dma_wait3A_1441, %dma_wait3A_1442, %dma_wait3A_1443, %dma_wait3A_1452, %dma_wait3A_1453] : memref<50x8x128x8x128xf32, #tpu.memory_space<hbm>> -> memref<1x1x1x8x128xf32, #tpu.memory_space<hbm>>
        %dma_wait3A_1455 = tpu.memref_squeeze %dma_wait3A_1454 : memref<1x1x1x8x128xf32, #tpu.memory_space<hbm>> -> memref<8x128xf32, #tpu.memory_space<hbm>>
        %dma_wait3A_1456 = arith.constant 0 : i32
        %dma_wait3A_1457 = arith.constant 0 : i32
        %dma_wait3A_1458 = tpu.memref_slice %arg9[%dma_wait3A_1440, %dma_wait3A_1456, %dma_wait3A_1457] : memref<2x64x129xf32, #tpu.memory_space<vmem>> -> memref<1x8x128xf32, #tpu.memory_space<vmem>>
        %dma_wait3A_1459 = tpu.memref_squeeze %dma_wait3A_1458 : memref<1x8x128xf32, #tpu.memory_space<vmem>> -> memref<8x128xf32, #tpu.memory_space<vmem>>
        tpu.wait_dma2 semaphore(%arg13 : memref<!tpu.dma_semaphore, #tpu.memory_space<semaphore_mem>>) src(%dma_wait3A_1459 : memref<8x128xf32, #tpu.memory_space<vmem>>) dst(%dma_wait3A_1455 : memref<8x128xf32, #tpu.memory_space<hbm>>)
        %dma_wait3A_1460 = arith.constant 0 : i32
        %dma_wait3A_1461 = arith.constant 0 : i32
        %dma_wait3A_1462 = arith.constant 0 : i32
        %dma_wait3A_1463 = arith.constant 0 : i32
        %dma_wait3A_1464 = arith.constant 0 : i32
        %dma_wait3A_1465 = arith.constant 0 : i32
        %dma_wait3A_1466 = tpu.memref_slice %arg9[%dma_wait3A_1460, %dma_wait3A_1464, %dma_wait3A_1465] : memref<2x64x129xf32, #tpu.memory_space<vmem>> -> memref<1x8x128xf32, #tpu.memory_space<vmem>>
        %dma_wait3A_1467 = tpu.memref_squeeze %dma_wait3A_1466 : memref<1x8x128xf32, #tpu.memory_space<vmem>> -> memref<8x128xf32, #tpu.memory_space<vmem>>
        %dma_wait3A_1468 = arith.constant 0 : i32
        %dma_wait3A_1469 = arith.constant 0 : i32
        %dma_wait3A_1470 = tpu.memref_slice %arg4[%dma_wait3A_1461, %dma_wait3A_1462, %dma_wait3A_1463, %dma_wait3A_1468, %dma_wait3A_1469] : memref<50x8x128x8x128xf32, #tpu.memory_space<hbm>> -> memref<1x1x1x8x128xf32, #tpu.memory_space<hbm>>
        %dma_wait3A_1471 = tpu.memref_squeeze %dma_wait3A_1470 : memref<1x1x1x8x128xf32, #tpu.memory_space<hbm>> -> memref<8x128xf32, #tpu.memory_space<hbm>>
        %dma_wait3A_1472 = arith.constant 0 : i32
        %dma_wait3A_1473 = arith.constant 0 : i32
        %dma_wait3A_1474 = tpu.memref_slice %arg4[%dma_wait3A_1461, %dma_wait3A_1462, %dma_wait3A_1463, %dma_wait3A_1472, %dma_wait3A_1473] : memref<50x8x128x8x128xf32, #tpu.memory_space<hbm>> -> memref<1x1x1x8x128xf32, #tpu.memory_space<hbm>>
        %dma_wait3A_1475 = tpu.memref_squeeze %dma_wait3A_1474 : memref<1x1x1x8x128xf32, #tpu.memory_space<hbm>> -> memref<8x128xf32, #tpu.memory_space<hbm>>
        %dma_wait3A_1476 = arith.constant 0 : i32
        %dma_wait3A_1477 = arith.constant 0 : i32
        %dma_wait3A_1478 = tpu.memref_slice %arg9[%dma_wait3A_1460, %dma_wait3A_1476, %dma_wait3A_1477] : memref<2x64x129xf32, #tpu.memory_space<vmem>> -> memref<1x8x128xf32, #tpu.memory_space<vmem>>
        %dma_wait3A_1479 = tpu.memref_squeeze %dma_wait3A_1478 : memref<1x8x128xf32, #tpu.memory_space<vmem>> -> memref<8x128xf32, #tpu.memory_space<vmem>>
        tpu.wait_dma2 semaphore(%arg13 : memref<!tpu.dma_semaphore, #tpu.memory_space<semaphore_mem>>) src(%dma_wait3A_1479 : memref<8x128xf32, #tpu.memory_space<vmem>>) dst(%dma_wait3A_1475 : memref<8x128xf32, #tpu.memory_space<hbm>>)
        %dma_wait3A_1480 = arith.constant 0 : i32
        %dma_wait3A_1481 = arith.constant 0 : i32
        %dma_wait3A_1482 = arith.constant 0 : i32
        %dma_wait3A_1483 = arith.constant 0 : i32
        %dma_wait3A_1484 = arith.constant 0 : i32
        %dma_wait3A_1485 = arith.constant 0 : i32
        %dma_wait3A_1486 = tpu.memref_slice %arg9[%dma_wait3A_1480, %dma_wait3A_1484, %dma_wait3A_1485] : memref<2x64x129xf32, #tpu.memory_space<vmem>> -> memref<1x8x128xf32, #tpu.memory_space<vmem>>
        %dma_wait3A_1487 = tpu.memref_squeeze %dma_wait3A_1486 : memref<1x8x128xf32, #tpu.memory_space<vmem>> -> memref<8x128xf32, #tpu.memory_space<vmem>>
        %dma_wait3A_1488 = arith.constant 0 : i32
        %dma_wait3A_1489 = arith.constant 0 : i32
        %dma_wait3A_1490 = tpu.memref_slice %arg4[%dma_wait3A_1481, %dma_wait3A_1482, %dma_wait3A_1483, %dma_wait3A_1488, %dma_wait3A_1489] : memref<50x8x128x8x128xf32, #tpu.memory_space<hbm>> -> memref<1x1x1x8x128xf32, #tpu.memory_space<hbm>>
        %dma_wait3A_1491 = tpu.memref_squeeze %dma_wait3A_1490 : memref<1x1x1x8x128xf32, #tpu.memory_space<hbm>> -> memref<8x128xf32, #tpu.memory_space<hbm>>
        %dma_wait3A_1492 = arith.constant 0 : i32
        %dma_wait3A_1493 = arith.constant 0 : i32
        %dma_wait3A_1494 = tpu.memref_slice %arg4[%dma_wait3A_1481, %dma_wait3A_1482, %dma_wait3A_1483, %dma_wait3A_1492, %dma_wait3A_1493] : memref<50x8x128x8x128xf32, #tpu.memory_space<hbm>> -> memref<1x1x1x8x128xf32, #tpu.memory_space<hbm>>
        %dma_wait3A_1495 = tpu.memref_squeeze %dma_wait3A_1494 : memref<1x1x1x8x128xf32, #tpu.memory_space<hbm>> -> memref<8x128xf32, #tpu.memory_space<hbm>>
        %dma_wait3A_1496 = arith.constant 0 : i32
        %dma_wait3A_1497 = arith.constant 0 : i32
        %dma_wait3A_1498 = tpu.memref_slice %arg9[%dma_wait3A_1480, %dma_wait3A_1496, %dma_wait3A_1497] : memref<2x64x129xf32, #tpu.memory_space<vmem>> -> memref<1x8x128xf32, #tpu.memory_space<vmem>>
        %dma_wait3A_1499 = tpu.memref_squeeze %dma_wait3A_1498 : memref<1x8x128xf32, #tpu.memory_space<vmem>> -> memref<8x128xf32, #tpu.memory_space<vmem>>
        tpu.wait_dma2 semaphore(%arg13 : memref<!tpu.dma_semaphore, #tpu.memory_space<semaphore_mem>>) src(%dma_wait3A_1499 : memref<8x128xf32, #tpu.memory_space<vmem>>) dst(%dma_wait3A_1495 : memref<8x128xf32, #tpu.memory_space<hbm>>)
        %dma_wait3A_1500 = arith.constant 0 : i32
        %dma_wait3A_1501 = arith.constant 0 : i32
        %dma_wait3A_1502 = arith.constant 0 : i32
        %dma_wait3A_1503 = arith.constant 0 : i32
        %dma_wait3A_1504 = arith.constant 0 : i32
        %dma_wait3A_1505 = arith.constant 0 : i32
        %dma_wait3A_1506 = tpu.memref_slice %arg9[%dma_wait3A_1500, %dma_wait3A_1504, %dma_wait3A_1505] : memref<2x64x129xf32, #tpu.memory_space<vmem>> -> memref<1x8x128xf32, #tpu.memory_space<vmem>>
        %dma_wait3A_1507 = tpu.memref_squeeze %dma_wait3A_1506 : memref<1x8x128xf32, #tpu.memory_space<vmem>> -> memref<8x128xf32, #tpu.memory_space<vmem>>
        %dma_wait3A_1508 = arith.constant 0 : i32
        %dma_wait3A_1509 = arith.constant 0 : i32
        %dma_wait3A_1510 = tpu.memref_slice %arg4[%dma_wait3A_1501, %dma_wait3A_1502, %dma_wait3A_1503, %dma_wait3A_1508, %dma_wait3A_1509] : memref<50x8x128x8x128xf32, #tpu.memory_space<hbm>> -> memref<1x1x1x8x128xf32, #tpu.memory_space<hbm>>
        %dma_wait3A_1511 = tpu.memref_squeeze %dma_wait3A_1510 : memref<1x1x1x8x128xf32, #tpu.memory_space<hbm>> -> memref<8x128xf32, #tpu.memory_space<hbm>>
        %dma_wait3A_1512 = arith.constant 0 : i32
        %dma_wait3A_1513 = arith.constant 0 : i32
        %dma_wait3A_1514 = tpu.memref_slice %arg4[%dma_wait3A_1501, %dma_wait3A_1502, %dma_wait3A_1503, %dma_wait3A_1512, %dma_wait3A_1513] : memref<50x8x128x8x128xf32, #tpu.memory_space<hbm>> -> memref<1x1x1x8x128xf32, #tpu.memory_space<hbm>>
        %dma_wait3A_1515 = tpu.memref_squeeze %dma_wait3A_1514 : memref<1x1x1x8x128xf32, #tpu.memory_space<hbm>> -> memref<8x128xf32, #tpu.memory_space<hbm>>
        %dma_wait3A_1516 = arith.constant 0 : i32
        %dma_wait3A_1517 = arith.constant 0 : i32
        %dma_wait3A_1518 = tpu.memref_slice %arg9[%dma_wait3A_1500, %dma_wait3A_1516, %dma_wait3A_1517] : memref<2x64x129xf32, #tpu.memory_space<vmem>> -> memref<1x8x128xf32, #tpu.memory_space<vmem>>
        %dma_wait3A_1519 = tpu.memref_squeeze %dma_wait3A_1518 : memref<1x8x128xf32, #tpu.memory_space<vmem>> -> memref<8x128xf32, #tpu.memory_space<vmem>>
        tpu.wait_dma2 semaphore(%arg13 : memref<!tpu.dma_semaphore, #tpu.memory_space<semaphore_mem>>) src(%dma_wait3A_1519 : memref<8x128xf32, #tpu.memory_space<vmem>>) dst(%dma_wait3A_1515 : memref<8x128xf32, #tpu.memory_space<hbm>>)
        %dma_wait3A_1520 = arith.constant 0 : i32
        %dma_wait3A_1521 = arith.constant 0 : i32
        %dma_wait3A_1522 = arith.constant 0 : i32
        %dma_wait3A_1523 = arith.constant 0 : i32
        %dma_wait3A_1524 = arith.constant 0 : i32
        %dma_wait3A_1525 = arith.constant 0 : i32
        %dma_wait3A_1526 = tpu.memref_slice %arg9[%dma_wait3A_1520, %dma_wait3A_1524, %dma_wait3A_1525] : memref<2x64x129xf32, #tpu.memory_space<vmem>> -> memref<1x8x128xf32, #tpu.memory_space<vmem>>
        %dma_wait3A_1527 = tpu.memref_squeeze %dma_wait3A_1526 : memref<1x8x128xf32, #tpu.memory_space<vmem>> -> memref<8x128xf32, #tpu.memory_space<vmem>>
        %dma_wait3A_1528 = arith.constant 0 : i32
        %dma_wait3A_1529 = arith.constant 0 : i32
        %dma_wait3A_1530 = tpu.memref_slice %arg4[%dma_wait3A_1521, %dma_wait3A_1522, %dma_wait3A_1523, %dma_wait3A_1528, %dma_wait3A_1529] : memref<50x8x128x8x128xf32, #tpu.memory_space<hbm>> -> memref<1x1x1x8x128xf32, #tpu.memory_space<hbm>>
        %dma_wait3A_1531 = tpu.memref_squeeze %dma_wait3A_1530 : memref<1x1x1x8x128xf32, #tpu.memory_space<hbm>> -> memref<8x128xf32, #tpu.memory_space<hbm>>
        %dma_wait3A_1532 = arith.constant 0 : i32
        %dma_wait3A_1533 = arith.constant 0 : i32
        %dma_wait3A_1534 = tpu.memref_slice %arg4[%dma_wait3A_1521, %dma_wait3A_1522, %dma_wait3A_1523, %dma_wait3A_1532, %dma_wait3A_1533] : memref<50x8x128x8x128xf32, #tpu.memory_space<hbm>> -> memref<1x1x1x8x128xf32, #tpu.memory_space<hbm>>
        %dma_wait3A_1535 = tpu.memref_squeeze %dma_wait3A_1534 : memref<1x1x1x8x128xf32, #tpu.memory_space<hbm>> -> memref<8x128xf32, #tpu.memory_space<hbm>>
        %dma_wait3A_1536 = arith.constant 0 : i32
        %dma_wait3A_1537 = arith.constant 0 : i32
        %dma_wait3A_1538 = tpu.memref_slice %arg9[%dma_wait3A_1520, %dma_wait3A_1536, %dma_wait3A_1537] : memref<2x64x129xf32, #tpu.memory_space<vmem>> -> memref<1x8x128xf32, #tpu.memory_space<vmem>>
        %dma_wait3A_1539 = tpu.memref_squeeze %dma_wait3A_1538 : memref<1x8x128xf32, #tpu.memory_space<vmem>> -> memref<8x128xf32, #tpu.memory_space<vmem>>
        tpu.wait_dma2 semaphore(%arg13 : memref<!tpu.dma_semaphore, #tpu.memory_space<semaphore_mem>>) src(%dma_wait3A_1539 : memref<8x128xf32, #tpu.memory_space<vmem>>) dst(%dma_wait3A_1535 : memref<8x128xf32, #tpu.memory_space<hbm>>)
        %dma_wait3A_1540 = arith.constant 0 : i32
        %dma_wait3A_1541 = arith.constant 0 : i32
        %dma_wait3A_1542 = arith.constant 0 : i32
        %dma_wait3A_1543 = arith.constant 0 : i32
        %dma_wait3A_1544 = arith.constant 0 : i32
        %dma_wait3A_1545 = arith.constant 0 : i32
        %dma_wait3A_1546 = tpu.memref_slice %arg9[%dma_wait3A_1540, %dma_wait3A_1544, %dma_wait3A_1545] : memref<2x64x129xf32, #tpu.memory_space<vmem>> -> memref<1x8x128xf32, #tpu.memory_space<vmem>>
        %dma_wait3A_1547 = tpu.memref_squeeze %dma_wait3A_1546 : memref<1x8x128xf32, #tpu.memory_space<vmem>> -> memref<8x128xf32, #tpu.memory_space<vmem>>
        %dma_wait3A_1548 = arith.constant 0 : i32
        %dma_wait3A_1549 = arith.constant 0 : i32
        %dma_wait3A_1550 = tpu.memref_slice %arg4[%dma_wait3A_1541, %dma_wait3A_1542, %dma_wait3A_1543, %dma_wait3A_1548, %dma_wait3A_1549] : memref<50x8x128x8x128xf32, #tpu.memory_space<hbm>> -> memref<1x1x1x8x128xf32, #tpu.memory_space<hbm>>
        %dma_wait3A_1551 = tpu.memref_squeeze %dma_wait3A_1550 : memref<1x1x1x8x128xf32, #tpu.memory_space<hbm>> -> memref<8x128xf32, #tpu.memory_space<hbm>>
        %dma_wait3A_1552 = arith.constant 0 : i32
        %dma_wait3A_1553 = arith.constant 0 : i32
        %dma_wait3A_1554 = tpu.memref_slice %arg4[%dma_wait3A_1541, %dma_wait3A_1542, %dma_wait3A_1543, %dma_wait3A_1552, %dma_wait3A_1553] : memref<50x8x128x8x128xf32, #tpu.memory_space<hbm>> -> memref<1x1x1x8x128xf32, #tpu.memory_space<hbm>>
        %dma_wait3A_1555 = tpu.memref_squeeze %dma_wait3A_1554 : memref<1x1x1x8x128xf32, #tpu.memory_space<hbm>> -> memref<8x128xf32, #tpu.memory_space<hbm>>
        %dma_wait3A_1556 = arith.constant 0 : i32
        %dma_wait3A_1557 = arith.constant 0 : i32
        %dma_wait3A_1558 = tpu.memref_slice %arg9[%dma_wait3A_1540, %dma_wait3A_1556, %dma_wait3A_1557] : memref<2x64x129xf32, #tpu.memory_space<vmem>> -> memref<1x8x128xf32, #tpu.memory_space<vmem>>
        %dma_wait3A_1559 = tpu.memref_squeeze %dma_wait3A_1558 : memref<1x8x128xf32, #tpu.memory_space<vmem>> -> memref<8x128xf32, #tpu.memory_space<vmem>>
        tpu.wait_dma2 semaphore(%arg13 : memref<!tpu.dma_semaphore, #tpu.memory_space<semaphore_mem>>) src(%dma_wait3A_1559 : memref<8x128xf32, #tpu.memory_space<vmem>>) dst(%dma_wait3A_1555 : memref<8x128xf32, #tpu.memory_space<hbm>>)
        %dma_wait3A_1560 = arith.constant 0 : i32
        %dma_wait3A_1561 = arith.constant 0 : i32
        %dma_wait3A_1562 = arith.constant 0 : i32
        %dma_wait3A_1563 = arith.constant 0 : i32
        %dma_wait3A_1564 = arith.constant 0 : i32
        %dma_wait3A_1565 = arith.constant 0 : i32
        %dma_wait3A_1566 = tpu.memref_slice %arg9[%dma_wait3A_1560, %dma_wait3A_1564, %dma_wait3A_1565] : memref<2x64x129xf32, #tpu.memory_space<vmem>> -> memref<1x8x128xf32, #tpu.memory_space<vmem>>
        %dma_wait3A_1567 = tpu.memref_squeeze %dma_wait3A_1566 : memref<1x8x128xf32, #tpu.memory_space<vmem>> -> memref<8x128xf32, #tpu.memory_space<vmem>>
        %dma_wait3A_1568 = arith.constant 0 : i32
        %dma_wait3A_1569 = arith.constant 0 : i32
        %dma_wait3A_1570 = tpu.memref_slice %arg4[%dma_wait3A_1561, %dma_wait3A_1562, %dma_wait3A_1563, %dma_wait3A_1568, %dma_wait3A_1569] : memref<50x8x128x8x128xf32, #tpu.memory_space<hbm>> -> memref<1x1x1x8x128xf32, #tpu.memory_space<hbm>>
        %dma_wait3A_1571 = tpu.memref_squeeze %dma_wait3A_1570 : memref<1x1x1x8x128xf32, #tpu.memory_space<hbm>> -> memref<8x128xf32, #tpu.memory_space<hbm>>
        %dma_wait3A_1572 = arith.constant 0 : i32
        %dma_wait3A_1573 = arith.constant 0 : i32
        %dma_wait3A_1574 = tpu.memref_slice %arg4[%dma_wait3A_1561, %dma_wait3A_1562, %dma_wait3A_1563, %dma_wait3A_1572, %dma_wait3A_1573] : memref<50x8x128x8x128xf32, #tpu.memory_space<hbm>> -> memref<1x1x1x8x128xf32, #tpu.memory_space<hbm>>
        %dma_wait3A_1575 = tpu.memref_squeeze %dma_wait3A_1574 : memref<1x1x1x8x128xf32, #tpu.memory_space<hbm>> -> memref<8x128xf32, #tpu.memory_space<hbm>>
        %dma_wait3A_1576 = arith.constant 0 : i32
        %dma_wait3A_1577 = arith.constant 0 : i32
        %dma_wait3A_1578 = tpu.memref_slice %arg9[%dma_wait3A_1560, %dma_wait3A_1576, %dma_wait3A_1577] : memref<2x64x129xf32, #tpu.memory_space<vmem>> -> memref<1x8x128xf32, #tpu.memory_space<vmem>>
        %dma_wait3A_1579 = tpu.memref_squeeze %dma_wait3A_1578 : memref<1x8x128xf32, #tpu.memory_space<vmem>> -> memref<8x128xf32, #tpu.memory_space<vmem>>
        tpu.wait_dma2 semaphore(%arg13 : memref<!tpu.dma_semaphore, #tpu.memory_space<semaphore_mem>>) src(%dma_wait3A_1579 : memref<8x128xf32, #tpu.memory_space<vmem>>) dst(%dma_wait3A_1575 : memref<8x128xf32, #tpu.memory_space<hbm>>)
        %dma_wait3A_1580 = arith.constant 0 : i32
        %dma_wait3A_1581 = arith.constant 0 : i32
        %dma_wait3A_1582 = arith.constant 0 : i32
        %dma_wait3A_1583 = arith.constant 0 : i32
        %dma_wait3A_1584 = arith.constant 0 : i32
        %dma_wait3A_1585 = arith.constant 0 : i32
        %dma_wait3A_1586 = tpu.memref_slice %arg9[%dma_wait3A_1580, %dma_wait3A_1584, %dma_wait3A_1585] : memref<2x64x129xf32, #tpu.memory_space<vmem>> -> memref<1x8x128xf32, #tpu.memory_space<vmem>>
        %dma_wait3A_1587 = tpu.memref_squeeze %dma_wait3A_1586 : memref<1x8x128xf32, #tpu.memory_space<vmem>> -> memref<8x128xf32, #tpu.memory_space<vmem>>
        %dma_wait3A_1588 = arith.constant 0 : i32
        %dma_wait3A_1589 = arith.constant 0 : i32
        %dma_wait3A_1590 = tpu.memref_slice %arg4[%dma_wait3A_1581, %dma_wait3A_1582, %dma_wait3A_1583, %dma_wait3A_1588, %dma_wait3A_1589] : memref<50x8x128x8x128xf32, #tpu.memory_space<hbm>> -> memref<1x1x1x8x128xf32, #tpu.memory_space<hbm>>
        %dma_wait3A_1591 = tpu.memref_squeeze %dma_wait3A_1590 : memref<1x1x1x8x128xf32, #tpu.memory_space<hbm>> -> memref<8x128xf32, #tpu.memory_space<hbm>>
        %dma_wait3A_1592 = arith.constant 0 : i32
        %dma_wait3A_1593 = arith.constant 0 : i32
        %dma_wait3A_1594 = tpu.memref_slice %arg4[%dma_wait3A_1581, %dma_wait3A_1582, %dma_wait3A_1583, %dma_wait3A_1592, %dma_wait3A_1593] : memref<50x8x128x8x128xf32, #tpu.memory_space<hbm>> -> memref<1x1x1x8x128xf32, #tpu.memory_space<hbm>>
        %dma_wait3A_1595 = tpu.memref_squeeze %dma_wait3A_1594 : memref<1x1x1x8x128xf32, #tpu.memory_space<hbm>> -> memref<8x128xf32, #tpu.memory_space<hbm>>
        %dma_wait3A_1596 = arith.constant 0 : i32
        %dma_wait3A_1597 = arith.constant 0 : i32
        %dma_wait3A_1598 = tpu.memref_slice %arg9[%dma_wait3A_1580, %dma_wait3A_1596, %dma_wait3A_1597] : memref<2x64x129xf32, #tpu.memory_space<vmem>> -> memref<1x8x128xf32, #tpu.memory_space<vmem>>
        %dma_wait3A_1599 = tpu.memref_squeeze %dma_wait3A_1598 : memref<1x8x128xf32, #tpu.memory_space<vmem>> -> memref<8x128xf32, #tpu.memory_space<vmem>>
        tpu.wait_dma2 semaphore(%arg13 : memref<!tpu.dma_semaphore, #tpu.memory_space<semaphore_mem>>) src(%dma_wait3A_1599 : memref<8x128xf32, #tpu.memory_space<vmem>>) dst(%dma_wait3A_1595 : memref<8x128xf32, #tpu.memory_space<hbm>>)
        %dma_wait3A_1600 = arith.constant 0 : i32
        %dma_wait3A_1601 = arith.constant 0 : i32
        %dma_wait3A_1602 = arith.constant 0 : i32
        %dma_wait3A_1603 = arith.constant 0 : i32
        %dma_wait3A_1604 = arith.constant 0 : i32
        %dma_wait3A_1605 = arith.constant 0 : i32
        %dma_wait3A_1606 = tpu.memref_slice %arg9[%dma_wait3A_1600, %dma_wait3A_1604, %dma_wait3A_1605] : memref<2x64x129xf32, #tpu.memory_space<vmem>> -> memref<1x8x128xf32, #tpu.memory_space<vmem>>
        %dma_wait3A_1607 = tpu.memref_squeeze %dma_wait3A_1606 : memref<1x8x128xf32, #tpu.memory_space<vmem>> -> memref<8x128xf32, #tpu.memory_space<vmem>>
        %dma_wait3A_1608 = arith.constant 0 : i32
        %dma_wait3A_1609 = arith.constant 0 : i32
        %dma_wait3A_1610 = tpu.memref_slice %arg4[%dma_wait3A_1601, %dma_wait3A_1602, %dma_wait3A_1603, %dma_wait3A_1608, %dma_wait3A_1609] : memref<50x8x128x8x128xf32, #tpu.memory_space<hbm>> -> memref<1x1x1x8x128xf32, #tpu.memory_space<hbm>>
        %dma_wait3A_1611 = tpu.memref_squeeze %dma_wait3A_1610 : memref<1x1x1x8x128xf32, #tpu.memory_space<hbm>> -> memref<8x128xf32, #tpu.memory_space<hbm>>
        %dma_wait3A_1612 = arith.constant 0 : i32
        %dma_wait3A_1613 = arith.constant 0 : i32
        %dma_wait3A_1614 = tpu.memref_slice %arg4[%dma_wait3A_1601, %dma_wait3A_1602, %dma_wait3A_1603, %dma_wait3A_1612, %dma_wait3A_1613] : memref<50x8x128x8x128xf32, #tpu.memory_space<hbm>> -> memref<1x1x1x8x128xf32, #tpu.memory_space<hbm>>
        %dma_wait3A_1615 = tpu.memref_squeeze %dma_wait3A_1614 : memref<1x1x1x8x128xf32, #tpu.memory_space<hbm>> -> memref<8x128xf32, #tpu.memory_space<hbm>>
        %dma_wait3A_1616 = arith.constant 0 : i32
        %dma_wait3A_1617 = arith.constant 0 : i32
        %dma_wait3A_1618 = tpu.memref_slice %arg9[%dma_wait3A_1600, %dma_wait3A_1616, %dma_wait3A_1617] : memref<2x64x129xf32, #tpu.memory_space<vmem>> -> memref<1x8x128xf32, #tpu.memory_space<vmem>>
        %dma_wait3A_1619 = tpu.memref_squeeze %dma_wait3A_1618 : memref<1x8x128xf32, #tpu.memory_space<vmem>> -> memref<8x128xf32, #tpu.memory_space<vmem>>
        tpu.wait_dma2 semaphore(%arg13 : memref<!tpu.dma_semaphore, #tpu.memory_space<semaphore_mem>>) src(%dma_wait3A_1619 : memref<8x128xf32, #tpu.memory_space<vmem>>) dst(%dma_wait3A_1615 : memref<8x128xf32, #tpu.memory_space<hbm>>)
        %dma_wait3A_1620 = arith.constant 0 : i32
        %dma_wait3A_1621 = arith.constant 0 : i32
        %dma_wait3A_1622 = arith.constant 0 : i32
        %dma_wait3A_1623 = arith.constant 0 : i32
        %dma_wait3A_1624 = arith.constant 0 : i32
        %dma_wait3A_1625 = arith.constant 0 : i32
        %dma_wait3A_1626 = tpu.memref_slice %arg9[%dma_wait3A_1620, %dma_wait3A_1624, %dma_wait3A_1625] : memref<2x64x129xf32, #tpu.memory_space<vmem>> -> memref<1x8x128xf32, #tpu.memory_space<vmem>>
        %dma_wait3A_1627 = tpu.memref_squeeze %dma_wait3A_1626 : memref<1x8x128xf32, #tpu.memory_space<vmem>> -> memref<8x128xf32, #tpu.memory_space<vmem>>
        %dma_wait3A_1628 = arith.constant 0 : i32
        %dma_wait3A_1629 = arith.constant 0 : i32
        %dma_wait3A_1630 = tpu.memref_slice %arg4[%dma_wait3A_1621, %dma_wait3A_1622, %dma_wait3A_1623, %dma_wait3A_1628, %dma_wait3A_1629] : memref<50x8x128x8x128xf32, #tpu.memory_space<hbm>> -> memref<1x1x1x8x128xf32, #tpu.memory_space<hbm>>
        %dma_wait3A_1631 = tpu.memref_squeeze %dma_wait3A_1630 : memref<1x1x1x8x128xf32, #tpu.memory_space<hbm>> -> memref<8x128xf32, #tpu.memory_space<hbm>>
        %dma_wait3A_1632 = arith.constant 0 : i32
        %dma_wait3A_1633 = arith.constant 0 : i32
        %dma_wait3A_1634 = tpu.memref_slice %arg4[%dma_wait3A_1621, %dma_wait3A_1622, %dma_wait3A_1623, %dma_wait3A_1632, %dma_wait3A_1633] : memref<50x8x128x8x128xf32, #tpu.memory_space<hbm>> -> memref<1x1x1x8x128xf32, #tpu.memory_space<hbm>>
        %dma_wait3A_1635 = tpu.memref_squeeze %dma_wait3A_1634 : memref<1x1x1x8x128xf32, #tpu.memory_space<hbm>> -> memref<8x128xf32, #tpu.memory_space<hbm>>
        %dma_wait3A_1636 = arith.constant 0 : i32
        %dma_wait3A_1637 = arith.constant 0 : i32
        %dma_wait3A_1638 = tpu.memref_slice %arg9[%dma_wait3A_1620, %dma_wait3A_1636, %dma_wait3A_1637] : memref<2x64x129xf32, #tpu.memory_space<vmem>> -> memref<1x8x128xf32, #tpu.memory_space<vmem>>
        %dma_wait3A_1639 = tpu.memref_squeeze %dma_wait3A_1638 : memref<1x8x128xf32, #tpu.memory_space<vmem>> -> memref<8x128xf32, #tpu.memory_space<vmem>>
        tpu.wait_dma2 semaphore(%arg13 : memref<!tpu.dma_semaphore, #tpu.memory_space<semaphore_mem>>) src(%dma_wait3A_1639 : memref<8x128xf32, #tpu.memory_space<vmem>>) dst(%dma_wait3A_1635 : memref<8x128xf32, #tpu.memory_space<hbm>>)
        %dma_wait3A_1640 = arith.constant 0 : i32
        %dma_wait3A_1641 = arith.constant 0 : i32
        %dma_wait3A_1642 = arith.constant 0 : i32
        %dma_wait3A_1643 = arith.constant 0 : i32
        %dma_wait3A_1644 = arith.constant 0 : i32
        %dma_wait3A_1645 = arith.constant 0 : i32
        %dma_wait3A_1646 = tpu.memref_slice %arg9[%dma_wait3A_1640, %dma_wait3A_1644, %dma_wait3A_1645] : memref<2x64x129xf32, #tpu.memory_space<vmem>> -> memref<1x8x128xf32, #tpu.memory_space<vmem>>
        %dma_wait3A_1647 = tpu.memref_squeeze %dma_wait3A_1646 : memref<1x8x128xf32, #tpu.memory_space<vmem>> -> memref<8x128xf32, #tpu.memory_space<vmem>>
        %dma_wait3A_1648 = arith.constant 0 : i32
        %dma_wait3A_1649 = arith.constant 0 : i32
        %dma_wait3A_1650 = tpu.memref_slice %arg4[%dma_wait3A_1641, %dma_wait3A_1642, %dma_wait3A_1643, %dma_wait3A_1648, %dma_wait3A_1649] : memref<50x8x128x8x128xf32, #tpu.memory_space<hbm>> -> memref<1x1x1x8x128xf32, #tpu.memory_space<hbm>>
        %dma_wait3A_1651 = tpu.memref_squeeze %dma_wait3A_1650 : memref<1x1x1x8x128xf32, #tpu.memory_space<hbm>> -> memref<8x128xf32, #tpu.memory_space<hbm>>
        %dma_wait3A_1652 = arith.constant 0 : i32
        %dma_wait3A_1653 = arith.constant 0 : i32
        %dma_wait3A_1654 = tpu.memref_slice %arg4[%dma_wait3A_1641, %dma_wait3A_1642, %dma_wait3A_1643, %dma_wait3A_1652, %dma_wait3A_1653] : memref<50x8x128x8x128xf32, #tpu.memory_space<hbm>> -> memref<1x1x1x8x128xf32, #tpu.memory_space<hbm>>
        %dma_wait3A_1655 = tpu.memref_squeeze %dma_wait3A_1654 : memref<1x1x1x8x128xf32, #tpu.memory_space<hbm>> -> memref<8x128xf32, #tpu.memory_space<hbm>>
        %dma_wait3A_1656 = arith.constant 0 : i32
        %dma_wait3A_1657 = arith.constant 0 : i32
        %dma_wait3A_1658 = tpu.memref_slice %arg9[%dma_wait3A_1640, %dma_wait3A_1656, %dma_wait3A_1657] : memref<2x64x129xf32, #tpu.memory_space<vmem>> -> memref<1x8x128xf32, #tpu.memory_space<vmem>>
        %dma_wait3A_1659 = tpu.memref_squeeze %dma_wait3A_1658 : memref<1x8x128xf32, #tpu.memory_space<vmem>> -> memref<8x128xf32, #tpu.memory_space<vmem>>
        tpu.wait_dma2 semaphore(%arg13 : memref<!tpu.dma_semaphore, #tpu.memory_space<semaphore_mem>>) src(%dma_wait3A_1659 : memref<8x128xf32, #tpu.memory_space<vmem>>) dst(%dma_wait3A_1655 : memref<8x128xf32, #tpu.memory_space<hbm>>)
        %dma_wait3A_1660 = arith.constant 0 : i32
        %dma_wait3A_1661 = arith.constant 0 : i32
        %dma_wait3A_1662 = arith.constant 0 : i32
        %dma_wait3A_1663 = arith.constant 0 : i32
        %dma_wait3A_1664 = arith.constant 0 : i32
        %dma_wait3A_1665 = arith.constant 0 : i32
        %dma_wait3A_1666 = tpu.memref_slice %arg9[%dma_wait3A_1660, %dma_wait3A_1664, %dma_wait3A_1665] : memref<2x64x129xf32, #tpu.memory_space<vmem>> -> memref<1x8x128xf32, #tpu.memory_space<vmem>>
        %dma_wait3A_1667 = tpu.memref_squeeze %dma_wait3A_1666 : memref<1x8x128xf32, #tpu.memory_space<vmem>> -> memref<8x128xf32, #tpu.memory_space<vmem>>
        %dma_wait3A_1668 = arith.constant 0 : i32
        %dma_wait3A_1669 = arith.constant 0 : i32
        %dma_wait3A_1670 = tpu.memref_slice %arg4[%dma_wait3A_1661, %dma_wait3A_1662, %dma_wait3A_1663, %dma_wait3A_1668, %dma_wait3A_1669] : memref<50x8x128x8x128xf32, #tpu.memory_space<hbm>> -> memref<1x1x1x8x128xf32, #tpu.memory_space<hbm>>
        %dma_wait3A_1671 = tpu.memref_squeeze %dma_wait3A_1670 : memref<1x1x1x8x128xf32, #tpu.memory_space<hbm>> -> memref<8x128xf32, #tpu.memory_space<hbm>>
        %dma_wait3A_1672 = arith.constant 0 : i32
        %dma_wait3A_1673 = arith.constant 0 : i32
        %dma_wait3A_1674 = tpu.memref_slice %arg4[%dma_wait3A_1661, %dma_wait3A_1662, %dma_wait3A_1663, %dma_wait3A_1672, %dma_wait3A_1673] : memref<50x8x128x8x128xf32, #tpu.memory_space<hbm>> -> memref<1x1x1x8x128xf32, #tpu.memory_space<hbm>>
        %dma_wait3A_1675 = tpu.memref_squeeze %dma_wait3A_1674 : memref<1x1x1x8x128xf32, #tpu.memory_space<hbm>> -> memref<8x128xf32, #tpu.memory_space<hbm>>
        %dma_wait3A_1676 = arith.constant 0 : i32
        %dma_wait3A_1677 = arith.constant 0 : i32
        %dma_wait3A_1678 = tpu.memref_slice %arg9[%dma_wait3A_1660, %dma_wait3A_1676, %dma_wait3A_1677] : memref<2x64x129xf32, #tpu.memory_space<vmem>> -> memref<1x8x128xf32, #tpu.memory_space<vmem>>
        %dma_wait3A_1679 = tpu.memref_squeeze %dma_wait3A_1678 : memref<1x8x128xf32, #tpu.memory_space<vmem>> -> memref<8x128xf32, #tpu.memory_space<vmem>>
        tpu.wait_dma2 semaphore(%arg13 : memref<!tpu.dma_semaphore, #tpu.memory_space<semaphore_mem>>) src(%dma_wait3A_1679 : memref<8x128xf32, #tpu.memory_space<vmem>>) dst(%dma_wait3A_1675 : memref<8x128xf32, #tpu.memory_space<hbm>>)
        %dma_wait3A_1680 = arith.constant 0 : i32
        %dma_wait3A_1681 = arith.constant 0 : i32
        %dma_wait3A_1682 = arith.constant 0 : i32
        %dma_wait3A_1683 = arith.constant 0 : i32
        %dma_wait3A_1684 = arith.constant 0 : i32
        %dma_wait3A_1685 = arith.constant 0 : i32
        %dma_wait3A_1686 = tpu.memref_slice %arg9[%dma_wait3A_1680, %dma_wait3A_1684, %dma_wait3A_1685] : memref<2x64x129xf32, #tpu.memory_space<vmem>> -> memref<1x8x128xf32, #tpu.memory_space<vmem>>
        %dma_wait3A_1687 = tpu.memref_squeeze %dma_wait3A_1686 : memref<1x8x128xf32, #tpu.memory_space<vmem>> -> memref<8x128xf32, #tpu.memory_space<vmem>>
        %dma_wait3A_1688 = arith.constant 0 : i32
        %dma_wait3A_1689 = arith.constant 0 : i32
        %dma_wait3A_1690 = tpu.memref_slice %arg4[%dma_wait3A_1681, %dma_wait3A_1682, %dma_wait3A_1683, %dma_wait3A_1688, %dma_wait3A_1689] : memref<50x8x128x8x128xf32, #tpu.memory_space<hbm>> -> memref<1x1x1x8x128xf32, #tpu.memory_space<hbm>>
        %dma_wait3A_1691 = tpu.memref_squeeze %dma_wait3A_1690 : memref<1x1x1x8x128xf32, #tpu.memory_space<hbm>> -> memref<8x128xf32, #tpu.memory_space<hbm>>
        %dma_wait3A_1692 = arith.constant 0 : i32
        %dma_wait3A_1693 = arith.constant 0 : i32
        %dma_wait3A_1694 = tpu.memref_slice %arg4[%dma_wait3A_1681, %dma_wait3A_1682, %dma_wait3A_1683, %dma_wait3A_1692, %dma_wait3A_1693] : memref<50x8x128x8x128xf32, #tpu.memory_space<hbm>> -> memref<1x1x1x8x128xf32, #tpu.memory_space<hbm>>
        %dma_wait3A_1695 = tpu.memref_squeeze %dma_wait3A_1694 : memref<1x1x1x8x128xf32, #tpu.memory_space<hbm>> -> memref<8x128xf32, #tpu.memory_space<hbm>>
        %dma_wait3A_1696 = arith.constant 0 : i32
        %dma_wait3A_1697 = arith.constant 0 : i32
        %dma_wait3A_1698 = tpu.memref_slice %arg9[%dma_wait3A_1680, %dma_wait3A_1696, %dma_wait3A_1697] : memref<2x64x129xf32, #tpu.memory_space<vmem>> -> memref<1x8x128xf32, #tpu.memory_space<vmem>>
        %dma_wait3A_1699 = tpu.memref_squeeze %dma_wait3A_1698 : memref<1x8x128xf32, #tpu.memory_space<vmem>> -> memref<8x128xf32, #tpu.memory_space<vmem>>
        tpu.wait_dma2 semaphore(%arg13 : memref<!tpu.dma_semaphore, #tpu.memory_space<semaphore_mem>>) src(%dma_wait3A_1699 : memref<8x128xf32, #tpu.memory_space<vmem>>) dst(%dma_wait3A_1695 : memref<8x128xf32, #tpu.memory_space<hbm>>)
        %dma_wait3A_1700 = arith.constant 0 : i32
        %dma_wait3A_1701 = arith.constant 0 : i32
        %dma_wait3A_1702 = arith.constant 0 : i32
        %dma_wait3A_1703 = arith.constant 0 : i32
        %dma_wait3A_1704 = arith.constant 0 : i32
        %dma_wait3A_1705 = arith.constant 0 : i32
        %dma_wait3A_1706 = tpu.memref_slice %arg9[%dma_wait3A_1700, %dma_wait3A_1704, %dma_wait3A_1705] : memref<2x64x129xf32, #tpu.memory_space<vmem>> -> memref<1x8x128xf32, #tpu.memory_space<vmem>>
        %dma_wait3A_1707 = tpu.memref_squeeze %dma_wait3A_1706 : memref<1x8x128xf32, #tpu.memory_space<vmem>> -> memref<8x128xf32, #tpu.memory_space<vmem>>
        %dma_wait3A_1708 = arith.constant 0 : i32
        %dma_wait3A_1709 = arith.constant 0 : i32
        %dma_wait3A_1710 = tpu.memref_slice %arg4[%dma_wait3A_1701, %dma_wait3A_1702, %dma_wait3A_1703, %dma_wait3A_1708, %dma_wait3A_1709] : memref<50x8x128x8x128xf32, #tpu.memory_space<hbm>> -> memref<1x1x1x8x128xf32, #tpu.memory_space<hbm>>
        %dma_wait3A_1711 = tpu.memref_squeeze %dma_wait3A_1710 : memref<1x1x1x8x128xf32, #tpu.memory_space<hbm>> -> memref<8x128xf32, #tpu.memory_space<hbm>>
        %dma_wait3A_1712 = arith.constant 0 : i32
        %dma_wait3A_1713 = arith.constant 0 : i32
        %dma_wait3A_1714 = tpu.memref_slice %arg4[%dma_wait3A_1701, %dma_wait3A_1702, %dma_wait3A_1703, %dma_wait3A_1712, %dma_wait3A_1713] : memref<50x8x128x8x128xf32, #tpu.memory_space<hbm>> -> memref<1x1x1x8x128xf32, #tpu.memory_space<hbm>>
        %dma_wait3A_1715 = tpu.memref_squeeze %dma_wait3A_1714 : memref<1x1x1x8x128xf32, #tpu.memory_space<hbm>> -> memref<8x128xf32, #tpu.memory_space<hbm>>
        %dma_wait3A_1716 = arith.constant 0 : i32
        %dma_wait3A_1717 = arith.constant 0 : i32
        %dma_wait3A_1718 = tpu.memref_slice %arg9[%dma_wait3A_1700, %dma_wait3A_1716, %dma_wait3A_1717] : memref<2x64x129xf32, #tpu.memory_space<vmem>> -> memref<1x8x128xf32, #tpu.memory_space<vmem>>
        %dma_wait3A_1719 = tpu.memref_squeeze %dma_wait3A_1718 : memref<1x8x128xf32, #tpu.memory_space<vmem>> -> memref<8x128xf32, #tpu.memory_space<vmem>>
        tpu.wait_dma2 semaphore(%arg13 : memref<!tpu.dma_semaphore, #tpu.memory_space<semaphore_mem>>) src(%dma_wait3A_1719 : memref<8x128xf32, #tpu.memory_space<vmem>>) dst(%dma_wait3A_1715 : memref<8x128xf32, #tpu.memory_space<hbm>>)
        %dma_wait3A_1720 = arith.constant 0 : i32
        %dma_wait3A_1721 = arith.constant 0 : i32
        %dma_wait3A_1722 = arith.constant 0 : i32
        %dma_wait3A_1723 = arith.constant 0 : i32
        %dma_wait3A_1724 = arith.constant 0 : i32
        %dma_wait3A_1725 = arith.constant 0 : i32
        %dma_wait3A_1726 = tpu.memref_slice %arg9[%dma_wait3A_1720, %dma_wait3A_1724, %dma_wait3A_1725] : memref<2x64x129xf32, #tpu.memory_space<vmem>> -> memref<1x8x128xf32, #tpu.memory_space<vmem>>
        %dma_wait3A_1727 = tpu.memref_squeeze %dma_wait3A_1726 : memref<1x8x128xf32, #tpu.memory_space<vmem>> -> memref<8x128xf32, #tpu.memory_space<vmem>>
        %dma_wait3A_1728 = arith.constant 0 : i32
        %dma_wait3A_1729 = arith.constant 0 : i32
        %dma_wait3A_1730 = tpu.memref_slice %arg4[%dma_wait3A_1721, %dma_wait3A_1722, %dma_wait3A_1723, %dma_wait3A_1728, %dma_wait3A_1729] : memref<50x8x128x8x128xf32, #tpu.memory_space<hbm>> -> memref<1x1x1x8x128xf32, #tpu.memory_space<hbm>>
        %dma_wait3A_1731 = tpu.memref_squeeze %dma_wait3A_1730 : memref<1x1x1x8x128xf32, #tpu.memory_space<hbm>> -> memref<8x128xf32, #tpu.memory_space<hbm>>
        %dma_wait3A_1732 = arith.constant 0 : i32
        %dma_wait3A_1733 = arith.constant 0 : i32
        %dma_wait3A_1734 = tpu.memref_slice %arg4[%dma_wait3A_1721, %dma_wait3A_1722, %dma_wait3A_1723, %dma_wait3A_1732, %dma_wait3A_1733] : memref<50x8x128x8x128xf32, #tpu.memory_space<hbm>> -> memref<1x1x1x8x128xf32, #tpu.memory_space<hbm>>
        %dma_wait3A_1735 = tpu.memref_squeeze %dma_wait3A_1734 : memref<1x1x1x8x128xf32, #tpu.memory_space<hbm>> -> memref<8x128xf32, #tpu.memory_space<hbm>>
        %dma_wait3A_1736 = arith.constant 0 : i32
        %dma_wait3A_1737 = arith.constant 0 : i32
        %dma_wait3A_1738 = tpu.memref_slice %arg9[%dma_wait3A_1720, %dma_wait3A_1736, %dma_wait3A_1737] : memref<2x64x129xf32, #tpu.memory_space<vmem>> -> memref<1x8x128xf32, #tpu.memory_space<vmem>>
        %dma_wait3A_1739 = tpu.memref_squeeze %dma_wait3A_1738 : memref<1x8x128xf32, #tpu.memory_space<vmem>> -> memref<8x128xf32, #tpu.memory_space<vmem>>
        tpu.wait_dma2 semaphore(%arg13 : memref<!tpu.dma_semaphore, #tpu.memory_space<semaphore_mem>>) src(%dma_wait3A_1739 : memref<8x128xf32, #tpu.memory_space<vmem>>) dst(%dma_wait3A_1735 : memref<8x128xf32, #tpu.memory_space<hbm>>)
      } else {
      }
      %parallel_loop3A_1053 = arith.constant 0 : i32
      %parallel_loop3A_1054 = arith.constant 256 : i32
      %parallel_loop3A_1055 = arith.constant 1 : i32
      scf.for %parallel_loop3A_1420 = %parallel_loop3A_1053 to %parallel_loop3A_1054 step %parallel_loop3A_1055  : i32 {
        %parallel_loop3A_1421 = arith.constant 128 : i32
        %parallel_loop3A_1422 = arith.divsi %parallel_loop3A_1420, %parallel_loop3A_1421 : i32
        %parallel_loop3A_1423 = arith.constant 0 : i32
        %parallel_loop3A_1424 = arith.cmpi sgt, %parallel_loop3A_1420, %parallel_loop3A_1423 : i32
        %parallel_loop3A_1425 = arith.extui %parallel_loop3A_1424 : i1 to i32
        %parallel_loop3A_1426 = arith.constant 0 : i32
        %parallel_loop3A_1427 = arith.cmpi slt, %parallel_loop3A_1420, %parallel_loop3A_1426 : i32
        %parallel_loop3A_1428 = arith.extui %parallel_loop3A_1427 : i1 to i32
        %parallel_loop3A_1429 = arith.subi %parallel_loop3A_1425, %parallel_loop3A_1428 : i32
        %parallel_loop3A_1430 = arith.constant 0 : i32
        %parallel_loop3A_1431 = arith.cmpi sgt, %parallel_loop3A_1421, %parallel_loop3A_1430 : i32
        %parallel_loop3A_1432 = arith.extui %parallel_loop3A_1431 : i1 to i32
        %parallel_loop3A_1433 = arith.constant 0 : i32
        %parallel_loop3A_1434 = arith.cmpi slt, %parallel_loop3A_1421, %parallel_loop3A_1433 : i32
        %parallel_loop3A_1435 = arith.extui %parallel_loop3A_1434 : i1 to i32
        %parallel_loop3A_1436 = arith.subi %parallel_loop3A_1432, %parallel_loop3A_1435 : i32
        %parallel_loop3A_1437 = arith.cmpi ne, %parallel_loop3A_1429, %parallel_loop3A_1436 : i32
        %parallel_loop3A_1438 = arith.remsi %parallel_loop3A_1420, %parallel_loop3A_1421 : i32
        %parallel_loop3A_1439 = arith.constant 0 : i32
        %parallel_loop3A_1440 = arith.cmpi ne, %parallel_loop3A_1438, %parallel_loop3A_1439 : i32
        %parallel_loop3A_1441 = arith.andi %parallel_loop3A_1437, %parallel_loop3A_1440 : i1
        %parallel_loop3A_1442 = arith.constant 1 : i32
        %parallel_loop3A_1443 = arith.subi %parallel_loop3A_1422, %parallel_loop3A_1442 : i32
        %parallel_loop3A_1444 = arith.select %parallel_loop3A_1441, %parallel_loop3A_1443, %parallel_loop3A_1422 : i32
        %parallel_loop3A_1445 = vector.broadcast %parallel_loop3A_1444 : i32 to vector<16xi32>
        %parallel_loop3A_1446 = arith.constant 128 : i32
        %parallel_loop3A_1447 = arith.constant 0 : i32
        %parallel_loop3A_1448 = arith.cmpi eq, %parallel_loop3A_1446, %parallel_loop3A_1447 : i32
        %parallel_loop3A_1449 = arith.constant 1 : i32
        %parallel_loop3A_1450 = arith.select %parallel_loop3A_1448, %parallel_loop3A_1449, %parallel_loop3A_1446 : i32
        %parallel_loop3A_1451 = arith.remsi %parallel_loop3A_1420, %parallel_loop3A_1450 : i32
        %parallel_loop3A_1452 = arith.constant 0 : i32
        %parallel_loop3A_1453 = arith.cmpi ne, %parallel_loop3A_1451, %parallel_loop3A_1452 : i32
        %parallel_loop3A_1454 = arith.constant 0 : i32
        %parallel_loop3A_1455 = arith.cmpi slt, %parallel_loop3A_1451, %parallel_loop3A_1454 : i32
        %parallel_loop3A_1456 = arith.constant 0 : i32
        %parallel_loop3A_1457 = arith.cmpi slt, %parallel_loop3A_1450, %parallel_loop3A_1456 : i32
        %parallel_loop3A_1458 = arith.xori %parallel_loop3A_1455, %parallel_loop3A_1457 : i1
        %parallel_loop3A_1459 = arith.andi %parallel_loop3A_1458, %parallel_loop3A_1453 : i1
        %parallel_loop3A_1460 = arith.addi %parallel_loop3A_1451, %parallel_loop3A_1450 : i32
        %parallel_loop3A_1461 = arith.select %parallel_loop3A_1459, %parallel_loop3A_1460, %parallel_loop3A_1451 : i32
        %parallel_loop3A_1462 = vector.broadcast %parallel_loop3A_1461 : i32 to vector<16xi32>
        %parallel_loop3A_1463 = arith.index_cast %parallel_loop3A_1420 : i32 to index
        %parallel_loop3A_1464 = arith.constant 0 : index
        %parallel_loop3A_1465 = tpu.vector_load %arg7[%parallel_loop3A_1463, %parallel_loop3A_1464] {strides = array<i32>} : memref<256x128xf32, #tpu.memory_space<vmem>>, vector<16xf32>,
        %parallel_loop3A_1466 = arith.constant 0 : i32
        %parallel_loop3A_1467 = vector.broadcast %parallel_loop3A_1466 : i32 to vector<16xi32>
        %parallel_loop3A_1468 = arith.addi %iota3A, %parallel_loop3A_1467 : vector<16xi32>
        tpu.vector_store_idx %arg9[%parallel_loop3A_1445, %parallel_loop3A_1468, %parallel_loop3A_1462], %parallel_loop3A_1465 : memref<2x64x129xf32, #tpu.memory_space<vmem>>[vector<16xi32>, vector<16xi32>, vector<16xi32>], vector<16xf32>,
        %parallel_loop3A_1469 = arith.index_cast %parallel_loop3A_1420 : i32 to index
        %parallel_loop3A_1470 = arith.constant 16 : index
        %parallel_loop3A_1471 = tpu.vector_load %arg7[%parallel_loop3A_1469, %parallel_loop3A_1470] {strides = array<i32>} : memref<256x128xf32, #tpu.memory_space<vmem>>, vector<16xf32>,
        %parallel_loop3A_1472 = arith.constant 16 : i32
        %parallel_loop3A_1473 = vector.broadcast %parallel_loop3A_1472 : i32 to vector<16xi32>
        %parallel_loop3A_1474 = arith.addi %iota3A, %parallel_loop3A_1473 : vector<16xi32>
        tpu.vector_store_idx %arg9[%parallel_loop3A_1445, %parallel_loop3A_1474, %parallel_loop3A_1462], %parallel_loop3A_1471 : memref<2x64x129xf32, #tpu.memory_space<vmem>>[vector<16xi32>, vector<16xi32>, vector<16xi32>], vector<16xf32>,
        %parallel_loop3A_1475 = arith.index_cast %parallel_loop3A_1420 : i32 to index
        %parallel_loop3A_1476 = arith.constant 32 : index
        %parallel_loop3A_1477 = tpu.vector_load %arg7[%parallel_loop3A_1475, %parallel_loop3A_1476] {strides = array<i32>} : memref<256x128xf32, #tpu.memory_space<vmem>>, vector<16xf32>,
        %parallel_loop3A_1478 = arith.constant 32 : i32
        %parallel_loop3A_1479 = vector.broadcast %parallel_loop3A_1478 : i32 to vector<16xi32>
        %parallel_loop3A_1480 = arith.addi %iota3A, %parallel_loop3A_1479 : vector<16xi32>
        tpu.vector_store_idx %arg9[%parallel_loop3A_1445, %parallel_loop3A_1480, %parallel_loop3A_1462], %parallel_loop3A_1477 : memref<2x64x129xf32, #tpu.memory_space<vmem>>[vector<16xi32>, vector<16xi32>, vector<16xi32>], vector<16xf32>,
        %parallel_loop3A_1481 = arith.index_cast %parallel_loop3A_1420 : i32 to index
        %parallel_loop3A_1482 = arith.constant 48 : index
        %parallel_loop3A_1483 = tpu.vector_load %arg7[%parallel_loop3A_1481, %parallel_loop3A_1482] {strides = array<i32>} : memref<256x128xf32, #tpu.memory_space<vmem>>, vector<16xf32>,
        %parallel_loop3A_1484 = arith.constant 48 : i32
        %parallel_loop3A_1485 = vector.broadcast %parallel_loop3A_1484 : i32 to vector<16xi32>
        %parallel_loop3A_1486 = arith.addi %iota3A, %parallel_loop3A_1485 : vector<16xi32>
        tpu.vector_store_idx %arg9[%parallel_loop3A_1445, %parallel_loop3A_1486, %parallel_loop3A_1462], %parallel_loop3A_1483 : memref<2x64x129xf32, #tpu.memory_space<vmem>>[vector<16xi32>, vector<16xi32>, vector<16xi32>], vector<16xf32>,
      } {sc.loop_unroll_factor = 4 : i64, sc.parallel_access}
      %add3A_1056 = arith.addi %mul3A_2, %add3A_1035 : i32
      %mul3A_1057 = arith.constant 2 : i32
      %mul3A_1058 = arith.muli %add3A_1056, %mul3A_1057 : i32
      %jit3A_1059 = arith.constant 128 : i32
      %div3A_1060 = arith.divsi %mul3A_1058, %jit3A_1059 : i32
      %sign3A_1061 = arith.constant 0 : i32
      %sign3A_1062 = arith.cmpi sgt, %mul3A_1058, %sign3A_1061 : i32
      %sign3A_1063 = arith.extui %sign3A_1062 : i1 to i32
      %sign3A_1064 = arith.constant 0 : i32
      %sign3A_1065 = arith.cmpi slt, %mul3A_1058, %sign3A_1064 : i32
      %sign3A_1066 = arith.extui %sign3A_1065 : i1 to i32
      %sign3A_1067 = arith.subi %sign3A_1063, %sign3A_1066 : i32
      %sign3A_1068 = arith.constant 0 : i32
      %sign3A_1069 = arith.cmpi sgt, %jit3A_1059, %sign3A_1068 : i32
      %sign3A_1070 = arith.extui %sign3A_1069 : i1 to i32
      %sign3A_1071 = arith.constant 0 : i32
      %sign3A_1072 = arith.cmpi slt, %jit3A_1059, %sign3A_1071 : i32
      %sign3A_1073 = arith.extui %sign3A_1072 : i1 to i32
      %sign3A_1074 = arith.subi %sign3A_1070, %sign3A_1073 : i32
      %ne3A_1075 = arith.cmpi ne, %sign3A_1067, %sign3A_1074 : i32
      %rem3A_1076 = arith.remsi %mul3A_1058, %jit3A_1059 : i32
      %ne3A_1077 = arith.constant 0 : i32
      %ne3A_1078 = arith.cmpi ne, %rem3A_1076, %ne3A_1077 : i32
      %and3A_1079 = arith.andi %ne3A_1075, %ne3A_1078 : i1
      %sub3A_1080 = arith.constant 1 : i32
      %sub3A_1081 = arith.subi %div3A_1060, %sub3A_1080 : i32
      %select_n3A_1082 = arith.select %and3A_1079, %sub3A_1081, %div3A_1060 : i32
      %jit3A_1083 = arith.constant 128 : i32
      %eq3A_1084 = arith.constant 0 : i32
      %eq3A_1085 = arith.cmpi eq, %jit3A_1083, %eq3A_1084 : i32
      %jit3A_1086 = arith.constant 1 : i32
      %select_n3A_1087 = arith.select %eq3A_1085, %jit3A_1086, %jit3A_1083 : i32
      %rem3A_1088 = arith.remsi %mul3A_1058, %select_n3A_1087 : i32
      %ne3A_1089 = arith.constant 0 : i32
      %ne3A_1090 = arith.cmpi ne, %rem3A_1088, %ne3A_1089 : i32
      %lt3A_1091 = arith.constant 0 : i32
      %lt3A_1092 = arith.cmpi slt, %rem3A_1088, %lt3A_1091 : i32
      %lt3A_1093 = arith.constant 0 : i32
      %lt3A_1094 = arith.cmpi slt, %select_n3A_1087, %lt3A_1093 : i32
      %ne3A_1095 = arith.xori %lt3A_1092, %lt3A_1094 : i1
      %and3A_1096 = arith.andi %ne3A_1095, %ne3A_1090 : i1
      %add3A_1097 = arith.addi %rem3A_1088, %select_n3A_1087 : i32
      %select_n3A_1098 = arith.select %and3A_1096, %add3A_1097, %rem3A_1088 : i32
      %add3A_1099 = arith.constant 0 : i32
      %add3A_1100 = arith.addi %select_n3A_1098, %add3A_1099 : i32
      %dma_start3A_1101 = arith.constant 0 : i32
      %dma_start3A_1102 = arith.constant 0 : i32
      %dma_start3A_1103 = arith.constant 0 : i32
      %dma_start3A_1104 = arith.constant 0 : i32
      %dma_start3A_1105 = tpu.memref_slice %arg9[%dma_start3A_1101, %dma_start3A_1103, %dma_start3A_1104] : memref<2x64x129xf32, #tpu.memory_space<vmem>> -> memref<1x8x128xf32, #tpu.memory_space<vmem>>
      %dma_start3A_1106 = tpu.memref_squeeze %dma_start3A_1105 : memref<1x8x128xf32, #tpu.memory_space<vmem>> -> memref<8x128xf32, #tpu.memory_space<vmem>>
      %dma_start3A_1107 = arith.constant 0 : i32
      %dma_start3A_1108 = arith.constant 0 : i32
      %dma_start3A_1109 = tpu.memref_slice %arg4[%select_n3A_1082, %dma_start3A_1102, %add3A_1100, %dma_start3A_1107, %dma_start3A_1108] : memref<50x8x128x8x128xf32, #tpu.memory_space<hbm>> -> memref<1x1x1x8x128xf32, #tpu.memory_space<hbm>>
      %dma_start3A_1110 = tpu.memref_squeeze %dma_start3A_1109 : memref<1x1x1x8x128xf32, #tpu.memory_space<hbm>> -> memref<8x128xf32, #tpu.memory_space<hbm>>
      %dma_start3A_1111 = arith.constant 0 : i32
      %dma_start3A_1112 = arith.constant 0 : i32
      %dma_start3A_1113 = tpu.memref_slice %arg4[%select_n3A_1082, %dma_start3A_1102, %add3A_1100, %dma_start3A_1111, %dma_start3A_1112] : memref<50x8x128x8x128xf32, #tpu.memory_space<hbm>> -> memref<1x1x1x8x128xf32, #tpu.memory_space<hbm>>
      %dma_start3A_1114 = tpu.memref_squeeze %dma_start3A_1113 : memref<1x1x1x8x128xf32, #tpu.memory_space<hbm>> -> memref<8x128xf32, #tpu.memory_space<hbm>>
      %dma_start3A_1115 = arith.constant 0 : i32
      %dma_start3A_1116 = arith.constant 0 : i32
      %dma_start3A_1117 = tpu.memref_slice %arg9[%dma_start3A_1101, %dma_start3A_1115, %dma_start3A_1116] : memref<2x64x129xf32, #tpu.memory_space<vmem>> -> memref<1x8x128xf32, #tpu.memory_space<vmem>>
      %dma_start3A_1118 = tpu.memref_squeeze %dma_start3A_1117 : memref<1x8x128xf32, #tpu.memory_space<vmem>> -> memref<8x128xf32, #tpu.memory_space<vmem>>
      tpu.enqueue_dma source(%dma_start3A_1118 : memref<8x128xf32, #tpu.memory_space<vmem>>) target(%dma_start3A_1114 : memref<8x128xf32, #tpu.memory_space<hbm>>) target_semaphore(%arg13 : memref<!tpu.dma_semaphore, #tpu.memory_space<semaphore_mem>>)
      %add3A_1119 = arith.constant 0 : i32
      %add3A_1120 = arith.addi %select_n3A_1098, %add3A_1119 : i32
      %dma_start3A_1121 = arith.constant 0 : i32
      %dma_start3A_1122 = arith.constant 1 : i32
      %dma_start3A_1123 = arith.constant 8 : i32
      %dma_start3A_1124 = arith.constant 0 : i32
      %dma_start3A_1125 = tpu.memref_slice %arg9[%dma_start3A_1121, %dma_start3A_1123, %dma_start3A_1124] : memref<2x64x129xf32, #tpu.memory_space<vmem>> -> memref<1x8x128xf32, #tpu.memory_space<vmem>>
      %dma_start3A_1126 = tpu.memref_squeeze %dma_start3A_1125 : memref<1x8x128xf32, #tpu.memory_space<vmem>> -> memref<8x128xf32, #tpu.memory_space<vmem>>
      %dma_start3A_1127 = arith.constant 0 : i32
      %dma_start3A_1128 = arith.constant 0 : i32
      %dma_start3A_1129 = tpu.memref_slice %arg4[%select_n3A_1082, %dma_start3A_1122, %add3A_1120, %dma_start3A_1127, %dma_start3A_1128] : memref<50x8x128x8x128xf32, #tpu.memory_space<hbm>> -> memref<1x1x1x8x128xf32, #tpu.memory_space<hbm>>
      %dma_start3A_1130 = tpu.memref_squeeze %dma_start3A_1129 : memref<1x1x1x8x128xf32, #tpu.memory_space<hbm>> -> memref<8x128xf32, #tpu.memory_space<hbm>>
      %dma_start3A_1131 = arith.constant 0 : i32
      %dma_start3A_1132 = arith.constant 0 : i32
      %dma_start3A_1133 = tpu.memref_slice %arg4[%select_n3A_1082, %dma_start3A_1122, %add3A_1120, %dma_start3A_1131, %dma_start3A_1132] : memref<50x8x128x8x128xf32, #tpu.memory_space<hbm>> -> memref<1x1x1x8x128xf32, #tpu.memory_space<hbm>>
      %dma_start3A_1134 = tpu.memref_squeeze %dma_start3A_1133 : memref<1x1x1x8x128xf32, #tpu.memory_space<hbm>> -> memref<8x128xf32, #tpu.memory_space<hbm>>
      %dma_start3A_1135 = arith.constant 8 : i32
      %dma_start3A_1136 = arith.constant 0 : i32
      %dma_start3A_1137 = tpu.memref_slice %arg9[%dma_start3A_1121, %dma_start3A_1135, %dma_start3A_1136] : memref<2x64x129xf32, #tpu.memory_space<vmem>> -> memref<1x8x128xf32, #tpu.memory_space<vmem>>
      %dma_start3A_1138 = tpu.memref_squeeze %dma_start3A_1137 : memref<1x8x128xf32, #tpu.memory_space<vmem>> -> memref<8x128xf32, #tpu.memory_space<vmem>>
      tpu.enqueue_dma source(%dma_start3A_1138 : memref<8x128xf32, #tpu.memory_space<vmem>>) target(%dma_start3A_1134 : memref<8x128xf32, #tpu.memory_space<hbm>>) target_semaphore(%arg13 : memref<!tpu.dma_semaphore, #tpu.memory_space<semaphore_mem>>)
      %add3A_1139 = arith.constant 0 : i32
      %add3A_1140 = arith.addi %select_n3A_1098, %add3A_1139 : i32
      %dma_start3A_1141 = arith.constant 0 : i32
      %dma_start3A_1142 = arith.constant 2 : i32
      %dma_start3A_1143 = arith.constant 16 : i32
      %dma_start3A_1144 = arith.constant 0 : i32
      %dma_start3A_1145 = tpu.memref_slice %arg9[%dma_start3A_1141, %dma_start3A_1143, %dma_start3A_1144] : memref<2x64x129xf32, #tpu.memory_space<vmem>> -> memref<1x8x128xf32, #tpu.memory_space<vmem>>
      %dma_start3A_1146 = tpu.memref_squeeze %dma_start3A_1145 : memref<1x8x128xf32, #tpu.memory_space<vmem>> -> memref<8x128xf32, #tpu.memory_space<vmem>>
      %dma_start3A_1147 = arith.constant 0 : i32
      %dma_start3A_1148 = arith.constant 0 : i32
      %dma_start3A_1149 = tpu.memref_slice %arg4[%select_n3A_1082, %dma_start3A_1142, %add3A_1140, %dma_start3A_1147, %dma_start3A_1148] : memref<50x8x128x8x128xf32, #tpu.memory_space<hbm>> -> memref<1x1x1x8x128xf32, #tpu.memory_space<hbm>>
      %dma_start3A_1150 = tpu.memref_squeeze %dma_start3A_1149 : memref<1x1x1x8x128xf32, #tpu.memory_space<hbm>> -> memref<8x128xf32, #tpu.memory_space<hbm>>
      %dma_start3A_1151 = arith.constant 0 : i32
      %dma_start3A_1152 = arith.constant 0 : i32
      %dma_start3A_1153 = tpu.memref_slice %arg4[%select_n3A_1082, %dma_start3A_1142, %add3A_1140, %dma_start3A_1151, %dma_start3A_1152] : memref<50x8x128x8x128xf32, #tpu.memory_space<hbm>> -> memref<1x1x1x8x128xf32, #tpu.memory_space<hbm>>
      %dma_start3A_1154 = tpu.memref_squeeze %dma_start3A_1153 : memref<1x1x1x8x128xf32, #tpu.memory_space<hbm>> -> memref<8x128xf32, #tpu.memory_space<hbm>>
      %dma_start3A_1155 = arith.constant 16 : i32
      %dma_start3A_1156 = arith.constant 0 : i32
      %dma_start3A_1157 = tpu.memref_slice %arg9[%dma_start3A_1141, %dma_start3A_1155, %dma_start3A_1156] : memref<2x64x129xf32, #tpu.memory_space<vmem>> -> memref<1x8x128xf32, #tpu.memory_space<vmem>>
      %dma_start3A_1158 = tpu.memref_squeeze %dma_start3A_1157 : memref<1x8x128xf32, #tpu.memory_space<vmem>> -> memref<8x128xf32, #tpu.memory_space<vmem>>
      tpu.enqueue_dma source(%dma_start3A_1158 : memref<8x128xf32, #tpu.memory_space<vmem>>) target(%dma_start3A_1154 : memref<8x128xf32, #tpu.memory_space<hbm>>) target_semaphore(%arg13 : memref<!tpu.dma_semaphore, #tpu.memory_space<semaphore_mem>>)
      %add3A_1159 = arith.constant 0 : i32
      %add3A_1160 = arith.addi %select_n3A_1098, %add3A_1159 : i32
      %dma_start3A_1161 = arith.constant 0 : i32
      %dma_start3A_1162 = arith.constant 3 : i32
      %dma_start3A_1163 = arith.constant 24 : i32
      %dma_start3A_1164 = arith.constant 0 : i32
      %dma_start3A_1165 = tpu.memref_slice %arg9[%dma_start3A_1161, %dma_start3A_1163, %dma_start3A_1164] : memref<2x64x129xf32, #tpu.memory_space<vmem>> -> memref<1x8x128xf32, #tpu.memory_space<vmem>>
      %dma_start3A_1166 = tpu.memref_squeeze %dma_start3A_1165 : memref<1x8x128xf32, #tpu.memory_space<vmem>> -> memref<8x128xf32, #tpu.memory_space<vmem>>
      %dma_start3A_1167 = arith.constant 0 : i32
      %dma_start3A_1168 = arith.constant 0 : i32
      %dma_start3A_1169 = tpu.memref_slice %arg4[%select_n3A_1082, %dma_start3A_1162, %add3A_1160, %dma_start3A_1167, %dma_start3A_1168] : memref<50x8x128x8x128xf32, #tpu.memory_space<hbm>> -> memref<1x1x1x8x128xf32, #tpu.memory_space<hbm>>
      %dma_start3A_1170 = tpu.memref_squeeze %dma_start3A_1169 : memref<1x1x1x8x128xf32, #tpu.memory_space<hbm>> -> memref<8x128xf32, #tpu.memory_space<hbm>>
      %dma_start3A_1171 = arith.constant 0 : i32
      %dma_start3A_1172 = arith.constant 0 : i32
      %dma_start3A_1173 = tpu.memref_slice %arg4[%select_n3A_1082, %dma_start3A_1162, %add3A_1160, %dma_start3A_1171, %dma_start3A_1172] : memref<50x8x128x8x128xf32, #tpu.memory_space<hbm>> -> memref<1x1x1x8x128xf32, #tpu.memory_space<hbm>>
      %dma_start3A_1174 = tpu.memref_squeeze %dma_start3A_1173 : memref<1x1x1x8x128xf32, #tpu.memory_space<hbm>> -> memref<8x128xf32, #tpu.memory_space<hbm>>
      %dma_start3A_1175 = arith.constant 24 : i32
      %dma_start3A_1176 = arith.constant 0 : i32
      %dma_start3A_1177 = tpu.memref_slice %arg9[%dma_start3A_1161, %dma_start3A_1175, %dma_start3A_1176] : memref<2x64x129xf32, #tpu.memory_space<vmem>> -> memref<1x8x128xf32, #tpu.memory_space<vmem>>
      %dma_start3A_1178 = tpu.memref_squeeze %dma_start3A_1177 : memref<1x8x128xf32, #tpu.memory_space<vmem>> -> memref<8x128xf32, #tpu.memory_space<vmem>>
      tpu.enqueue_dma source(%dma_start3A_1178 : memref<8x128xf32, #tpu.memory_space<vmem>>) target(%dma_start3A_1174 : memref<8x128xf32, #tpu.memory_space<hbm>>) target_semaphore(%arg13 : memref<!tpu.dma_semaphore, #tpu.memory_space<semaphore_mem>>)
      %add3A_1179 = arith.constant 0 : i32
      %add3A_1180 = arith.addi %select_n3A_1098, %add3A_1179 : i32
      %dma_start3A_1181 = arith.constant 0 : i32
      %dma_start3A_1182 = arith.constant 4 : i32
      %dma_start3A_1183 = arith.constant 32 : i32
      %dma_start3A_1184 = arith.constant 0 : i32
      %dma_start3A_1185 = tpu.memref_slice %arg9[%dma_start3A_1181, %dma_start3A_1183, %dma_start3A_1184] : memref<2x64x129xf32, #tpu.memory_space<vmem>> -> memref<1x8x128xf32, #tpu.memory_space<vmem>>
      %dma_start3A_1186 = tpu.memref_squeeze %dma_start3A_1185 : memref<1x8x128xf32, #tpu.memory_space<vmem>> -> memref<8x128xf32, #tpu.memory_space<vmem>>
      %dma_start3A_1187 = arith.constant 0 : i32
      %dma_start3A_1188 = arith.constant 0 : i32
      %dma_start3A_1189 = tpu.memref_slice %arg4[%select_n3A_1082, %dma_start3A_1182, %add3A_1180, %dma_start3A_1187, %dma_start3A_1188] : memref<50x8x128x8x128xf32, #tpu.memory_space<hbm>> -> memref<1x1x1x8x128xf32, #tpu.memory_space<hbm>>
      %dma_start3A_1190 = tpu.memref_squeeze %dma_start3A_1189 : memref<1x1x1x8x128xf32, #tpu.memory_space<hbm>> -> memref<8x128xf32, #tpu.memory_space<hbm>>
      %dma_start3A_1191 = arith.constant 0 : i32
      %dma_start3A_1192 = arith.constant 0 : i32
      %dma_start3A_1193 = tpu.memref_slice %arg4[%select_n3A_1082, %dma_start3A_1182, %add3A_1180, %dma_start3A_1191, %dma_start3A_1192] : memref<50x8x128x8x128xf32, #tpu.memory_space<hbm>> -> memref<1x1x1x8x128xf32, #tpu.memory_space<hbm>>
      %dma_start3A_1194 = tpu.memref_squeeze %dma_start3A_1193 : memref<1x1x1x8x128xf32, #tpu.memory_space<hbm>> -> memref<8x128xf32, #tpu.memory_space<hbm>>
      %dma_start3A_1195 = arith.constant 32 : i32
      %dma_start3A_1196 = arith.constant 0 : i32
      %dma_start3A_1197 = tpu.memref_slice %arg9[%dma_start3A_1181, %dma_start3A_1195, %dma_start3A_1196] : memref<2x64x129xf32, #tpu.memory_space<vmem>> -> memref<1x8x128xf32, #tpu.memory_space<vmem>>
      %dma_start3A_1198 = tpu.memref_squeeze %dma_start3A_1197 : memref<1x8x128xf32, #tpu.memory_space<vmem>> -> memref<8x128xf32, #tpu.memory_space<vmem>>
      tpu.enqueue_dma source(%dma_start3A_1198 : memref<8x128xf32, #tpu.memory_space<vmem>>) target(%dma_start3A_1194 : memref<8x128xf32, #tpu.memory_space<hbm>>) target_semaphore(%arg13 : memref<!tpu.dma_semaphore, #tpu.memory_space<semaphore_mem>>)
      %add3A_1199 = arith.constant 0 : i32
      %add3A_1200 = arith.addi %select_n3A_1098, %add3A_1199 : i32
      %dma_start3A_1201 = arith.constant 0 : i32
      %dma_start3A_1202 = arith.constant 5 : i32
      %dma_start3A_1203 = arith.constant 40 : i32
      %dma_start3A_1204 = arith.constant 0 : i32
      %dma_start3A_1205 = tpu.memref_slice %arg9[%dma_start3A_1201, %dma_start3A_1203, %dma_start3A_1204] : memref<2x64x129xf32, #tpu.memory_space<vmem>> -> memref<1x8x128xf32, #tpu.memory_space<vmem>>
      %dma_start3A_1206 = tpu.memref_squeeze %dma_start3A_1205 : memref<1x8x128xf32, #tpu.memory_space<vmem>> -> memref<8x128xf32, #tpu.memory_space<vmem>>
      %dma_start3A_1207 = arith.constant 0 : i32
      %dma_start3A_1208 = arith.constant 0 : i32
      %dma_start3A_1209 = tpu.memref_slice %arg4[%select_n3A_1082, %dma_start3A_1202, %add3A_1200, %dma_start3A_1207, %dma_start3A_1208] : memref<50x8x128x8x128xf32, #tpu.memory_space<hbm>> -> memref<1x1x1x8x128xf32, #tpu.memory_space<hbm>>
      %dma_start3A_1210 = tpu.memref_squeeze %dma_start3A_1209 : memref<1x1x1x8x128xf32, #tpu.memory_space<hbm>> -> memref<8x128xf32, #tpu.memory_space<hbm>>
      %dma_start3A_1211 = arith.constant 0 : i32
      %dma_start3A_1212 = arith.constant 0 : i32
      %dma_start3A_1213 = tpu.memref_slice %arg4[%select_n3A_1082, %dma_start3A_1202, %add3A_1200, %dma_start3A_1211, %dma_start3A_1212] : memref<50x8x128x8x128xf32, #tpu.memory_space<hbm>> -> memref<1x1x1x8x128xf32, #tpu.memory_space<hbm>>
      %dma_start3A_1214 = tpu.memref_squeeze %dma_start3A_1213 : memref<1x1x1x8x128xf32, #tpu.memory_space<hbm>> -> memref<8x128xf32, #tpu.memory_space<hbm>>
      %dma_start3A_1215 = arith.constant 40 : i32
      %dma_start3A_1216 = arith.constant 0 : i32
      %dma_start3A_1217 = tpu.memref_slice %arg9[%dma_start3A_1201, %dma_start3A_1215, %dma_start3A_1216] : memref<2x64x129xf32, #tpu.memory_space<vmem>> -> memref<1x8x128xf32, #tpu.memory_space<vmem>>
      %dma_start3A_1218 = tpu.memref_squeeze %dma_start3A_1217 : memref<1x8x128xf32, #tpu.memory_space<vmem>> -> memref<8x128xf32, #tpu.memory_space<vmem>>
      tpu.enqueue_dma source(%dma_start3A_1218 : memref<8x128xf32, #tpu.memory_space<vmem>>) target(%dma_start3A_1214 : memref<8x128xf32, #tpu.memory_space<hbm>>) target_semaphore(%arg13 : memref<!tpu.dma_semaphore, #tpu.memory_space<semaphore_mem>>)
      %add3A_1219 = arith.constant 0 : i32
      %add3A_1220 = arith.addi %select_n3A_1098, %add3A_1219 : i32
      %dma_start3A_1221 = arith.constant 0 : i32
      %dma_start3A_1222 = arith.constant 6 : i32
      %dma_start3A_1223 = arith.constant 48 : i32
      %dma_start3A_1224 = arith.constant 0 : i32
      %dma_start3A_1225 = tpu.memref_slice %arg9[%dma_start3A_1221, %dma_start3A_1223, %dma_start3A_1224] : memref<2x64x129xf32, #tpu.memory_space<vmem>> -> memref<1x8x128xf32, #tpu.memory_space<vmem>>
      %dma_start3A_1226 = tpu.memref_squeeze %dma_start3A_1225 : memref<1x8x128xf32, #tpu.memory_space<vmem>> -> memref<8x128xf32, #tpu.memory_space<vmem>>
      %dma_start3A_1227 = arith.constant 0 : i32
      %dma_start3A_1228 = arith.constant 0 : i32
      %dma_start3A_1229 = tpu.memref_slice %arg4[%select_n3A_1082, %dma_start3A_1222, %add3A_1220, %dma_start3A_1227, %dma_start3A_1228] : memref<50x8x128x8x128xf32, #tpu.memory_space<hbm>> -> memref<1x1x1x8x128xf32, #tpu.memory_space<hbm>>
      %dma_start3A_1230 = tpu.memref_squeeze %dma_start3A_1229 : memref<1x1x1x8x128xf32, #tpu.memory_space<hbm>> -> memref<8x128xf32, #tpu.memory_space<hbm>>
      %dma_start3A_1231 = arith.constant 0 : i32
      %dma_start3A_1232 = arith.constant 0 : i32
      %dma_start3A_1233 = tpu.memref_slice %arg4[%select_n3A_1082, %dma_start3A_1222, %add3A_1220, %dma_start3A_1231, %dma_start3A_1232] : memref<50x8x128x8x128xf32, #tpu.memory_space<hbm>> -> memref<1x1x1x8x128xf32, #tpu.memory_space<hbm>>
      %dma_start3A_1234 = tpu.memref_squeeze %dma_start3A_1233 : memref<1x1x1x8x128xf32, #tpu.memory_space<hbm>> -> memref<8x128xf32, #tpu.memory_space<hbm>>
      %dma_start3A_1235 = arith.constant 48 : i32
      %dma_start3A_1236 = arith.constant 0 : i32
      %dma_start3A_1237 = tpu.memref_slice %arg9[%dma_start3A_1221, %dma_start3A_1235, %dma_start3A_1236] : memref<2x64x129xf32, #tpu.memory_space<vmem>> -> memref<1x8x128xf32, #tpu.memory_space<vmem>>
      %dma_start3A_1238 = tpu.memref_squeeze %dma_start3A_1237 : memref<1x8x128xf32, #tpu.memory_space<vmem>> -> memref<8x128xf32, #tpu.memory_space<vmem>>
      tpu.enqueue_dma source(%dma_start3A_1238 : memref<8x128xf32, #tpu.memory_space<vmem>>) target(%dma_start3A_1234 : memref<8x128xf32, #tpu.memory_space<hbm>>) target_semaphore(%arg13 : memref<!tpu.dma_semaphore, #tpu.memory_space<semaphore_mem>>)
      %add3A_1239 = arith.constant 0 : i32
      %add3A_1240 = arith.addi %select_n3A_1098, %add3A_1239 : i32
      %dma_start3A_1241 = arith.constant 0 : i32
      %dma_start3A_1242 = arith.constant 7 : i32
      %dma_start3A_1243 = arith.constant 56 : i32
      %dma_start3A_1244 = arith.constant 0 : i32
      %dma_start3A_1245 = tpu.memref_slice %arg9[%dma_start3A_1241, %dma_start3A_1243, %dma_start3A_1244] : memref<2x64x129xf32, #tpu.memory_space<vmem>> -> memref<1x8x128xf32, #tpu.memory_space<vmem>>
      %dma_start3A_1246 = tpu.memref_squeeze %dma_start3A_1245 : memref<1x8x128xf32, #tpu.memory_space<vmem>> -> memref<8x128xf32, #tpu.memory_space<vmem>>
      %dma_start3A_1247 = arith.constant 0 : i32
      %dma_start3A_1248 = arith.constant 0 : i32
      %dma_start3A_1249 = tpu.memref_slice %arg4[%select_n3A_1082, %dma_start3A_1242, %add3A_1240, %dma_start3A_1247, %dma_start3A_1248] : memref<50x8x128x8x128xf32, #tpu.memory_space<hbm>> -> memref<1x1x1x8x128xf32, #tpu.memory_space<hbm>>
      %dma_start3A_1250 = tpu.memref_squeeze %dma_start3A_1249 : memref<1x1x1x8x128xf32, #tpu.memory_space<hbm>> -> memref<8x128xf32, #tpu.memory_space<hbm>>
      %dma_start3A_1251 = arith.constant 0 : i32
      %dma_start3A_1252 = arith.constant 0 : i32
      %dma_start3A_1253 = tpu.memref_slice %arg4[%select_n3A_1082, %dma_start3A_1242, %add3A_1240, %dma_start3A_1251, %dma_start3A_1252] : memref<50x8x128x8x128xf32, #tpu.memory_space<hbm>> -> memref<1x1x1x8x128xf32, #tpu.memory_space<hbm>>
      %dma_start3A_1254 = tpu.memref_squeeze %dma_start3A_1253 : memref<1x1x1x8x128xf32, #tpu.memory_space<hbm>> -> memref<8x128xf32, #tpu.memory_space<hbm>>
      %dma_start3A_1255 = arith.constant 56 : i32
      %dma_start3A_1256 = arith.constant 0 : i32
      %dma_start3A_1257 = tpu.memref_slice %arg9[%dma_start3A_1241, %dma_start3A_1255, %dma_start3A_1256] : memref<2x64x129xf32, #tpu.memory_space<vmem>> -> memref<1x8x128xf32, #tpu.memory_space<vmem>>
      %dma_start3A_1258 = tpu.memref_squeeze %dma_start3A_1257 : memref<1x8x128xf32, #tpu.memory_space<vmem>> -> memref<8x128xf32, #tpu.memory_space<vmem>>
      tpu.enqueue_dma source(%dma_start3A_1258 : memref<8x128xf32, #tpu.memory_space<vmem>>) target(%dma_start3A_1254 : memref<8x128xf32, #tpu.memory_space<hbm>>) target_semaphore(%arg13 : memref<!tpu.dma_semaphore, #tpu.memory_space<semaphore_mem>>)
      %add3A_1259 = arith.constant 1 : i32
      %add3A_1260 = arith.addi %select_n3A_1098, %add3A_1259 : i32
      %dma_start3A_1261 = arith.constant 1 : i32
      %dma_start3A_1262 = arith.constant 0 : i32
      %dma_start3A_1263 = arith.constant 0 : i32
      %dma_start3A_1264 = arith.constant 0 : i32
      %dma_start3A_1265 = tpu.memref_slice %arg9[%dma_start3A_1261, %dma_start3A_1263, %dma_start3A_1264] : memref<2x64x129xf32, #tpu.memory_space<vmem>> -> memref<1x8x128xf32, #tpu.memory_space<vmem>>
      %dma_start3A_1266 = tpu.memref_squeeze %dma_start3A_1265 : memref<1x8x128xf32, #tpu.memory_space<vmem>> -> memref<8x128xf32, #tpu.memory_space<vmem>>
      %dma_start3A_1267 = arith.constant 0 : i32
      %dma_start3A_1268 = arith.constant 0 : i32
      %dma_start3A_1269 = tpu.memref_slice %arg4[%select_n3A_1082, %dma_start3A_1262, %add3A_1260, %dma_start3A_1267, %dma_start3A_1268] : memref<50x8x128x8x128xf32, #tpu.memory_space<hbm>> -> memref<1x1x1x8x128xf32, #tpu.memory_space<hbm>>
      %dma_start3A_1270 = tpu.memref_squeeze %dma_start3A_1269 : memref<1x1x1x8x128xf32, #tpu.memory_space<hbm>> -> memref<8x128xf32, #tpu.memory_space<hbm>>
      %dma_start3A_1271 = arith.constant 0 : i32
      %dma_start3A_1272 = arith.constant 0 : i32
      %dma_start3A_1273 = tpu.memref_slice %arg4[%select_n3A_1082, %dma_start3A_1262, %add3A_1260, %dma_start3A_1271, %dma_start3A_1272] : memref<50x8x128x8x128xf32, #tpu.memory_space<hbm>> -> memref<1x1x1x8x128xf32, #tpu.memory_space<hbm>>
      %dma_start3A_1274 = tpu.memref_squeeze %dma_start3A_1273 : memref<1x1x1x8x128xf32, #tpu.memory_space<hbm>> -> memref<8x128xf32, #tpu.memory_space<hbm>>
      %dma_start3A_1275 = arith.constant 0 : i32
      %dma_start3A_1276 = arith.constant 0 : i32
      %dma_start3A_1277 = tpu.memref_slice %arg9[%dma_start3A_1261, %dma_start3A_1275, %dma_start3A_1276] : memref<2x64x129xf32, #tpu.memory_space<vmem>> -> memref<1x8x128xf32, #tpu.memory_space<vmem>>
      %dma_start3A_1278 = tpu.memref_squeeze %dma_start3A_1277 : memref<1x8x128xf32, #tpu.memory_space<vmem>> -> memref<8x128xf32, #tpu.memory_space<vmem>>
      tpu.enqueue_dma source(%dma_start3A_1278 : memref<8x128xf32, #tpu.memory_space<vmem>>) target(%dma_start3A_1274 : memref<8x128xf32, #tpu.memory_space<hbm>>) target_semaphore(%arg13 : memref<!tpu.dma_semaphore, #tpu.memory_space<semaphore_mem>>)
      %add3A_1279 = arith.constant 1 : i32
      %add3A_1280 = arith.addi %select_n3A_1098, %add3A_1279 : i32
      %dma_start3A_1281 = arith.constant 1 : i32
      %dma_start3A_1282 = arith.constant 1 : i32
      %dma_start3A_1283 = arith.constant 8 : i32
      %dma_start3A_1284 = arith.constant 0 : i32
      %dma_start3A_1285 = tpu.memref_slice %arg9[%dma_start3A_1281, %dma_start3A_1283, %dma_start3A_1284] : memref<2x64x129xf32, #tpu.memory_space<vmem>> -> memref<1x8x128xf32, #tpu.memory_space<vmem>>
      %dma_start3A_1286 = tpu.memref_squeeze %dma_start3A_1285 : memref<1x8x128xf32, #tpu.memory_space<vmem>> -> memref<8x128xf32, #tpu.memory_space<vmem>>
      %dma_start3A_1287 = arith.constant 0 : i32
      %dma_start3A_1288 = arith.constant 0 : i32
      %dma_start3A_1289 = tpu.memref_slice %arg4[%select_n3A_1082, %dma_start3A_1282, %add3A_1280, %dma_start3A_1287, %dma_start3A_1288] : memref<50x8x128x8x128xf32, #tpu.memory_space<hbm>> -> memref<1x1x1x8x128xf32, #tpu.memory_space<hbm>>
      %dma_start3A_1290 = tpu.memref_squeeze %dma_start3A_1289 : memref<1x1x1x8x128xf32, #tpu.memory_space<hbm>> -> memref<8x128xf32, #tpu.memory_space<hbm>>
      %dma_start3A_1291 = arith.constant 0 : i32
      %dma_start3A_1292 = arith.constant 0 : i32
      %dma_start3A_1293 = tpu.memref_slice %arg4[%select_n3A_1082, %dma_start3A_1282, %add3A_1280, %dma_start3A_1291, %dma_start3A_1292] : memref<50x8x128x8x128xf32, #tpu.memory_space<hbm>> -> memref<1x1x1x8x128xf32, #tpu.memory_space<hbm>>
      %dma_start3A_1294 = tpu.memref_squeeze %dma_start3A_1293 : memref<1x1x1x8x128xf32, #tpu.memory_space<hbm>> -> memref<8x128xf32, #tpu.memory_space<hbm>>
      %dma_start3A_1295 = arith.constant 8 : i32
      %dma_start3A_1296 = arith.constant 0 : i32
      %dma_start3A_1297 = tpu.memref_slice %arg9[%dma_start3A_1281, %dma_start3A_1295, %dma_start3A_1296] : memref<2x64x129xf32, #tpu.memory_space<vmem>> -> memref<1x8x128xf32, #tpu.memory_space<vmem>>
      %dma_start3A_1298 = tpu.memref_squeeze %dma_start3A_1297 : memref<1x8x128xf32, #tpu.memory_space<vmem>> -> memref<8x128xf32, #tpu.memory_space<vmem>>
      tpu.enqueue_dma source(%dma_start3A_1298 : memref<8x128xf32, #tpu.memory_space<vmem>>) target(%dma_start3A_1294 : memref<8x128xf32, #tpu.memory_space<hbm>>) target_semaphore(%arg13 : memref<!tpu.dma_semaphore, #tpu.memory_space<semaphore_mem>>)
      %add3A_1299 = arith.constant 1 : i32
      %add3A_1300 = arith.addi %select_n3A_1098, %add3A_1299 : i32
      %dma_start3A_1301 = arith.constant 1 : i32
      %dma_start3A_1302 = arith.constant 2 : i32
      %dma_start3A_1303 = arith.constant 16 : i32
      %dma_start3A_1304 = arith.constant 0 : i32
      %dma_start3A_1305 = tpu.memref_slice %arg9[%dma_start3A_1301, %dma_start3A_1303, %dma_start3A_1304] : memref<2x64x129xf32, #tpu.memory_space<vmem>> -> memref<1x8x128xf32, #tpu.memory_space<vmem>>
      %dma_start3A_1306 = tpu.memref_squeeze %dma_start3A_1305 : memref<1x8x128xf32, #tpu.memory_space<vmem>> -> memref<8x128xf32, #tpu.memory_space<vmem>>
      %dma_start3A_1307 = arith.constant 0 : i32
      %dma_start3A_1308 = arith.constant 0 : i32
      %dma_start3A_1309 = tpu.memref_slice %arg4[%select_n3A_1082, %dma_start3A_1302, %add3A_1300, %dma_start3A_1307, %dma_start3A_1308] : memref<50x8x128x8x128xf32, #tpu.memory_space<hbm>> -> memref<1x1x1x8x128xf32, #tpu.memory_space<hbm>>
      %dma_start3A_1310 = tpu.memref_squeeze %dma_start3A_1309 : memref<1x1x1x8x128xf32, #tpu.memory_space<hbm>> -> memref<8x128xf32, #tpu.memory_space<hbm>>
      %dma_start3A_1311 = arith.constant 0 : i32
      %dma_start3A_1312 = arith.constant 0 : i32
      %dma_start3A_1313 = tpu.memref_slice %arg4[%select_n3A_1082, %dma_start3A_1302, %add3A_1300, %dma_start3A_1311, %dma_start3A_1312] : memref<50x8x128x8x128xf32, #tpu.memory_space<hbm>> -> memref<1x1x1x8x128xf32, #tpu.memory_space<hbm>>
      %dma_start3A_1314 = tpu.memref_squeeze %dma_start3A_1313 : memref<1x1x1x8x128xf32, #tpu.memory_space<hbm>> -> memref<8x128xf32, #tpu.memory_space<hbm>>
      %dma_start3A_1315 = arith.constant 16 : i32
      %dma_start3A_1316 = arith.constant 0 : i32
      %dma_start3A_1317 = tpu.memref_slice %arg9[%dma_start3A_1301, %dma_start3A_1315, %dma_start3A_1316] : memref<2x64x129xf32, #tpu.memory_space<vmem>> -> memref<1x8x128xf32, #tpu.memory_space<vmem>>
      %dma_start3A_1318 = tpu.memref_squeeze %dma_start3A_1317 : memref<1x8x128xf32, #tpu.memory_space<vmem>> -> memref<8x128xf32, #tpu.memory_space<vmem>>
      tpu.enqueue_dma source(%dma_start3A_1318 : memref<8x128xf32, #tpu.memory_space<vmem>>) target(%dma_start3A_1314 : memref<8x128xf32, #tpu.memory_space<hbm>>) target_semaphore(%arg13 : memref<!tpu.dma_semaphore, #tpu.memory_space<semaphore_mem>>)
      %add3A_1319 = arith.constant 1 : i32
      %add3A_1320 = arith.addi %select_n3A_1098, %add3A_1319 : i32
      %dma_start3A_1321 = arith.constant 1 : i32
      %dma_start3A_1322 = arith.constant 3 : i32
      %dma_start3A_1323 = arith.constant 24 : i32
      %dma_start3A_1324 = arith.constant 0 : i32
      %dma_start3A_1325 = tpu.memref_slice %arg9[%dma_start3A_1321, %dma_start3A_1323, %dma_start3A_1324] : memref<2x64x129xf32, #tpu.memory_space<vmem>> -> memref<1x8x128xf32, #tpu.memory_space<vmem>>
      %dma_start3A_1326 = tpu.memref_squeeze %dma_start3A_1325 : memref<1x8x128xf32, #tpu.memory_space<vmem>> -> memref<8x128xf32, #tpu.memory_space<vmem>>
      %dma_start3A_1327 = arith.constant 0 : i32
      %dma_start3A_1328 = arith.constant 0 : i32
      %dma_start3A_1329 = tpu.memref_slice %arg4[%select_n3A_1082, %dma_start3A_1322, %add3A_1320, %dma_start3A_1327, %dma_start3A_1328] : memref<50x8x128x8x128xf32, #tpu.memory_space<hbm>> -> memref<1x1x1x8x128xf32, #tpu.memory_space<hbm>>
      %dma_start3A_1330 = tpu.memref_squeeze %dma_start3A_1329 : memref<1x1x1x8x128xf32, #tpu.memory_space<hbm>> -> memref<8x128xf32, #tpu.memory_space<hbm>>
      %dma_start3A_1331 = arith.constant 0 : i32
      %dma_start3A_1332 = arith.constant 0 : i32
      %dma_start3A_1333 = tpu.memref_slice %arg4[%select_n3A_1082, %dma_start3A_1322, %add3A_1320, %dma_start3A_1331, %dma_start3A_1332] : memref<50x8x128x8x128xf32, #tpu.memory_space<hbm>> -> memref<1x1x1x8x128xf32, #tpu.memory_space<hbm>>
      %dma_start3A_1334 = tpu.memref_squeeze %dma_start3A_1333 : memref<1x1x1x8x128xf32, #tpu.memory_space<hbm>> -> memref<8x128xf32, #tpu.memory_space<hbm>>
      %dma_start3A_1335 = arith.constant 24 : i32
      %dma_start3A_1336 = arith.constant 0 : i32
      %dma_start3A_1337 = tpu.memref_slice %arg9[%dma_start3A_1321, %dma_start3A_1335, %dma_start3A_1336] : memref<2x64x129xf32, #tpu.memory_space<vmem>> -> memref<1x8x128xf32, #tpu.memory_space<vmem>>
      %dma_start3A_1338 = tpu.memref_squeeze %dma_start3A_1337 : memref<1x8x128xf32, #tpu.memory_space<vmem>> -> memref<8x128xf32, #tpu.memory_space<vmem>>
      tpu.enqueue_dma source(%dma_start3A_1338 : memref<8x128xf32, #tpu.memory_space<vmem>>) target(%dma_start3A_1334 : memref<8x128xf32, #tpu.memory_space<hbm>>) target_semaphore(%arg13 : memref<!tpu.dma_semaphore, #tpu.memory_space<semaphore_mem>>)
      %add3A_1339 = arith.constant 1 : i32
      %add3A_1340 = arith.addi %select_n3A_1098, %add3A_1339 : i32
      %dma_start3A_1341 = arith.constant 1 : i32
      %dma_start3A_1342 = arith.constant 4 : i32
      %dma_start3A_1343 = arith.constant 32 : i32
      %dma_start3A_1344 = arith.constant 0 : i32
      %dma_start3A_1345 = tpu.memref_slice %arg9[%dma_start3A_1341, %dma_start3A_1343, %dma_start3A_1344] : memref<2x64x129xf32, #tpu.memory_space<vmem>> -> memref<1x8x128xf32, #tpu.memory_space<vmem>>
      %dma_start3A_1346 = tpu.memref_squeeze %dma_start3A_1345 : memref<1x8x128xf32, #tpu.memory_space<vmem>> -> memref<8x128xf32, #tpu.memory_space<vmem>>
      %dma_start3A_1347 = arith.constant 0 : i32
      %dma_start3A_1348 = arith.constant 0 : i32
      %dma_start3A_1349 = tpu.memref_slice %arg4[%select_n3A_1082, %dma_start3A_1342, %add3A_1340, %dma_start3A_1347, %dma_start3A_1348] : memref<50x8x128x8x128xf32, #tpu.memory_space<hbm>> -> memref<1x1x1x8x128xf32, #tpu.memory_space<hbm>>
      %dma_start3A_1350 = tpu.memref_squeeze %dma_start3A_1349 : memref<1x1x1x8x128xf32, #tpu.memory_space<hbm>> -> memref<8x128xf32, #tpu.memory_space<hbm>>
      %dma_start3A_1351 = arith.constant 0 : i32
      %dma_start3A_1352 = arith.constant 0 : i32
      %dma_start3A_1353 = tpu.memref_slice %arg4[%select_n3A_1082, %dma_start3A_1342, %add3A_1340, %dma_start3A_1351, %dma_start3A_1352] : memref<50x8x128x8x128xf32, #tpu.memory_space<hbm>> -> memref<1x1x1x8x128xf32, #tpu.memory_space<hbm>>
      %dma_start3A_1354 = tpu.memref_squeeze %dma_start3A_1353 : memref<1x1x1x8x128xf32, #tpu.memory_space<hbm>> -> memref<8x128xf32, #tpu.memory_space<hbm>>
      %dma_start3A_1355 = arith.constant 32 : i32
      %dma_start3A_1356 = arith.constant 0 : i32
      %dma_start3A_1357 = tpu.memref_slice %arg9[%dma_start3A_1341, %dma_start3A_1355, %dma_start3A_1356] : memref<2x64x129xf32, #tpu.memory_space<vmem>> -> memref<1x8x128xf32, #tpu.memory_space<vmem>>
      %dma_start3A_1358 = tpu.memref_squeeze %dma_start3A_1357 : memref<1x8x128xf32, #tpu.memory_space<vmem>> -> memref<8x128xf32, #tpu.memory_space<vmem>>
      tpu.enqueue_dma source(%dma_start3A_1358 : memref<8x128xf32, #tpu.memory_space<vmem>>) target(%dma_start3A_1354 : memref<8x128xf32, #tpu.memory_space<hbm>>) target_semaphore(%arg13 : memref<!tpu.dma_semaphore, #tpu.memory_space<semaphore_mem>>)
      %add3A_1359 = arith.constant 1 : i32
      %add3A_1360 = arith.addi %select_n3A_1098, %add3A_1359 : i32
      %dma_start3A_1361 = arith.constant 1 : i32
      %dma_start3A_1362 = arith.constant 5 : i32
      %dma_start3A_1363 = arith.constant 40 : i32
      %dma_start3A_1364 = arith.constant 0 : i32
      %dma_start3A_1365 = tpu.memref_slice %arg9[%dma_start3A_1361, %dma_start3A_1363, %dma_start3A_1364] : memref<2x64x129xf32, #tpu.memory_space<vmem>> -> memref<1x8x128xf32, #tpu.memory_space<vmem>>
      %dma_start3A_1366 = tpu.memref_squeeze %dma_start3A_1365 : memref<1x8x128xf32, #tpu.memory_space<vmem>> -> memref<8x128xf32, #tpu.memory_space<vmem>>
      %dma_start3A_1367 = arith.constant 0 : i32
      %dma_start3A_1368 = arith.constant 0 : i32
      %dma_start3A_1369 = tpu.memref_slice %arg4[%select_n3A_1082, %dma_start3A_1362, %add3A_1360, %dma_start3A_1367, %dma_start3A_1368] : memref<50x8x128x8x128xf32, #tpu.memory_space<hbm>> -> memref<1x1x1x8x128xf32, #tpu.memory_space<hbm>>
      %dma_start3A_1370 = tpu.memref_squeeze %dma_start3A_1369 : memref<1x1x1x8x128xf32, #tpu.memory_space<hbm>> -> memref<8x128xf32, #tpu.memory_space<hbm>>
      %dma_start3A_1371 = arith.constant 0 : i32
      %dma_start3A_1372 = arith.constant 0 : i32
      %dma_start3A_1373 = tpu.memref_slice %arg4[%select_n3A_1082, %dma_start3A_1362, %add3A_1360, %dma_start3A_1371, %dma_start3A_1372] : memref<50x8x128x8x128xf32, #tpu.memory_space<hbm>> -> memref<1x1x1x8x128xf32, #tpu.memory_space<hbm>>
      %dma_start3A_1374 = tpu.memref_squeeze %dma_start3A_1373 : memref<1x1x1x8x128xf32, #tpu.memory_space<hbm>> -> memref<8x128xf32, #tpu.memory_space<hbm>>
      %dma_start3A_1375 = arith.constant 40 : i32
      %dma_start3A_1376 = arith.constant 0 : i32
      %dma_start3A_1377 = tpu.memref_slice %arg9[%dma_start3A_1361, %dma_start3A_1375, %dma_start3A_1376] : memref<2x64x129xf32, #tpu.memory_space<vmem>> -> memref<1x8x128xf32, #tpu.memory_space<vmem>>
      %dma_start3A_1378 = tpu.memref_squeeze %dma_start3A_1377 : memref<1x8x128xf32, #tpu.memory_space<vmem>> -> memref<8x128xf32, #tpu.memory_space<vmem>>
      tpu.enqueue_dma source(%dma_start3A_1378 : memref<8x128xf32, #tpu.memory_space<vmem>>) target(%dma_start3A_1374 : memref<8x128xf32, #tpu.memory_space<hbm>>) target_semaphore(%arg13 : memref<!tpu.dma_semaphore, #tpu.memory_space<semaphore_mem>>)
      %add3A_1379 = arith.constant 1 : i32
      %add3A_1380 = arith.addi %select_n3A_1098, %add3A_1379 : i32
      %dma_start3A_1381 = arith.constant 1 : i32
      %dma_start3A_1382 = arith.constant 6 : i32
      %dma_start3A_1383 = arith.constant 48 : i32
      %dma_start3A_1384 = arith.constant 0 : i32
      %dma_start3A_1385 = tpu.memref_slice %arg9[%dma_start3A_1381, %dma_start3A_1383, %dma_start3A_1384] : memref<2x64x129xf32, #tpu.memory_space<vmem>> -> memref<1x8x128xf32, #tpu.memory_space<vmem>>
      %dma_start3A_1386 = tpu.memref_squeeze %dma_start3A_1385 : memref<1x8x128xf32, #tpu.memory_space<vmem>> -> memref<8x128xf32, #tpu.memory_space<vmem>>
      %dma_start3A_1387 = arith.constant 0 : i32
      %dma_start3A_1388 = arith.constant 0 : i32
      %dma_start3A_1389 = tpu.memref_slice %arg4[%select_n3A_1082, %dma_start3A_1382, %add3A_1380, %dma_start3A_1387, %dma_start3A_1388] : memref<50x8x128x8x128xf32, #tpu.memory_space<hbm>> -> memref<1x1x1x8x128xf32, #tpu.memory_space<hbm>>
      %dma_start3A_1390 = tpu.memref_squeeze %dma_start3A_1389 : memref<1x1x1x8x128xf32, #tpu.memory_space<hbm>> -> memref<8x128xf32, #tpu.memory_space<hbm>>
      %dma_start3A_1391 = arith.constant 0 : i32
      %dma_start3A_1392 = arith.constant 0 : i32
      %dma_start3A_1393 = tpu.memref_slice %arg4[%select_n3A_1082, %dma_start3A_1382, %add3A_1380, %dma_start3A_1391, %dma_start3A_1392] : memref<50x8x128x8x128xf32, #tpu.memory_space<hbm>> -> memref<1x1x1x8x128xf32, #tpu.memory_space<hbm>>
      %dma_start3A_1394 = tpu.memref_squeeze %dma_start3A_1393 : memref<1x1x1x8x128xf32, #tpu.memory_space<hbm>> -> memref<8x128xf32, #tpu.memory_space<hbm>>
      %dma_start3A_1395 = arith.constant 48 : i32
      %dma_start3A_1396 = arith.constant 0 : i32
      %dma_start3A_1397 = tpu.memref_slice %arg9[%dma_start3A_1381, %dma_start3A_1395, %dma_start3A_1396] : memref<2x64x129xf32, #tpu.memory_space<vmem>> -> memref<1x8x128xf32, #tpu.memory_space<vmem>>
      %dma_start3A_1398 = tpu.memref_squeeze %dma_start3A_1397 : memref<1x8x128xf32, #tpu.memory_space<vmem>> -> memref<8x128xf32, #tpu.memory_space<vmem>>
      tpu.enqueue_dma source(%dma_start3A_1398 : memref<8x128xf32, #tpu.memory_space<vmem>>) target(%dma_start3A_1394 : memref<8x128xf32, #tpu.memory_space<hbm>>) target_semaphore(%arg13 : memref<!tpu.dma_semaphore, #tpu.memory_space<semaphore_mem>>)
      %add3A_1399 = arith.constant 1 : i32
      %add3A_1400 = arith.addi %select_n3A_1098, %add3A_1399 : i32
      %dma_start3A_1401 = arith.constant 1 : i32
      %dma_start3A_1402 = arith.constant 7 : i32
      %dma_start3A_1403 = arith.constant 56 : i32
      %dma_start3A_1404 = arith.constant 0 : i32
      %dma_start3A_1405 = tpu.memref_slice %arg9[%dma_start3A_1401, %dma_start3A_1403, %dma_start3A_1404] : memref<2x64x129xf32, #tpu.memory_space<vmem>> -> memref<1x8x128xf32, #tpu.memory_space<vmem>>
      %dma_start3A_1406 = tpu.memref_squeeze %dma_start3A_1405 : memref<1x8x128xf32, #tpu.memory_space<vmem>> -> memref<8x128xf32, #tpu.memory_space<vmem>>
      %dma_start3A_1407 = arith.constant 0 : i32
      %dma_start3A_1408 = arith.constant 0 : i32
      %dma_start3A_1409 = tpu.memref_slice %arg4[%select_n3A_1082, %dma_start3A_1402, %add3A_1400, %dma_start3A_1407, %dma_start3A_1408] : memref<50x8x128x8x128xf32, #tpu.memory_space<hbm>> -> memref<1x1x1x8x128xf32, #tpu.memory_space<hbm>>
      %dma_start3A_1410 = tpu.memref_squeeze %dma_start3A_1409 : memref<1x1x1x8x128xf32, #tpu.memory_space<hbm>> -> memref<8x128xf32, #tpu.memory_space<hbm>>
      %dma_start3A_1411 = arith.constant 0 : i32
      %dma_start3A_1412 = arith.constant 0 : i32
      %dma_start3A_1413 = tpu.memref_slice %arg4[%select_n3A_1082, %dma_start3A_1402, %add3A_1400, %dma_start3A_1411, %dma_start3A_1412] : memref<50x8x128x8x128xf32, #tpu.memory_space<hbm>> -> memref<1x1x1x8x128xf32, #tpu.memory_space<hbm>>
      %dma_start3A_1414 = tpu.memref_squeeze %dma_start3A_1413 : memref<1x1x1x8x128xf32, #tpu.memory_space<hbm>> -> memref<8x128xf32, #tpu.memory_space<hbm>>
      %dma_start3A_1415 = arith.constant 56 : i32
      %dma_start3A_1416 = arith.constant 0 : i32
      %dma_start3A_1417 = tpu.memref_slice %arg9[%dma_start3A_1401, %dma_start3A_1415, %dma_start3A_1416] : memref<2x64x129xf32, #tpu.memory_space<vmem>> -> memref<1x8x128xf32, #tpu.memory_space<vmem>>
      %dma_start3A_1418 = tpu.memref_squeeze %dma_start3A_1417 : memref<1x8x128xf32, #tpu.memory_space<vmem>> -> memref<8x128xf32, #tpu.memory_space<vmem>>
      tpu.enqueue_dma source(%dma_start3A_1418 : memref<8x128xf32, #tpu.memory_space<vmem>>) target(%dma_start3A_1414 : memref<8x128xf32, #tpu.memory_space<hbm>>) target_semaphore(%arg13 : memref<!tpu.dma_semaphore, #tpu.memory_space<semaphore_mem>>)
      %scan3A_1419 = arith.constant 0 : i32
      scf.yield %scan3A_1419 : i32
    }
    %scan3A_14 = arith.constant 50 : i32
    %dma_wait3A = arith.constant 0 : i32
    %dma_wait3A_15 = arith.constant 0 : i32
    %dma_wait3A_16 = arith.constant 0 : i32
    %dma_wait3A_17 = arith.constant 0 : i32
    %dma_wait3A_18 = arith.constant 0 : i32
    %dma_wait3A_19 = arith.constant 0 : i32
    %dma_wait3A_20 = tpu.memref_slice %arg8[%dma_wait3A, %dma_wait3A_18, %dma_wait3A_19] : memref<2x64x129xf32, #tpu.memory_space<vmem>> -> memref<1x8x128xf32, #tpu.memory_space<vmem>>
    %dma_wait3A_21 = tpu.memref_squeeze %dma_wait3A_20 : memref<1x8x128xf32, #tpu.memory_space<vmem>> -> memref<8x128xf32, #tpu.memory_space<vmem>>
    %dma_wait3A_22 = arith.constant 0 : i32
    %dma_wait3A_23 = arith.constant 0 : i32
    %dma_wait3A_24 = tpu.memref_slice %arg4[%dma_wait3A_15, %dma_wait3A_16, %dma_wait3A_17, %dma_wait3A_22, %dma_wait3A_23] : memref<50x8x128x8x128xf32, #tpu.memory_space<hbm>> -> memref<1x1x1x8x128xf32, #tpu.memory_space<hbm>>
    %dma_wait3A_25 = tpu.memref_squeeze %dma_wait3A_24 : memref<1x1x1x8x128xf32, #tpu.memory_space<hbm>> -> memref<8x128xf32, #tpu.memory_space<hbm>>
    %dma_wait3A_26 = arith.constant 0 : i32
    %dma_wait3A_27 = arith.constant 0 : i32
    %dma_wait3A_28 = tpu.memref_slice %arg4[%dma_wait3A_15, %dma_wait3A_16, %dma_wait3A_17, %dma_wait3A_26, %dma_wait3A_27] : memref<50x8x128x8x128xf32, #tpu.memory_space<hbm>> -> memref<1x1x1x8x128xf32, #tpu.memory_space<hbm>>
    %dma_wait3A_29 = tpu.memref_squeeze %dma_wait3A_28 : memref<1x1x1x8x128xf32, #tpu.memory_space<hbm>> -> memref<8x128xf32, #tpu.memory_space<hbm>>
    %dma_wait3A_30 = arith.constant 0 : i32
    %dma_wait3A_31 = arith.constant 0 : i32
    %dma_wait3A_32 = tpu.memref_slice %arg8[%dma_wait3A, %dma_wait3A_30, %dma_wait3A_31] : memref<2x64x129xf32, #tpu.memory_space<vmem>> -> memref<1x8x128xf32, #tpu.memory_space<vmem>>
    %dma_wait3A_33 = tpu.memref_squeeze %dma_wait3A_32 : memref<1x8x128xf32, #tpu.memory_space<vmem>> -> memref<8x128xf32, #tpu.memory_space<vmem>>
    tpu.wait_dma2 semaphore(%arg12 : memref<!tpu.dma_semaphore, #tpu.memory_space<semaphore_mem>>) src(%dma_wait3A_33 : memref<8x128xf32, #tpu.memory_space<vmem>>) dst(%dma_wait3A_29 : memref<8x128xf32, #tpu.memory_space<hbm>>)
    %dma_wait3A_34 = arith.constant 0 : i32
    %dma_wait3A_35 = arith.constant 0 : i32
    %dma_wait3A_36 = arith.constant 0 : i32
    %dma_wait3A_37 = arith.constant 0 : i32
    %dma_wait3A_38 = arith.constant 0 : i32
    %dma_wait3A_39 = arith.constant 0 : i32
    %dma_wait3A_40 = tpu.memref_slice %arg8[%dma_wait3A_34, %dma_wait3A_38, %dma_wait3A_39] : memref<2x64x129xf32, #tpu.memory_space<vmem>> -> memref<1x8x128xf32, #tpu.memory_space<vmem>>
    %dma_wait3A_41 = tpu.memref_squeeze %dma_wait3A_40 : memref<1x8x128xf32, #tpu.memory_space<vmem>> -> memref<8x128xf32, #tpu.memory_space<vmem>>
    %dma_wait3A_42 = arith.constant 0 : i32
    %dma_wait3A_43 = arith.constant 0 : i32
    %dma_wait3A_44 = tpu.memref_slice %arg4[%dma_wait3A_35, %dma_wait3A_36, %dma_wait3A_37, %dma_wait3A_42, %dma_wait3A_43] : memref<50x8x128x8x128xf32, #tpu.memory_space<hbm>> -> memref<1x1x1x8x128xf32, #tpu.memory_space<hbm>>
    %dma_wait3A_45 = tpu.memref_squeeze %dma_wait3A_44 : memref<1x1x1x8x128xf32, #tpu.memory_space<hbm>> -> memref<8x128xf32, #tpu.memory_space<hbm>>
    %dma_wait3A_46 = arith.constant 0 : i32
    %dma_wait3A_47 = arith.constant 0 : i32
    %dma_wait3A_48 = tpu.memref_slice %arg4[%dma_wait3A_35, %dma_wait3A_36, %dma_wait3A_37, %dma_wait3A_46, %dma_wait3A_47] : memref<50x8x128x8x128xf32, #tpu.memory_space<hbm>> -> memref<1x1x1x8x128xf32, #tpu.memory_space<hbm>>
    %dma_wait3A_49 = tpu.memref_squeeze %dma_wait3A_48 : memref<1x1x1x8x128xf32, #tpu.memory_space<hbm>> -> memref<8x128xf32, #tpu.memory_space<hbm>>
    %dma_wait3A_50 = arith.constant 0 : i32
    %dma_wait3A_51 = arith.constant 0 : i32
    %dma_wait3A_52 = tpu.memref_slice %arg8[%dma_wait3A_34, %dma_wait3A_50, %dma_wait3A_51] : memref<2x64x129xf32, #tpu.memory_space<vmem>> -> memref<1x8x128xf32, #tpu.memory_space<vmem>>
    %dma_wait3A_53 = tpu.memref_squeeze %dma_wait3A_52 : memref<1x8x128xf32, #tpu.memory_space<vmem>> -> memref<8x128xf32, #tpu.memory_space<vmem>>
    tpu.wait_dma2 semaphore(%arg12 : memref<!tpu.dma_semaphore, #tpu.memory_space<semaphore_mem>>) src(%dma_wait3A_53 : memref<8x128xf32, #tpu.memory_space<vmem>>) dst(%dma_wait3A_49 : memref<8x128xf32, #tpu.memory_space<hbm>>)
    %dma_wait3A_54 = arith.constant 0 : i32
    %dma_wait3A_55 = arith.constant 0 : i32
    %dma_wait3A_56 = arith.constant 0 : i32
    %dma_wait3A_57 = arith.constant 0 : i32
    %dma_wait3A_58 = arith.constant 0 : i32
    %dma_wait3A_59 = arith.constant 0 : i32
    %dma_wait3A_60 = tpu.memref_slice %arg8[%dma_wait3A_54, %dma_wait3A_58, %dma_wait3A_59] : memref<2x64x129xf32, #tpu.memory_space<vmem>> -> memref<1x8x128xf32, #tpu.memory_space<vmem>>
    %dma_wait3A_61 = tpu.memref_squeeze %dma_wait3A_60 : memref<1x8x128xf32, #tpu.memory_space<vmem>> -> memref<8x128xf32, #tpu.memory_space<vmem>>
    %dma_wait3A_62 = arith.constant 0 : i32
    %dma_wait3A_63 = arith.constant 0 : i32
    %dma_wait3A_64 = tpu.memref_slice %arg4[%dma_wait3A_55, %dma_wait3A_56, %dma_wait3A_57, %dma_wait3A_62, %dma_wait3A_63] : memref<50x8x128x8x128xf32, #tpu.memory_space<hbm>> -> memref<1x1x1x8x128xf32, #tpu.memory_space<hbm>>
    %dma_wait3A_65 = tpu.memref_squeeze %dma_wait3A_64 : memref<1x1x1x8x128xf32, #tpu.memory_space<hbm>> -> memref<8x128xf32, #tpu.memory_space<hbm>>
    %dma_wait3A_66 = arith.constant 0 : i32
    %dma_wait3A_67 = arith.constant 0 : i32
    %dma_wait3A_68 = tpu.memref_slice %arg4[%dma_wait3A_55, %dma_wait3A_56, %dma_wait3A_57, %dma_wait3A_66, %dma_wait3A_67] : memref<50x8x128x8x128xf32, #tpu.memory_space<hbm>> -> memref<1x1x1x8x128xf32, #tpu.memory_space<hbm>>
    %dma_wait3A_69 = tpu.memref_squeeze %dma_wait3A_68 : memref<1x1x1x8x128xf32, #tpu.memory_space<hbm>> -> memref<8x128xf32, #tpu.memory_space<hbm>>
    %dma_wait3A_70 = arith.constant 0 : i32
    %dma_wait3A_71 = arith.constant 0 : i32
    %dma_wait3A_72 = tpu.memref_slice %arg8[%dma_wait3A_54, %dma_wait3A_70, %dma_wait3A_71] : memref<2x64x129xf32, #tpu.memory_space<vmem>> -> memref<1x8x128xf32, #tpu.memory_space<vmem>>
    %dma_wait3A_73 = tpu.memref_squeeze %dma_wait3A_72 : memref<1x8x128xf32, #tpu.memory_space<vmem>> -> memref<8x128xf32, #tpu.memory_space<vmem>>
    tpu.wait_dma2 semaphore(%arg12 : memref<!tpu.dma_semaphore, #tpu.memory_space<semaphore_mem>>) src(%dma_wait3A_73 : memref<8x128xf32, #tpu.memory_space<vmem>>) dst(%dma_wait3A_69 : memref<8x128xf32, #tpu.memory_space<hbm>>)
    %dma_wait3A_74 = arith.constant 0 : i32
    %dma_wait3A_75 = arith.constant 0 : i32
    %dma_wait3A_76 = arith.constant 0 : i32
    %dma_wait3A_77 = arith.constant 0 : i32
    %dma_wait3A_78 = arith.constant 0 : i32
    %dma_wait3A_79 = arith.constant 0 : i32
    %dma_wait3A_80 = tpu.memref_slice %arg8[%dma_wait3A_74, %dma_wait3A_78, %dma_wait3A_79] : memref<2x64x129xf32, #tpu.memory_space<vmem>> -> memref<1x8x128xf32, #tpu.memory_space<vmem>>
    %dma_wait3A_81 = tpu.memref_squeeze %dma_wait3A_80 : memref<1x8x128xf32, #tpu.memory_space<vmem>> -> memref<8x128xf32, #tpu.memory_space<vmem>>
    %dma_wait3A_82 = arith.constant 0 : i32
    %dma_wait3A_83 = arith.constant 0 : i32
    %dma_wait3A_84 = tpu.memref_slice %arg4[%dma_wait3A_75, %dma_wait3A_76, %dma_wait3A_77, %dma_wait3A_82, %dma_wait3A_83] : memref<50x8x128x8x128xf32, #tpu.memory_space<hbm>> -> memref<1x1x1x8x128xf32, #tpu.memory_space<hbm>>
    %dma_wait3A_85 = tpu.memref_squeeze %dma_wait3A_84 : memref<1x1x1x8x128xf32, #tpu.memory_space<hbm>> -> memref<8x128xf32, #tpu.memory_space<hbm>>
    %dma_wait3A_86 = arith.constant 0 : i32
    %dma_wait3A_87 = arith.constant 0 : i32
    %dma_wait3A_88 = tpu.memref_slice %arg4[%dma_wait3A_75, %dma_wait3A_76, %dma_wait3A_77, %dma_wait3A_86, %dma_wait3A_87] : memref<50x8x128x8x128xf32, #tpu.memory_space<hbm>> -> memref<1x1x1x8x128xf32, #tpu.memory_space<hbm>>
    %dma_wait3A_89 = tpu.memref_squeeze %dma_wait3A_88 : memref<1x1x1x8x128xf32, #tpu.memory_space<hbm>> -> memref<8x128xf32, #tpu.memory_space<hbm>>
    %dma_wait3A_90 = arith.constant 0 : i32
    %dma_wait3A_91 = arith.constant 0 : i32
    %dma_wait3A_92 = tpu.memref_slice %arg8[%dma_wait3A_74, %dma_wait3A_90, %dma_wait3A_91] : memref<2x64x129xf32, #tpu.memory_space<vmem>> -> memref<1x8x128xf32, #tpu.memory_space<vmem>>
    %dma_wait3A_93 = tpu.memref_squeeze %dma_wait3A_92 : memref<1x8x128xf32, #tpu.memory_space<vmem>> -> memref<8x128xf32, #tpu.memory_space<vmem>>
    tpu.wait_dma2 semaphore(%arg12 : memref<!tpu.dma_semaphore, #tpu.memory_space<semaphore_mem>>) src(%dma_wait3A_93 : memref<8x128xf32, #tpu.memory_space<vmem>>) dst(%dma_wait3A_89 : memref<8x128xf32, #tpu.memory_space<hbm>>)
    %dma_wait3A_94 = arith.constant 0 : i32
    %dma_wait3A_95 = arith.constant 0 : i32
    %dma_wait3A_96 = arith.constant 0 : i32
    %dma_wait3A_97 = arith.constant 0 : i32
    %dma_wait3A_98 = arith.constant 0 : i32
    %dma_wait3A_99 = arith.constant 0 : i32
    %dma_wait3A_100 = tpu.memref_slice %arg8[%dma_wait3A_94, %dma_wait3A_98, %dma_wait3A_99] : memref<2x64x129xf32, #tpu.memory_space<vmem>> -> memref<1x8x128xf32, #tpu.memory_space<vmem>>
    %dma_wait3A_101 = tpu.memref_squeeze %dma_wait3A_100 : memref<1x8x128xf32, #tpu.memory_space<vmem>> -> memref<8x128xf32, #tpu.memory_space<vmem>>
    %dma_wait3A_102 = arith.constant 0 : i32
    %dma_wait3A_103 = arith.constant 0 : i32
    %dma_wait3A_104 = tpu.memref_slice %arg4[%dma_wait3A_95, %dma_wait3A_96, %dma_wait3A_97, %dma_wait3A_102, %dma_wait3A_103] : memref<50x8x128x8x128xf32, #tpu.memory_space<hbm>> -> memref<1x1x1x8x128xf32, #tpu.memory_space<hbm>>
    %dma_wait3A_105 = tpu.memref_squeeze %dma_wait3A_104 : memref<1x1x1x8x128xf32, #tpu.memory_space<hbm>> -> memref<8x128xf32, #tpu.memory_space<hbm>>
    %dma_wait3A_106 = arith.constant 0 : i32
    %dma_wait3A_107 = arith.constant 0 : i32
    %dma_wait3A_108 = tpu.memref_slice %arg4[%dma_wait3A_95, %dma_wait3A_96, %dma_wait3A_97, %dma_wait3A_106, %dma_wait3A_107] : memref<50x8x128x8x128xf32, #tpu.memory_space<hbm>> -> memref<1x1x1x8x128xf32, #tpu.memory_space<hbm>>
    %dma_wait3A_109 = tpu.memref_squeeze %dma_wait3A_108 : memref<1x1x1x8x128xf32, #tpu.memory_space<hbm>> -> memref<8x128xf32, #tpu.memory_space<hbm>>
    %dma_wait3A_110 = arith.constant 0 : i32
    %dma_wait3A_111 = arith.constant 0 : i32
    %dma_wait3A_112 = tpu.memref_slice %arg8[%dma_wait3A_94, %dma_wait3A_110, %dma_wait3A_111] : memref<2x64x129xf32, #tpu.memory_space<vmem>> -> memref<1x8x128xf32, #tpu.memory_space<vmem>>
    %dma_wait3A_113 = tpu.memref_squeeze %dma_wait3A_112 : memref<1x8x128xf32, #tpu.memory_space<vmem>> -> memref<8x128xf32, #tpu.memory_space<vmem>>
    tpu.wait_dma2 semaphore(%arg12 : memref<!tpu.dma_semaphore, #tpu.memory_space<semaphore_mem>>) src(%dma_wait3A_113 : memref<8x128xf32, #tpu.memory_space<vmem>>) dst(%dma_wait3A_109 : memref<8x128xf32, #tpu.memory_space<hbm>>)
    %dma_wait3A_114 = arith.constant 0 : i32
    %dma_wait3A_115 = arith.constant 0 : i32
    %dma_wait3A_116 = arith.constant 0 : i32
    %dma_wait3A_117 = arith.constant 0 : i32
    %dma_wait3A_118 = arith.constant 0 : i32
    %dma_wait3A_119 = arith.constant 0 : i32
    %dma_wait3A_120 = tpu.memref_slice %arg8[%dma_wait3A_114, %dma_wait3A_118, %dma_wait3A_119] : memref<2x64x129xf32, #tpu.memory_space<vmem>> -> memref<1x8x128xf32, #tpu.memory_space<vmem>>
    %dma_wait3A_121 = tpu.memref_squeeze %dma_wait3A_120 : memref<1x8x128xf32, #tpu.memory_space<vmem>> -> memref<8x128xf32, #tpu.memory_space<vmem>>
    %dma_wait3A_122 = arith.constant 0 : i32
    %dma_wait3A_123 = arith.constant 0 : i32
    %dma_wait3A_124 = tpu.memref_slice %arg4[%dma_wait3A_115, %dma_wait3A_116, %dma_wait3A_117, %dma_wait3A_122, %dma_wait3A_123] : memref<50x8x128x8x128xf32, #tpu.memory_space<hbm>> -> memref<1x1x1x8x128xf32, #tpu.memory_space<hbm>>
    %dma_wait3A_125 = tpu.memref_squeeze %dma_wait3A_124 : memref<1x1x1x8x128xf32, #tpu.memory_space<hbm>> -> memref<8x128xf32, #tpu.memory_space<hbm>>
    %dma_wait3A_126 = arith.constant 0 : i32
    %dma_wait3A_127 = arith.constant 0 : i32
    %dma_wait3A_128 = tpu.memref_slice %arg4[%dma_wait3A_115, %dma_wait3A_116, %dma_wait3A_117, %dma_wait3A_126, %dma_wait3A_127] : memref<50x8x128x8x128xf32, #tpu.memory_space<hbm>> -> memref<1x1x1x8x128xf32, #tpu.memory_space<hbm>>
    %dma_wait3A_129 = tpu.memref_squeeze %dma_wait3A_128 : memref<1x1x1x8x128xf32, #tpu.memory_space<hbm>> -> memref<8x128xf32, #tpu.memory_space<hbm>>
    %dma_wait3A_130 = arith.constant 0 : i32
    %dma_wait3A_131 = arith.constant 0 : i32
    %dma_wait3A_132 = tpu.memref_slice %arg8[%dma_wait3A_114, %dma_wait3A_130, %dma_wait3A_131] : memref<2x64x129xf32, #tpu.memory_space<vmem>> -> memref<1x8x128xf32, #tpu.memory_space<vmem>>
    %dma_wait3A_133 = tpu.memref_squeeze %dma_wait3A_132 : memref<1x8x128xf32, #tpu.memory_space<vmem>> -> memref<8x128xf32, #tpu.memory_space<vmem>>
    tpu.wait_dma2 semaphore(%arg12 : memref<!tpu.dma_semaphore, #tpu.memory_space<semaphore_mem>>) src(%dma_wait3A_133 : memref<8x128xf32, #tpu.memory_space<vmem>>) dst(%dma_wait3A_129 : memref<8x128xf32, #tpu.memory_space<hbm>>)
    %dma_wait3A_134 = arith.constant 0 : i32
    %dma_wait3A_135 = arith.constant 0 : i32
    %dma_wait3A_136 = arith.constant 0 : i32
    %dma_wait3A_137 = arith.constant 0 : i32
    %dma_wait3A_138 = arith.constant 0 : i32
    %dma_wait3A_139 = arith.constant 0 : i32
    %dma_wait3A_140 = tpu.memref_slice %arg8[%dma_wait3A_134, %dma_wait3A_138, %dma_wait3A_139] : memref<2x64x129xf32, #tpu.memory_space<vmem>> -> memref<1x8x128xf32, #tpu.memory_space<vmem>>
    %dma_wait3A_141 = tpu.memref_squeeze %dma_wait3A_140 : memref<1x8x128xf32, #tpu.memory_space<vmem>> -> memref<8x128xf32, #tpu.memory_space<vmem>>
    %dma_wait3A_142 = arith.constant 0 : i32
    %dma_wait3A_143 = arith.constant 0 : i32
    %dma_wait3A_144 = tpu.memref_slice %arg4[%dma_wait3A_135, %dma_wait3A_136, %dma_wait3A_137, %dma_wait3A_142, %dma_wait3A_143] : memref<50x8x128x8x128xf32, #tpu.memory_space<hbm>> -> memref<1x1x1x8x128xf32, #tpu.memory_space<hbm>>
    %dma_wait3A_145 = tpu.memref_squeeze %dma_wait3A_144 : memref<1x1x1x8x128xf32, #tpu.memory_space<hbm>> -> memref<8x128xf32, #tpu.memory_space<hbm>>
    %dma_wait3A_146 = arith.constant 0 : i32
    %dma_wait3A_147 = arith.constant 0 : i32
    %dma_wait3A_148 = tpu.memref_slice %arg4[%dma_wait3A_135, %dma_wait3A_136, %dma_wait3A_137, %dma_wait3A_146, %dma_wait3A_147] : memref<50x8x128x8x128xf32, #tpu.memory_space<hbm>> -> memref<1x1x1x8x128xf32, #tpu.memory_space<hbm>>
    %dma_wait3A_149 = tpu.memref_squeeze %dma_wait3A_148 : memref<1x1x1x8x128xf32, #tpu.memory_space<hbm>> -> memref<8x128xf32, #tpu.memory_space<hbm>>
    %dma_wait3A_150 = arith.constant 0 : i32
    %dma_wait3A_151 = arith.constant 0 : i32
    %dma_wait3A_152 = tpu.memref_slice %arg8[%dma_wait3A_134, %dma_wait3A_150, %dma_wait3A_151] : memref<2x64x129xf32, #tpu.memory_space<vmem>> -> memref<1x8x128xf32, #tpu.memory_space<vmem>>
    %dma_wait3A_153 = tpu.memref_squeeze %dma_wait3A_152 : memref<1x8x128xf32, #tpu.memory_space<vmem>> -> memref<8x128xf32, #tpu.memory_space<vmem>>
    tpu.wait_dma2 semaphore(%arg12 : memref<!tpu.dma_semaphore, #tpu.memory_space<semaphore_mem>>) src(%dma_wait3A_153 : memref<8x128xf32, #tpu.memory_space<vmem>>) dst(%dma_wait3A_149 : memref<8x128xf32, #tpu.memory_space<hbm>>)
    %dma_wait3A_154 = arith.constant 0 : i32
    %dma_wait3A_155 = arith.constant 0 : i32
    %dma_wait3A_156 = arith.constant 0 : i32
    %dma_wait3A_157 = arith.constant 0 : i32
    %dma_wait3A_158 = arith.constant 0 : i32
    %dma_wait3A_159 = arith.constant 0 : i32
    %dma_wait3A_160 = tpu.memref_slice %arg8[%dma_wait3A_154, %dma_wait3A_158, %dma_wait3A_159] : memref<2x64x129xf32, #tpu.memory_space<vmem>> -> memref<1x8x128xf32, #tpu.memory_space<vmem>>
    %dma_wait3A_161 = tpu.memref_squeeze %dma_wait3A_160 : memref<1x8x128xf32, #tpu.memory_space<vmem>> -> memref<8x128xf32, #tpu.memory_space<vmem>>
    %dma_wait3A_162 = arith.constant 0 : i32
    %dma_wait3A_163 = arith.constant 0 : i32
    %dma_wait3A_164 = tpu.memref_slice %arg4[%dma_wait3A_155, %dma_wait3A_156, %dma_wait3A_157, %dma_wait3A_162, %dma_wait3A_163] : memref<50x8x128x8x128xf32, #tpu.memory_space<hbm>> -> memref<1x1x1x8x128xf32, #tpu.memory_space<hbm>>
    %dma_wait3A_165 = tpu.memref_squeeze %dma_wait3A_164 : memref<1x1x1x8x128xf32, #tpu.memory_space<hbm>> -> memref<8x128xf32, #tpu.memory_space<hbm>>
    %dma_wait3A_166 = arith.constant 0 : i32
    %dma_wait3A_167 = arith.constant 0 : i32
    %dma_wait3A_168 = tpu.memref_slice %arg4[%dma_wait3A_155, %dma_wait3A_156, %dma_wait3A_157, %dma_wait3A_166, %dma_wait3A_167] : memref<50x8x128x8x128xf32, #tpu.memory_space<hbm>> -> memref<1x1x1x8x128xf32, #tpu.memory_space<hbm>>
    %dma_wait3A_169 = tpu.memref_squeeze %dma_wait3A_168 : memref<1x1x1x8x128xf32, #tpu.memory_space<hbm>> -> memref<8x128xf32, #tpu.memory_space<hbm>>
    %dma_wait3A_170 = arith.constant 0 : i32
    %dma_wait3A_171 = arith.constant 0 : i32
    %dma_wait3A_172 = tpu.memref_slice %arg8[%dma_wait3A_154, %dma_wait3A_170, %dma_wait3A_171] : memref<2x64x129xf32, #tpu.memory_space<vmem>> -> memref<1x8x128xf32, #tpu.memory_space<vmem>>
    %dma_wait3A_173 = tpu.memref_squeeze %dma_wait3A_172 : memref<1x8x128xf32, #tpu.memory_space<vmem>> -> memref<8x128xf32, #tpu.memory_space<vmem>>
    tpu.wait_dma2 semaphore(%arg12 : memref<!tpu.dma_semaphore, #tpu.memory_space<semaphore_mem>>) src(%dma_wait3A_173 : memref<8x128xf32, #tpu.memory_space<vmem>>) dst(%dma_wait3A_169 : memref<8x128xf32, #tpu.memory_space<hbm>>)
    %dma_wait3A_174 = arith.constant 0 : i32
    %dma_wait3A_175 = arith.constant 0 : i32
    %dma_wait3A_176 = arith.constant 0 : i32
    %dma_wait3A_177 = arith.constant 0 : i32
    %dma_wait3A_178 = arith.constant 0 : i32
    %dma_wait3A_179 = arith.constant 0 : i32
    %dma_wait3A_180 = tpu.memref_slice %arg8[%dma_wait3A_174, %dma_wait3A_178, %dma_wait3A_179] : memref<2x64x129xf32, #tpu.memory_space<vmem>> -> memref<1x8x128xf32, #tpu.memory_space<vmem>>
    %dma_wait3A_181 = tpu.memref_squeeze %dma_wait3A_180 : memref<1x8x128xf32, #tpu.memory_space<vmem>> -> memref<8x128xf32, #tpu.memory_space<vmem>>
    %dma_wait3A_182 = arith.constant 0 : i32
    %dma_wait3A_183 = arith.constant 0 : i32
    %dma_wait3A_184 = tpu.memref_slice %arg4[%dma_wait3A_175, %dma_wait3A_176, %dma_wait3A_177, %dma_wait3A_182, %dma_wait3A_183] : memref<50x8x128x8x128xf32, #tpu.memory_space<hbm>> -> memref<1x1x1x8x128xf32, #tpu.memory_space<hbm>>
    %dma_wait3A_185 = tpu.memref_squeeze %dma_wait3A_184 : memref<1x1x1x8x128xf32, #tpu.memory_space<hbm>> -> memref<8x128xf32, #tpu.memory_space<hbm>>
    %dma_wait3A_186 = arith.constant 0 : i32
    %dma_wait3A_187 = arith.constant 0 : i32
    %dma_wait3A_188 = tpu.memref_slice %arg4[%dma_wait3A_175, %dma_wait3A_176, %dma_wait3A_177, %dma_wait3A_186, %dma_wait3A_187] : memref<50x8x128x8x128xf32, #tpu.memory_space<hbm>> -> memref<1x1x1x8x128xf32, #tpu.memory_space<hbm>>
    %dma_wait3A_189 = tpu.memref_squeeze %dma_wait3A_188 : memref<1x1x1x8x128xf32, #tpu.memory_space<hbm>> -> memref<8x128xf32, #tpu.memory_space<hbm>>
    %dma_wait3A_190 = arith.constant 0 : i32
    %dma_wait3A_191 = arith.constant 0 : i32
    %dma_wait3A_192 = tpu.memref_slice %arg8[%dma_wait3A_174, %dma_wait3A_190, %dma_wait3A_191] : memref<2x64x129xf32, #tpu.memory_space<vmem>> -> memref<1x8x128xf32, #tpu.memory_space<vmem>>
    %dma_wait3A_193 = tpu.memref_squeeze %dma_wait3A_192 : memref<1x8x128xf32, #tpu.memory_space<vmem>> -> memref<8x128xf32, #tpu.memory_space<vmem>>
    tpu.wait_dma2 semaphore(%arg12 : memref<!tpu.dma_semaphore, #tpu.memory_space<semaphore_mem>>) src(%dma_wait3A_193 : memref<8x128xf32, #tpu.memory_space<vmem>>) dst(%dma_wait3A_189 : memref<8x128xf32, #tpu.memory_space<hbm>>)
    %dma_wait3A_194 = arith.constant 0 : i32
    %dma_wait3A_195 = arith.constant 0 : i32
    %dma_wait3A_196 = arith.constant 0 : i32
    %dma_wait3A_197 = arith.constant 0 : i32
    %dma_wait3A_198 = arith.constant 0 : i32
    %dma_wait3A_199 = arith.constant 0 : i32
    %dma_wait3A_200 = tpu.memref_slice %arg8[%dma_wait3A_194, %dma_wait3A_198, %dma_wait3A_199] : memref<2x64x129xf32, #tpu.memory_space<vmem>> -> memref<1x8x128xf32, #tpu.memory_space<vmem>>
    %dma_wait3A_201 = tpu.memref_squeeze %dma_wait3A_200 : memref<1x8x128xf32, #tpu.memory_space<vmem>> -> memref<8x128xf32, #tpu.memory_space<vmem>>
    %dma_wait3A_202 = arith.constant 0 : i32
    %dma_wait3A_203 = arith.constant 0 : i32
    %dma_wait3A_204 = tpu.memref_slice %arg4[%dma_wait3A_195, %dma_wait3A_196, %dma_wait3A_197, %dma_wait3A_202, %dma_wait3A_203] : memref<50x8x128x8x128xf32, #tpu.memory_space<hbm>> -> memref<1x1x1x8x128xf32, #tpu.memory_space<hbm>>
    %dma_wait3A_205 = tpu.memref_squeeze %dma_wait3A_204 : memref<1x1x1x8x128xf32, #tpu.memory_space<hbm>> -> memref<8x128xf32, #tpu.memory_space<hbm>>
    %dma_wait3A_206 = arith.constant 0 : i32
    %dma_wait3A_207 = arith.constant 0 : i32
    %dma_wait3A_208 = tpu.memref_slice %arg4[%dma_wait3A_195, %dma_wait3A_196, %dma_wait3A_197, %dma_wait3A_206, %dma_wait3A_207] : memref<50x8x128x8x128xf32, #tpu.memory_space<hbm>> -> memref<1x1x1x8x128xf32, #tpu.memory_space<hbm>>
    %dma_wait3A_209 = tpu.memref_squeeze %dma_wait3A_208 : memref<1x1x1x8x128xf32, #tpu.memory_space<hbm>> -> memref<8x128xf32, #tpu.memory_space<hbm>>
    %dma_wait3A_210 = arith.constant 0 : i32
    %dma_wait3A_211 = arith.constant 0 : i32
    %dma_wait3A_212 = tpu.memref_slice %arg8[%dma_wait3A_194, %dma_wait3A_210, %dma_wait3A_211] : memref<2x64x129xf32, #tpu.memory_space<vmem>> -> memref<1x8x128xf32, #tpu.memory_space<vmem>>
    %dma_wait3A_213 = tpu.memref_squeeze %dma_wait3A_212 : memref<1x8x128xf32, #tpu.memory_space<vmem>> -> memref<8x128xf32, #tpu.memory_space<vmem>>
    tpu.wait_dma2 semaphore(%arg12 : memref<!tpu.dma_semaphore, #tpu.memory_space<semaphore_mem>>) src(%dma_wait3A_213 : memref<8x128xf32, #tpu.memory_space<vmem>>) dst(%dma_wait3A_209 : memref<8x128xf32, #tpu.memory_space<hbm>>)
    %dma_wait3A_214 = arith.constant 0 : i32
    %dma_wait3A_215 = arith.constant 0 : i32
    %dma_wait3A_216 = arith.constant 0 : i32
    %dma_wait3A_217 = arith.constant 0 : i32
    %dma_wait3A_218 = arith.constant 0 : i32
    %dma_wait3A_219 = arith.constant 0 : i32
    %dma_wait3A_220 = tpu.memref_slice %arg8[%dma_wait3A_214, %dma_wait3A_218, %dma_wait3A_219] : memref<2x64x129xf32, #tpu.memory_space<vmem>> -> memref<1x8x128xf32, #tpu.memory_space<vmem>>
    %dma_wait3A_221 = tpu.memref_squeeze %dma_wait3A_220 : memref<1x8x128xf32, #tpu.memory_space<vmem>> -> memref<8x128xf32, #tpu.memory_space<vmem>>
    %dma_wait3A_222 = arith.constant 0 : i32
    %dma_wait3A_223 = arith.constant 0 : i32
    %dma_wait3A_224 = tpu.memref_slice %arg4[%dma_wait3A_215, %dma_wait3A_216, %dma_wait3A_217, %dma_wait3A_222, %dma_wait3A_223] : memref<50x8x128x8x128xf32, #tpu.memory_space<hbm>> -> memref<1x1x1x8x128xf32, #tpu.memory_space<hbm>>
    %dma_wait3A_225 = tpu.memref_squeeze %dma_wait3A_224 : memref<1x1x1x8x128xf32, #tpu.memory_space<hbm>> -> memref<8x128xf32, #tpu.memory_space<hbm>>
    %dma_wait3A_226 = arith.constant 0 : i32
    %dma_wait3A_227 = arith.constant 0 : i32
    %dma_wait3A_228 = tpu.memref_slice %arg4[%dma_wait3A_215, %dma_wait3A_216, %dma_wait3A_217, %dma_wait3A_226, %dma_wait3A_227] : memref<50x8x128x8x128xf32, #tpu.memory_space<hbm>> -> memref<1x1x1x8x128xf32, #tpu.memory_space<hbm>>
    %dma_wait3A_229 = tpu.memref_squeeze %dma_wait3A_228 : memref<1x1x1x8x128xf32, #tpu.memory_space<hbm>> -> memref<8x128xf32, #tpu.memory_space<hbm>>
    %dma_wait3A_230 = arith.constant 0 : i32
    %dma_wait3A_231 = arith.constant 0 : i32
    %dma_wait3A_232 = tpu.memref_slice %arg8[%dma_wait3A_214, %dma_wait3A_230, %dma_wait3A_231] : memref<2x64x129xf32, #tpu.memory_space<vmem>> -> memref<1x8x128xf32, #tpu.memory_space<vmem>>
    %dma_wait3A_233 = tpu.memref_squeeze %dma_wait3A_232 : memref<1x8x128xf32, #tpu.memory_space<vmem>> -> memref<8x128xf32, #tpu.memory_space<vmem>>
    tpu.wait_dma2 semaphore(%arg12 : memref<!tpu.dma_semaphore, #tpu.memory_space<semaphore_mem>>) src(%dma_wait3A_233 : memref<8x128xf32, #tpu.memory_space<vmem>>) dst(%dma_wait3A_229 : memref<8x128xf32, #tpu.memory_space<hbm>>)
    %dma_wait3A_234 = arith.constant 0 : i32
    %dma_wait3A_235 = arith.constant 0 : i32
    %dma_wait3A_236 = arith.constant 0 : i32
    %dma_wait3A_237 = arith.constant 0 : i32
    %dma_wait3A_238 = arith.constant 0 : i32
    %dma_wait3A_239 = arith.constant 0 : i32
    %dma_wait3A_240 = tpu.memref_slice %arg8[%dma_wait3A_234, %dma_wait3A_238, %dma_wait3A_239] : memref<2x64x129xf32, #tpu.memory_space<vmem>> -> memref<1x8x128xf32, #tpu.memory_space<vmem>>
    %dma_wait3A_241 = tpu.memref_squeeze %dma_wait3A_240 : memref<1x8x128xf32, #tpu.memory_space<vmem>> -> memref<8x128xf32, #tpu.memory_space<vmem>>
    %dma_wait3A_242 = arith.constant 0 : i32
    %dma_wait3A_243 = arith.constant 0 : i32
    %dma_wait3A_244 = tpu.memref_slice %arg4[%dma_wait3A_235, %dma_wait3A_236, %dma_wait3A_237, %dma_wait3A_242, %dma_wait3A_243] : memref<50x8x128x8x128xf32, #tpu.memory_space<hbm>> -> memref<1x1x1x8x128xf32, #tpu.memory_space<hbm>>
    %dma_wait3A_245 = tpu.memref_squeeze %dma_wait3A_244 : memref<1x1x1x8x128xf32, #tpu.memory_space<hbm>> -> memref<8x128xf32, #tpu.memory_space<hbm>>
    %dma_wait3A_246 = arith.constant 0 : i32
    %dma_wait3A_247 = arith.constant 0 : i32
    %dma_wait3A_248 = tpu.memref_slice %arg4[%dma_wait3A_235, %dma_wait3A_236, %dma_wait3A_237, %dma_wait3A_246, %dma_wait3A_247] : memref<50x8x128x8x128xf32, #tpu.memory_space<hbm>> -> memref<1x1x1x8x128xf32, #tpu.memory_space<hbm>>
    %dma_wait3A_249 = tpu.memref_squeeze %dma_wait3A_248 : memref<1x1x1x8x128xf32, #tpu.memory_space<hbm>> -> memref<8x128xf32, #tpu.memory_space<hbm>>
    %dma_wait3A_250 = arith.constant 0 : i32
    %dma_wait3A_251 = arith.constant 0 : i32
    %dma_wait3A_252 = tpu.memref_slice %arg8[%dma_wait3A_234, %dma_wait3A_250, %dma_wait3A_251] : memref<2x64x129xf32, #tpu.memory_space<vmem>> -> memref<1x8x128xf32, #tpu.memory_space<vmem>>
    %dma_wait3A_253 = tpu.memref_squeeze %dma_wait3A_252 : memref<1x8x128xf32, #tpu.memory_space<vmem>> -> memref<8x128xf32, #tpu.memory_space<vmem>>
    tpu.wait_dma2 semaphore(%arg12 : memref<!tpu.dma_semaphore, #tpu.memory_space<semaphore_mem>>) src(%dma_wait3A_253 : memref<8x128xf32, #tpu.memory_space<vmem>>) dst(%dma_wait3A_249 : memref<8x128xf32, #tpu.memory_space<hbm>>)
    %dma_wait3A_254 = arith.constant 0 : i32
    %dma_wait3A_255 = arith.constant 0 : i32
    %dma_wait3A_256 = arith.constant 0 : i32
    %dma_wait3A_257 = arith.constant 0 : i32
    %dma_wait3A_258 = arith.constant 0 : i32
    %dma_wait3A_259 = arith.constant 0 : i32
    %dma_wait3A_260 = tpu.memref_slice %arg8[%dma_wait3A_254, %dma_wait3A_258, %dma_wait3A_259] : memref<2x64x129xf32, #tpu.memory_space<vmem>> -> memref<1x8x128xf32, #tpu.memory_space<vmem>>
    %dma_wait3A_261 = tpu.memref_squeeze %dma_wait3A_260 : memref<1x8x128xf32, #tpu.memory_space<vmem>> -> memref<8x128xf32, #tpu.memory_space<vmem>>
    %dma_wait3A_262 = arith.constant 0 : i32
    %dma_wait3A_263 = arith.constant 0 : i32
    %dma_wait3A_264 = tpu.memref_slice %arg4[%dma_wait3A_255, %dma_wait3A_256, %dma_wait3A_257, %dma_wait3A_262, %dma_wait3A_263] : memref<50x8x128x8x128xf32, #tpu.memory_space<hbm>> -> memref<1x1x1x8x128xf32, #tpu.memory_space<hbm>>
    %dma_wait3A_265 = tpu.memref_squeeze %dma_wait3A_264 : memref<1x1x1x8x128xf32, #tpu.memory_space<hbm>> -> memref<8x128xf32, #tpu.memory_space<hbm>>
    %dma_wait3A_266 = arith.constant 0 : i32
    %dma_wait3A_267 = arith.constant 0 : i32
    %dma_wait3A_268 = tpu.memref_slice %arg4[%dma_wait3A_255, %dma_wait3A_256, %dma_wait3A_257, %dma_wait3A_266, %dma_wait3A_267] : memref<50x8x128x8x128xf32, #tpu.memory_space<hbm>> -> memref<1x1x1x8x128xf32, #tpu.memory_space<hbm>>
    %dma_wait3A_269 = tpu.memref_squeeze %dma_wait3A_268 : memref<1x1x1x8x128xf32, #tpu.memory_space<hbm>> -> memref<8x128xf32, #tpu.memory_space<hbm>>
    %dma_wait3A_270 = arith.constant 0 : i32
    %dma_wait3A_271 = arith.constant 0 : i32
    %dma_wait3A_272 = tpu.memref_slice %arg8[%dma_wait3A_254, %dma_wait3A_270, %dma_wait3A_271] : memref<2x64x129xf32, #tpu.memory_space<vmem>> -> memref<1x8x128xf32, #tpu.memory_space<vmem>>
    %dma_wait3A_273 = tpu.memref_squeeze %dma_wait3A_272 : memref<1x8x128xf32, #tpu.memory_space<vmem>> -> memref<8x128xf32, #tpu.memory_space<vmem>>
    tpu.wait_dma2 semaphore(%arg12 : memref<!tpu.dma_semaphore, #tpu.memory_space<semaphore_mem>>) src(%dma_wait3A_273 : memref<8x128xf32, #tpu.memory_space<vmem>>) dst(%dma_wait3A_269 : memref<8x128xf32, #tpu.memory_space<hbm>>)
    %dma_wait3A_274 = arith.constant 0 : i32
    %dma_wait3A_275 = arith.constant 0 : i32
    %dma_wait3A_276 = arith.constant 0 : i32
    %dma_wait3A_277 = arith.constant 0 : i32
    %dma_wait3A_278 = arith.constant 0 : i32
    %dma_wait3A_279 = arith.constant 0 : i32
    %dma_wait3A_280 = tpu.memref_slice %arg8[%dma_wait3A_274, %dma_wait3A_278, %dma_wait3A_279] : memref<2x64x129xf32, #tpu.memory_space<vmem>> -> memref<1x8x128xf32, #tpu.memory_space<vmem>>
    %dma_wait3A_281 = tpu.memref_squeeze %dma_wait3A_280 : memref<1x8x128xf32, #tpu.memory_space<vmem>> -> memref<8x128xf32, #tpu.memory_space<vmem>>
    %dma_wait3A_282 = arith.constant 0 : i32
    %dma_wait3A_283 = arith.constant 0 : i32
    %dma_wait3A_284 = tpu.memref_slice %arg4[%dma_wait3A_275, %dma_wait3A_276, %dma_wait3A_277, %dma_wait3A_282, %dma_wait3A_283] : memref<50x8x128x8x128xf32, #tpu.memory_space<hbm>> -> memref<1x1x1x8x128xf32, #tpu.memory_space<hbm>>
    %dma_wait3A_285 = tpu.memref_squeeze %dma_wait3A_284 : memref<1x1x1x8x128xf32, #tpu.memory_space<hbm>> -> memref<8x128xf32, #tpu.memory_space<hbm>>
    %dma_wait3A_286 = arith.constant 0 : i32
    %dma_wait3A_287 = arith.constant 0 : i32
    %dma_wait3A_288 = tpu.memref_slice %arg4[%dma_wait3A_275, %dma_wait3A_276, %dma_wait3A_277, %dma_wait3A_286, %dma_wait3A_287] : memref<50x8x128x8x128xf32, #tpu.memory_space<hbm>> -> memref<1x1x1x8x128xf32, #tpu.memory_space<hbm>>
    %dma_wait3A_289 = tpu.memref_squeeze %dma_wait3A_288 : memref<1x1x1x8x128xf32, #tpu.memory_space<hbm>> -> memref<8x128xf32, #tpu.memory_space<hbm>>
    %dma_wait3A_290 = arith.constant 0 : i32
    %dma_wait3A_291 = arith.constant 0 : i32
    %dma_wait3A_292 = tpu.memref_slice %arg8[%dma_wait3A_274, %dma_wait3A_290, %dma_wait3A_291] : memref<2x64x129xf32, #tpu.memory_space<vmem>> -> memref<1x8x128xf32, #tpu.memory_space<vmem>>
    %dma_wait3A_293 = tpu.memref_squeeze %dma_wait3A_292 : memref<1x8x128xf32, #tpu.memory_space<vmem>> -> memref<8x128xf32, #tpu.memory_space<vmem>>
    tpu.wait_dma2 semaphore(%arg12 : memref<!tpu.dma_semaphore, #tpu.memory_space<semaphore_mem>>) src(%dma_wait3A_293 : memref<8x128xf32, #tpu.memory_space<vmem>>) dst(%dma_wait3A_289 : memref<8x128xf32, #tpu.memory_space<hbm>>)
    %dma_wait3A_294 = arith.constant 0 : i32
    %dma_wait3A_295 = arith.constant 0 : i32
    %dma_wait3A_296 = arith.constant 0 : i32
    %dma_wait3A_297 = arith.constant 0 : i32
    %dma_wait3A_298 = arith.constant 0 : i32
    %dma_wait3A_299 = arith.constant 0 : i32
    %dma_wait3A_300 = tpu.memref_slice %arg8[%dma_wait3A_294, %dma_wait3A_298, %dma_wait3A_299] : memref<2x64x129xf32, #tpu.memory_space<vmem>> -> memref<1x8x128xf32, #tpu.memory_space<vmem>>
    %dma_wait3A_301 = tpu.memref_squeeze %dma_wait3A_300 : memref<1x8x128xf32, #tpu.memory_space<vmem>> -> memref<8x128xf32, #tpu.memory_space<vmem>>
    %dma_wait3A_302 = arith.constant 0 : i32
    %dma_wait3A_303 = arith.constant 0 : i32
    %dma_wait3A_304 = tpu.memref_slice %arg4[%dma_wait3A_295, %dma_wait3A_296, %dma_wait3A_297, %dma_wait3A_302, %dma_wait3A_303] : memref<50x8x128x8x128xf32, #tpu.memory_space<hbm>> -> memref<1x1x1x8x128xf32, #tpu.memory_space<hbm>>
    %dma_wait3A_305 = tpu.memref_squeeze %dma_wait3A_304 : memref<1x1x1x8x128xf32, #tpu.memory_space<hbm>> -> memref<8x128xf32, #tpu.memory_space<hbm>>
    %dma_wait3A_306 = arith.constant 0 : i32
    %dma_wait3A_307 = arith.constant 0 : i32
    %dma_wait3A_308 = tpu.memref_slice %arg4[%dma_wait3A_295, %dma_wait3A_296, %dma_wait3A_297, %dma_wait3A_306, %dma_wait3A_307] : memref<50x8x128x8x128xf32, #tpu.memory_space<hbm>> -> memref<1x1x1x8x128xf32, #tpu.memory_space<hbm>>
    %dma_wait3A_309 = tpu.memref_squeeze %dma_wait3A_308 : memref<1x1x1x8x128xf32, #tpu.memory_space<hbm>> -> memref<8x128xf32, #tpu.memory_space<hbm>>
    %dma_wait3A_310 = arith.constant 0 : i32
    %dma_wait3A_311 = arith.constant 0 : i32
    %dma_wait3A_312 = tpu.memref_slice %arg8[%dma_wait3A_294, %dma_wait3A_310, %dma_wait3A_311] : memref<2x64x129xf32, #tpu.memory_space<vmem>> -> memref<1x8x128xf32, #tpu.memory_space<vmem>>
    %dma_wait3A_313 = tpu.memref_squeeze %dma_wait3A_312 : memref<1x8x128xf32, #tpu.memory_space<vmem>> -> memref<8x128xf32, #tpu.memory_space<vmem>>
    tpu.wait_dma2 semaphore(%arg12 : memref<!tpu.dma_semaphore, #tpu.memory_space<semaphore_mem>>) src(%dma_wait3A_313 : memref<8x128xf32, #tpu.memory_space<vmem>>) dst(%dma_wait3A_309 : memref<8x128xf32, #tpu.memory_space<hbm>>)
    %dma_wait3A_314 = arith.constant 0 : i32
    %dma_wait3A_315 = arith.constant 0 : i32
    %dma_wait3A_316 = arith.constant 0 : i32
    %dma_wait3A_317 = arith.constant 0 : i32
    %dma_wait3A_318 = arith.constant 0 : i32
    %dma_wait3A_319 = arith.constant 0 : i32
    %dma_wait3A_320 = tpu.memref_slice %arg8[%dma_wait3A_314, %dma_wait3A_318, %dma_wait3A_319] : memref<2x64x129xf32, #tpu.memory_space<vmem>> -> memref<1x8x128xf32, #tpu.memory_space<vmem>>
    %dma_wait3A_321 = tpu.memref_squeeze %dma_wait3A_320 : memref<1x8x128xf32, #tpu.memory_space<vmem>> -> memref<8x128xf32, #tpu.memory_space<vmem>>
    %dma_wait3A_322 = arith.constant 0 : i32
    %dma_wait3A_323 = arith.constant 0 : i32
    %dma_wait3A_324 = tpu.memref_slice %arg4[%dma_wait3A_315, %dma_wait3A_316, %dma_wait3A_317, %dma_wait3A_322, %dma_wait3A_323] : memref<50x8x128x8x128xf32, #tpu.memory_space<hbm>> -> memref<1x1x1x8x128xf32, #tpu.memory_space<hbm>>
    %dma_wait3A_325 = tpu.memref_squeeze %dma_wait3A_324 : memref<1x1x1x8x128xf32, #tpu.memory_space<hbm>> -> memref<8x128xf32, #tpu.memory_space<hbm>>
    %dma_wait3A_326 = arith.constant 0 : i32
    %dma_wait3A_327 = arith.constant 0 : i32
    %dma_wait3A_328 = tpu.memref_slice %arg4[%dma_wait3A_315, %dma_wait3A_316, %dma_wait3A_317, %dma_wait3A_326, %dma_wait3A_327] : memref<50x8x128x8x128xf32, #tpu.memory_space<hbm>> -> memref<1x1x1x8x128xf32, #tpu.memory_space<hbm>>
    %dma_wait3A_329 = tpu.memref_squeeze %dma_wait3A_328 : memref<1x1x1x8x128xf32, #tpu.memory_space<hbm>> -> memref<8x128xf32, #tpu.memory_space<hbm>>
    %dma_wait3A_330 = arith.constant 0 : i32
    %dma_wait3A_331 = arith.constant 0 : i32
    %dma_wait3A_332 = tpu.memref_slice %arg8[%dma_wait3A_314, %dma_wait3A_330, %dma_wait3A_331] : memref<2x64x129xf32, #tpu.memory_space<vmem>> -> memref<1x8x128xf32, #tpu.memory_space<vmem>>
    %dma_wait3A_333 = tpu.memref_squeeze %dma_wait3A_332 : memref<1x8x128xf32, #tpu.memory_space<vmem>> -> memref<8x128xf32, #tpu.memory_space<vmem>>
    tpu.wait_dma2 semaphore(%arg12 : memref<!tpu.dma_semaphore, #tpu.memory_space<semaphore_mem>>) src(%dma_wait3A_333 : memref<8x128xf32, #tpu.memory_space<vmem>>) dst(%dma_wait3A_329 : memref<8x128xf32, #tpu.memory_space<hbm>>)
    %dma_wait3A_334 = arith.constant 0 : i32
    %dma_wait3A_335 = arith.constant 0 : i32
    %dma_wait3A_336 = arith.constant 0 : i32
    %dma_wait3A_337 = arith.constant 0 : i32
    %dma_wait3A_338 = arith.constant 0 : i32
    %dma_wait3A_339 = arith.constant 0 : i32
    %dma_wait3A_340 = tpu.memref_slice %arg9[%dma_wait3A_334, %dma_wait3A_338, %dma_wait3A_339] : memref<2x64x129xf32, #tpu.memory_space<vmem>> -> memref<1x8x128xf32, #tpu.memory_space<vmem>>
    %dma_wait3A_341 = tpu.memref_squeeze %dma_wait3A_340 : memref<1x8x128xf32, #tpu.memory_space<vmem>> -> memref<8x128xf32, #tpu.memory_space<vmem>>
    %dma_wait3A_342 = arith.constant 0 : i32
    %dma_wait3A_343 = arith.constant 0 : i32
    %dma_wait3A_344 = tpu.memref_slice %arg4[%dma_wait3A_335, %dma_wait3A_336, %dma_wait3A_337, %dma_wait3A_342, %dma_wait3A_343] : memref<50x8x128x8x128xf32, #tpu.memory_space<hbm>> -> memref<1x1x1x8x128xf32, #tpu.memory_space<hbm>>
    %dma_wait3A_345 = tpu.memref_squeeze %dma_wait3A_344 : memref<1x1x1x8x128xf32, #tpu.memory_space<hbm>> -> memref<8x128xf32, #tpu.memory_space<hbm>>
    %dma_wait3A_346 = arith.constant 0 : i32
    %dma_wait3A_347 = arith.constant 0 : i32
    %dma_wait3A_348 = tpu.memref_slice %arg4[%dma_wait3A_335, %dma_wait3A_336, %dma_wait3A_337, %dma_wait3A_346, %dma_wait3A_347] : memref<50x8x128x8x128xf32, #tpu.memory_space<hbm>> -> memref<1x1x1x8x128xf32, #tpu.memory_space<hbm>>
    %dma_wait3A_349 = tpu.memref_squeeze %dma_wait3A_348 : memref<1x1x1x8x128xf32, #tpu.memory_space<hbm>> -> memref<8x128xf32, #tpu.memory_space<hbm>>
    %dma_wait3A_350 = arith.constant 0 : i32
    %dma_wait3A_351 = arith.constant 0 : i32
    %dma_wait3A_352 = tpu.memref_slice %arg9[%dma_wait3A_334, %dma_wait3A_350, %dma_wait3A_351] : memref<2x64x129xf32, #tpu.memory_space<vmem>> -> memref<1x8x128xf32, #tpu.memory_space<vmem>>
    %dma_wait3A_353 = tpu.memref_squeeze %dma_wait3A_352 : memref<1x8x128xf32, #tpu.memory_space<vmem>> -> memref<8x128xf32, #tpu.memory_space<vmem>>
    tpu.wait_dma2 semaphore(%arg13 : memref<!tpu.dma_semaphore, #tpu.memory_space<semaphore_mem>>) src(%dma_wait3A_353 : memref<8x128xf32, #tpu.memory_space<vmem>>) dst(%dma_wait3A_349 : memref<8x128xf32, #tpu.memory_space<hbm>>)
    %dma_wait3A_354 = arith.constant 0 : i32
    %dma_wait3A_355 = arith.constant 0 : i32
    %dma_wait3A_356 = arith.constant 0 : i32
    %dma_wait3A_357 = arith.constant 0 : i32
    %dma_wait3A_358 = arith.constant 0 : i32
    %dma_wait3A_359 = arith.constant 0 : i32
    %dma_wait3A_360 = tpu.memref_slice %arg9[%dma_wait3A_354, %dma_wait3A_358, %dma_wait3A_359] : memref<2x64x129xf32, #tpu.memory_space<vmem>> -> memref<1x8x128xf32, #tpu.memory_space<vmem>>
    %dma_wait3A_361 = tpu.memref_squeeze %dma_wait3A_360 : memref<1x8x128xf32, #tpu.memory_space<vmem>> -> memref<8x128xf32, #tpu.memory_space<vmem>>
    %dma_wait3A_362 = arith.constant 0 : i32
    %dma_wait3A_363 = arith.constant 0 : i32
    %dma_wait3A_364 = tpu.memref_slice %arg4[%dma_wait3A_355, %dma_wait3A_356, %dma_wait3A_357, %dma_wait3A_362, %dma_wait3A_363] : memref<50x8x128x8x128xf32, #tpu.memory_space<hbm>> -> memref<1x1x1x8x128xf32, #tpu.memory_space<hbm>>
    %dma_wait3A_365 = tpu.memref_squeeze %dma_wait3A_364 : memref<1x1x1x8x128xf32, #tpu.memory_space<hbm>> -> memref<8x128xf32, #tpu.memory_space<hbm>>
    %dma_wait3A_366 = arith.constant 0 : i32
    %dma_wait3A_367 = arith.constant 0 : i32
    %dma_wait3A_368 = tpu.memref_slice %arg4[%dma_wait3A_355, %dma_wait3A_356, %dma_wait3A_357, %dma_wait3A_366, %dma_wait3A_367] : memref<50x8x128x8x128xf32, #tpu.memory_space<hbm>> -> memref<1x1x1x8x128xf32, #tpu.memory_space<hbm>>
    %dma_wait3A_369 = tpu.memref_squeeze %dma_wait3A_368 : memref<1x1x1x8x128xf32, #tpu.memory_space<hbm>> -> memref<8x128xf32, #tpu.memory_space<hbm>>
    %dma_wait3A_370 = arith.constant 0 : i32
    %dma_wait3A_371 = arith.constant 0 : i32
    %dma_wait3A_372 = tpu.memref_slice %arg9[%dma_wait3A_354, %dma_wait3A_370, %dma_wait3A_371] : memref<2x64x129xf32, #tpu.memory_space<vmem>> -> memref<1x8x128xf32, #tpu.memory_space<vmem>>
    %dma_wait3A_373 = tpu.memref_squeeze %dma_wait3A_372 : memref<1x8x128xf32, #tpu.memory_space<vmem>> -> memref<8x128xf32, #tpu.memory_space<vmem>>
    tpu.wait_dma2 semaphore(%arg13 : memref<!tpu.dma_semaphore, #tpu.memory_space<semaphore_mem>>) src(%dma_wait3A_373 : memref<8x128xf32, #tpu.memory_space<vmem>>) dst(%dma_wait3A_369 : memref<8x128xf32, #tpu.memory_space<hbm>>)
    %dma_wait3A_374 = arith.constant 0 : i32
    %dma_wait3A_375 = arith.constant 0 : i32
    %dma_wait3A_376 = arith.constant 0 : i32
    %dma_wait3A_377 = arith.constant 0 : i32
    %dma_wait3A_378 = arith.constant 0 : i32
    %dma_wait3A_379 = arith.constant 0 : i32
    %dma_wait3A_380 = tpu.memref_slice %arg9[%dma_wait3A_374, %dma_wait3A_378, %dma_wait3A_379] : memref<2x64x129xf32, #tpu.memory_space<vmem>> -> memref<1x8x128xf32, #tpu.memory_space<vmem>>
    %dma_wait3A_381 = tpu.memref_squeeze %dma_wait3A_380 : memref<1x8x128xf32, #tpu.memory_space<vmem>> -> memref<8x128xf32, #tpu.memory_space<vmem>>
    %dma_wait3A_382 = arith.constant 0 : i32
    %dma_wait3A_383 = arith.constant 0 : i32
    %dma_wait3A_384 = tpu.memref_slice %arg4[%dma_wait3A_375, %dma_wait3A_376, %dma_wait3A_377, %dma_wait3A_382, %dma_wait3A_383] : memref<50x8x128x8x128xf32, #tpu.memory_space<hbm>> -> memref<1x1x1x8x128xf32, #tpu.memory_space<hbm>>
    %dma_wait3A_385 = tpu.memref_squeeze %dma_wait3A_384 : memref<1x1x1x8x128xf32, #tpu.memory_space<hbm>> -> memref<8x128xf32, #tpu.memory_space<hbm>>
    %dma_wait3A_386 = arith.constant 0 : i32
    %dma_wait3A_387 = arith.constant 0 : i32
    %dma_wait3A_388 = tpu.memref_slice %arg4[%dma_wait3A_375, %dma_wait3A_376, %dma_wait3A_377, %dma_wait3A_386, %dma_wait3A_387] : memref<50x8x128x8x128xf32, #tpu.memory_space<hbm>> -> memref<1x1x1x8x128xf32, #tpu.memory_space<hbm>>
    %dma_wait3A_389 = tpu.memref_squeeze %dma_wait3A_388 : memref<1x1x1x8x128xf32, #tpu.memory_space<hbm>> -> memref<8x128xf32, #tpu.memory_space<hbm>>
    %dma_wait3A_390 = arith.constant 0 : i32
    %dma_wait3A_391 = arith.constant 0 : i32
    %dma_wait3A_392 = tpu.memref_slice %arg9[%dma_wait3A_374, %dma_wait3A_390, %dma_wait3A_391] : memref<2x64x129xf32, #tpu.memory_space<vmem>> -> memref<1x8x128xf32, #tpu.memory_space<vmem>>
    %dma_wait3A_393 = tpu.memref_squeeze %dma_wait3A_392 : memref<1x8x128xf32, #tpu.memory_space<vmem>> -> memref<8x128xf32, #tpu.memory_space<vmem>>
    tpu.wait_dma2 semaphore(%arg13 : memref<!tpu.dma_semaphore, #tpu.memory_space<semaphore_mem>>) src(%dma_wait3A_393 : memref<8x128xf32, #tpu.memory_space<vmem>>) dst(%dma_wait3A_389 : memref<8x128xf32, #tpu.memory_space<hbm>>)
    %dma_wait3A_394 = arith.constant 0 : i32
    %dma_wait3A_395 = arith.constant 0 : i32
    %dma_wait3A_396 = arith.constant 0 : i32
    %dma_wait3A_397 = arith.constant 0 : i32
    %dma_wait3A_398 = arith.constant 0 : i32
    %dma_wait3A_399 = arith.constant 0 : i32
    %dma_wait3A_400 = tpu.memref_slice %arg9[%dma_wait3A_394, %dma_wait3A_398, %dma_wait3A_399] : memref<2x64x129xf32, #tpu.memory_space<vmem>> -> memref<1x8x128xf32, #tpu.memory_space<vmem>>
    %dma_wait3A_401 = tpu.memref_squeeze %dma_wait3A_400 : memref<1x8x128xf32, #tpu.memory_space<vmem>> -> memref<8x128xf32, #tpu.memory_space<vmem>>
    %dma_wait3A_402 = arith.constant 0 : i32
    %dma_wait3A_403 = arith.constant 0 : i32
    %dma_wait3A_404 = tpu.memref_slice %arg4[%dma_wait3A_395, %dma_wait3A_396, %dma_wait3A_397, %dma_wait3A_402, %dma_wait3A_403] : memref<50x8x128x8x128xf32, #tpu.memory_space<hbm>> -> memref<1x1x1x8x128xf32, #tpu.memory_space<hbm>>
    %dma_wait3A_405 = tpu.memref_squeeze %dma_wait3A_404 : memref<1x1x1x8x128xf32, #tpu.memory_space<hbm>> -> memref<8x128xf32, #tpu.memory_space<hbm>>
    %dma_wait3A_406 = arith.constant 0 : i32
    %dma_wait3A_407 = arith.constant 0 : i32
    %dma_wait3A_408 = tpu.memref_slice %arg4[%dma_wait3A_395, %dma_wait3A_396, %dma_wait3A_397, %dma_wait3A_406, %dma_wait3A_407] : memref<50x8x128x8x128xf32, #tpu.memory_space<hbm>> -> memref<1x1x1x8x128xf32, #tpu.memory_space<hbm>>
    %dma_wait3A_409 = tpu.memref_squeeze %dma_wait3A_408 : memref<1x1x1x8x128xf32, #tpu.memory_space<hbm>> -> memref<8x128xf32, #tpu.memory_space<hbm>>
    %dma_wait3A_410 = arith.constant 0 : i32
    %dma_wait3A_411 = arith.constant 0 : i32
    %dma_wait3A_412 = tpu.memref_slice %arg9[%dma_wait3A_394, %dma_wait3A_410, %dma_wait3A_411] : memref<2x64x129xf32, #tpu.memory_space<vmem>> -> memref<1x8x128xf32, #tpu.memory_space<vmem>>
    %dma_wait3A_413 = tpu.memref_squeeze %dma_wait3A_412 : memref<1x8x128xf32, #tpu.memory_space<vmem>> -> memref<8x128xf32, #tpu.memory_space<vmem>>
    tpu.wait_dma2 semaphore(%arg13 : memref<!tpu.dma_semaphore, #tpu.memory_space<semaphore_mem>>) src(%dma_wait3A_413 : memref<8x128xf32, #tpu.memory_space<vmem>>) dst(%dma_wait3A_409 : memref<8x128xf32, #tpu.memory_space<hbm>>)
    %dma_wait3A_414 = arith.constant 0 : i32
    %dma_wait3A_415 = arith.constant 0 : i32
    %dma_wait3A_416 = arith.constant 0 : i32
    %dma_wait3A_417 = arith.constant 0 : i32
    %dma_wait3A_418 = arith.constant 0 : i32
    %dma_wait3A_419 = arith.constant 0 : i32
    %dma_wait3A_420 = tpu.memref_slice %arg9[%dma_wait3A_414, %dma_wait3A_418, %dma_wait3A_419] : memref<2x64x129xf32, #tpu.memory_space<vmem>> -> memref<1x8x128xf32, #tpu.memory_space<vmem>>
    %dma_wait3A_421 = tpu.memref_squeeze %dma_wait3A_420 : memref<1x8x128xf32, #tpu.memory_space<vmem>> -> memref<8x128xf32, #tpu.memory_space<vmem>>
    %dma_wait3A_422 = arith.constant 0 : i32
    %dma_wait3A_423 = arith.constant 0 : i32
    %dma_wait3A_424 = tpu.memref_slice %arg4[%dma_wait3A_415, %dma_wait3A_416, %dma_wait3A_417, %dma_wait3A_422, %dma_wait3A_423] : memref<50x8x128x8x128xf32, #tpu.memory_space<hbm>> -> memref<1x1x1x8x128xf32, #tpu.memory_space<hbm>>
    %dma_wait3A_425 = tpu.memref_squeeze %dma_wait3A_424 : memref<1x1x1x8x128xf32, #tpu.memory_space<hbm>> -> memref<8x128xf32, #tpu.memory_space<hbm>>
    %dma_wait3A_426 = arith.constant 0 : i32
    %dma_wait3A_427 = arith.constant 0 : i32
    %dma_wait3A_428 = tpu.memref_slice %arg4[%dma_wait3A_415, %dma_wait3A_416, %dma_wait3A_417, %dma_wait3A_426, %dma_wait3A_427] : memref<50x8x128x8x128xf32, #tpu.memory_space<hbm>> -> memref<1x1x1x8x128xf32, #tpu.memory_space<hbm>>
    %dma_wait3A_429 = tpu.memref_squeeze %dma_wait3A_428 : memref<1x1x1x8x128xf32, #tpu.memory_space<hbm>> -> memref<8x128xf32, #tpu.memory_space<hbm>>
    %dma_wait3A_430 = arith.constant 0 : i32
    %dma_wait3A_431 = arith.constant 0 : i32
    %dma_wait3A_432 = tpu.memref_slice %arg9[%dma_wait3A_414, %dma_wait3A_430, %dma_wait3A_431] : memref<2x64x129xf32, #tpu.memory_space<vmem>> -> memref<1x8x128xf32, #tpu.memory_space<vmem>>
    %dma_wait3A_433 = tpu.memref_squeeze %dma_wait3A_432 : memref<1x8x128xf32, #tpu.memory_space<vmem>> -> memref<8x128xf32, #tpu.memory_space<vmem>>
    tpu.wait_dma2 semaphore(%arg13 : memref<!tpu.dma_semaphore, #tpu.memory_space<semaphore_mem>>) src(%dma_wait3A_433 : memref<8x128xf32, #tpu.memory_space<vmem>>) dst(%dma_wait3A_429 : memref<8x128xf32, #tpu.memory_space<hbm>>)
    %dma_wait3A_434 = arith.constant 0 : i32
    %dma_wait3A_435 = arith.constant 0 : i32
    %dma_wait3A_436 = arith.constant 0 : i32
    %dma_wait3A_437 = arith.constant 0 : i32
    %dma_wait3A_438 = arith.constant 0 : i32
    %dma_wait3A_439 = arith.constant 0 : i32
    %dma_wait3A_440 = tpu.memref_slice %arg9[%dma_wait3A_434, %dma_wait3A_438, %dma_wait3A_439] : memref<2x64x129xf32, #tpu.memory_space<vmem>> -> memref<1x8x128xf32, #tpu.memory_space<vmem>>
    %dma_wait3A_441 = tpu.memref_squeeze %dma_wait3A_440 : memref<1x8x128xf32, #tpu.memory_space<vmem>> -> memref<8x128xf32, #tpu.memory_space<vmem>>
    %dma_wait3A_442 = arith.constant 0 : i32
    %dma_wait3A_443 = arith.constant 0 : i32
    %dma_wait3A_444 = tpu.memref_slice %arg4[%dma_wait3A_435, %dma_wait3A_436, %dma_wait3A_437, %dma_wait3A_442, %dma_wait3A_443] : memref<50x8x128x8x128xf32, #tpu.memory_space<hbm>> -> memref<1x1x1x8x128xf32, #tpu.memory_space<hbm>>
    %dma_wait3A_445 = tpu.memref_squeeze %dma_wait3A_444 : memref<1x1x1x8x128xf32, #tpu.memory_space<hbm>> -> memref<8x128xf32, #tpu.memory_space<hbm>>
    %dma_wait3A_446 = arith.constant 0 : i32
    %dma_wait3A_447 = arith.constant 0 : i32
    %dma_wait3A_448 = tpu.memref_slice %arg4[%dma_wait3A_435, %dma_wait3A_436, %dma_wait3A_437, %dma_wait3A_446, %dma_wait3A_447] : memref<50x8x128x8x128xf32, #tpu.memory_space<hbm>> -> memref<1x1x1x8x128xf32, #tpu.memory_space<hbm>>
    %dma_wait3A_449 = tpu.memref_squeeze %dma_wait3A_448 : memref<1x1x1x8x128xf32, #tpu.memory_space<hbm>> -> memref<8x128xf32, #tpu.memory_space<hbm>>
    %dma_wait3A_450 = arith.constant 0 : i32
    %dma_wait3A_451 = arith.constant 0 : i32
    %dma_wait3A_452 = tpu.memref_slice %arg9[%dma_wait3A_434, %dma_wait3A_450, %dma_wait3A_451] : memref<2x64x129xf32, #tpu.memory_space<vmem>> -> memref<1x8x128xf32, #tpu.memory_space<vmem>>
    %dma_wait3A_453 = tpu.memref_squeeze %dma_wait3A_452 : memref<1x8x128xf32, #tpu.memory_space<vmem>> -> memref<8x128xf32, #tpu.memory_space<vmem>>
    tpu.wait_dma2 semaphore(%arg13 : memref<!tpu.dma_semaphore, #tpu.memory_space<semaphore_mem>>) src(%dma_wait3A_453 : memref<8x128xf32, #tpu.memory_space<vmem>>) dst(%dma_wait3A_449 : memref<8x128xf32, #tpu.memory_space<hbm>>)
    %dma_wait3A_454 = arith.constant 0 : i32
    %dma_wait3A_455 = arith.constant 0 : i32
    %dma_wait3A_456 = arith.constant 0 : i32
    %dma_wait3A_457 = arith.constant 0 : i32
    %dma_wait3A_458 = arith.constant 0 : i32
    %dma_wait3A_459 = arith.constant 0 : i32
    %dma_wait3A_460 = tpu.memref_slice %arg9[%dma_wait3A_454, %dma_wait3A_458, %dma_wait3A_459] : memref<2x64x129xf32, #tpu.memory_space<vmem>> -> memref<1x8x128xf32, #tpu.memory_space<vmem>>
    %dma_wait3A_461 = tpu.memref_squeeze %dma_wait3A_460 : memref<1x8x128xf32, #tpu.memory_space<vmem>> -> memref<8x128xf32, #tpu.memory_space<vmem>>
    %dma_wait3A_462 = arith.constant 0 : i32
    %dma_wait3A_463 = arith.constant 0 : i32
    %dma_wait3A_464 = tpu.memref_slice %arg4[%dma_wait3A_455, %dma_wait3A_456, %dma_wait3A_457, %dma_wait3A_462, %dma_wait3A_463] : memref<50x8x128x8x128xf32, #tpu.memory_space<hbm>> -> memref<1x1x1x8x128xf32, #tpu.memory_space<hbm>>
    %dma_wait3A_465 = tpu.memref_squeeze %dma_wait3A_464 : memref<1x1x1x8x128xf32, #tpu.memory_space<hbm>> -> memref<8x128xf32, #tpu.memory_space<hbm>>
    %dma_wait3A_466 = arith.constant 0 : i32
    %dma_wait3A_467 = arith.constant 0 : i32
    %dma_wait3A_468 = tpu.memref_slice %arg4[%dma_wait3A_455, %dma_wait3A_456, %dma_wait3A_457, %dma_wait3A_466, %dma_wait3A_467] : memref<50x8x128x8x128xf32, #tpu.memory_space<hbm>> -> memref<1x1x1x8x128xf32, #tpu.memory_space<hbm>>
    %dma_wait3A_469 = tpu.memref_squeeze %dma_wait3A_468 : memref<1x1x1x8x128xf32, #tpu.memory_space<hbm>> -> memref<8x128xf32, #tpu.memory_space<hbm>>
    %dma_wait3A_470 = arith.constant 0 : i32
    %dma_wait3A_471 = arith.constant 0 : i32
    %dma_wait3A_472 = tpu.memref_slice %arg9[%dma_wait3A_454, %dma_wait3A_470, %dma_wait3A_471] : memref<2x64x129xf32, #tpu.memory_space<vmem>> -> memref<1x8x128xf32, #tpu.memory_space<vmem>>
    %dma_wait3A_473 = tpu.memref_squeeze %dma_wait3A_472 : memref<1x8x128xf32, #tpu.memory_space<vmem>> -> memref<8x128xf32, #tpu.memory_space<vmem>>
    tpu.wait_dma2 semaphore(%arg13 : memref<!tpu.dma_semaphore, #tpu.memory_space<semaphore_mem>>) src(%dma_wait3A_473 : memref<8x128xf32, #tpu.memory_space<vmem>>) dst(%dma_wait3A_469 : memref<8x128xf32, #tpu.memory_space<hbm>>)
    %dma_wait3A_474 = arith.constant 0 : i32
    %dma_wait3A_475 = arith.constant 0 : i32
    %dma_wait3A_476 = arith.constant 0 : i32
    %dma_wait3A_477 = arith.constant 0 : i32
    %dma_wait3A_478 = arith.constant 0 : i32
    %dma_wait3A_479 = arith.constant 0 : i32
    %dma_wait3A_480 = tpu.memref_slice %arg9[%dma_wait3A_474, %dma_wait3A_478, %dma_wait3A_479] : memref<2x64x129xf32, #tpu.memory_space<vmem>> -> memref<1x8x128xf32, #tpu.memory_space<vmem>>
    %dma_wait3A_481 = tpu.memref_squeeze %dma_wait3A_480 : memref<1x8x128xf32, #tpu.memory_space<vmem>> -> memref<8x128xf32, #tpu.memory_space<vmem>>
    %dma_wait3A_482 = arith.constant 0 : i32
    %dma_wait3A_483 = arith.constant 0 : i32
    %dma_wait3A_484 = tpu.memref_slice %arg4[%dma_wait3A_475, %dma_wait3A_476, %dma_wait3A_477, %dma_wait3A_482, %dma_wait3A_483] : memref<50x8x128x8x128xf32, #tpu.memory_space<hbm>> -> memref<1x1x1x8x128xf32, #tpu.memory_space<hbm>>
    %dma_wait3A_485 = tpu.memref_squeeze %dma_wait3A_484 : memref<1x1x1x8x128xf32, #tpu.memory_space<hbm>> -> memref<8x128xf32, #tpu.memory_space<hbm>>
    %dma_wait3A_486 = arith.constant 0 : i32
    %dma_wait3A_487 = arith.constant 0 : i32
    %dma_wait3A_488 = tpu.memref_slice %arg4[%dma_wait3A_475, %dma_wait3A_476, %dma_wait3A_477, %dma_wait3A_486, %dma_wait3A_487] : memref<50x8x128x8x128xf32, #tpu.memory_space<hbm>> -> memref<1x1x1x8x128xf32, #tpu.memory_space<hbm>>
    %dma_wait3A_489 = tpu.memref_squeeze %dma_wait3A_488 : memref<1x1x1x8x128xf32, #tpu.memory_space<hbm>> -> memref<8x128xf32, #tpu.memory_space<hbm>>
    %dma_wait3A_490 = arith.constant 0 : i32
    %dma_wait3A_491 = arith.constant 0 : i32
    %dma_wait3A_492 = tpu.memref_slice %arg9[%dma_wait3A_474, %dma_wait3A_490, %dma_wait3A_491] : memref<2x64x129xf32, #tpu.memory_space<vmem>> -> memref<1x8x128xf32, #tpu.memory_space<vmem>>
    %dma_wait3A_493 = tpu.memref_squeeze %dma_wait3A_492 : memref<1x8x128xf32, #tpu.memory_space<vmem>> -> memref<8x128xf32, #tpu.memory_space<vmem>>
    tpu.wait_dma2 semaphore(%arg13 : memref<!tpu.dma_semaphore, #tpu.memory_space<semaphore_mem>>) src(%dma_wait3A_493 : memref<8x128xf32, #tpu.memory_space<vmem>>) dst(%dma_wait3A_489 : memref<8x128xf32, #tpu.memory_space<hbm>>)
    %dma_wait3A_494 = arith.constant 0 : i32
    %dma_wait3A_495 = arith.constant 0 : i32
    %dma_wait3A_496 = arith.constant 0 : i32
    %dma_wait3A_497 = arith.constant 0 : i32
    %dma_wait3A_498 = arith.constant 0 : i32
    %dma_wait3A_499 = arith.constant 0 : i32
    %dma_wait3A_500 = tpu.memref_slice %arg9[%dma_wait3A_494, %dma_wait3A_498, %dma_wait3A_499] : memref<2x64x129xf32, #tpu.memory_space<vmem>> -> memref<1x8x128xf32, #tpu.memory_space<vmem>>
    %dma_wait3A_501 = tpu.memref_squeeze %dma_wait3A_500 : memref<1x8x128xf32, #tpu.memory_space<vmem>> -> memref<8x128xf32, #tpu.memory_space<vmem>>
    %dma_wait3A_502 = arith.constant 0 : i32
    %dma_wait3A_503 = arith.constant 0 : i32
    %dma_wait3A_504 = tpu.memref_slice %arg4[%dma_wait3A_495, %dma_wait3A_496, %dma_wait3A_497, %dma_wait3A_502, %dma_wait3A_503] : memref<50x8x128x8x128xf32, #tpu.memory_space<hbm>> -> memref<1x1x1x8x128xf32, #tpu.memory_space<hbm>>
    %dma_wait3A_505 = tpu.memref_squeeze %dma_wait3A_504 : memref<1x1x1x8x128xf32, #tpu.memory_space<hbm>> -> memref<8x128xf32, #tpu.memory_space<hbm>>
    %dma_wait3A_506 = arith.constant 0 : i32
    %dma_wait3A_507 = arith.constant 0 : i32
    %dma_wait3A_508 = tpu.memref_slice %arg4[%dma_wait3A_495, %dma_wait3A_496, %dma_wait3A_497, %dma_wait3A_506, %dma_wait3A_507] : memref<50x8x128x8x128xf32, #tpu.memory_space<hbm>> -> memref<1x1x1x8x128xf32, #tpu.memory_space<hbm>>
    %dma_wait3A_509 = tpu.memref_squeeze %dma_wait3A_508 : memref<1x1x1x8x128xf32, #tpu.memory_space<hbm>> -> memref<8x128xf32, #tpu.memory_space<hbm>>
    %dma_wait3A_510 = arith.constant 0 : i32
    %dma_wait3A_511 = arith.constant 0 : i32
    %dma_wait3A_512 = tpu.memref_slice %arg9[%dma_wait3A_494, %dma_wait3A_510, %dma_wait3A_511] : memref<2x64x129xf32, #tpu.memory_space<vmem>> -> memref<1x8x128xf32, #tpu.memory_space<vmem>>
    %dma_wait3A_513 = tpu.memref_squeeze %dma_wait3A_512 : memref<1x8x128xf32, #tpu.memory_space<vmem>> -> memref<8x128xf32, #tpu.memory_space<vmem>>
    tpu.wait_dma2 semaphore(%arg13 : memref<!tpu.dma_semaphore, #tpu.memory_space<semaphore_mem>>) src(%dma_wait3A_513 : memref<8x128xf32, #tpu.memory_space<vmem>>) dst(%dma_wait3A_509 : memref<8x128xf32, #tpu.memory_space<hbm>>)
    %dma_wait3A_514 = arith.constant 0 : i32
    %dma_wait3A_515 = arith.constant 0 : i32
    %dma_wait3A_516 = arith.constant 0 : i32
    %dma_wait3A_517 = arith.constant 0 : i32
    %dma_wait3A_518 = arith.constant 0 : i32
    %dma_wait3A_519 = arith.constant 0 : i32
    %dma_wait3A_520 = tpu.memref_slice %arg9[%dma_wait3A_514, %dma_wait3A_518, %dma_wait3A_519] : memref<2x64x129xf32, #tpu.memory_space<vmem>> -> memref<1x8x128xf32, #tpu.memory_space<vmem>>
    %dma_wait3A_521 = tpu.memref_squeeze %dma_wait3A_520 : memref<1x8x128xf32, #tpu.memory_space<vmem>> -> memref<8x128xf32, #tpu.memory_space<vmem>>
    %dma_wait3A_522 = arith.constant 0 : i32
    %dma_wait3A_523 = arith.constant 0 : i32
    %dma_wait3A_524 = tpu.memref_slice %arg4[%dma_wait3A_515, %dma_wait3A_516, %dma_wait3A_517, %dma_wait3A_522, %dma_wait3A_523] : memref<50x8x128x8x128xf32, #tpu.memory_space<hbm>> -> memref<1x1x1x8x128xf32, #tpu.memory_space<hbm>>
    %dma_wait3A_525 = tpu.memref_squeeze %dma_wait3A_524 : memref<1x1x1x8x128xf32, #tpu.memory_space<hbm>> -> memref<8x128xf32, #tpu.memory_space<hbm>>
    %dma_wait3A_526 = arith.constant 0 : i32
    %dma_wait3A_527 = arith.constant 0 : i32
    %dma_wait3A_528 = tpu.memref_slice %arg4[%dma_wait3A_515, %dma_wait3A_516, %dma_wait3A_517, %dma_wait3A_526, %dma_wait3A_527] : memref<50x8x128x8x128xf32, #tpu.memory_space<hbm>> -> memref<1x1x1x8x128xf32, #tpu.memory_space<hbm>>
    %dma_wait3A_529 = tpu.memref_squeeze %dma_wait3A_528 : memref<1x1x1x8x128xf32, #tpu.memory_space<hbm>> -> memref<8x128xf32, #tpu.memory_space<hbm>>
    %dma_wait3A_530 = arith.constant 0 : i32
    %dma_wait3A_531 = arith.constant 0 : i32
    %dma_wait3A_532 = tpu.memref_slice %arg9[%dma_wait3A_514, %dma_wait3A_530, %dma_wait3A_531] : memref<2x64x129xf32, #tpu.memory_space<vmem>> -> memref<1x8x128xf32, #tpu.memory_space<vmem>>
    %dma_wait3A_533 = tpu.memref_squeeze %dma_wait3A_532 : memref<1x8x128xf32, #tpu.memory_space<vmem>> -> memref<8x128xf32, #tpu.memory_space<vmem>>
    tpu.wait_dma2 semaphore(%arg13 : memref<!tpu.dma_semaphore, #tpu.memory_space<semaphore_mem>>) src(%dma_wait3A_533 : memref<8x128xf32, #tpu.memory_space<vmem>>) dst(%dma_wait3A_529 : memref<8x128xf32, #tpu.memory_space<hbm>>)
    %dma_wait3A_534 = arith.constant 0 : i32
    %dma_wait3A_535 = arith.constant 0 : i32
    %dma_wait3A_536 = arith.constant 0 : i32
    %dma_wait3A_537 = arith.constant 0 : i32
    %dma_wait3A_538 = arith.constant 0 : i32
    %dma_wait3A_539 = arith.constant 0 : i32
    %dma_wait3A_540 = tpu.memref_slice %arg9[%dma_wait3A_534, %dma_wait3A_538, %dma_wait3A_539] : memref<2x64x129xf32, #tpu.memory_space<vmem>> -> memref<1x8x128xf32, #tpu.memory_space<vmem>>
    %dma_wait3A_541 = tpu.memref_squeeze %dma_wait3A_540 : memref<1x8x128xf32, #tpu.memory_space<vmem>> -> memref<8x128xf32, #tpu.memory_space<vmem>>
    %dma_wait3A_542 = arith.constant 0 : i32
    %dma_wait3A_543 = arith.constant 0 : i32
    %dma_wait3A_544 = tpu.memref_slice %arg4[%dma_wait3A_535, %dma_wait3A_536, %dma_wait3A_537, %dma_wait3A_542, %dma_wait3A_543] : memref<50x8x128x8x128xf32, #tpu.memory_space<hbm>> -> memref<1x1x1x8x128xf32, #tpu.memory_space<hbm>>
    %dma_wait3A_545 = tpu.memref_squeeze %dma_wait3A_544 : memref<1x1x1x8x128xf32, #tpu.memory_space<hbm>> -> memref<8x128xf32, #tpu.memory_space<hbm>>
    %dma_wait3A_546 = arith.constant 0 : i32
    %dma_wait3A_547 = arith.constant 0 : i32
    %dma_wait3A_548 = tpu.memref_slice %arg4[%dma_wait3A_535, %dma_wait3A_536, %dma_wait3A_537, %dma_wait3A_546, %dma_wait3A_547] : memref<50x8x128x8x128xf32, #tpu.memory_space<hbm>> -> memref<1x1x1x8x128xf32, #tpu.memory_space<hbm>>
    %dma_wait3A_549 = tpu.memref_squeeze %dma_wait3A_548 : memref<1x1x1x8x128xf32, #tpu.memory_space<hbm>> -> memref<8x128xf32, #tpu.memory_space<hbm>>
    %dma_wait3A_550 = arith.constant 0 : i32
    %dma_wait3A_551 = arith.constant 0 : i32
    %dma_wait3A_552 = tpu.memref_slice %arg9[%dma_wait3A_534, %dma_wait3A_550, %dma_wait3A_551] : memref<2x64x129xf32, #tpu.memory_space<vmem>> -> memref<1x8x128xf32, #tpu.memory_space<vmem>>
    %dma_wait3A_553 = tpu.memref_squeeze %dma_wait3A_552 : memref<1x8x128xf32, #tpu.memory_space<vmem>> -> memref<8x128xf32, #tpu.memory_space<vmem>>
    tpu.wait_dma2 semaphore(%arg13 : memref<!tpu.dma_semaphore, #tpu.memory_space<semaphore_mem>>) src(%dma_wait3A_553 : memref<8x128xf32, #tpu.memory_space<vmem>>) dst(%dma_wait3A_549 : memref<8x128xf32, #tpu.memory_space<hbm>>)
    %dma_wait3A_554 = arith.constant 0 : i32
    %dma_wait3A_555 = arith.constant 0 : i32
    %dma_wait3A_556 = arith.constant 0 : i32
    %dma_wait3A_557 = arith.constant 0 : i32
    %dma_wait3A_558 = arith.constant 0 : i32
    %dma_wait3A_559 = arith.constant 0 : i32
    %dma_wait3A_560 = tpu.memref_slice %arg9[%dma_wait3A_554, %dma_wait3A_558, %dma_wait3A_559] : memref<2x64x129xf32, #tpu.memory_space<vmem>> -> memref<1x8x128xf32, #tpu.memory_space<vmem>>
    %dma_wait3A_561 = tpu.memref_squeeze %dma_wait3A_560 : memref<1x8x128xf32, #tpu.memory_space<vmem>> -> memref<8x128xf32, #tpu.memory_space<vmem>>
    %dma_wait3A_562 = arith.constant 0 : i32
    %dma_wait3A_563 = arith.constant 0 : i32
    %dma_wait3A_564 = tpu.memref_slice %arg4[%dma_wait3A_555, %dma_wait3A_556, %dma_wait3A_557, %dma_wait3A_562, %dma_wait3A_563] : memref<50x8x128x8x128xf32, #tpu.memory_space<hbm>> -> memref<1x1x1x8x128xf32, #tpu.memory_space<hbm>>
    %dma_wait3A_565 = tpu.memref_squeeze %dma_wait3A_564 : memref<1x1x1x8x128xf32, #tpu.memory_space<hbm>> -> memref<8x128xf32, #tpu.memory_space<hbm>>
    %dma_wait3A_566 = arith.constant 0 : i32
    %dma_wait3A_567 = arith.constant 0 : i32
    %dma_wait3A_568 = tpu.memref_slice %arg4[%dma_wait3A_555, %dma_wait3A_556, %dma_wait3A_557, %dma_wait3A_566, %dma_wait3A_567] : memref<50x8x128x8x128xf32, #tpu.memory_space<hbm>> -> memref<1x1x1x8x128xf32, #tpu.memory_space<hbm>>
    %dma_wait3A_569 = tpu.memref_squeeze %dma_wait3A_568 : memref<1x1x1x8x128xf32, #tpu.memory_space<hbm>> -> memref<8x128xf32, #tpu.memory_space<hbm>>
    %dma_wait3A_570 = arith.constant 0 : i32
    %dma_wait3A_571 = arith.constant 0 : i32
    %dma_wait3A_572 = tpu.memref_slice %arg9[%dma_wait3A_554, %dma_wait3A_570, %dma_wait3A_571] : memref<2x64x129xf32, #tpu.memory_space<vmem>> -> memref<1x8x128xf32, #tpu.memory_space<vmem>>
    %dma_wait3A_573 = tpu.memref_squeeze %dma_wait3A_572 : memref<1x8x128xf32, #tpu.memory_space<vmem>> -> memref<8x128xf32, #tpu.memory_space<vmem>>
    tpu.wait_dma2 semaphore(%arg13 : memref<!tpu.dma_semaphore, #tpu.memory_space<semaphore_mem>>) src(%dma_wait3A_573 : memref<8x128xf32, #tpu.memory_space<vmem>>) dst(%dma_wait3A_569 : memref<8x128xf32, #tpu.memory_space<hbm>>)
    %dma_wait3A_574 = arith.constant 0 : i32
    %dma_wait3A_575 = arith.constant 0 : i32
    %dma_wait3A_576 = arith.constant 0 : i32
    %dma_wait3A_577 = arith.constant 0 : i32
    %dma_wait3A_578 = arith.constant 0 : i32
    %dma_wait3A_579 = arith.constant 0 : i32
    %dma_wait3A_580 = tpu.memref_slice %arg9[%dma_wait3A_574, %dma_wait3A_578, %dma_wait3A_579] : memref<2x64x129xf32, #tpu.memory_space<vmem>> -> memref<1x8x128xf32, #tpu.memory_space<vmem>>
    %dma_wait3A_581 = tpu.memref_squeeze %dma_wait3A_580 : memref<1x8x128xf32, #tpu.memory_space<vmem>> -> memref<8x128xf32, #tpu.memory_space<vmem>>
    %dma_wait3A_582 = arith.constant 0 : i32
    %dma_wait3A_583 = arith.constant 0 : i32
    %dma_wait3A_584 = tpu.memref_slice %arg4[%dma_wait3A_575, %dma_wait3A_576, %dma_wait3A_577, %dma_wait3A_582, %dma_wait3A_583] : memref<50x8x128x8x128xf32, #tpu.memory_space<hbm>> -> memref<1x1x1x8x128xf32, #tpu.memory_space<hbm>>
    %dma_wait3A_585 = tpu.memref_squeeze %dma_wait3A_584 : memref<1x1x1x8x128xf32, #tpu.memory_space<hbm>> -> memref<8x128xf32, #tpu.memory_space<hbm>>
    %dma_wait3A_586 = arith.constant 0 : i32
    %dma_wait3A_587 = arith.constant 0 : i32
    %dma_wait3A_588 = tpu.memref_slice %arg4[%dma_wait3A_575, %dma_wait3A_576, %dma_wait3A_577, %dma_wait3A_586, %dma_wait3A_587] : memref<50x8x128x8x128xf32, #tpu.memory_space<hbm>> -> memref<1x1x1x8x128xf32, #tpu.memory_space<hbm>>
    %dma_wait3A_589 = tpu.memref_squeeze %dma_wait3A_588 : memref<1x1x1x8x128xf32, #tpu.memory_space<hbm>> -> memref<8x128xf32, #tpu.memory_space<hbm>>
    %dma_wait3A_590 = arith.constant 0 : i32
    %dma_wait3A_591 = arith.constant 0 : i32
    %dma_wait3A_592 = tpu.memref_slice %arg9[%dma_wait3A_574, %dma_wait3A_590, %dma_wait3A_591] : memref<2x64x129xf32, #tpu.memory_space<vmem>> -> memref<1x8x128xf32, #tpu.memory_space<vmem>>
    %dma_wait3A_593 = tpu.memref_squeeze %dma_wait3A_592 : memref<1x8x128xf32, #tpu.memory_space<vmem>> -> memref<8x128xf32, #tpu.memory_space<vmem>>
    tpu.wait_dma2 semaphore(%arg13 : memref<!tpu.dma_semaphore, #tpu.memory_space<semaphore_mem>>) src(%dma_wait3A_593 : memref<8x128xf32, #tpu.memory_space<vmem>>) dst(%dma_wait3A_589 : memref<8x128xf32, #tpu.memory_space<hbm>>)
    %dma_wait3A_594 = arith.constant 0 : i32
    %dma_wait3A_595 = arith.constant 0 : i32
    %dma_wait3A_596 = arith.constant 0 : i32
    %dma_wait3A_597 = arith.constant 0 : i32
    %dma_wait3A_598 = arith.constant 0 : i32
    %dma_wait3A_599 = arith.constant 0 : i32
    %dma_wait3A_600 = tpu.memref_slice %arg9[%dma_wait3A_594, %dma_wait3A_598, %dma_wait3A_599] : memref<2x64x129xf32, #tpu.memory_space<vmem>> -> memref<1x8x128xf32, #tpu.memory_space<vmem>>
    %dma_wait3A_601 = tpu.memref_squeeze %dma_wait3A_600 : memref<1x8x128xf32, #tpu.memory_space<vmem>> -> memref<8x128xf32, #tpu.memory_space<vmem>>
    %dma_wait3A_602 = arith.constant 0 : i32
    %dma_wait3A_603 = arith.constant 0 : i32
    %dma_wait3A_604 = tpu.memref_slice %arg4[%dma_wait3A_595, %dma_wait3A_596, %dma_wait3A_597, %dma_wait3A_602, %dma_wait3A_603] : memref<50x8x128x8x128xf32, #tpu.memory_space<hbm>> -> memref<1x1x1x8x128xf32, #tpu.memory_space<hbm>>
    %dma_wait3A_605 = tpu.memref_squeeze %dma_wait3A_604 : memref<1x1x1x8x128xf32, #tpu.memory_space<hbm>> -> memref<8x128xf32, #tpu.memory_space<hbm>>
    %dma_wait3A_606 = arith.constant 0 : i32
    %dma_wait3A_607 = arith.constant 0 : i32
    %dma_wait3A_608 = tpu.memref_slice %arg4[%dma_wait3A_595, %dma_wait3A_596, %dma_wait3A_597, %dma_wait3A_606, %dma_wait3A_607] : memref<50x8x128x8x128xf32, #tpu.memory_space<hbm>> -> memref<1x1x1x8x128xf32, #tpu.memory_space<hbm>>
    %dma_wait3A_609 = tpu.memref_squeeze %dma_wait3A_608 : memref<1x1x1x8x128xf32, #tpu.memory_space<hbm>> -> memref<8x128xf32, #tpu.memory_space<hbm>>
    %dma_wait3A_610 = arith.constant 0 : i32
    %dma_wait3A_611 = arith.constant 0 : i32
    %dma_wait3A_612 = tpu.memref_slice %arg9[%dma_wait3A_594, %dma_wait3A_610, %dma_wait3A_611] : memref<2x64x129xf32, #tpu.memory_space<vmem>> -> memref<1x8x128xf32, #tpu.memory_space<vmem>>
    %dma_wait3A_613 = tpu.memref_squeeze %dma_wait3A_612 : memref<1x8x128xf32, #tpu.memory_space<vmem>> -> memref<8x128xf32, #tpu.memory_space<vmem>>
    tpu.wait_dma2 semaphore(%arg13 : memref<!tpu.dma_semaphore, #tpu.memory_space<semaphore_mem>>) src(%dma_wait3A_613 : memref<8x128xf32, #tpu.memory_space<vmem>>) dst(%dma_wait3A_609 : memref<8x128xf32, #tpu.memory_space<hbm>>)
    %dma_wait3A_614 = arith.constant 0 : i32
    %dma_wait3A_615 = arith.constant 0 : i32
    %dma_wait3A_616 = arith.constant 0 : i32
    %dma_wait3A_617 = arith.constant 0 : i32
    %dma_wait3A_618 = arith.constant 0 : i32
    %dma_wait3A_619 = arith.constant 0 : i32
    %dma_wait3A_620 = tpu.memref_slice %arg9[%dma_wait3A_614, %dma_wait3A_618, %dma_wait3A_619] : memref<2x64x129xf32, #tpu.memory_space<vmem>> -> memref<1x8x128xf32, #tpu.memory_space<vmem>>
    %dma_wait3A_621 = tpu.memref_squeeze %dma_wait3A_620 : memref<1x8x128xf32, #tpu.memory_space<vmem>> -> memref<8x128xf32, #tpu.memory_space<vmem>>
    %dma_wait3A_622 = arith.constant 0 : i32
    %dma_wait3A_623 = arith.constant 0 : i32
    %dma_wait3A_624 = tpu.memref_slice %arg4[%dma_wait3A_615, %dma_wait3A_616, %dma_wait3A_617, %dma_wait3A_622, %dma_wait3A_623] : memref<50x8x128x8x128xf32, #tpu.memory_space<hbm>> -> memref<1x1x1x8x128xf32, #tpu.memory_space<hbm>>
    %dma_wait3A_625 = tpu.memref_squeeze %dma_wait3A_624 : memref<1x1x1x8x128xf32, #tpu.memory_space<hbm>> -> memref<8x128xf32, #tpu.memory_space<hbm>>
    %dma_wait3A_626 = arith.constant 0 : i32
    %dma_wait3A_627 = arith.constant 0 : i32
    %dma_wait3A_628 = tpu.memref_slice %arg4[%dma_wait3A_615, %dma_wait3A_616, %dma_wait3A_617, %dma_wait3A_626, %dma_wait3A_627] : memref<50x8x128x8x128xf32, #tpu.memory_space<hbm>> -> memref<1x1x1x8x128xf32, #tpu.memory_space<hbm>>
    %dma_wait3A_629 = tpu.memref_squeeze %dma_wait3A_628 : memref<1x1x1x8x128xf32, #tpu.memory_space<hbm>> -> memref<8x128xf32, #tpu.memory_space<hbm>>
    %dma_wait3A_630 = arith.constant 0 : i32
    %dma_wait3A_631 = arith.constant 0 : i32
    %dma_wait3A_632 = tpu.memref_slice %arg9[%dma_wait3A_614, %dma_wait3A_630, %dma_wait3A_631] : memref<2x64x129xf32, #tpu.memory_space<vmem>> -> memref<1x8x128xf32, #tpu.memory_space<vmem>>
    %dma_wait3A_633 = tpu.memref_squeeze %dma_wait3A_632 : memref<1x8x128xf32, #tpu.memory_space<vmem>> -> memref<8x128xf32, #tpu.memory_space<vmem>>
    tpu.wait_dma2 semaphore(%arg13 : memref<!tpu.dma_semaphore, #tpu.memory_space<semaphore_mem>>) src(%dma_wait3A_633 : memref<8x128xf32, #tpu.memory_space<vmem>>) dst(%dma_wait3A_629 : memref<8x128xf32, #tpu.memory_space<hbm>>)
    %dma_wait3A_634 = arith.constant 0 : i32
    %dma_wait3A_635 = arith.constant 0 : i32
    %dma_wait3A_636 = arith.constant 0 : i32
    %dma_wait3A_637 = arith.constant 0 : i32
    %dma_wait3A_638 = arith.constant 0 : i32
    %dma_wait3A_639 = arith.constant 0 : i32
    %dma_wait3A_640 = tpu.memref_slice %arg9[%dma_wait3A_634, %dma_wait3A_638, %dma_wait3A_639] : memref<2x64x129xf32, #tpu.memory_space<vmem>> -> memref<1x8x128xf32, #tpu.memory_space<vmem>>
    %dma_wait3A_641 = tpu.memref_squeeze %dma_wait3A_640 : memref<1x8x128xf32, #tpu.memory_space<vmem>> -> memref<8x128xf32, #tpu.memory_space<vmem>>
    %dma_wait3A_642 = arith.constant 0 : i32
    %dma_wait3A_643 = arith.constant 0 : i32
    %dma_wait3A_644 = tpu.memref_slice %arg4[%dma_wait3A_635, %dma_wait3A_636, %dma_wait3A_637, %dma_wait3A_642, %dma_wait3A_643] : memref<50x8x128x8x128xf32, #tpu.memory_space<hbm>> -> memref<1x1x1x8x128xf32, #tpu.memory_space<hbm>>
    %dma_wait3A_645 = tpu.memref_squeeze %dma_wait3A_644 : memref<1x1x1x8x128xf32, #tpu.memory_space<hbm>> -> memref<8x128xf32, #tpu.memory_space<hbm>>
    %dma_wait3A_646 = arith.constant 0 : i32
    %dma_wait3A_647 = arith.constant 0 : i32
    %dma_wait3A_648 = tpu.memref_slice %arg4[%dma_wait3A_635, %dma_wait3A_636, %dma_wait3A_637, %dma_wait3A_646, %dma_wait3A_647] : memref<50x8x128x8x128xf32, #tpu.memory_space<hbm>> -> memref<1x1x1x8x128xf32, #tpu.memory_space<hbm>>
    %dma_wait3A_649 = tpu.memref_squeeze %dma_wait3A_648 : memref<1x1x1x8x128xf32, #tpu.memory_space<hbm>> -> memref<8x128xf32, #tpu.memory_space<hbm>>
    %dma_wait3A_650 = arith.constant 0 : i32
    %dma_wait3A_651 = arith.constant 0 : i32
    %dma_wait3A_652 = tpu.memref_slice %arg9[%dma_wait3A_634, %dma_wait3A_650, %dma_wait3A_651] : memref<2x64x129xf32, #tpu.memory_space<vmem>> -> memref<1x8x128xf32, #tpu.memory_space<vmem>>
    %dma_wait3A_653 = tpu.memref_squeeze %dma_wait3A_652 : memref<1x8x128xf32, #tpu.memory_space<vmem>> -> memref<8x128xf32, #tpu.memory_space<vmem>>
    tpu.wait_dma2 semaphore(%arg13 : memref<!tpu.dma_semaphore, #tpu.memory_space<semaphore_mem>>) src(%dma_wait3A_653 : memref<8x128xf32, #tpu.memory_space<vmem>>) dst(%dma_wait3A_649 : memref<8x128xf32, #tpu.memory_space<hbm>>)
    return
  }
}

module attributes {stable_mosaic.version = 14 : i64} {
  func.func @body(%arg0: i32, %arg1: memref<64x2048xf32, #tpu.memory_space<vmem>>, %arg2: memref<2048x128xf32, #tpu.memory_space<vmem>>) attributes {dimension_semantics = [#tpu.dimension_semantics<arbitrary>], iteration_bounds = array<i64: 489>, scalar_prefetch = 0 : i64, scratch_operands = 0 : i64, tpu.core_type = #tpu.core_type<tc>, window_params = [{transform_indices = @transform_0, window_bounds = array<i64: 64, 2048>}, {transform_indices = @transform_1, window_bounds = array<i64: 2048, 128>}]} {
    %get3A = arith.constant 0 : index
    %get3A_0 = arith.constant 0 : index
    %get3A_1 = vector.load %arg1[%get3A, %get3A_0] : memref<64x2048xf32, #tpu.memory_space<vmem>>, vector<64x2048xf32>
    %transpose3A = tpu.transpose %get3A_1, [1, 0] : vector<64x2048xf32> -> vector<2048x64xf32>
    %jit3A = arith.constant 0 : i32
    %convert_element_type3A = arith.sitofp %jit3A : i32 to f32
    %pad3A = vector.broadcast %convert_element_type3A : f32 to vector<2048x64xf32>
    %pad3A_2 = tpu.concatenate %transpose3A, %pad3A in 1 : vector<2048x64xf32>, vector<2048x64xf32> -> vector<2048x128xf32>
    %swap3A = arith.constant 0 : index
    %swap3A_3 = arith.constant 0 : index
    %swap3A_4 = vector.load %arg2[%swap3A, %swap3A_3] : memref<2048x128xf32, #tpu.memory_space<vmem>>, vector<2048x128xf32>
    tpu.vector_store %arg2[%swap3A, %swap3A_3], %pad3A_2 {strides = array<i32>} : memref<2048x128xf32, #tpu.memory_space<vmem>>, vector<2048x128xf32>,
    return
  }
  func.func @transform_0(%arg0: i32) -> (i32, i32) {
    %c0_i32 = arith.constant 0 : i32
    %c0_i32_0 = arith.constant 0 : i32
    return %c0_i32, %arg0 : i32, i32
  }
  func.func @transform_1(%arg0: i32) -> (i32, i32) {
    %c0_i32 = arith.constant 0 : i32
    %c0_i32_0 = arith.constant 0 : i32
    return %arg0, %c0_i32 : i32, i32
  }
}

</mosaic_0001>

<sc_bundles>
// kernel: kernel.4.cloned.1.call-start
scs
__scs_entry_jumppad:
0x0: {  	(pc) =	sbr.rel $0x88, $3  }
0x1: {  	(tag) =	ssettag $0x0;
	lr =	simm.s32 $0x1  }
0x2: {  	[smem:$0x3F9F] =	sst lr;
	_ =	strace $0xD0000000  }
0x3: {  	_ = 	snop  }
0x4: {  	_ = 	snop  }
0x5: {  	_ = 	snop  }
0x6: {  	_ = 	snop  }
0x7: {  	_ = 	snop  }
__scs_overlays_trampoline_lowered:
0x8: {  	[smem:$0x3FAE] =	sst s0  }
0x9: {  	[smem:$0x3FAF] =	sst s1  }
0xa: {  	[smem:$0x3FB0] =	sst s2  }
0xb: {  	[smem:$0x3FB1] =	sst s3  }
0xc: {  	[smem:$0x3FB2] =	sst s4  }
0xd: {  	[smem:$0x3FB3] =	sst s5  }
0xe: {  	[smem:$0x3FB4] =	sst s6  }
0xf: {  	[smem:$0x3FB5] =	sst s7  }
0x10: {  	[smem:$0x3FB6] =	sst s8  }
0x11: {  	[smem:$0x3FB7] =	sst s9;
	s0 =	simm.s32 @!p0 $0x0  }
0x12: {  	s1 =	sld [smem:$0x3F9D];
	s0 =	simm.s32 @p0 $0x1  }
0x13: {  	[smem:$0x3FB8] =	sst s0;
	s0 =	simm.s32 @!p1 $0x0  }
0x14: {  	s2 =	sld [smem:$0x3F9C];
	s0 =	simm.s32 @p1 $0x1  }
0x15: {  	[smem:$0x3FB9] =	sst s0;
	s0 =	simm.s32 @!p2 $0x0  }
0x16: {  	s3 =	sld [smem:$0x3FDB];
	s0 =	simm.s32 @p2 $0x1  }
0x17: {  	s4 =	simm.s32 $0x1BF5;
	[smem:$0x3FBB] =	sst s0  }
0x18: {  	s0 =	sld [smem:$0x3F9E];
	_ =	swait.ge [sflag:s4], $0x0  }
0x19: {  	s7 =	sld [smem:$0x3F9F]  }
0x1a: {  	s8 =	sadd.s32 $0xFFFFE003, lr  }
0x1b: {  	s9 =	sadd.s32 $0xFFFFFEF7, lr;
	s5 =	simm.s32 $0xFFFFFFFF;
	p2 =	slt.u32 s8, $0xFFFFF086  }
0x1c: {  	p1 =	slt.u32 s9, $0xF7A;
	s5 =	simm.s32 @!p2 $0x0  }
0x1d: {  	s5 =	simm.s32 @p1 $0x1;
	p0 =	seq.s32 s7, s2  }
0x1e: {  	s7 =	smul.u32 @!p0 $0xF7A, s2;
	p2 =	seq.s32 @!p0 s5, $0x0  }
0x1f: {  	s9 =	smul.u32 $0xF7A, s1;
	s8 =	simm.s32 @!p0 $0x1BF5;
	p2 =	por !p2, p0  }
0x20: {  	[sflag:s8] =	ssyncset.s32 @!p0 $0xFFFFF086;
	s6 =	sadd.s32 @!p0 s3, s7;
	s7 =	simm.s32 @!p0 $0x108  }
0x21: {  	s3 =	sadd.s32 s3, s9;
	s6 =	sadd.s32 @!p0 $0x88, s6;
	s7 =	simm.s32 @p2 $0x1082  }
0x22: {  	[simem:s7], [sflag:s8] =	dma.local @!p0 [hbm:s6], $0xF7A  }
0x23: {  	s9 =	sor.u32 $0xD0000000, s2;
	s6 =	simm.s32 $0x108;
	_ =	swait.ge @!p0 [sflag:s8], $0x0  }
0x24: {  	s3 =	sadd.s32 $0x88, s3;
	s6 =	simm.s32 @!p1 $0x1082;
	[sflag:s4] =	ssyncset.s32 $0xFFFFF086  }
0x25: {  	[simem:s6], [sflag:s4] =	dma.local [hbm:s3], $0xF7A  }
0x26: {  	[smem:$0x3F9F] =	sst s1;
	(tag) =	ssettag s2;
	_ =	strace s9  }
0x27: {  	s1 =	sld [smem:$0x3FAF]  }
0x28: {  	s2 =	sld [smem:$0x3FB0]  }
0x29: {  	s4 =	sld [smem:$0x3FB2]  }
0x2a: {  	p0 =	seq.s32 s5, $0x0;
	s5 =	sld [smem:$0x3FB3]  }
0x2b: {  	s6 =	sld [smem:$0x3FB4]  }
0x2c: {  	s7 =	sld [smem:$0x3FB5]  }
0x2d: {  	s3 =	simm.s32 $0x108;
	s8 =	sld [smem:$0x3FB6]  }
0x2e: {  	s3 =	simm.s32 @!p0 $0x1082;
	s9 =	sld [smem:$0x3FB7]  }
0x2f: {  	lr =	sadd.s32 s0, s3;
	s0 =	sld [smem:$0x3FAE]  }
0x30: {  	s3 =	sld [smem:$0x3FB1]  }
0x31: {  	[smem:$0x3FBA] =	sst s10  }
0x32: {  	s10 =	sld [smem:$0x3FB8];
	_ =	sdelay $0x3  }
0x33: {  	p0 =	seq.s32 s10, $0x1;
	s10 =	sld [smem:$0x3FBA];
	_ =	sdelay $0x3  }
0x34: {  	[smem:$0x3FBA] =	sst s10  }
0x35: {  	s10 =	sld [smem:$0x3FB9];
	_ =	sdelay $0x3  }
0x36: {  	p1 =	seq.s32 s10, $0x1;
	s10 =	sld [smem:$0x3FBA];
	_ =	sdelay $0x3  }
0x37: {  	[smem:$0x3FBA] =	sst s10  }
0x38: {  	s10 =	sld [smem:$0x3FBB]  }
0x39: {  	_ = 	snop;
	(pc) =	sbr.ind lr, $3  }
0x3a: {  	_ = 	snop  }
0x3b: {  	_ = 	snop  }
0x3c: {  	p2 =	seq.s32 s10, $0x1;
	s10 =	sld [smem:$0x3FBA]  }
0x3d: {  	_ =	shalt  }
0x3e: {  	_ =	shalt  }
0x3f: {  	_ =	shalt  }
0x40: {  	_ =	shalt  }
0x41: {  	_ =	shalt  }
0x42: {  	_ =	shalt  }
0x43: {  	_ =	shalt  }
0x44: {  	_ =	shalt  }
0x45: {  	_ =	shalt  }
0x46: {  	_ =	shalt  }
0x47: {  	_ =	shalt  }
0x48: {  	_ =	shalt  }
0x49: {  	_ =	shalt  }
0x4a: {  	_ =	shalt  }
0x4b: {  	_ =	shalt  }
0x4c: {  	_ =	shalt  }
0x4d: {  	_ =	shalt  }
0x4e: {  	_ =	shalt  }
0x4f: {  	_ =	shalt  }
0x50: {  	_ =	shalt  }
0x51: {  	_ =	shalt  }
0x52: {  	_ =	shalt  }
0x53: {  	_ =	shalt  }
0x54: {  	_ =	shalt  }
0x55: {  	_ =	shalt  }
0x56: {  	_ =	shalt  }
0x57: {  	_ =	shalt  }
0x58: {  	_ =	shalt  }
0x59: {  	_ =	shalt  }
0x5a: {  	_ =	shalt  }
0x5b: {  	_ =	shalt  }
0x5c: {  	_ =	shalt  }
0x5d: {  	_ =	shalt  }
0x5e: {  	_ =	shalt  }
0x5f: {  	_ =	shalt  }
0x60: {  	_ =	shalt  }
0x61: {  	_ =	shalt  }
0x62: {  	_ =	shalt  }
0x63: {  	_ =	shalt  }
0x64: {  	_ =	shalt  }
0x65: {  	_ =	shalt  }
0x66: {  	_ =	shalt  }
0x67: {  	_ =	shalt  }
0x68: {  	_ =	shalt  }
0x69: {  	_ =	shalt  }
0x6a: {  	_ =	shalt  }
0x6b: {  	_ =	shalt  }
0x6c: {  	_ =	shalt  }
0x6d: {  	_ =	shalt  }
0x6e: {  	_ =	shalt  }
0x6f: {  	_ =	shalt  }
0x70: {  	_ =	shalt  }
0x71: {  	_ =	shalt  }
0x72: {  	_ =	shalt  }
0x73: {  	_ =	shalt  }
0x74: {  	_ =	shalt  }
0x75: {  	_ =	shalt  }
0x76: {  	_ =	shalt  }
0x77: {  	_ =	shalt  }
0x78: {  	_ =	shalt  }
0x79: {  	_ =	shalt  }
0x7a: {  	_ =	shalt  }
0x7b: {  	_ =	shalt  }
0x7c: {  	_ =	shalt  }
0x7d: {  	_ =	shalt  }
0x7e: {  	_ =	shalt  }
0x7f: {  	_ =	shalt  }
0x80: {  	_ =	shalt  }
0x81: {  	_ =	shalt  }
0x82: {  	_ =	shalt  }
0x83: {  	_ =	shalt  }
0x84: {  	_ =	shalt  }
0x85: {  	_ =	shalt  }
0x86: {  	_ =	shalt  }
0x87: {  	_ =	shalt  }
.Lfunc_end0:
.L_simem_size_0:
called_computation_lowered:
.L_overlay_start_0:
0x88: {  	s2 =	sld [smem:$0x3FD9]  }
0x89: {  	s3 =	sld [smem:$0x3FFE];
	_ =	sdelay $0x1  }
0x8a: {  	s1 =	srdreg.scid  }
0x8b: {  	s0 =	sand.u32 $0x1, s1  }
0x8c: {  	s17 =	sshll.u32 s0, $0xA;
	s2 =	sadd.s32 s3, s2  }
0x8d: {  	s2 =	sadd.s32 s2, s17  }
0x8e: {  	[smem:$0x3FC6] =	sst s2  }
0x8f: {  	_ = 	snop  }
0x90: {  	s2 =	sld [smem:$0x3FD0];
	(tm) =	ssettm $0x1  }
0x91: {  	s18 =	sld [smem:$0x3FFB];
	_ =	sdelay $0x3  }
0x92: {  	_ =	strace s18  }
0x93: {  	s3 =	sld [smem:$0x3FFC];
	_ =	sdelay $0x3  }
0x94: {  	_ =	strace s3  }
0x95: {  	s3 =	sld [smem:$0x3FFD];
	_ =	sdelay $0x3  }
0x96: {  	_ =	strace s3  }
0x97: {  	_ =	strace $0x8FFFFFFF  }
0x98: {  	s19 =	sld [smem:$0x3FDB];
	_ =	sdelay $0x1  }
0x99: {  	s4 =	simm.s32 $_scs_section_size  }
0x9a: {  	s5 =	simm.s32 $_size__tile_overlayer_lowered;
	s6 =	simm.s32 $_tile_overlayer_lowered  }
0x9b: {  	s22 =	simm.s32 $0x1BFF;
	s21 =	sshll.u32 s6, $0x1;
	s3 =	sadd.s32 s4, s19  }
0x9c: {  	s7 =	simm.s32 $0x0;
	s20 =	sshll.u32 s5, $0x1;
	s5 =	sadd.s32 s21, s3  }
0x9d: {  	[timem:s7], [sflag:s22] =	dma.local [hbm:s5], s20  }
0x9e: {  	_ =	swait.ge [sflag:s22], s20  }
0x9f: {  	s4 =	ssub.s32 $0x0, s20;
	[sflag:s22] =	ssyncset.done $0x0  }
0xa0: {  	[sflag:s22] =	ssyncadd.s32 s4;
	_ =	sdelay $0x1  }
0xa1: {  	s23 =	simm.s32 $0x1B8B  }
0xa2: {  	_ =	swait.ge [sflag:s23], $0x1  }
0xa3: {  	[sflag:s23] =	ssyncset.done $0x0  }
0xa4: {  	s25 =	simm.s32 $0x1B8E;
	s24 =	sld [smem:$0x3FFE];
	[sflag:s23] =	ssyncadd.s32 $0xFFFFFFFF  }
0xa5: {  	s26 =	simm.s32 $execute0_lowered;
	[smem:$0x3FD2] =	sst s25  }
0xa6: {  	s5 =	sshll.u32 s26, $0x1;
	_ =	strace $0x80000046;
	[dreg:$0x1] =	wrdreg $0xFFFFFFFF  }
0xa7: {  	s28 =	simm.s32 $_size_execute0_lowered;
	s3 =	sadd.s32 s3, s5;
	[dreg:$0x0] =	wrdreg $0x0  }
0xa8: {  	s5 =	sshll.u32 s28, $0x1;
	[dreg:$0x2] =	wrdreg s3  }
0xa9: {  	[dreg:$0x3] =	wrdreg s5  }
0xaa: {  	[dreg:$0x4] =	wrdreg $0xC0  }
0xab: {  	_ =	task [dreg:s7], $0x5FFFF  }
0xac: {  	[dreg:$0x1] =	wrdreg $0xFFFFFFFF  }
0xad: {  	[dreg:$0x0] =	wrdreg $0x60  }
0xae: {  	[dreg:$0x2] =	wrdreg s24  }
0xaf: {  	[dreg:$0x3] =	wrdreg s2  }
0xb0: {  	[dreg:$0x4] =	wrdreg $0x9  }
0xb1: {  	_ =	task.clear_ibuf [dreg:s7], $0x5FFFF;
	_ =	strace $0x90000046  }
0xb2: {  	s29 =	simm.s32 $0x9;
	_ =	strace $0x80000048  }
0xb3: {  	_ =	swait.ge [sflag:s29], $0x1  }
0xb4: {  	[sflag:s29] =	ssyncadd.s32 $0xFFFFFFFF  }
0xb5: {  	_ =	strace $0x90000048  }
0xb6: {  	_ =	sfence  }
0xb7: {  	s30 =	sld [smem:$0x0];
	_ =	sdelay $0x2  }
0xb8: {  	s31 =	sshll.u32 s1, $0xD;
	s1 =	sshrl.u32 s1, $0x2  }
0xb9: {  	s3 =	sand.u32 $0x4000, s31;
	s1 =	sadd.s32 s1, s30  }
0xba: {  	s0 =	sor.u32 s3, s0;
	s1 =	sshll.u32 s1, $0x11  }
0xbb: {  	s0 =	sor.u32 s1, s0  }
0xbc: {  	s0 =	sadd.s32 $0x8F2B, s0  }
0xbd: {  	[sflag:s0] =	ssyncadd.remote.s32 $0x1  }
0xbe: {  	_ =	sfence.sel $0xFFFF  }
0xbf: {  	[dreg:$0x0] =	wrdreg $0xFFFFFFFF;
	(pc) =	sbr.abs _section_cstart, $3  }
0xc0: {  	[dreg:$0x1] =	wrdreg $0xFFFFFFFF  }
0xc1: {  	_ =	task.clear_ibuf [dreg:s7], $0x2FFFF;
	_ =	strace $0x9FFFFFFF  }
0xc2: {  	(tm) =	ssettm $0x7FFFFFFF  }
0xc3: {  	_ =	shalt  }
tec
execute0_lowered:
.L_overlay_start_1:
0x0: {  	(tag) =	ssettag $0x1  }
0x1: {  	s0 =	rddreg [dreg:$0x0];
	s1 =	srdreg.scid  }
0x2: {  	s3 =	stileid.u32;
	s2 =	rddreg [dreg:$0x1]  }
0x3: {  	s16 =	simm.s32 $0x100;
	s19 =	simm.s32 $0x1;
	s20 =	simm.s32 $0x16400  }
0x4: {  	s30 =	simm.s32 $0x2;
	s31 =	simm.s32 $0x4;
	s28 =	simm.s32 $0x1E9E0  }
0x5: {  	s29 =	simm.s32 $0x1EA68;
	s15 =	simm.s32 $0x0;
	s1 =	sand.u32 $0x1, s1  }
0x6: {  	s4 =	sshll.u32 s3, $0x1;
	s3 =	simm.s32 $0x0;
	s7 =	sadd.s32 $0x4000, s2  }
0x7: {  	s8 =	sadd.s32 $0x8000, s2;
	s9 =	sadd.s32 $0xC000, s2;
	s10 =	sadd.s32 $0x10000, s2  }
0x8: {  	s11 =	sadd.s32 $0x14000, s2;
	s12 =	sadd.s32 $0x18000, s2;
	s5 =	sor.u32 s1, s4  }
0x9: {  	[smem:$0x7FF] =	sst s3;
	s1 =	ssub.s32 $0x2, s1;
	s4 =	smul.u32 $0xC80, s5  }
0xa: {  	s13 =	sadd.s32 $0x1C000, s2;
	_ =	strace $0x80000047;
	s25 =	sshrl.u32 s1, $0x1  }
0xb: {  	v0 =	vlaneseq.u32;
	s5 =	smul.u32 $0x64, s5;
	s6 =	sadd.s32 s4, s0;
	s4 =	sadd.s32 $0x19400, s0  }
0xc: {  	v0 =	vmul.u32 $0x88, v0;
	s0 =	ssub.s32 s1, s25;
	s1 =	simm.s32 $0x1A800;
	s26 =	sadd.s32 $0x400, s6  }
0xd: {  	s0 =	smax.u32 s0, $0x1;
	s6 =	simm.s32 $0x3;
	[dreg:$0x3] =	wrdreg s26  }
0xe: {  	v1 =	vadd.s32 $0x880, v0;
	v2 =	vadd.s32 $0x1100, v0;
	v3 =	vadd.s32 $0x1980, v0;
	[dreg:$0x4] =	wrdreg s0;
	s26 =	simm.s32 $0x1E958;
	s0 =	simm.s32 $0x1EB78  }
.LBB2_1:
0xf: {  	[dreg:$0x5] =	wrdreg s15  }
0x10: {  	s14 =	rddreg [dreg:$0x3];
	s24 =	simm.s32 $0x5  }
0x11: {  	[tilespmem:s3], [sflag:$0x5] =	stream.linear.gather [hbm4b:s14+s3], $0x6400, $0x38;
	[tilespmem:$0x1EC00] =	vst v63  }
0x12: {  	_ =	swait.ge [sflag:s24], $0x6400  }
0x13: {  	[sflag:s24] =	ssyncset.done $0x0  }
0x14: {  	s25 =	simm.s32 $0x6400;
	s14 =	simm.s32 $0x0;
	[sflag:s24] =	ssyncadd.s32 $0xFFFF9C00  }
0x15: {  	[tilespmem:s25], [sflag:$0x1] =	stream.indirect.gather [hbm4b:s4+s16], $0x80, s3, s16, $0xb8;
	[tilespmem:$0x1EC00] =	vst v63  }
.LBB2_2:
0x16: {  	s15 =	sshllo.u32 s14, $0x1  }
0x17: {  	s17 =	sshll.u32 s15, $0x8  }
0x18: {  	s18 =	simm.s32 $0xE400;
	s17 =	sand.u32 $0x3FFFFF00, s17  }
0x19: {  	[tilespmem:s18], [sflag:$0x2] =	stream.indirect.gather [hbm4b:s4+s16], $0x80, s17, s16, $0xb8;
	[tilespmem:$0x1EC00] =	vst v63  }
0x1a: {  	_ =	swait.ge [sflag:s19], $0x8000  }
0x1b: {  	p0 =	seq.s32 s14, $0x0;
	[sflag:s19] =	ssyncset.done $0x0  }
0x1c: {  	s17 =	simm.s32 @!p0 $0x3;
	[sflag:s19] =	ssyncadd.s32 $0xFFFF8000  }
0x1d: {  	_ =	swait.ge @!p0 [sflag:s17], $0x400  }
0x1e: {  	[sflag:s17] =	ssyncset.done @!p0 $0x0  }
0x1f: {  	[sflag:s17] =	ssyncadd.s32 @!p0 $0xFFFFFC00  }
0x20: {  	_ =	swait.ge @!p0 [sflag:s17], $0x400  }
0x21: {  	[sflag:s17] =	ssyncset.done @!p0 $0x0  }
0x22: {  	[sflag:s17] =	ssyncadd.s32 @!p0 $0xFFFFFC00  }
0x23: {  	_ =	swait.ge @!p0 [sflag:s17], $0x400  }
0x24: {  	[sflag:s17] =	ssyncset.done @!p0 $0x0  }
0x25: {  	[sflag:s17] =	ssyncadd.s32 @!p0 $0xFFFFFC00  }
0x26: {  	_ =	swait.ge @!p0 [sflag:s17], $0x400  }
0x27: {  	[sflag:s17] =	ssyncset.done @!p0 $0x0  }
0x28: {  	[sflag:s17] =	ssyncadd.s32 @!p0 $0xFFFFFC00  }
0x29: {  	_ =	swait.ge @!p0 [sflag:s17], $0x400  }
0x2a: {  	[sflag:s17] =	ssyncset.done @!p0 $0x0  }
0x2b: {  	[sflag:s17] =	ssyncadd.s32 @!p0 $0xFFFFFC00  }
0x2c: {  	_ =	swait.ge @!p0 [sflag:s17], $0x400  }
0x2d: {  	[sflag:s17] =	ssyncset.done @!p0 $0x0  }
0x2e: {  	[sflag:s17] =	ssyncadd.s32 @!p0 $0xFFFFFC00  }
0x2f: {  	_ =	swait.ge @!p0 [sflag:s17], $0x400  }
0x30: {  	[sflag:s17] =	ssyncset.done @!p0 $0x0  }
0x31: {  	[sflag:s17] =	ssyncadd.s32 @!p0 $0xFFFFFC00  }
0x32: {  	_ =	swait.ge @!p0 [sflag:s17], $0x400  }
0x33: {  	[sflag:s17] =	ssyncset.done @!p0 $0x0  }
0x34: {  	[sflag:s17] =	ssyncadd.s32 @!p0 $0xFFFFFC00  }
0x35: {  	_ =	swait.ge @!p0 [sflag:s17], $0x400  }
0x36: {  	[sflag:s17] =	ssyncset.done @!p0 $0x0  }
0x37: {  	[sflag:s17] =	ssyncadd.s32 @!p0 $0xFFFFFC00  }
0x38: {  	_ =	swait.ge @!p0 [sflag:s17], $0x400  }
0x39: {  	[sflag:s17] =	ssyncset.done @!p0 $0x0  }
0x3a: {  	[sflag:s17] =	ssyncadd.s32 @!p0 $0xFFFFFC00  }
0x3b: {  	_ =	swait.ge @!p0 [sflag:s17], $0x400  }
0x3c: {  	[sflag:s17] =	ssyncset.done @!p0 $0x0  }
0x3d: {  	[sflag:s17] =	ssyncadd.s32 @!p0 $0xFFFFFC00  }
0x3e: {  	_ =	swait.ge @!p0 [sflag:s17], $0x400  }
0x3f: {  	[sflag:s17] =	ssyncset.done @!p0 $0x0  }
0x40: {  	[sflag:s17] =	ssyncadd.s32 @!p0 $0xFFFFFC00  }
0x41: {  	_ =	swait.ge @!p0 [sflag:s17], $0x400  }
0x42: {  	[sflag:s17] =	ssyncset.done @!p0 $0x0  }
0x43: {  	[sflag:s17] =	ssyncadd.s32 @!p0 $0xFFFFFC00  }
0x44: {  	_ =	swait.ge @!p0 [sflag:s17], $0x400  }
0x45: {  	s24 =	simm.s32 $0x0;
	[sflag:s17] =	ssyncset.done @!p0 $0x0  }
0x46: {  	v4 =	vmov s24;
	[sflag:s17] =	ssyncadd.s32 @!p0 $0xFFFFFC00  }
0x47: {  	v4 =	vmul.u32 $0x2200, v4;
	_ =	swait.ge @!p0 [sflag:s17], $0x400  }
0x48: {  	s21 =	simm.s32 $0x3;
	s23 =	simm.s32 $0x2;
	[sflag:s17] =	ssyncset.done @!p0 $0x0  }
0x49: {  	s22 =	simm.s32 $0x1;
	v5 =	vmov s21;
	v8 =	vmov s23;
	v7 =	vbroadcast v4, $0x0;
	[sflag:s17] =	ssyncadd.s32 @!p0 $0xFFFFFC00  }
0x4a: {  	s25 =	simm.s32 $0x0;
	v11 =	vand.u32 $0x78, v5;
	v16 =	vand.u32 $0x7, v5;
	v5 =	vmov s22;
	_ =	swait.ge @!p0 [sflag:s17], $0x400  }
0x4b: {  	v19 =	vand.u32 $0x5, v5;
	v4 =	vmov s25;
	v6 =	vadd.s32 v0, v7;
	[sflag:s17] =	ssyncset.done @!p0 $0x0  }
0x4c: {  	s21 =	simm.s32 $0x6500;
	v9 =	vand.u32 $0x4, v4;
	v12 =	vand.u32 $0x78, v4;
	v4 =	vadd.s32 v11, v6;
	[sflag:s17] =	ssyncadd.s32 @!p0 $0xFFFFFC00  }
0x4d: {  	v17 =	vand.u32 $0x78, v5;
	v5 =	vadd.s32 v12, v6;
	v4 =	vor.u32 v16, v4;
	v10 =	vld [tilespmem:s21+$0x80]  }
0x4e: {  	v18 =	vand.u32 $0x78, v8;
	v13 =	vadd.s32 v17, v6;
	v15 =	vor.u32 v9, v5;
	v14 =	vld [tilespmem:s21+$0xFFFFFF00]  }
0x4f: {  	v22 =	vand.u32 $0x6, v8;
	v8 =	vor.u32 v19, v13;
	v5 =	vadd.s32 v18, v6;
	v6 =	vld [tilespmem:s21+$0xFFFFFF80]  }
0x50: {  	v21 =	vadd.s32 v1, v7;
	v13 =	vor.u32 v22, v5;
	v20 =	vld [tilespmem:s21+$0x0]  }
0x51: {  	v27 =	vadd.s32 v2, v7;
	v23 =	vadd.s32 v12, v21  }
0x52: {  	v28 =	vadd.s32 v12, v27;
	[tilespmem:v4+s20+$0x0] =	vst.idx.msk $0xffff, v10;
	v4 =	vadd.s32 v11, v21  }
0x53: {  	v29 =	vadd.s32 v17, v27;
	[tilespmem:v15+s20+$0x0] =	vst.idx.msk $0xffff, v14;
	v24 =	vld [tilespmem:s21+$0x90];
	v4 =	vor.u32 v16, v4  }
0x54: {  	s18 =	simm.s32 $0x6;
	v23 =	vor.u32 v9, v23;
	v14 =	vadd.s32 v17, v21;
	[tilespmem:v8+s20+$0x0] =	vst.idx.msk $0xffff, v6;
	v15 =	vld [tilespmem:s21+$0xFFFFFF10]  }
0x55: {  	s24 =	simm.s32 $0x4;
	s22 =	simm.s32 $0x0;
	v25 =	vmov s18;
	v6 =	vadd.s32 v18, v21;
	[tilespmem:v13+s20+$0x0] =	vst.idx.msk $0xffff, v20;
	v21 =	vld [tilespmem:s21+$0xFFFFFF90];
	v14 =	vor.u32 v19, v14  }
0x56: {  	s25 =	simm.s32 $0x5;
	v10 =	vmov s24;
	v13 =	vmov s22;
	v20 =	vor.u32 v22, v6;
	v26 =	vld [tilespmem:s21+$0x10]  }
0x57: {  	v8 =	vmov s25;
	v5 =	vand.u32 $0x4, v10;
	v13 =	vmul.u32 $0x2200, v13  }
0x58: {  	v10 =	vand.u32 $0x78, v10;
	v6 =	vand.u32 $0x5, v8;
	[tilespmem:v4+s20+$0x0] =	vst.idx.msk $0xffff, v24;
	v24 =	vadd.s32 v11, v27  }
0x59: {  	v8 =	vand.u32 $0x78, v8;
	v13 =	vbroadcast v13, $0x0;
	[tilespmem:v23+s20+$0x0] =	vst.idx.msk $0xffff, v15;
	v30 =	vld [tilespmem:s21+$0xA0];
	v24 =	vor.u32 v16, v24  }
0x5a: {  	s23 =	simm.s32 $0x7;
	v4 =	vand.u32 $0x6, v25;
	v23 =	vor.u32 v9, v28;
	v15 =	vadd.s32 v18, v27;
	[tilespmem:v14+s20+$0x0] =	vst.idx.msk $0xffff, v21  }
0x5b: {  	v14 =	vmov s23;
	v21 =	vor.u32 v19, v29;
	[tilespmem:v20+s20+$0x0] =	vst.idx.msk $0xffff, v26;
	v20 =	vadd.s32 v0, v13;
	v27 =	vld [tilespmem:s21+$0xFFFFFF20]  }
0x5c: {  	v29 =	vadd.s32 v3, v7;
	v31 =	vor.u32 v22, v15;
	v28 =	vld [tilespmem:s21+$0xFFFFFFA0];
	v15 =	vand.u32 $0x78, v14  }
0x5d: {  	s17 =	simm.s32 $0x6700;
	v32 =	vld [tilespmem:s21+$0x20];
	v14 =	vand.u32 $0x7, v14;
	v11 =	vadd.s32 v11, v29;
	v26 =	vadd.s32 v15, v20  }
0x5e: {  	v7 =	vand.u32 $0x78, v25;
	v25 =	vld [tilespmem:s17+$0x80];
	v12 =	vadd.s32 v12, v29;
	v26 =	vor.u32 v14, v26;
	[tilespmem:v24+s20+$0x0] =	vst.idx.msk $0xffff, v30  }
0x5f: {  	v37 =	vadd.s32 v17, v29;
	v11 =	vor.u32 v16, v11;
	v24 =	vadd.s32 v10, v20;
	v33 =	vld [tilespmem:s21+$0xB0]  }
0x60: {  	v34 =	vld [tilespmem:s17+$0xFFFFFF00];
	v30 =	vadd.s32 v8, v20;
	[tilespmem:v23+s20+$0x0] =	vst.idx.msk $0xffff, v27;
	v24 =	vor.u32 v5, v24  }
0x61: {  	v16 =	vadd.s32 v7, v20;
	v20 =	vld [tilespmem:s17+$0xFFFFFF80];
	[tilespmem:v21+s20+$0x0] =	vst.idx.msk $0xffff, v28;
	v30 =	vor.u32 v6, v30  }
0x62: {  	v36 =	vld [tilespmem:s17+$0x0];
	v38 =	vadd.s32 v18, v29;
	v35 =	vor.u32 v4, v16;
	[tilespmem:v31+s20+$0x0] =	vst.idx.msk $0xffff, v32  }
0x63: {  	s22 =	simm.s32 $0x8;
	v17 =	vadd.s32 v1, v13;
	v40 =	vor.u32 v9, v12;
	v39 =	vld [tilespmem:s21+$0xFFFFFF30];
	[tilespmem:v26+s20+$0x0] =	vst.idx.msk $0xffff, v25  }
0x64: {  	v12 =	vmov s22;
	v18 =	vadd.s32 v10, v17;
	v21 =	vadd.s32 v15, v17;
	v16 =	vld [tilespmem:s21+$0xFFFFFFB0];
	[tilespmem:v11+s20+$0x0] =	vst.idx.msk $0xffff, v33  }
0x65: {  	s24 =	simm.s32 $0x9;
	v9 =	vand.u32 $0x4, v12;
	v12 =	vand.u32 $0x78, v12;
	v28 =	vor.u32 v14, v21;
	[tilespmem:v24+s20+$0x0] =	vst.idx.msk $0xffff, v34;
	v24 =	vld [tilespmem:s17+$0x90]  }
0x66: {  	s23 =	simm.s32 $0x0;
	v29 =	vor.u32 v5, v18;
	v18 =	vmov s24;
	v11 =	vadd.s32 v8, v17;
	[tilespmem:v30+s20+$0x0] =	vst.idx.msk $0xffff, v20;
	v25 =	vld [tilespmem:s17+$0xFFFFFF10]  }
0x67: {  	v31 =	vmov s23;
	[tilespmem:v35+s20+$0x0] =	vst.idx.msk $0xffff, v36;
	v17 =	vadd.s32 v7, v17;
	v23 =	vld [tilespmem:s17+$0xFFFFFF90];
	v27 =	vor.u32 v6, v11  }
0x68: {  	s25 =	simm.s32 $0xA;
	v26 =	vld [tilespmem:s17+$0x10];
	v20 =	vor.u32 v19, v37;
	v19 =	vor.u32 v22, v38;
	v21 =	vor.u32 v4, v17  }
0x69: {  	s18 =	sshll.u32 s14, $0x1;
	s23 =	simm.s32 $0xC;
	v30 =	vadd.s32 v2, v13;
	[tilespmem:v40+s20+$0x0] =	vst.idx.msk $0xffff, v39;
	v22 =	vld [tilespmem:s21+$0x30];
	s21 =	simm.s32 $0x6700;
	v17 =	vmov s25;
	v11 =	vand.u32 $0x5, v18  }
.LBB2_3:
0x6a: {  	p1 =	slt.u32 s23, $0xFC;
	v31 =	vmul.u32 $0x2200, v31;
	v32 =	vadd.s32 v10, v30;
	[tilespmem:v28+s20+$0x0] =	vst.idx.msk $0xffff, v24;
	v24 =	vadd.s32 v15, v30  }
0x6b: {  	v33 =	vand.u32 $0x6, v17;
	[tilespmem:v29+s20+$0x0] =	vst.idx.msk $0xffff, v25;
	v25 =	vadd.s32 v8, v30;
	v28 =	vld [tilespmem:s17+$0xA0];
	v24 =	vor.u32 v14, v24  }
0x6c: {  	s24 =	sadd.s32 $0x3, s22;
	s22 =	smov.u32 s23;
	v32 =	vor.u32 v5, v32;
	v29 =	vbroadcast v31, $0x0;
	v31 =	vld [tilespmem:s17+$0xFFFFFF20];
	[tilespmem:v27+s20+$0x0] =	vst.idx.msk $0xffff, v23;
	v23 =	vadd.s32 v7, v30  }
0x6d: {  	v27 =	vmov s24;
	v25 =	vor.u32 v6, v25;
	v30 =	vld [tilespmem:s17+$0xFFFFFFA0];
	[tilespmem:v21+s20+$0x0] =	vst.idx.msk $0xffff, v26;
	v34 =	vor.u32 v4, v23  }
0x6e: {  	v18 =	vand.u32 $0x78, v18;
	v23 =	vand.u32 $0x78, v27;
	v21 =	vadd.s32 v0, v29;
	v35 =	vld [tilespmem:s17+$0x20];
	[tilespmem:v20+s20+$0x0] =	vst.idx.msk $0xffff, v16  }
0x6f: {  	v26 =	vadd.s32 v3, v13;
	v16 =	vand.u32 $0x7, v27;
	s17 =	sadd.s32 $0x200, s17;
	v20 =	vadd.s32 v23, v21;
	[tilespmem:v19+s20+$0x0] =	vst.idx.msk $0xffff, v22  }
0x70: {  	v17 =	vand.u32 $0x78, v17;
	v19 =	vld [tilespmem:s17+$0x80];
	v20 =	vor.u32 v16, v20;
	[tilespmem:v24+s20+$0x0] =	vst.idx.msk $0xffff, v28;
	v28 =	vadd.s32 v15, v26  }
0x71: {  	v13 =	vmovc v29;
	v36 =	vadd.s32 v12, v21;
	v22 =	vadd.s32 v18, v21;
	v24 =	vld [tilespmem:s21+$0xB0];
	v27 =	vor.u32 v14, v28  }
0x72: {  	v37 =	vadd.s32 v17, v21;
	v29 =	vor.u32 v9, v36;
	v22 =	vor.u32 v11, v22;
	v15 =	vmovc v23;
	v28 =	vld [tilespmem:s17+$0xFFFFFF00]  }
0x73: {  	v10 =	vadd.s32 v10, v26;
	v36 =	vor.u32 v33, v37;
	v14 =	vmov v16;
	v21 =	vld [tilespmem:s17+$0xFFFFFF80];
	[tilespmem:v32+s20+$0x0] =	vst.idx.msk $0xffff, v31  }
0x74: {  	v32 =	vadd.s32 v7, v26;
	v31 =	vld [tilespmem:s17+$0x0];
	[tilespmem:v25+s20+$0x0] =	vst.idx.msk $0xffff, v30;
	v30 =	vadd.s32 v8, v26;
	v8 =	vmov v18  }
0x75: {  	v38 =	vor.u32 v5, v10;
	v7 =	vmov v17;
	v18 =	vadd.s32 v1, v13;
	[tilespmem:v20+s20+$0x0] =	vst.idx.msk $0xffff, v19;
	v37 =	vld [tilespmem:s21+$0xFFFFFF30]  }
0x76: {  	v10 =	vmov s23;
	v5 =	vmovc v9;
	v17 =	vadd.s32 v12, v18;
	v19 =	vadd.s32 v15, v18;
	v16 =	vld [tilespmem:s21+$0xFFFFFFB0];
	[tilespmem:v27+s20+$0x0] =	vst.idx.msk $0xffff, v24  }
.Ltmp0:
0x77: {  	v9 =	vand.u32 $0x4, v10;
	v20 =	vadd.s32 v8, v18;
	[tilespmem:v29+s20+$0x0] =	vst.idx.msk $0xffff, v28;
	v24 =	vld [tilespmem:s17+$0x90];
	v28 =	vor.u32 v14, v19;
	(pc) =	sbr.rel @p1 .LBB2_3-.Ltmp0, $4  }
0x78: {  	s24 =	sadd.s32 $0x1, s23;
	v39 =	vand.u32 $0x78, v10;
	v29 =	vor.u32 v5, v17;
	v17 =	vadd.s32 v7, v18;
	v25 =	vld [tilespmem:s17+$0xFFFFFF10];
	[tilespmem:v22+s20+$0x0] =	vst.idx.msk $0xffff, v21  }
0x79: {  	v10 =	vmovc v12;
	v27 =	vor.u32 v11, v20;
	v18 =	vmov s24;
	s24 =	sadd.s32 $0x2, s23;
	v21 =	vor.u32 v33, v17;
	v23 =	vld [tilespmem:s17+$0xFFFFFF90];
	[tilespmem:v36+s20+$0x0] =	vst.idx.msk $0xffff, v31  }
0x7a: {  	s25 =	sshrl.u32 s23, $0x7;
	v20 =	vor.u32 v6, v30;
	v19 =	vor.u32 v4, v32;
	v4 =	vmovc v33;
	v17 =	vmov s24;
	v26 =	vld [tilespmem:s17+$0x10];
	[tilespmem:v34+s20+$0x0] =	vst.idx.msk $0xffff, v35  }
0x7b: {  	v12 =	vmovc v39;
	v30 =	vadd.s32 v2, v13;
	v6 =	vmovc v11;
	s23 =	sadd.s32 $0x4, s23;
	v11 =	vand.u32 $0x5, v18;
	v31 =	vmov s25;
	[tilespmem:v38+s20+$0x0] =	vst.idx.msk $0xffff, v37;
	v22 =	vld [tilespmem:s21+$0x30];
	s21 =	smov.u32 s17  }
0x7c: {  	_ =	sdelay $0x2  }
0x7d: {  	v31 =	vmul.u32 $0x2200, v31  }
0x7e: {  	v32 =	vadd.s32 v10, v30;
	v33 =	vadd.s32 v15, v30;
	[tilespmem:v28+s20+$0x0] =	vst.idx.msk $0xffff, v24;
	v24 =	vand.u32 $0x6, v17  }
0x7f: {  	v44 =	vadd.s32 v8, v30;
	s22 =	sadd.s32 $0x3, s22;
	v49 =	vadd.s32 v7, v30;
	v31 =	vbroadcast v31, $0x0  }
0x80: {  	v18 =	vand.u32 $0x78, v18;
	[tilespmem:v20+s20+$0x0] =	vst.idx.msk $0xffff, v16;
	v13 =	vadd.s32 v3, v13;
	v47 =	vmov s22  }
0x81: {  	[tilespmem:v29+s20+$0x0] =	vst.idx.msk $0xffff, v25;
	v45 =	vor.u32 v14, v33;
	v48 =	vld [tilespmem:s17+$0xA0];
	v30 =	vand.u32 $0x78, v47;
	v50 =	vadd.s32 v0, v31  }
0x82: {  	s25 =	sadd.s32 $0x200, s17;
	v46 =	vor.u32 v5, v32;
	v34 =	vld [tilespmem:s17+$0xFFFFFF20];
	[tilespmem:v21+s20+$0x0] =	vst.idx.msk $0xffff, v26;
	v21 =	vand.u32 $0x7, v47;
	v51 =	vadd.s32 v30, v50  }
0x83: {  	v28 =	vor.u32 v6, v44;
	v52 =	vld [tilespmem:s25+$0x80];
	v54 =	vadd.s32 v12, v50;
	v53 =	vor.u32 v21, v51  }
0x84: {  	v17 =	vand.u32 $0x78, v17;
	v56 =	vld [tilespmem:s25+$0xFFFFFF00];
	[tilespmem:v27+s20+$0x0] =	vst.idx.msk $0xffff, v23;
	v55 =	vadd.s32 v18, v50;
	v26 =	vor.u32 v9, v54  }
0x85: {  	v57 =	vld [tilespmem:s25+$0xFFFFFF80];
	[tilespmem:v19+s20+$0x0] =	vst.idx.msk $0xffff, v22;
	v27 =	vadd.s32 v17, v50;
	v19 =	vor.u32 v11, v55  }
0x86: {  	v59 =	vld [tilespmem:s25+$0x0];
	v61 =	vadd.s32 v15, v13;
	[tilespmem:v45+s20+$0x0] =	vst.idx.msk $0xffff, v48;
	v58 =	vor.u32 v24, v27  }
0x87: {  	v41 =	vadd.s32 v10, v13;
	v60 =	vld [tilespmem:s17+$0xFFFFFFA0];
	v62 =	vadd.s32 v1, v31;
	[tilespmem:v46+s20+$0x0] =	vst.idx.msk $0xffff, v34  }
0x88: {  	v23 =	vor.u32 v4, v49;
	v42 =	vld [tilespmem:s17+$0x20];
	v36 =	vadd.s32 v30, v62;
	[tilespmem:v53+s20+$0x0] =	vst.idx.msk $0xffff, v52  }
0x89: {  	v37 =	vadd.s32 v12, v62;
	v15 =	vor.u32 v21, v36;
	[tilespmem:v26+s20+$0x0] =	vst.idx.msk $0xffff, v56;
	v20 =	vld [tilespmem:s25+$0x90]  }
0x8a: {  	v38 =	vadd.s32 v18, v62;
	v16 =	vor.u32 v9, v37;
	[tilespmem:v19+s20+$0x0] =	vst.idx.msk $0xffff, v57;
	v26 =	vld [tilespmem:s25+$0xFFFFFF10]  }
0x8b: {  	v39 =	vadd.s32 v17, v62;
	v22 =	vor.u32 v11, v38;
	[tilespmem:v58+s20+$0x0] =	vst.idx.msk $0xffff, v59;
	v40 =	vld [tilespmem:s25+$0xFFFFFF90]  }
0x8c: {  	v43 =	vadd.s32 v8, v13;
	[tilespmem:v28+s20+$0x0] =	vst.idx.msk $0xffff, v60;
	v19 =	vor.u32 v24, v39;
	v25 =	vld [tilespmem:s25+$0x10]  }
0x8d: {  	v35 =	vor.u32 v14, v61;
	v44 =	vadd.s32 v2, v31;
	v63 =	vld [tilespmem:s21+$0xB0];
	[tilespmem:v23+s20+$0x0] =	vst.idx.msk $0xffff, v42  }
0x8e: {  	v5 =	vor.u32 v5, v41;
	v46 =	vadd.s32 v30, v44;
	v45 =	vld [tilespmem:s21+$0xFFFFFF30];
	[tilespmem:v15+s20+$0x0] =	vst.idx.msk $0xffff, v20  }
0x8f: {  	v47 =	vadd.s32 v12, v44;
	v10 =	vor.u32 v21, v46;
	[tilespmem:v16+s20+$0x0] =	vst.idx.msk $0xffff, v26;
	v48 =	vld [tilespmem:s25+$0xA0]  }
0x90: {  	v49 =	vadd.s32 v18, v44;
	v15 =	vor.u32 v9, v47;
	[tilespmem:v22+s20+$0x0] =	vst.idx.msk $0xffff, v40;
	v26 =	vld [tilespmem:s25+$0xFFFFFF20]  }
0x91: {  	v14 =	vadd.s32 v17, v44;
	v20 =	vor.u32 v11, v49;
	[tilespmem:v19+s20+$0x0] =	vst.idx.msk $0xffff, v25;
	v22 =	vld [tilespmem:s25+$0xFFFFFFA0]  }
0x92: {  	v50 =	vadd.s32 v7, v13;
	v51 =	vor.u32 v24, v14;
	[tilespmem:v35+s20+$0x0] =	vst.idx.msk $0xffff, v63;
	v52 =	vld [tilespmem:s25+$0x20]  }
0x93: {  	v4 =	vor.u32 v4, v50;
	v55 =	vld [tilespmem:s21+$0x30];
	[tilespmem:v5+s20+$0x0] =	vst.idx.msk $0xffff, v45;
	v5 =	vadd.s32 v3, v31  }
0x94: {  	v54 =	vor.u32 v6, v43;
	v53 =	vld [tilespmem:s21+$0xFFFFFFB0];
	v56 =	vadd.s32 v30, v5;
	[tilespmem:v10+s20+$0x0] =	vst.idx.msk $0xffff, v48  }
0x95: {  	v57 =	vadd.s32 v12, v5;
	v8 =	vor.u32 v21, v56;
	[tilespmem:v15+s20+$0x0] =	vst.idx.msk $0xffff, v26;
	v10 =	vld [tilespmem:s25+$0xB0]  }
0x96: {  	v58 =	vadd.s32 v18, v5;
	v60 =	vor.u32 v9, v57;
	[tilespmem:v20+s20+$0x0] =	vst.idx.msk $0xffff, v22;
	v59 =	vld [tilespmem:s25+$0xFFFFFF30]  }
0x97: {  	v5 =	vadd.s32 v17, v5;
	v62 =	vor.u32 v11, v58;
	[tilespmem:v51+s20+$0x0] =	vst.idx.msk $0xffff, v52;
	v61 =	vld [tilespmem:s25+$0xFFFFFFB0]  }
0x98: {  	s23 =	sadd.s32 s5, s18;
	v5 =	vor.u32 v24, v5;
	[tilespmem:v4+s20+$0x0] =	vst.idx.msk $0xffff, v55;
	v63 =	vld [tilespmem:s25+$0x30]  }
0x99: {  	s18 =	sshll.u32 s23, $0xB;
	s17 =	sshll.u32 s23, $0xE;
	[tilespmem:v54+s20+$0x0] =	vst.idx.msk $0xffff, v53  }
0x9a: {  	s18 =	sand.u32 $0x1F000, s18;
	s17 =	sand.u32 $0x7FF00000, s17;
	[tilespmem:v8+s20+$0x0] =	vst.idx.msk $0xffff, v10  }
0x9b: {  	s17 =	sor.u32 s18, s17;
	[tilespmem:v60+s20+$0x0] =	vst.idx.msk $0xffff, v59  }
0x9c: {  	s17 =	sshrl.u32 s17, $0x3;
	[tilespmem:v62+s20+$0x0] =	vst.idx.msk $0xffff, v61  }
0x9d: {  	s18 =	sadd.s32 s2, s17;
	[tilespmem:v5+s20+$0x0] =	vst.idx.msk $0xffff, v63  }
0x9e: {  	[hbm4b:s18+s3] =	stream.linear.scatter [tilespmem:s20], [sflag:$0x3], $0x80, $0x38;
	[tilespmem:$0x1EC00] =	vst v63  }
0x9f: {  	s24 =	sadd.s32 $0x10, s18;
	s25 =	simm.s32 $0x16488  }
0xa0: {  	[hbm4b:s24+s3] =	stream.linear.scatter [tilespmem:s25], [sflag:$0x3], $0x80, $0x38;
	[tilespmem:$0x1EC00] =	vst v63  }
0xa1: {  	s23 =	simm.s32 $0x16510;
	s22 =	sadd.s32 $0x20, s18  }
0xa2: {  	[hbm4b:s22+s3] =	stream.linear.scatter [tilespmem:s23], [sflag:$0x3], $0x80, $0x38;
	[tilespmem:$0x1EC00] =	vst v63  }
0xa3: {  	s24 =	sadd.s32 $0x30, s18;
	s25 =	simm.s32 $0x16598  }
0xa4: {  	[hbm4b:s24+s3] =	stream.linear.scatter [tilespmem:s25], [sflag:$0x3], $0x80, $0x38;
	[tilespmem:$0x1EC00] =	vst v63  }
0xa5: {  	s22 =	sadd.s32 $0x40, s18;
	s23 =	simm.s32 $0x16620  }
0xa6: {  	[hbm4b:s22+s3] =	stream.linear.scatter [tilespmem:s23], [sflag:$0x3], $0x80, $0x38;
	[tilespmem:$0x1EC00] =	vst v63  }
0xa7: {  	s24 =	sadd.s32 $0x50, s18;
	s25 =	simm.s32 $0x166A8  }
0xa8: {  	[hbm4b:s24+s3] =	stream.linear.scatter [tilespmem:s25], [sflag:$0x3], $0x80, $0x38;
	[tilespmem:$0x1EC00] =	vst v63  }
0xa9: {  	s22 =	sadd.s32 $0x60, s18;
	s23 =	simm.s32 $0x16730  }
0xaa: {  	[hbm4b:s22+s3] =	stream.linear.scatter [tilespmem:s23], [sflag:$0x3], $0x80, $0x38;
	[tilespmem:$0x1EC00] =	vst v63  }
0xab: {  	s18 =	sadd.s32 $0x70, s18;
	s24 =	simm.s32 $0x167B8  }
0xac: {  	[hbm4b:s18+s3] =	stream.linear.scatter [tilespmem:s24], [sflag:$0x3], $0x80, $0x38;
	[tilespmem:$0x1EC00] =	vst v63  }
0xad: {  	s25 =	simm.s32 $0x16840;
	s18 =	sadd.s32 s17, s7  }
0xae: {  	[hbm4b:s18+s3] =	stream.linear.scatter [tilespmem:s25], [sflag:$0x3], $0x80, $0x38;
	[tilespmem:$0x1EC00] =	vst v63  }
0xaf: {  	s23 =	simm.s32 $0x168C8;
	s22 =	sadd.s32 $0x10, s18  }
0xb0: {  	[hbm4b:s22+s3] =	stream.linear.scatter [tilespmem:s23], [sflag:$0x3], $0x80, $0x38;
	[tilespmem:$0x1EC00] =	vst v63  }
0xb1: {  	s24 =	sadd.s32 $0x20, s18;
	s25 =	simm.s32 $0x16950  }
0xb2: {  	[hbm4b:s24+s3] =	stream.linear.scatter [tilespmem:s25], [sflag:$0x3], $0x80, $0x38;
	[tilespmem:$0x1EC00] =	vst v63  }
0xb3: {  	s22 =	sadd.s32 $0x30, s18;
	s23 =	simm.s32 $0x169D8  }
0xb4: {  	[hbm4b:s22+s3] =	stream.linear.scatter [tilespmem:s23], [sflag:$0x3], $0x80, $0x38;
	[tilespmem:$0x1EC00] =	vst v63  }
0xb5: {  	s24 =	sadd.s32 $0x40, s18;
	s25 =	simm.s32 $0x16A60  }
0xb6: {  	[hbm4b:s24+s3] =	stream.linear.scatter [tilespmem:s25], [sflag:$0x3], $0x80, $0x38;
	[tilespmem:$0x1EC00] =	vst v63  }
0xb7: {  	s22 =	sadd.s32 $0x50, s18;
	s23 =	simm.s32 $0x16AE8  }
0xb8: {  	[hbm4b:s22+s3] =	stream.linear.scatter [tilespmem:s23], [sflag:$0x3], $0x80, $0x38;
	[tilespmem:$0x1EC00] =	vst v63  }
0xb9: {  	s24 =	sadd.s32 $0x60, s18;
	s25 =	simm.s32 $0x16B70  }
0xba: {  	[hbm4b:s24+s3] =	stream.linear.scatter [tilespmem:s25], [sflag:$0x3], $0x80, $0x38;
	[tilespmem:$0x1EC00] =	vst v63  }
0xbb: {  	s18 =	sadd.s32 $0x70, s18;
	s22 =	simm.s32 $0x16BF8  }
0xbc: {  	[hbm4b:s18+s3] =	stream.linear.scatter [tilespmem:s22], [sflag:$0x3], $0x80, $0x38;
	[tilespmem:$0x1EC00] =	vst v63  }
0xbd: {  	s23 =	simm.s32 $0x16C80;
	s18 =	sadd.s32 s17, s8  }
0xbe: {  	[hbm4b:s18+s3] =	stream.linear.scatter [tilespmem:s23], [sflag:$0x3], $0x80, $0x38;
	[tilespmem:$0x1EC00] =	vst v63  }
0xbf: {  	s25 =	simm.s32 $0x16D08;
	s24 =	sadd.s32 $0x10, s18  }
0xc0: {  	[hbm4b:s24+s3] =	stream.linear.scatter [tilespmem:s25], [sflag:$0x3], $0x80, $0x38;
	[tilespmem:$0x1EC00] =	vst v63  }
0xc1: {  	s22 =	sadd.s32 $0x20, s18;
	s23 =	simm.s32 $0x16D90  }
0xc2: {  	[hbm4b:s22+s3] =	stream.linear.scatter [tilespmem:s23], [sflag:$0x3], $0x80, $0x38;
	[tilespmem:$0x1EC00] =	vst v63  }
0xc3: {  	s24 =	sadd.s32 $0x30, s18;
	s25 =	simm.s32 $0x16E18  }
0xc4: {  	[hbm4b:s24+s3] =	stream.linear.scatter [tilespmem:s25], [sflag:$0x3], $0x80, $0x38;
	[tilespmem:$0x1EC00] =	vst v63  }
0xc5: {  	s22 =	sadd.s32 $0x40, s18;
	s23 =	simm.s32 $0x16EA0  }
0xc6: {  	[hbm4b:s22+s3] =	stream.linear.scatter [tilespmem:s23], [sflag:$0x3], $0x80, $0x38;
	[tilespmem:$0x1EC00] =	vst v63  }
0xc7: {  	s24 =	sadd.s32 $0x50, s18;
	s25 =	simm.s32 $0x16F28  }
0xc8: {  	[hbm4b:s24+s3] =	stream.linear.scatter [tilespmem:s25], [sflag:$0x3], $0x80, $0x38;
	[tilespmem:$0x1EC00] =	vst v63  }
0xc9: {  	s22 =	sadd.s32 $0x60, s18;
	s23 =	simm.s32 $0x16FB0  }
0xca: {  	[hbm4b:s22+s3] =	stream.linear.scatter [tilespmem:s23], [sflag:$0x3], $0x80, $0x38;
	[tilespmem:$0x1EC00] =	vst v63  }
0xcb: {  	s18 =	sadd.s32 $0x70, s18;
	s24 =	simm.s32 $0x17038  }
0xcc: {  	[hbm4b:s18+s3] =	stream.linear.scatter [tilespmem:s24], [sflag:$0x3], $0x80, $0x38;
	[tilespmem:$0x1EC00] =	vst v63  }
0xcd: {  	s25 =	simm.s32 $0x170C0;
	s18 =	sadd.s32 s17, s9  }
0xce: {  	[hbm4b:s18+s3] =	stream.linear.scatter [tilespmem:s25], [sflag:$0x3], $0x80, $0x38;
	[tilespmem:$0x1EC00] =	vst v63  }
0xcf: {  	s23 =	simm.s32 $0x17148;
	s22 =	sadd.s32 $0x10, s18  }
0xd0: {  	[hbm4b:s22+s3] =	stream.linear.scatter [tilespmem:s23], [sflag:$0x3], $0x80, $0x38;
	[tilespmem:$0x1EC00] =	vst v63  }
0xd1: {  	s24 =	sadd.s32 $0x20, s18;
	s25 =	simm.s32 $0x171D0  }
0xd2: {  	[hbm4b:s24+s3] =	stream.linear.scatter [tilespmem:s25], [sflag:$0x3], $0x80, $0x38;
	[tilespmem:$0x1EC00] =	vst v63  }
0xd3: {  	s22 =	sadd.s32 $0x30, s18;
	s23 =	simm.s32 $0x17258  }
0xd4: {  	[hbm4b:s22+s3] =	stream.linear.scatter [tilespmem:s23], [sflag:$0x3], $0x80, $0x38;
	[tilespmem:$0x1EC00] =	vst v63  }
0xd5: {  	s24 =	sadd.s32 $0x40, s18;
	s25 =	simm.s32 $0x172E0  }
0xd6: {  	[hbm4b:s24+s3] =	stream.linear.scatter [tilespmem:s25], [sflag:$0x3], $0x80, $0x38;
	[tilespmem:$0x1EC00] =	vst v63  }
0xd7: {  	s22 =	sadd.s32 $0x50, s18;
	s23 =	simm.s32 $0x17368  }
0xd8: {  	[hbm4b:s22+s3] =	stream.linear.scatter [tilespmem:s23], [sflag:$0x3], $0x80, $0x38;
	[tilespmem:$0x1EC00] =	vst v63  }
0xd9: {  	s24 =	sadd.s32 $0x60, s18;
	s25 =	simm.s32 $0x173F0  }
0xda: {  	[hbm4b:s24+s3] =	stream.linear.scatter [tilespmem:s25], [sflag:$0x3], $0x80, $0x38;
	[tilespmem:$0x1EC00] =	vst v63  }
0xdb: {  	s18 =	sadd.s32 $0x70, s18;
	s22 =	simm.s32 $0x17478  }
0xdc: {  	[hbm4b:s18+s3] =	stream.linear.scatter [tilespmem:s22], [sflag:$0x3], $0x80, $0x38;
	[tilespmem:$0x1EC00] =	vst v63  }
0xdd: {  	s23 =	simm.s32 $0x17500;
	s18 =	sadd.s32 s17, s10  }
0xde: {  	[hbm4b:s18+s3] =	stream.linear.scatter [tilespmem:s23], [sflag:$0x3], $0x80, $0x38;
	[tilespmem:$0x1EC00] =	vst v63  }
0xdf: {  	s25 =	simm.s32 $0x17588;
	s24 =	sadd.s32 $0x10, s18  }
0xe0: {  	[hbm4b:s24+s3] =	stream.linear.scatter [tilespmem:s25], [sflag:$0x3], $0x80, $0x38;
	[tilespmem:$0x1EC00] =	vst v63  }
0xe1: {  	s22 =	sadd.s32 $0x20, s18;
	s23 =	simm.s32 $0x17610  }
0xe2: {  	[hbm4b:s22+s3] =	stream.linear.scatter [tilespmem:s23], [sflag:$0x3], $0x80, $0x38;
	[tilespmem:$0x1EC00] =	vst v63  }
0xe3: {  	s24 =	sadd.s32 $0x30, s18;
	s25 =	simm.s32 $0x17698  }
0xe4: {  	[hbm4b:s24+s3] =	stream.linear.scatter [tilespmem:s25], [sflag:$0x3], $0x80, $0x38;
	[tilespmem:$0x1EC00] =	vst v63  }
0xe5: {  	s22 =	sadd.s32 $0x40, s18;
	s23 =	simm.s32 $0x17720  }
0xe6: {  	[hbm4b:s22+s3] =	stream.linear.scatter [tilespmem:s23], [sflag:$0x3], $0x80, $0x38;
	[tilespmem:$0x1EC00] =	vst v63  }
0xe7: {  	s24 =	sadd.s32 $0x50, s18;
	s25 =	simm.s32 $0x177A8  }
0xe8: {  	[hbm4b:s24+s3] =	stream.linear.scatter [tilespmem:s25], [sflag:$0x3], $0x80, $0x38;
	[tilespmem:$0x1EC00] =	vst v63  }
0xe9: {  	s22 =	sadd.s32 $0x60, s18;
	s23 =	simm.s32 $0x17830  }
0xea: {  	[hbm4b:s22+s3] =	stream.linear.scatter [tilespmem:s23], [sflag:$0x3], $0x80, $0x38;
	[tilespmem:$0x1EC00] =	vst v63  }
0xeb: {  	s18 =	sadd.s32 $0x70, s18;
	s24 =	simm.s32 $0x178B8  }
0xec: {  	[hbm4b:s18+s3] =	stream.linear.scatter [tilespmem:s24], [sflag:$0x3], $0x80, $0x38;
	[tilespmem:$0x1EC00] =	vst v63  }
0xed: {  	s25 =	simm.s32 $0x17940;
	s18 =	sadd.s32 s17, s11  }
0xee: {  	[hbm4b:s18+s3] =	stream.linear.scatter [tilespmem:s25], [sflag:$0x3], $0x80, $0x38;
	[tilespmem:$0x1EC00] =	vst v63  }
0xef: {  	s23 =	simm.s32 $0x179C8;
	s22 =	sadd.s32 $0x10, s18  }
0xf0: {  	[hbm4b:s22+s3] =	stream.linear.scatter [tilespmem:s23], [sflag:$0x3], $0x80, $0x38;
	[tilespmem:$0x1EC00] =	vst v63  }
0xf1: {  	s24 =	sadd.s32 $0x20, s18;
	s25 =	simm.s32 $0x17A50  }
0xf2: {  	[hbm4b:s24+s3] =	stream.linear.scatter [tilespmem:s25], [sflag:$0x3], $0x80, $0x38;
	[tilespmem:$0x1EC00] =	vst v63  }
0xf3: {  	s22 =	sadd.s32 $0x30, s18;
	s23 =	simm.s32 $0x17AD8  }
0xf4: {  	[hbm4b:s22+s3] =	stream.linear.scatter [tilespmem:s23], [sflag:$0x3], $0x80, $0x38;
	[tilespmem:$0x1EC00] =	vst v63  }
0xf5: {  	s24 =	sadd.s32 $0x40, s18;
	s25 =	simm.s32 $0x17B60  }
0xf6: {  	[hbm4b:s24+s3] =	stream.linear.scatter [tilespmem:s25], [sflag:$0x3], $0x80, $0x38;
	[tilespmem:$0x1EC00] =	vst v63  }
0xf7: {  	s22 =	sadd.s32 $0x50, s18;
	s23 =	simm.s32 $0x17BE8  }
0xf8: {  	[hbm4b:s22+s3] =	stream.linear.scatter [tilespmem:s23], [sflag:$0x3], $0x80, $0x38;
	[tilespmem:$0x1EC00] =	vst v63  }
0xf9: {  	s24 =	sadd.s32 $0x60, s18;
	s25 =	simm.s32 $0x17C70  }
0xfa: {  	[hbm4b:s24+s3] =	stream.linear.scatter [tilespmem:s25], [sflag:$0x3], $0x80, $0x38;
	[tilespmem:$0x1EC00] =	vst v63  }
0xfb: {  	s18 =	sadd.s32 $0x70, s18;
	s22 =	simm.s32 $0x17CF8  }
0xfc: {  	[hbm4b:s18+s3] =	stream.linear.scatter [tilespmem:s22], [sflag:$0x3], $0x80, $0x38;
	[tilespmem:$0x1EC00] =	vst v63  }
0xfd: {  	s23 =	simm.s32 $0x17D80;
	s18 =	sadd.s32 s17, s12  }
0xfe: {  	[hbm4b:s18+s3] =	stream.linear.scatter [tilespmem:s23], [sflag:$0x3], $0x80, $0x38;
	[tilespmem:$0x1EC00] =	vst v63  }
0xff: {  	s25 =	simm.s32 $0x17E08;
	s24 =	sadd.s32 $0x10, s18  }
0x100: {  	[hbm4b:s24+s3] =	stream.linear.scatter [tilespmem:s25], [sflag:$0x3], $0x80, $0x38;
	[tilespmem:$0x1EC00] =	vst v63  }
0x101: {  	s22 =	sadd.s32 $0x20, s18;
	s23 =	simm.s32 $0x17E90  }
0x102: {  	[hbm4b:s22+s3] =	stream.linear.scatter [tilespmem:s23], [sflag:$0x3], $0x80, $0x38;
	[tilespmem:$0x1EC00] =	vst v63  }
0x103: {  	s24 =	sadd.s32 $0x30, s18;
	s25 =	simm.s32 $0x17F18  }
0x104: {  	[hbm4b:s24+s3] =	stream.linear.scatter [tilespmem:s25], [sflag:$0x3], $0x80, $0x38;
	[tilespmem:$0x1EC00] =	vst v63  }
0x105: {  	s22 =	sadd.s32 $0x40, s18;
	s23 =	simm.s32 $0x17FA0  }
0x106: {  	[hbm4b:s22+s3] =	stream.linear.scatter [tilespmem:s23], [sflag:$0x3], $0x80, $0x38;
	[tilespmem:$0x1EC00] =	vst v63  }
0x107: {  	s24 =	sadd.s32 $0x50, s18;
	s25 =	simm.s32 $0x18028  }
0x108: {  	[hbm4b:s24+s3] =	stream.linear.scatter [tilespmem:s25], [sflag:$0x3], $0x80, $0x38;
	[tilespmem:$0x1EC00] =	vst v63  }
0x109: {  	s22 =	sadd.s32 $0x60, s18;
	s23 =	simm.s32 $0x180B0  }
0x10a: {  	[hbm4b:s22+s3] =	stream.linear.scatter [tilespmem:s23], [sflag:$0x3], $0x80, $0x38;
	[tilespmem:$0x1EC00] =	vst v63  }
0x10b: {  	s18 =	sadd.s32 $0x70, s18;
	s24 =	simm.s32 $0x18138  }
0x10c: {  	[hbm4b:s18+s3] =	stream.linear.scatter [tilespmem:s24], [sflag:$0x3], $0x80, $0x38;
	[tilespmem:$0x1EC00] =	vst v63  }
0x10d: {  	s25 =	simm.s32 $0x181C0;
	s18 =	sadd.s32 s17, s13  }
0x10e: {  	[hbm4b:s18+s3] =	stream.linear.scatter [tilespmem:s25], [sflag:$0x3], $0x80, $0x38;
	[tilespmem:$0x1EC00] =	vst v63  }
0x10f: {  	s23 =	simm.s32 $0x18248;
	s22 =	sadd.s32 $0x10, s18  }
0x110: {  	[hbm4b:s22+s3] =	stream.linear.scatter [tilespmem:s23], [sflag:$0x3], $0x80, $0x38;
	[tilespmem:$0x1EC00] =	vst v63  }
0x111: {  	s24 =	sadd.s32 $0x20, s18;
	s25 =	simm.s32 $0x182D0  }
0x112: {  	[hbm4b:s24+s3] =	stream.linear.scatter [tilespmem:s25], [sflag:$0x3], $0x80, $0x38;
	[tilespmem:$0x1EC00] =	vst v63  }
0x113: {  	s22 =	sadd.s32 $0x30, s18;
	s23 =	simm.s32 $0x18358  }
0x114: {  	[hbm4b:s22+s3] =	stream.linear.scatter [tilespmem:s23], [sflag:$0x3], $0x80, $0x38;
	[tilespmem:$0x1EC00] =	vst v63  }
0x115: {  	s24 =	sadd.s32 $0x40, s18;
	s25 =	simm.s32 $0x183E0  }
0x116: {  	[hbm4b:s24+s3] =	stream.linear.scatter [tilespmem:s25], [sflag:$0x3], $0x80, $0x38;
	[tilespmem:$0x1EC00] =	vst v63  }
0x117: {  	s22 =	sadd.s32 $0x50, s18;
	s23 =	simm.s32 $0x18468  }
0x118: {  	[hbm4b:s22+s3] =	stream.linear.scatter [tilespmem:s23], [sflag:$0x3], $0x80, $0x38;
	[tilespmem:$0x1EC00] =	vst v63  }
0x119: {  	s24 =	sadd.s32 $0x60, s18;
	s25 =	simm.s32 $0x184F0  }
0x11a: {  	[hbm4b:s24+s3] =	stream.linear.scatter [tilespmem:s25], [sflag:$0x3], $0x80, $0x38;
	[tilespmem:$0x1EC00] =	vst v63  }
0x11b: {  	s17 =	sor.u32 $0x80, s17;
	s18 =	sadd.s32 $0x70, s18;
	s22 =	simm.s32 $0x18578  }
0x11c: {  	[hbm4b:s18+s3] =	stream.linear.scatter [tilespmem:s22], [sflag:$0x3], $0x80, $0x38;
	[tilespmem:$0x1EC00] =	vst v63  }
0x11d: {  	s23 =	simm.s32 $0x18600;
	s18 =	sadd.s32 s2, s17  }
0x11e: {  	[hbm4b:s18+s3] =	stream.linear.scatter [tilespmem:s23], [sflag:$0x3], $0x80, $0x38;
	[tilespmem:$0x1EC00] =	vst v63  }
0x11f: {  	s25 =	simm.s32 $0x18688;
	s24 =	sadd.s32 $0x10, s18  }
0x120: {  	[hbm4b:s24+s3] =	stream.linear.scatter [tilespmem:s25], [sflag:$0x3], $0x80, $0x38;
	[tilespmem:$0x1EC00] =	vst v63  }
0x121: {  	s22 =	sadd.s32 $0x20, s18;
	s23 =	simm.s32 $0x18710  }
0x122: {  	[hbm4b:s22+s3] =	stream.linear.scatter [tilespmem:s23], [sflag:$0x3], $0x80, $0x38;
	[tilespmem:$0x1EC00] =	vst v63  }
0x123: {  	s24 =	sadd.s32 $0x30, s18;
	s25 =	simm.s32 $0x18798  }
0x124: {  	[hbm4b:s24+s3] =	stream.linear.scatter [tilespmem:s25], [sflag:$0x3], $0x80, $0x38;
	[tilespmem:$0x1EC00] =	vst v63  }
0x125: {  	s22 =	sadd.s32 $0x40, s18;
	s23 =	simm.s32 $0x18820  }
0x126: {  	[hbm4b:s22+s3] =	stream.linear.scatter [tilespmem:s23], [sflag:$0x3], $0x80, $0x38;
	[tilespmem:$0x1EC00] =	vst v63  }
0x127: {  	s24 =	sadd.s32 $0x50, s18;
	s25 =	simm.s32 $0x188A8  }
0x128: {  	[hbm4b:s24+s3] =	stream.linear.scatter [tilespmem:s25], [sflag:$0x3], $0x80, $0x38;
	[tilespmem:$0x1EC00] =	vst v63  }
0x129: {  	s22 =	sadd.s32 $0x60, s18;
	s23 =	simm.s32 $0x18930  }
0x12a: {  	[hbm4b:s22+s3] =	stream.linear.scatter [tilespmem:s23], [sflag:$0x3], $0x80, $0x38;
	[tilespmem:$0x1EC00] =	vst v63  }
0x12b: {  	s18 =	sadd.s32 $0x70, s18;
	s24 =	simm.s32 $0x189B8  }
0x12c: {  	[hbm4b:s18+s3] =	stream.linear.scatter [tilespmem:s24], [sflag:$0x3], $0x80, $0x38;
	[tilespmem:$0x1EC00] =	vst v63  }
0x12d: {  	s25 =	simm.s32 $0x18A40;
	s18 =	sadd.s32 s17, s7  }
0x12e: {  	[hbm4b:s18+s3] =	stream.linear.scatter [tilespmem:s25], [sflag:$0x3], $0x80, $0x38;
	[tilespmem:$0x1EC00] =	vst v63  }
0x12f: {  	s23 =	simm.s32 $0x18AC8;
	s22 =	sadd.s32 $0x10, s18  }
0x130: {  	[hbm4b:s22+s3] =	stream.linear.scatter [tilespmem:s23], [sflag:$0x3], $0x80, $0x38;
	[tilespmem:$0x1EC00] =	vst v63  }
0x131: {  	s24 =	sadd.s32 $0x20, s18;
	s25 =	simm.s32 $0x18B50  }
0x132: {  	[hbm4b:s24+s3] =	stream.linear.scatter [tilespmem:s25], [sflag:$0x3], $0x80, $0x38;
	[tilespmem:$0x1EC00] =	vst v63  }
0x133: {  	s22 =	sadd.s32 $0x30, s18;
	s23 =	simm.s32 $0x18BD8  }
0x134: {  	[hbm4b:s22+s3] =	stream.linear.scatter [tilespmem:s23], [sflag:$0x3], $0x80, $0x38;
	[tilespmem:$0x1EC00] =	vst v63  }
0x135: {  	s24 =	sadd.s32 $0x40, s18;
	s25 =	simm.s32 $0x18C60  }
0x136: {  	[hbm4b:s24+s3] =	stream.linear.scatter [tilespmem:s25], [sflag:$0x3], $0x80, $0x38;
	[tilespmem:$0x1EC00] =	vst v63  }
0x137: {  	s22 =	sadd.s32 $0x50, s18;
	s23 =	simm.s32 $0x18CE8  }
0x138: {  	[hbm4b:s22+s3] =	stream.linear.scatter [tilespmem:s23], [sflag:$0x3], $0x80, $0x38;
	[tilespmem:$0x1EC00] =	vst v63  }
0x139: {  	s24 =	sadd.s32 $0x60, s18;
	s25 =	simm.s32 $0x18D70  }
0x13a: {  	[hbm4b:s24+s3] =	stream.linear.scatter [tilespmem:s25], [sflag:$0x3], $0x80, $0x38;
	[tilespmem:$0x1EC00] =	vst v63  }
0x13b: {  	s18 =	sadd.s32 $0x70, s18;
	s22 =	simm.s32 $0x18DF8  }
0x13c: {  	[hbm4b:s18+s3] =	stream.linear.scatter [tilespmem:s22], [sflag:$0x3], $0x80, $0x38;
	[tilespmem:$0x1EC00] =	vst v63  }
0x13d: {  	s23 =	simm.s32 $0x18E80;
	s18 =	sadd.s32 s17, s8  }
0x13e: {  	[hbm4b:s18+s3] =	stream.linear.scatter [tilespmem:s23], [sflag:$0x3], $0x80, $0x38;
	[tilespmem:$0x1EC00] =	vst v63  }
0x13f: {  	s25 =	simm.s32 $0x18F08;
	s24 =	sadd.s32 $0x10, s18  }
0x140: {  	[hbm4b:s24+s3] =	stream.linear.scatter [tilespmem:s25], [sflag:$0x3], $0x80, $0x38;
	[tilespmem:$0x1EC00] =	vst v63  }
0x141: {  	s22 =	sadd.s32 $0x20, s18;
	s23 =	simm.s32 $0x18F90  }
0x142: {  	[hbm4b:s22+s3] =	stream.linear.scatter [tilespmem:s23], [sflag:$0x3], $0x80, $0x38;
	[tilespmem:$0x1EC00] =	vst v63  }
0x143: {  	s24 =	sadd.s32 $0x30, s18;
	s25 =	simm.s32 $0x19018  }
0x144: {  	[hbm4b:s24+s3] =	stream.linear.scatter [tilespmem:s25], [sflag:$0x3], $0x80, $0x38;
	[tilespmem:$0x1EC00] =	vst v63  }
0x145: {  	s22 =	sadd.s32 $0x40, s18;
	s23 =	simm.s32 $0x190A0  }
0x146: {  	[hbm4b:s22+s3] =	stream.linear.scatter [tilespmem:s23], [sflag:$0x3], $0x80, $0x38;
	[tilespmem:$0x1EC00] =	vst v63  }
0x147: {  	s24 =	sadd.s32 $0x50, s18;
	s25 =	simm.s32 $0x19128  }
0x148: {  	[hbm4b:s24+s3] =	stream.linear.scatter [tilespmem:s25], [sflag:$0x3], $0x80, $0x38;
	[tilespmem:$0x1EC00] =	vst v63  }
0x149: {  	s22 =	sadd.s32 $0x60, s18;
	s23 =	simm.s32 $0x191B0  }
0x14a: {  	[hbm4b:s22+s3] =	stream.linear.scatter [tilespmem:s23], [sflag:$0x3], $0x80, $0x38;
	[tilespmem:$0x1EC00] =	vst v63  }
0x14b: {  	s18 =	sadd.s32 $0x70, s18;
	s24 =	simm.s32 $0x19238  }
0x14c: {  	[hbm4b:s18+s3] =	stream.linear.scatter [tilespmem:s24], [sflag:$0x3], $0x80, $0x38;
	[tilespmem:$0x1EC00] =	vst v63  }
0x14d: {  	s25 =	simm.s32 $0x192C0;
	s18 =	sadd.s32 s17, s9  }
0x14e: {  	[hbm4b:s18+s3] =	stream.linear.scatter [tilespmem:s25], [sflag:$0x3], $0x80, $0x38;
	[tilespmem:$0x1EC00] =	vst v63  }
0x14f: {  	s23 =	simm.s32 $0x19348;
	s22 =	sadd.s32 $0x10, s18  }
0x150: {  	[hbm4b:s22+s3] =	stream.linear.scatter [tilespmem:s23], [sflag:$0x3], $0x80, $0x38;
	[tilespmem:$0x1EC00] =	vst v63  }
0x151: {  	s24 =	sadd.s32 $0x20, s18;
	s25 =	simm.s32 $0x193D0  }
0x152: {  	[hbm4b:s24+s3] =	stream.linear.scatter [tilespmem:s25], [sflag:$0x3], $0x80, $0x38;
	[tilespmem:$0x1EC00] =	vst v63  }
0x153: {  	s22 =	sadd.s32 $0x30, s18;
	s23 =	simm.s32 $0x19458  }
0x154: {  	[hbm4b:s22+s3] =	stream.linear.scatter [tilespmem:s23], [sflag:$0x3], $0x80, $0x38;
	[tilespmem:$0x1EC00] =	vst v63  }
0x155: {  	s24 =	sadd.s32 $0x40, s18;
	s25 =	simm.s32 $0x194E0  }
0x156: {  	[hbm4b:s24+s3] =	stream.linear.scatter [tilespmem:s25], [sflag:$0x3], $0x80, $0x38;
	[tilespmem:$0x1EC00] =	vst v63  }
0x157: {  	s22 =	sadd.s32 $0x50, s18;
	s23 =	simm.s32 $0x19568  }
0x158: {  	[hbm4b:s22+s3] =	stream.linear.scatter [tilespmem:s23], [sflag:$0x3], $0x80, $0x38;
	[tilespmem:$0x1EC00] =	vst v63  }
0x159: {  	s24 =	sadd.s32 $0x60, s18;
	s25 =	simm.s32 $0x195F0  }
0x15a: {  	[hbm4b:s24+s3] =	stream.linear.scatter [tilespmem:s25], [sflag:$0x3], $0x80, $0x38;
	[tilespmem:$0x1EC00] =	vst v63  }
0x15b: {  	s18 =	sadd.s32 $0x70, s18;
	s22 =	simm.s32 $0x19678  }
0x15c: {  	[hbm4b:s18+s3] =	stream.linear.scatter [tilespmem:s22], [sflag:$0x3], $0x80, $0x38;
	[tilespmem:$0x1EC00] =	vst v63  }
0x15d: {  	s23 =	simm.s32 $0x19700;
	s18 =	sadd.s32 s17, s10  }
0x15e: {  	[hbm4b:s18+s3] =	stream.linear.scatter [tilespmem:s23], [sflag:$0x3], $0x80, $0x38;
	[tilespmem:$0x1EC00] =	vst v63  }
0x15f: {  	s25 =	simm.s32 $0x19788;
	s24 =	sadd.s32 $0x10, s18  }
0x160: {  	[hbm4b:s24+s3] =	stream.linear.scatter [tilespmem:s25], [sflag:$0x3], $0x80, $0x38;
	[tilespmem:$0x1EC00] =	vst v63  }
0x161: {  	s22 =	sadd.s32 $0x20, s18;
	s23 =	simm.s32 $0x19810  }
0x162: {  	[hbm4b:s22+s3] =	stream.linear.scatter [tilespmem:s23], [sflag:$0x3], $0x80, $0x38;
	[tilespmem:$0x1EC00] =	vst v63  }
0x163: {  	s24 =	sadd.s32 $0x30, s18;
	s25 =	simm.s32 $0x19898  }
0x164: {  	[hbm4b:s24+s3] =	stream.linear.scatter [tilespmem:s25], [sflag:$0x3], $0x80, $0x38;
	[tilespmem:$0x1EC00] =	vst v63  }
0x165: {  	s22 =	sadd.s32 $0x40, s18;
	s23 =	simm.s32 $0x19920  }
0x166: {  	[hbm4b:s22+s3] =	stream.linear.scatter [tilespmem:s23], [sflag:$0x3], $0x80, $0x38;
	[tilespmem:$0x1EC00] =	vst v63  }
0x167: {  	s24 =	sadd.s32 $0x50, s18;
	s25 =	simm.s32 $0x199A8  }
0x168: {  	[hbm4b:s24+s3] =	stream.linear.scatter [tilespmem:s25], [sflag:$0x3], $0x80, $0x38;
	[tilespmem:$0x1EC00] =	vst v63  }
0x169: {  	s22 =	sadd.s32 $0x60, s18;
	s23 =	simm.s32 $0x19A30  }
0x16a: {  	[hbm4b:s22+s3] =	stream.linear.scatter [tilespmem:s23], [sflag:$0x3], $0x80, $0x38;
	[tilespmem:$0x1EC00] =	vst v63  }
0x16b: {  	s18 =	sadd.s32 $0x70, s18;
	s24 =	simm.s32 $0x19AB8  }
0x16c: {  	[hbm4b:s18+s3] =	stream.linear.scatter [tilespmem:s24], [sflag:$0x3], $0x80, $0x38;
	[tilespmem:$0x1EC00] =	vst v63  }
0x16d: {  	s25 =	simm.s32 $0x19B40;
	s18 =	sadd.s32 s17, s11  }
0x16e: {  	[hbm4b:s18+s3] =	stream.linear.scatter [tilespmem:s25], [sflag:$0x3], $0x80, $0x38;
	[tilespmem:$0x1EC00] =	vst v63  }
0x16f: {  	s23 =	simm.s32 $0x19BC8;
	s22 =	sadd.s32 $0x10, s18  }
0x170: {  	[hbm4b:s22+s3] =	stream.linear.scatter [tilespmem:s23], [sflag:$0x3], $0x80, $0x38;
	[tilespmem:$0x1EC00] =	vst v63  }
0x171: {  	s24 =	sadd.s32 $0x20, s18;
	s25 =	simm.s32 $0x19C50  }
0x172: {  	[hbm4b:s24+s3] =	stream.linear.scatter [tilespmem:s25], [sflag:$0x3], $0x80, $0x38;
	[tilespmem:$0x1EC00] =	vst v63  }
0x173: {  	s22 =	sadd.s32 $0x30, s18;
	s23 =	simm.s32 $0x19CD8  }
0x174: {  	[hbm4b:s22+s3] =	stream.linear.scatter [tilespmem:s23], [sflag:$0x3], $0x80, $0x38;
	[tilespmem:$0x1EC00] =	vst v63  }
0x175: {  	s24 =	sadd.s32 $0x40, s18;
	s25 =	simm.s32 $0x19D60  }
0x176: {  	[hbm4b:s24+s3] =	stream.linear.scatter [tilespmem:s25], [sflag:$0x3], $0x80, $0x38;
	[tilespmem:$0x1EC00] =	vst v63  }
0x177: {  	s22 =	sadd.s32 $0x50, s18;
	s23 =	simm.s32 $0x19DE8  }
0x178: {  	[hbm4b:s22+s3] =	stream.linear.scatter [tilespmem:s23], [sflag:$0x3], $0x80, $0x38;
	[tilespmem:$0x1EC00] =	vst v63  }
0x179: {  	s24 =	sadd.s32 $0x60, s18;
	s25 =	simm.s32 $0x19E70  }
0x17a: {  	[hbm4b:s24+s3] =	stream.linear.scatter [tilespmem:s25], [sflag:$0x3], $0x80, $0x38;
	[tilespmem:$0x1EC00] =	vst v63  }
0x17b: {  	s18 =	sadd.s32 $0x70, s18;
	s22 =	simm.s32 $0x19EF8  }
0x17c: {  	[hbm4b:s18+s3] =	stream.linear.scatter [tilespmem:s22], [sflag:$0x3], $0x80, $0x38;
	[tilespmem:$0x1EC00] =	vst v63  }
0x17d: {  	s23 =	simm.s32 $0x19F80;
	s18 =	sadd.s32 s17, s12  }
0x17e: {  	[hbm4b:s18+s3] =	stream.linear.scatter [tilespmem:s23], [sflag:$0x3], $0x80, $0x38;
	[tilespmem:$0x1EC00] =	vst v63  }
0x17f: {  	s25 =	simm.s32 $0x1A008;
	s24 =	sadd.s32 $0x10, s18  }
0x180: {  	[hbm4b:s24+s3] =	stream.linear.scatter [tilespmem:s25], [sflag:$0x3], $0x80, $0x38;
	[tilespmem:$0x1EC00] =	vst v63  }
0x181: {  	s22 =	sadd.s32 $0x20, s18;
	s23 =	simm.s32 $0x1A090  }
0x182: {  	[hbm4b:s22+s3] =	stream.linear.scatter [tilespmem:s23], [sflag:$0x3], $0x80, $0x38;
	[tilespmem:$0x1EC00] =	vst v63  }
0x183: {  	s24 =	sadd.s32 $0x30, s18;
	s25 =	simm.s32 $0x1A118  }
0x184: {  	[hbm4b:s24+s3] =	stream.linear.scatter [tilespmem:s25], [sflag:$0x3], $0x80, $0x38;
	[tilespmem:$0x1EC00] =	vst v63  }
0x185: {  	s22 =	sadd.s32 $0x40, s18;
	s23 =	simm.s32 $0x1A1A0  }
0x186: {  	[hbm4b:s22+s3] =	stream.linear.scatter [tilespmem:s23], [sflag:$0x3], $0x80, $0x38;
	[tilespmem:$0x1EC00] =	vst v63  }
0x187: {  	s24 =	sadd.s32 $0x50, s18;
	s25 =	simm.s32 $0x1A228  }
0x188: {  	[hbm4b:s24+s3] =	stream.linear.scatter [tilespmem:s25], [sflag:$0x3], $0x80, $0x38;
	[tilespmem:$0x1EC00] =	vst v63  }
0x189: {  	s23 =	sadd.s32 $0x60, s18;
	s24 =	simm.s32 $0x1A2B0  }
0x18a: {  	[hbm4b:s23+s3] =	stream.linear.scatter [tilespmem:s24], [sflag:$0x3], $0x80, $0x38;
	[tilespmem:$0x1EC00] =	vst v63  }
0x18b: {  	s18 =	sadd.s32 $0x70, s18;
	s25 =	simm.s32 $0x1A338  }
0x18c: {  	[hbm4b:s18+s3] =	stream.linear.scatter [tilespmem:s25], [sflag:$0x3], $0x80, $0x38;
	[tilespmem:$0x1EC00] =	vst v63  }
0x18d: {  	s21 =	simm.s32 $0x1A3C0;
	s17 =	sadd.s32 s17, s13  }
0x18e: {  	[hbm4b:s17+s3] =	stream.linear.scatter [tilespmem:s21], [sflag:$0x3], $0x80, $0x38;
	[tilespmem:$0x1EC00] =	vst v63  }
0x18f: {  	s22 =	sadd.s32 $0x10, s17;
	s23 =	simm.s32 $0x1A448  }
0x190: {  	[hbm4b:s22+s3] =	stream.linear.scatter [tilespmem:s23], [sflag:$0x3], $0x80, $0x38;
	[tilespmem:$0x1EC00] =	vst v63  }
0x191: {  	s24 =	sadd.s32 $0x20, s17;
	s25 =	simm.s32 $0x1A4D0  }
0x192: {  	[hbm4b:s24+s3] =	stream.linear.scatter [tilespmem:s25], [sflag:$0x3], $0x80, $0x38;
	[tilespmem:$0x1EC00] =	vst v63  }
0x193: {  	s22 =	sadd.s32 $0x30, s17;
	s23 =	simm.s32 $0x1A558  }
0x194: {  	[hbm4b:s22+s3] =	stream.linear.scatter [tilespmem:s23], [sflag:$0x3], $0x80, $0x38;
	[tilespmem:$0x1EC00] =	vst v63  }
0x195: {  	s24 =	sadd.s32 $0x40, s17;
	s25 =	simm.s32 $0x1A5E0  }
0x196: {  	[hbm4b:s24+s3] =	stream.linear.scatter [tilespmem:s25], [sflag:$0x3], $0x80, $0x38;
	[tilespmem:$0x1EC00] =	vst v63  }
0x197: {  	p1 =	sne.s32 s14, $0x31;
	s21 =	sadd.s32 $0x50, s17;
	s22 =	simm.s32 $0x1A668  }
0x198: {  	[hbm4b:s21+s3] =	stream.linear.scatter [tilespmem:s22], [sflag:$0x3], $0x80, $0x38;
	[tilespmem:$0x1EC00] =	vst v63  }
.Ltmp1:
0x199: {  	_ = 	snop;
	(pc) =	sbr.rel @p1 .LBB2_6-.Ltmp1, $4  }
0x19a: {  	s23 =	sadd.s32 $0x60, s17;
	s24 =	simm.s32 $0x1A6F0  }
0x19b: {  	[hbm4b:s23+s3] =	stream.linear.scatter [tilespmem:s24], [sflag:$0x3], $0x80, $0x38;
	[tilespmem:$0x1EC00] =	vst v63  }
0x19c: {  	s17 =	sadd.s32 $0x70, s17;
	s25 =	simm.s32 $0x1A778  }
0x19d: {  	[hbm4b:s17+s3] =	stream.linear.scatter [tilespmem:s25], [sflag:$0x3], $0x80, $0x38;
	[tilespmem:$0x1EC00] =	vst v63  }
.Ltmp2:
0x19e: {  	(pc) =	sbr.rel .LBB2_7-.Ltmp2, $4  }
0x19f: {  	_ = 	snop  }
0x1a0: {  	_ =	swait.ge [sflag:s30], $0x8000  }
0x1a1: {  	[sflag:s30] =	ssyncset.done $0x0  }
0x1a2: {  	[sflag:s30] =	ssyncadd.s32 $0xFFFF8000  }
.LBB2_6:
0x1a3: {  	s17 =	sshll.u32 s14, $0x9  }
0x1a4: {  	s17 =	sand.u32 $0x3FFFFE00, s17  }
.Ltmp3:
0x1a5: {  	s18 =	simm.s32 $0x6400;
	s17 =	sadd.s32 $0x200, s17;
	(pc) =	sbr.rel @p0 .LBB2_8-.Ltmp3, $4  }
0x1a6: {  	[tilespmem:s18], [sflag:$0x1] =	stream.indirect.gather [hbm4b:s4+s16], $0x80, s17, s16, $0xb8;
	[tilespmem:$0x1EC00] =	vst v63  }
0x1a7: {  	_ =	swait.ge [sflag:s30], $0x8000  }
0x1a8: {  	[sflag:s30] =	ssyncset.done $0x0  }
0x1a9: {  	[sflag:s30] =	ssyncadd.s32 $0xFFFF8000  }
.LBB2_7:
0x1aa: {  	_ =	swait.ge [sflag:s31], $0x400  }
0x1ab: {  	[sflag:s31] =	ssyncset.done $0x0  }
0x1ac: {  	[sflag:s31] =	ssyncadd.s32 $0xFFFFFC00  }
0x1ad: {  	_ =	swait.ge [sflag:s31], $0x400  }
0x1ae: {  	[sflag:s31] =	ssyncset.done $0x0  }
0x1af: {  	[sflag:s31] =	ssyncadd.s32 $0xFFFFFC00  }
0x1b0: {  	_ =	swait.ge [sflag:s31], $0x400  }
0x1b1: {  	[sflag:s31] =	ssyncset.done $0x0  }
0x1b2: {  	[sflag:s31] =	ssyncadd.s32 $0xFFFFFC00  }
0x1b3: {  	_ =	swait.ge [sflag:s31], $0x400  }
0x1b4: {  	[sflag:s31] =	ssyncset.done $0x0  }
0x1b5: {  	[sflag:s31] =	ssyncadd.s32 $0xFFFFFC00  }
0x1b6: {  	_ =	swait.ge [sflag:s31], $0x400  }
0x1b7: {  	[sflag:s31] =	ssyncset.done $0x0  }
0x1b8: {  	[sflag:s31] =	ssyncadd.s32 $0xFFFFFC00  }
0x1b9: {  	_ =	swait.ge [sflag:s31], $0x400  }
0x1ba: {  	[sflag:s31] =	ssyncset.done $0x0  }
0x1bb: {  	[sflag:s31] =	ssyncadd.s32 $0xFFFFFC00  }
0x1bc: {  	_ =	swait.ge [sflag:s31], $0x400  }
0x1bd: {  	[sflag:s31] =	ssyncset.done $0x0  }
0x1be: {  	[sflag:s31] =	ssyncadd.s32 $0xFFFFFC00  }
0x1bf: {  	_ =	swait.ge [sflag:s31], $0x400  }
0x1c0: {  	[sflag:s31] =	ssyncset.done $0x0  }
0x1c1: {  	[sflag:s31] =	ssyncadd.s32 $0xFFFFFC00  }
0x1c2: {  	_ =	swait.ge [sflag:s31], $0x400  }
0x1c3: {  	[sflag:s31] =	ssyncset.done $0x0  }
0x1c4: {  	[sflag:s31] =	ssyncadd.s32 $0xFFFFFC00  }
0x1c5: {  	_ =	swait.ge [sflag:s31], $0x400  }
0x1c6: {  	[sflag:s31] =	ssyncset.done $0x0  }
0x1c7: {  	[sflag:s31] =	ssyncadd.s32 $0xFFFFFC00  }
0x1c8: {  	_ =	swait.ge [sflag:s31], $0x400  }
0x1c9: {  	[sflag:s31] =	ssyncset.done $0x0  }
0x1ca: {  	[sflag:s31] =	ssyncadd.s32 $0xFFFFFC00  }
0x1cb: {  	_ =	swait.ge [sflag:s31], $0x400  }
0x1cc: {  	[sflag:s31] =	ssyncset.done $0x0  }
0x1cd: {  	[sflag:s31] =	ssyncadd.s32 $0xFFFFFC00  }
0x1ce: {  	_ =	swait.ge [sflag:s31], $0x400  }
0x1cf: {  	[sflag:s31] =	ssyncset.done $0x0  }
0x1d0: {  	[sflag:s31] =	ssyncadd.s32 $0xFFFFFC00  }
0x1d1: {  	_ =	swait.ge [sflag:s31], $0x400  }
0x1d2: {  	[sflag:s31] =	ssyncset.done $0x0  }
0x1d3: {  	[sflag:s31] =	ssyncadd.s32 $0xFFFFFC00  }
0x1d4: {  	_ =	swait.ge [sflag:s31], $0x400  }
0x1d5: {  	[sflag:s31] =	ssyncset.done $0x0  }
0x1d6: {  	[sflag:s31] =	ssyncadd.s32 $0xFFFFFC00  }
0x1d7: {  	_ =	swait.ge [sflag:s31], $0x400  }
0x1d8: {  	[sflag:s31] =	ssyncset.done $0x0  }
0x1d9: {  	[sflag:s31] =	ssyncadd.s32 $0xFFFFFC00  }
.LBB2_8:
0x1da: {  	s17 =	simm.s32 $0x0  }
0x1db: {  	v4 =	vmov s17  }
0x1dc: {  	v4 =	vmul.u32 $0x2200, v4  }
0x1dd: {  	s18 =	simm.s32 $0x3  }
0x1de: {  	v5 =	vmov s18;
	v7 =	vbroadcast v4, $0x0  }
0x1df: {  	s23 =	simm.s32 $0x0;
	v11 =	vand.u32 $0x78, v5  }
0x1e0: {  	v16 =	vand.u32 $0x7, v5;
	v4 =	vmov s23;
	v6 =	vadd.s32 v0, v7  }
0x1e1: {  	s24 =	simm.s32 $0x1;
	s21 =	simm.s32 $0x2;
	s18 =	simm.s32 $0xE500;
	v9 =	vand.u32 $0x4, v4;
	v12 =	vand.u32 $0x78, v4;
	v4 =	vadd.s32 v11, v6  }
0x1e2: {  	v8 =	vmov s21;
	v5 =	vmov s24;
	v10 =	vld [tilespmem:s18+$0x80];
	v4 =	vor.u32 v16, v4  }
0x1e3: {  	v19 =	vand.u32 $0x5, v5;
	v17 =	vand.u32 $0x78, v5;
	v5 =	vadd.s32 v12, v6  }
0x1e4: {  	v18 =	vand.u32 $0x78, v8;
	v14 =	vld [tilespmem:s18+$0xFFFFFF00];
	v13 =	vadd.s32 v17, v6;
	v15 =	vor.u32 v9, v5  }
0x1e5: {  	v22 =	vand.u32 $0x6, v8;
	v8 =	vor.u32 v19, v13;
	v5 =	vadd.s32 v18, v6;
	v6 =	vld [tilespmem:s18+$0xFFFFFF80]  }
0x1e6: {  	v20 =	vld [tilespmem:s18+$0x0];
	v21 =	vadd.s32 v1, v7;
	v13 =	vor.u32 v22, v5  }
0x1e7: {  	v27 =	vadd.s32 v2, v7;
	[tilespmem:v4+s1+$0x0] =	vst.idx.msk $0xffff, v10;
	v4 =	vadd.s32 v11, v21  }
0x1e8: {  	s22 =	simm.s32 $0x6;
	v23 =	vadd.s32 v12, v21;
	v28 =	vadd.s32 v12, v27;
	v24 =	vld [tilespmem:s18+$0x90];
	v4 =	vor.u32 v16, v4  }
0x1e9: {  	s25 =	simm.s32 $0x4;
	v25 =	vmov s22;
	v29 =	vadd.s32 v17, v27;
	v23 =	vor.u32 v9, v23;
	[tilespmem:v15+s1+$0x0] =	vst.idx.msk $0xffff, v14  }
0x1ea: {  	s21 =	simm.s32 $0x5;
	s23 =	simm.s32 $0x0;
	v10 =	vmov s25;
	v14 =	vadd.s32 v17, v21;
	[tilespmem:v8+s1+$0x0] =	vst.idx.msk $0xffff, v6;
	v6 =	vadd.s32 v18, v21;
	v15 =	vld [tilespmem:s18+$0xFFFFFF10]  }
0x1eb: {  	v8 =	vmov s21;
	v21 =	vld [tilespmem:s18+$0xFFFFFF90];
	v14 =	vor.u32 v19, v14;
	[tilespmem:v13+s1+$0x0] =	vst.idx.msk $0xffff, v20;
	v13 =	vmov s23  }
0x1ec: {  	v5 =	vand.u32 $0x4, v10;
	v20 =	vor.u32 v22, v6;
	v26 =	vld [tilespmem:s18+$0x10];
	v13 =	vmul.u32 $0x2200, v13  }
0x1ed: {  	v10 =	vand.u32 $0x78, v10;
	v6 =	vand.u32 $0x5, v8;
	[tilespmem:v4+s1+$0x0] =	vst.idx.msk $0xffff, v24;
	v24 =	vadd.s32 v11, v27  }
0x1ee: {  	v8 =	vand.u32 $0x78, v8;
	v13 =	vbroadcast v13, $0x0;
	v30 =	vld [tilespmem:s18+$0xA0];
	v24 =	vor.u32 v16, v24  }
0x1ef: {  	s24 =	simm.s32 $0x7;
	v4 =	vand.u32 $0x6, v25;
	[tilespmem:v23+s1+$0x0] =	vst.idx.msk $0xffff, v15;
	v23 =	vor.u32 v9, v28;
	v15 =	vadd.s32 v18, v27  }
0x1f0: {  	[tilespmem:v14+s1+$0x0] =	vst.idx.msk $0xffff, v21;
	v14 =	vmov s24;
	v21 =	vor.u32 v19, v29;
	v29 =	vadd.s32 v3, v7;
	v27 =	vld [tilespmem:s18+$0xFFFFFF20]  }
0x1f1: {  	v31 =	vor.u32 v22, v15;
	v28 =	vld [tilespmem:s18+$0xFFFFFFA0];
	[tilespmem:v20+s1+$0x0] =	vst.idx.msk $0xffff, v26;
	v20 =	vadd.s32 v0, v13;
	v15 =	vand.u32 $0x78, v14  }
0x1f2: {  	s17 =	simm.s32 $0xE700;
	v14 =	vand.u32 $0x7, v14;
	v11 =	vadd.s32 v11, v29;
	v32 =	vld [tilespmem:s18+$0x20];
	v26 =	vadd.s32 v15, v20  }
0x1f3: {  	v7 =	vand.u32 $0x78, v25;
	v25 =	vld [tilespmem:s17+$0x80];
	v12 =	vadd.s32 v12, v29;
	v26 =	vor.u32 v14, v26;
	[tilespmem:v24+s1+$0x0] =	vst.idx.msk $0xffff, v30  }
0x1f4: {  	v37 =	vadd.s32 v17, v29;
	v11 =	vor.u32 v16, v11;
	v24 =	vadd.s32 v10, v20;
	v33 =	vld [tilespmem:s18+$0xB0]  }
0x1f5: {  	v34 =	vld [tilespmem:s17+$0xFFFFFF00];
	v30 =	vadd.s32 v8, v20;
	[tilespmem:v23+s1+$0x0] =	vst.idx.msk $0xffff, v27;
	v24 =	vor.u32 v5, v24  }
0x1f6: {  	v16 =	vadd.s32 v7, v20;
	v20 =	vld [tilespmem:s17+$0xFFFFFF80];
	[tilespmem:v21+s1+$0x0] =	vst.idx.msk $0xffff, v28;
	v30 =	vor.u32 v6, v30  }
0x1f7: {  	v36 =	vld [tilespmem:s17+$0x0];
	v38 =	vadd.s32 v18, v29;
	v35 =	vor.u32 v4, v16;
	[tilespmem:v31+s1+$0x0] =	vst.idx.msk $0xffff, v32  }
0x1f8: {  	s21 =	simm.s32 $0x8;
	v17 =	vadd.s32 v1, v13;
	v40 =	vor.u32 v9, v12;
	v39 =	vld [tilespmem:s18+$0xFFFFFF30];
	[tilespmem:v26+s1+$0x0] =	vst.idx.msk $0xffff, v25  }
0x1f9: {  	v12 =	vmov s21;
	v18 =	vadd.s32 v10, v17;
	v21 =	vadd.s32 v15, v17;
	v16 =	vld [tilespmem:s18+$0xFFFFFFB0];
	[tilespmem:v11+s1+$0x0] =	vst.idx.msk $0xffff, v33  }
0x1fa: {  	s22 =	simm.s32 $0x9;
	v9 =	vand.u32 $0x4, v12;
	v12 =	vand.u32 $0x78, v12;
	v28 =	vor.u32 v14, v21;
	[tilespmem:v24+s1+$0x0] =	vst.idx.msk $0xffff, v34;
	v24 =	vld [tilespmem:s17+$0x90]  }
0x1fb: {  	s23 =	simm.s32 $0x0;
	v29 =	vor.u32 v5, v18;
	v18 =	vmov s22;
	v11 =	vadd.s32 v8, v17;
	[tilespmem:v30+s1+$0x0] =	vst.idx.msk $0xffff, v20;
	v25 =	vld [tilespmem:s17+$0xFFFFFF10]  }
0x1fc: {  	v31 =	vmov s23;
	[tilespmem:v35+s1+$0x0] =	vst.idx.msk $0xffff, v36;
	v17 =	vadd.s32 v7, v17;
	v23 =	vld [tilespmem:s17+$0xFFFFFF90];
	v27 =	vor.u32 v6, v11  }
0x1fd: {  	s25 =	simm.s32 $0xA;
	v26 =	vld [tilespmem:s17+$0x10];
	v20 =	vor.u32 v19, v37;
	v19 =	vor.u32 v22, v38;
	v21 =	vor.u32 v4, v17  }
0x1fe: {  	s22 =	simm.s32 $0xC;
	v30 =	vadd.s32 v2, v13;
	[tilespmem:v40+s1+$0x0] =	vst.idx.msk $0xffff, v39;
	v22 =	vld [tilespmem:s18+$0x30];
	s18 =	simm.s32 $0xE700;
	v17 =	vmov s25;
	v11 =	vand.u32 $0x5, v18  }
.LBB2_9:
0x1ff: {  	p0 =	slt.u32 s22, $0xFC;
	v31 =	vmul.u32 $0x2200, v31;
	v32 =	vadd.s32 v10, v30;
	[tilespmem:v28+s1+$0x0] =	vst.idx.msk $0xffff, v24;
	v24 =	vadd.s32 v15, v30  }
0x200: {  	v33 =	vand.u32 $0x6, v17;
	[tilespmem:v29+s1+$0x0] =	vst.idx.msk $0xffff, v25;
	v25 =	vadd.s32 v8, v30;
	v28 =	vld [tilespmem:s17+$0xA0];
	v24 =	vor.u32 v14, v24  }
0x201: {  	s23 =	sadd.s32 $0x3, s21;
	s21 =	smov.u32 s22;
	v32 =	vor.u32 v5, v32;
	v29 =	vbroadcast v31, $0x0;
	v31 =	vld [tilespmem:s17+$0xFFFFFF20];
	[tilespmem:v27+s1+$0x0] =	vst.idx.msk $0xffff, v23;
	v23 =	vadd.s32 v7, v30  }
0x202: {  	v27 =	vmov s23;
	v25 =	vor.u32 v6, v25;
	v30 =	vld [tilespmem:s17+$0xFFFFFFA0];
	[tilespmem:v21+s1+$0x0] =	vst.idx.msk $0xffff, v26;
	v34 =	vor.u32 v4, v23  }
0x203: {  	v18 =	vand.u32 $0x78, v18;
	v23 =	vand.u32 $0x78, v27;
	v21 =	vadd.s32 v0, v29;
	v35 =	vld [tilespmem:s17+$0x20];
	[tilespmem:v20+s1+$0x0] =	vst.idx.msk $0xffff, v16  }
0x204: {  	v26 =	vadd.s32 v3, v13;
	v16 =	vand.u32 $0x7, v27;
	s17 =	sadd.s32 $0x200, s17;
	v20 =	vadd.s32 v23, v21;
	[tilespmem:v19+s1+$0x0] =	vst.idx.msk $0xffff, v22  }
0x205: {  	v17 =	vand.u32 $0x78, v17;
	v19 =	vld [tilespmem:s17+$0x80];
	v20 =	vor.u32 v16, v20;
	[tilespmem:v24+s1+$0x0] =	vst.idx.msk $0xffff, v28;
	v28 =	vadd.s32 v15, v26  }
0x206: {  	v13 =	vmovc v29;
	v36 =	vadd.s32 v12, v21;
	v22 =	vadd.s32 v18, v21;
	v24 =	vld [tilespmem:s18+$0xB0];
	v27 =	vor.u32 v14, v28  }
0x207: {  	v37 =	vadd.s32 v17, v21;
	v29 =	vor.u32 v9, v36;
	v22 =	vor.u32 v11, v22;
	v15 =	vmovc v23;
	v28 =	vld [tilespmem:s17+$0xFFFFFF00]  }
0x208: {  	v10 =	vadd.s32 v10, v26;
	v36 =	vor.u32 v33, v37;
	v14 =	vmov v16;
	v21 =	vld [tilespmem:s17+$0xFFFFFF80];
	[tilespmem:v32+s1+$0x0] =	vst.idx.msk $0xffff, v31  }
0x209: {  	v32 =	vadd.s32 v7, v26;
	v31 =	vld [tilespmem:s17+$0x0];
	[tilespmem:v25+s1+$0x0] =	vst.idx.msk $0xffff, v30;
	v30 =	vadd.s32 v8, v26;
	v8 =	vmov v18  }
0x20a: {  	v38 =	vor.u32 v5, v10;
	v7 =	vmov v17;
	v18 =	vadd.s32 v1, v13;
	[tilespmem:v20+s1+$0x0] =	vst.idx.msk $0xffff, v19;
	v37 =	vld [tilespmem:s18+$0xFFFFFF30]  }
0x20b: {  	v10 =	vmov s22;
	v5 =	vmovc v9;
	v17 =	vadd.s32 v12, v18;
	v19 =	vadd.s32 v15, v18;
	v16 =	vld [tilespmem:s18+$0xFFFFFFB0];
	[tilespmem:v27+s1+$0x0] =	vst.idx.msk $0xffff, v24  }
.Ltmp4:
0x20c: {  	v9 =	vand.u32 $0x4, v10;
	v20 =	vadd.s32 v8, v18;
	[tilespmem:v29+s1+$0x0] =	vst.idx.msk $0xffff, v28;
	v24 =	vld [tilespmem:s17+$0x90];
	v28 =	vor.u32 v14, v19;
	(pc) =	sbr.rel @p0 .LBB2_9-.Ltmp4, $4  }
0x20d: {  	s23 =	sadd.s32 $0x1, s22;
	v39 =	vand.u32 $0x78, v10;
	v29 =	vor.u32 v5, v17;
	v17 =	vadd.s32 v7, v18;
	v25 =	vld [tilespmem:s17+$0xFFFFFF10];
	[tilespmem:v22+s1+$0x0] =	vst.idx.msk $0xffff, v21  }
0x20e: {  	v10 =	vmovc v12;
	v27 =	vor.u32 v11, v20;
	v18 =	vmov s23;
	s23 =	sadd.s32 $0x2, s22;
	v21 =	vor.u32 v33, v17;
	v23 =	vld [tilespmem:s17+$0xFFFFFF90];
	[tilespmem:v36+s1+$0x0] =	vst.idx.msk $0xffff, v31  }
0x20f: {  	s24 =	sshrl.u32 s22, $0x7;
	v20 =	vor.u32 v6, v30;
	v19 =	vor.u32 v4, v32;
	v4 =	vmovc v33;
	v17 =	vmov s23;
	v26 =	vld [tilespmem:s17+$0x10];
	[tilespmem:v34+s1+$0x0] =	vst.idx.msk $0xffff, v35  }
0x210: {  	v12 =	vmovc v39;
	v30 =	vadd.s32 v2, v13;
	v6 =	vmovc v11;
	s22 =	sadd.s32 $0x4, s22;
	v11 =	vand.u32 $0x5, v18;
	v31 =	vmov s24;
	[tilespmem:v38+s1+$0x0] =	vst.idx.msk $0xffff, v37;
	v22 =	vld [tilespmem:s18+$0x30];
	s18 =	smov.u32 s17  }
0x211: {  	_ =	sdelay $0x2  }
0x212: {  	v31 =	vmul.u32 $0x2200, v31  }
0x213: {  	v32 =	vadd.s32 v10, v30;
	v33 =	vadd.s32 v15, v30;
	[tilespmem:v28+s1+$0x0] =	vst.idx.msk $0xffff, v24;
	v24 =	vand.u32 $0x6, v17  }
0x214: {  	v44 =	vadd.s32 v8, v30;
	s21 =	sadd.s32 $0x3, s21;
	v49 =	vadd.s32 v7, v30;
	v31 =	vbroadcast v31, $0x0  }
0x215: {  	v18 =	vand.u32 $0x78, v18;
	[tilespmem:v20+s1+$0x0] =	vst.idx.msk $0xffff, v16;
	v13 =	vadd.s32 v3, v13;
	v47 =	vmov s21  }
0x216: {  	[tilespmem:v29+s1+$0x0] =	vst.idx.msk $0xffff, v25;
	v45 =	vor.u32 v14, v33;
	v48 =	vld [tilespmem:s17+$0xA0];
	v30 =	vand.u32 $0x78, v47;
	v50 =	vadd.s32 v0, v31  }
0x217: {  	s25 =	sadd.s32 $0x200, s17;
	v46 =	vor.u32 v5, v32;
	v34 =	vld [tilespmem:s17+$0xFFFFFF20];
	[tilespmem:v21+s1+$0x0] =	vst.idx.msk $0xffff, v26;
	v21 =	vand.u32 $0x7, v47;
	v51 =	vadd.s32 v30, v50  }
0x218: {  	v28 =	vor.u32 v6, v44;
	v52 =	vld [tilespmem:s25+$0x80];
	v54 =	vadd.s32 v12, v50;
	v53 =	vor.u32 v21, v51  }
0x219: {  	v17 =	vand.u32 $0x78, v17;
	v56 =	vld [tilespmem:s25+$0xFFFFFF00];
	[tilespmem:v27+s1+$0x0] =	vst.idx.msk $0xffff, v23;
	v55 =	vadd.s32 v18, v50;
	v26 =	vor.u32 v9, v54  }
0x21a: {  	v57 =	vld [tilespmem:s25+$0xFFFFFF80];
	[tilespmem:v19+s1+$0x0] =	vst.idx.msk $0xffff, v22;
	v27 =	vadd.s32 v17, v50;
	v19 =	vor.u32 v11, v55  }
0x21b: {  	v59 =	vld [tilespmem:s25+$0x0];
	v61 =	vadd.s32 v15, v13;
	[tilespmem:v45+s1+$0x0] =	vst.idx.msk $0xffff, v48;
	v58 =	vor.u32 v24, v27  }
0x21c: {  	v41 =	vadd.s32 v10, v13;
	v60 =	vld [tilespmem:s17+$0xFFFFFFA0];
	v62 =	vadd.s32 v1, v31;
	[tilespmem:v46+s1+$0x0] =	vst.idx.msk $0xffff, v34  }
0x21d: {  	v23 =	vor.u32 v4, v49;
	v42 =	vld [tilespmem:s17+$0x20];
	v36 =	vadd.s32 v30, v62;
	[tilespmem:v53+s1+$0x0] =	vst.idx.msk $0xffff, v52  }
0x21e: {  	v37 =	vadd.s32 v12, v62;
	v15 =	vor.u32 v21, v36;
	[tilespmem:v26+s1+$0x0] =	vst.idx.msk $0xffff, v56;
	v20 =	vld [tilespmem:s25+$0x90]  }
0x21f: {  	v38 =	vadd.s32 v18, v62;
	v16 =	vor.u32 v9, v37;
	[tilespmem:v19+s1+$0x0] =	vst.idx.msk $0xffff, v57;
	v26 =	vld [tilespmem:s25+$0xFFFFFF10]  }
0x220: {  	v39 =	vadd.s32 v17, v62;
	v22 =	vor.u32 v11, v38;
	[tilespmem:v58+s1+$0x0] =	vst.idx.msk $0xffff, v59;
	v40 =	vld [tilespmem:s25+$0xFFFFFF90]  }
0x221: {  	v43 =	vadd.s32 v8, v13;
	[tilespmem:v28+s1+$0x0] =	vst.idx.msk $0xffff, v60;
	v19 =	vor.u32 v24, v39;
	v25 =	vld [tilespmem:s25+$0x10]  }
0x222: {  	v35 =	vor.u32 v14, v61;
	v44 =	vadd.s32 v2, v31;
	v63 =	vld [tilespmem:s18+$0xB0];
	[tilespmem:v23+s1+$0x0] =	vst.idx.msk $0xffff, v42  }
0x223: {  	v5 =	vor.u32 v5, v41;
	v46 =	vadd.s32 v30, v44;
	v45 =	vld [tilespmem:s18+$0xFFFFFF30];
	[tilespmem:v15+s1+$0x0] =	vst.idx.msk $0xffff, v20  }
0x224: {  	v47 =	vadd.s32 v12, v44;
	v10 =	vor.u32 v21, v46;
	[tilespmem:v16+s1+$0x0] =	vst.idx.msk $0xffff, v26;
	v48 =	vld [tilespmem:s25+$0xA0]  }
0x225: {  	v49 =	vadd.s32 v18, v44;
	v15 =	vor.u32 v9, v47;
	[tilespmem:v22+s1+$0x0] =	vst.idx.msk $0xffff, v40;
	v26 =	vld [tilespmem:s25+$0xFFFFFF20]  }
0x226: {  	v14 =	vadd.s32 v17, v44;
	v20 =	vor.u32 v11, v49;
	[tilespmem:v19+s1+$0x0] =	vst.idx.msk $0xffff, v25;
	v22 =	vld [tilespmem:s25+$0xFFFFFFA0]  }
0x227: {  	v50 =	vadd.s32 v7, v13;
	v51 =	vor.u32 v24, v14;
	[tilespmem:v35+s1+$0x0] =	vst.idx.msk $0xffff, v63;
	v52 =	vld [tilespmem:s25+$0x20]  }
0x228: {  	v4 =	vor.u32 v4, v50;
	v55 =	vld [tilespmem:s18+$0x30];
	[tilespmem:v5+s1+$0x0] =	vst.idx.msk $0xffff, v45;
	v5 =	vadd.s32 v3, v31  }
0x229: {  	v54 =	vor.u32 v6, v43;
	v53 =	vld [tilespmem:s18+$0xFFFFFFB0];
	v56 =	vadd.s32 v30, v5;
	[tilespmem:v10+s1+$0x0] =	vst.idx.msk $0xffff, v48  }
0x22a: {  	v57 =	vadd.s32 v12, v5;
	v8 =	vor.u32 v21, v56;
	[tilespmem:v15+s1+$0x0] =	vst.idx.msk $0xffff, v26;
	v10 =	vld [tilespmem:s25+$0xB0]  }
0x22b: {  	v58 =	vadd.s32 v18, v5;
	v60 =	vor.u32 v9, v57;
	[tilespmem:v20+s1+$0x0] =	vst.idx.msk $0xffff, v22;
	v59 =	vld [tilespmem:s25+$0xFFFFFF30]  }
0x22c: {  	v5 =	vadd.s32 v17, v5;
	v62 =	vor.u32 v11, v58;
	[tilespmem:v51+s1+$0x0] =	vst.idx.msk $0xffff, v52;
	v61 =	vld [tilespmem:s25+$0xFFFFFFB0]  }
0x22d: {  	s15 =	sadd.s32 s5, s15;
	v5 =	vor.u32 v24, v5;
	[tilespmem:v4+s1+$0x0] =	vst.idx.msk $0xffff, v55;
	v63 =	vld [tilespmem:s25+$0x30]  }
0x22e: {  	s21 =	sshll.u32 s15, $0xB;
	s15 =	sshll.u32 s15, $0xE;
	[tilespmem:v54+s1+$0x0] =	vst.idx.msk $0xffff, v53  }
0x22f: {  	s15 =	sand.u32 $0x7FF00000, s15;
	s17 =	sand.u32 $0x1F800, s21;
	[tilespmem:v8+s1+$0x0] =	vst.idx.msk $0xffff, v10  }
0x230: {  	s15 =	sor.u32 s17, s15;
	[tilespmem:v60+s1+$0x0] =	vst.idx.msk $0xffff, v59  }
0x231: {  	s15 =	sshrl.u32 s15, $0x3;
	[tilespmem:v62+s1+$0x0] =	vst.idx.msk $0xffff, v61  }
0x232: {  	s17 =	sadd.s32 s2, s15;
	[tilespmem:v5+s1+$0x0] =	vst.idx.msk $0xffff, v63  }
0x233: {  	[hbm4b:s17+s3] =	stream.linear.scatter [tilespmem:s1], [sflag:$0x4], $0x80, $0x38;
	[tilespmem:$0x1EC00] =	vst v63  }
0x234: {  	s23 =	simm.s32 $0x1A888;
	s22 =	sadd.s32 $0x10, s17  }
0x235: {  	[hbm4b:s22+s3] =	stream.linear.scatter [tilespmem:s23], [sflag:$0x4], $0x80, $0x38;
	[tilespmem:$0x1EC00] =	vst v63  }
0x236: {  	s24 =	sadd.s32 $0x20, s17;
	s25 =	simm.s32 $0x1A910  }
0x237: {  	[hbm4b:s24+s3] =	stream.linear.scatter [tilespmem:s25], [sflag:$0x4], $0x80, $0x38;
	[tilespmem:$0x1EC00] =	vst v63  }
0x238: {  	s22 =	sadd.s32 $0x30, s17;
	s23 =	simm.s32 $0x1A998  }
0x239: {  	[hbm4b:s22+s3] =	stream.linear.scatter [tilespmem:s23], [sflag:$0x4], $0x80, $0x38;
	[tilespmem:$0x1EC00] =	vst v63  }
0x23a: {  	s24 =	sadd.s32 $0x40, s17;
	s25 =	simm.s32 $0x1AA20  }
0x23b: {  	[hbm4b:s24+s3] =	stream.linear.scatter [tilespmem:s25], [sflag:$0x4], $0x80, $0x38;
	[tilespmem:$0x1EC00] =	vst v63  }
0x23c: {  	s21 =	sadd.s32 $0x50, s17;
	s22 =	simm.s32 $0x1AAA8  }
0x23d: {  	[hbm4b:s21+s3] =	stream.linear.scatter [tilespmem:s22], [sflag:$0x4], $0x80, $0x38;
	[tilespmem:$0x1EC00] =	vst v63  }
0x23e: {  	s23 =	sadd.s32 $0x60, s17;
	s24 =	simm.s32 $0x1AB30  }
0x23f: {  	[hbm4b:s23+s3] =	stream.linear.scatter [tilespmem:s24], [sflag:$0x4], $0x80, $0x38;
	[tilespmem:$0x1EC00] =	vst v63  }
0x240: {  	s17 =	sadd.s32 $0x70, s17;
	s25 =	simm.s32 $0x1ABB8  }
0x241: {  	[hbm4b:s17+s3] =	stream.linear.scatter [tilespmem:s25], [sflag:$0x4], $0x80, $0x38;
	[tilespmem:$0x1EC00] =	vst v63  }
0x242: {  	s21 =	simm.s32 $0x1AC40;
	s17 =	sadd.s32 s15, s7  }
0x243: {  	[hbm4b:s17+s3] =	stream.linear.scatter [tilespmem:s21], [sflag:$0x4], $0x80, $0x38;
	[tilespmem:$0x1EC00] =	vst v63  }
0x244: {  	s23 =	simm.s32 $0x1ACC8;
	s22 =	sadd.s32 $0x10, s17  }
0x245: {  	[hbm4b:s22+s3] =	stream.linear.scatter [tilespmem:s23], [sflag:$0x4], $0x80, $0x38;
	[tilespmem:$0x1EC00] =	vst v63  }
0x246: {  	s25 =	simm.s32 $0x1AD50;
	s24 =	sadd.s32 $0x20, s17  }
0x247: {  	[hbm4b:s24+s3] =	stream.linear.scatter [tilespmem:s25], [sflag:$0x4], $0x80, $0x38;
	[tilespmem:$0x1EC00] =	vst v63  }
0x248: {  	s22 =	sadd.s32 $0x30, s17;
	s23 =	simm.s32 $0x1ADD8  }
0x249: {  	[hbm4b:s22+s3] =	stream.linear.scatter [tilespmem:s23], [sflag:$0x4], $0x80, $0x38;
	[tilespmem:$0x1EC00] =	vst v63  }
0x24a: {  	s24 =	sadd.s32 $0x40, s17;
	s25 =	simm.s32 $0x1AE60  }
0x24b: {  	[hbm4b:s24+s3] =	stream.linear.scatter [tilespmem:s25], [sflag:$0x4], $0x80, $0x38;
	[tilespmem:$0x1EC00] =	vst v63  }
0x24c: {  	s21 =	sadd.s32 $0x50, s17;
	s22 =	simm.s32 $0x1AEE8  }
0x24d: {  	[hbm4b:s21+s3] =	stream.linear.scatter [tilespmem:s22], [sflag:$0x4], $0x80, $0x38;
	[tilespmem:$0x1EC00] =	vst v63  }
0x24e: {  	s23 =	sadd.s32 $0x60, s17;
	s24 =	simm.s32 $0x1AF70  }
0x24f: {  	[hbm4b:s23+s3] =	stream.linear.scatter [tilespmem:s24], [sflag:$0x4], $0x80, $0x38;
	[tilespmem:$0x1EC00] =	vst v63  }
0x250: {  	s17 =	sadd.s32 $0x70, s17;
	s25 =	simm.s32 $0x1AFF8  }
0x251: {  	[hbm4b:s17+s3] =	stream.linear.scatter [tilespmem:s25], [sflag:$0x4], $0x80, $0x38;
	[tilespmem:$0x1EC00] =	vst v63  }
0x252: {  	s21 =	simm.s32 $0x1B080;
	s17 =	sadd.s32 s15, s8  }
0x253: {  	[hbm4b:s17+s3] =	stream.linear.scatter [tilespmem:s21], [sflag:$0x4], $0x80, $0x38;
	[tilespmem:$0x1EC00] =	vst v63  }
0x254: {  	s23 =	simm.s32 $0x1B108;
	s22 =	sadd.s32 $0x10, s17  }
0x255: {  	[hbm4b:s22+s3] =	stream.linear.scatter [tilespmem:s23], [sflag:$0x4], $0x80, $0x38;
	[tilespmem:$0x1EC00] =	vst v63  }
0x256: {  	s25 =	simm.s32 $0x1B190;
	s24 =	sadd.s32 $0x20, s17  }
0x257: {  	[hbm4b:s24+s3] =	stream.linear.scatter [tilespmem:s25], [sflag:$0x4], $0x80, $0x38;
	[tilespmem:$0x1EC00] =	vst v63  }
0x258: {  	s22 =	sadd.s32 $0x30, s17;
	s23 =	simm.s32 $0x1B218  }
0x259: {  	[hbm4b:s22+s3] =	stream.linear.scatter [tilespmem:s23], [sflag:$0x4], $0x80, $0x38;
	[tilespmem:$0x1EC00] =	vst v63  }
0x25a: {  	s24 =	sadd.s32 $0x40, s17;
	s25 =	simm.s32 $0x1B2A0  }
0x25b: {  	[hbm4b:s24+s3] =	stream.linear.scatter [tilespmem:s25], [sflag:$0x4], $0x80, $0x38;
	[tilespmem:$0x1EC00] =	vst v63  }
0x25c: {  	s21 =	sadd.s32 $0x50, s17;
	s22 =	simm.s32 $0x1B328  }
0x25d: {  	[hbm4b:s21+s3] =	stream.linear.scatter [tilespmem:s22], [sflag:$0x4], $0x80, $0x38;
	[tilespmem:$0x1EC00] =	vst v63  }
0x25e: {  	s23 =	sadd.s32 $0x60, s17;
	s24 =	simm.s32 $0x1B3B0  }
0x25f: {  	[hbm4b:s23+s3] =	stream.linear.scatter [tilespmem:s24], [sflag:$0x4], $0x80, $0x38;
	[tilespmem:$0x1EC00] =	vst v63  }
0x260: {  	s17 =	sadd.s32 $0x70, s17;
	s25 =	simm.s32 $0x1B438  }
0x261: {  	[hbm4b:s17+s3] =	stream.linear.scatter [tilespmem:s25], [sflag:$0x4], $0x80, $0x38;
	[tilespmem:$0x1EC00] =	vst v63  }
0x262: {  	s21 =	simm.s32 $0x1B4C0;
	s17 =	sadd.s32 s15, s9  }
0x263: {  	[hbm4b:s17+s3] =	stream.linear.scatter [tilespmem:s21], [sflag:$0x4], $0x80, $0x38;
	[tilespmem:$0x1EC00] =	vst v63  }
0x264: {  	s23 =	simm.s32 $0x1B548;
	s22 =	sadd.s32 $0x10, s17  }
0x265: {  	[hbm4b:s22+s3] =	stream.linear.scatter [tilespmem:s23], [sflag:$0x4], $0x80, $0x38;
	[tilespmem:$0x1EC00] =	vst v63  }
0x266: {  	s25 =	simm.s32 $0x1B5D0;
	s24 =	sadd.s32 $0x20, s17  }
0x267: {  	[hbm4b:s24+s3] =	stream.linear.scatter [tilespmem:s25], [sflag:$0x4], $0x80, $0x38;
	[tilespmem:$0x1EC00] =	vst v63  }
0x268: {  	s22 =	sadd.s32 $0x30, s17;
	s23 =	simm.s32 $0x1B658  }
0x269: {  	[hbm4b:s22+s3] =	stream.linear.scatter [tilespmem:s23], [sflag:$0x4], $0x80, $0x38;
	[tilespmem:$0x1EC00] =	vst v63  }
0x26a: {  	s24 =	sadd.s32 $0x40, s17;
	s25 =	simm.s32 $0x1B6E0  }
0x26b: {  	[hbm4b:s24+s3] =	stream.linear.scatter [tilespmem:s25], [sflag:$0x4], $0x80, $0x38;
	[tilespmem:$0x1EC00] =	vst v63  }
0x26c: {  	s21 =	sadd.s32 $0x50, s17;
	s22 =	simm.s32 $0x1B768  }
0x26d: {  	[hbm4b:s21+s3] =	stream.linear.scatter [tilespmem:s22], [sflag:$0x4], $0x80, $0x38;
	[tilespmem:$0x1EC00] =	vst v63  }
0x26e: {  	s23 =	sadd.s32 $0x60, s17;
	s24 =	simm.s32 $0x1B7F0  }
0x26f: {  	[hbm4b:s23+s3] =	stream.linear.scatter [tilespmem:s24], [sflag:$0x4], $0x80, $0x38;
	[tilespmem:$0x1EC00] =	vst v63  }
0x270: {  	s17 =	sadd.s32 $0x70, s17;
	s25 =	simm.s32 $0x1B878  }
0x271: {  	[hbm4b:s17+s3] =	stream.linear.scatter [tilespmem:s25], [sflag:$0x4], $0x80, $0x38;
	[tilespmem:$0x1EC00] =	vst v63  }
0x272: {  	s21 =	simm.s32 $0x1B900;
	s17 =	sadd.s32 s15, s10  }
0x273: {  	[hbm4b:s17+s3] =	stream.linear.scatter [tilespmem:s21], [sflag:$0x4], $0x80, $0x38;
	[tilespmem:$0x1EC00] =	vst v63  }
0x274: {  	s23 =	simm.s32 $0x1B988;
	s22 =	sadd.s32 $0x10, s17  }
0x275: {  	[hbm4b:s22+s3] =	stream.linear.scatter [tilespmem:s23], [sflag:$0x4], $0x80, $0x38;
	[tilespmem:$0x1EC00] =	vst v63  }
0x276: {  	s25 =	simm.s32 $0x1BA10;
	s24 =	sadd.s32 $0x20, s17  }
0x277: {  	[hbm4b:s24+s3] =	stream.linear.scatter [tilespmem:s25], [sflag:$0x4], $0x80, $0x38;
	[tilespmem:$0x1EC00] =	vst v63  }
0x278: {  	s22 =	sadd.s32 $0x30, s17;
	s23 =	simm.s32 $0x1BA98  }
0x279: {  	[hbm4b:s22+s3] =	stream.linear.scatter [tilespmem:s23], [sflag:$0x4], $0x80, $0x38;
	[tilespmem:$0x1EC00] =	vst v63  }
0x27a: {  	s24 =	sadd.s32 $0x40, s17;
	s25 =	simm.s32 $0x1BB20  }
0x27b: {  	[hbm4b:s24+s3] =	stream.linear.scatter [tilespmem:s25], [sflag:$0x4], $0x80, $0x38;
	[tilespmem:$0x1EC00] =	vst v63  }
0x27c: {  	s21 =	sadd.s32 $0x50, s17;
	s22 =	simm.s32 $0x1BBA8  }
0x27d: {  	[hbm4b:s21+s3] =	stream.linear.scatter [tilespmem:s22], [sflag:$0x4], $0x80, $0x38;
	[tilespmem:$0x1EC00] =	vst v63  }
0x27e: {  	s23 =	sadd.s32 $0x60, s17;
	s24 =	simm.s32 $0x1BC30  }
0x27f: {  	[hbm4b:s23+s3] =	stream.linear.scatter [tilespmem:s24], [sflag:$0x4], $0x80, $0x38;
	[tilespmem:$0x1EC00] =	vst v63  }
0x280: {  	s17 =	sadd.s32 $0x70, s17;
	s25 =	simm.s32 $0x1BCB8  }
0x281: {  	[hbm4b:s17+s3] =	stream.linear.scatter [tilespmem:s25], [sflag:$0x4], $0x80, $0x38;
	[tilespmem:$0x1EC00] =	vst v63  }
0x282: {  	s21 =	simm.s32 $0x1BD40;
	s17 =	sadd.s32 s15, s11  }
0x283: {  	[hbm4b:s17+s3] =	stream.linear.scatter [tilespmem:s21], [sflag:$0x4], $0x80, $0x38;
	[tilespmem:$0x1EC00] =	vst v63  }
0x284: {  	s23 =	simm.s32 $0x1BDC8;
	s22 =	sadd.s32 $0x10, s17  }
0x285: {  	[hbm4b:s22+s3] =	stream.linear.scatter [tilespmem:s23], [sflag:$0x4], $0x80, $0x38;
	[tilespmem:$0x1EC00] =	vst v63  }
0x286: {  	s25 =	simm.s32 $0x1BE50;
	s24 =	sadd.s32 $0x20, s17  }
0x287: {  	[hbm4b:s24+s3] =	stream.linear.scatter [tilespmem:s25], [sflag:$0x4], $0x80, $0x38;
	[tilespmem:$0x1EC00] =	vst v63  }
0x288: {  	s22 =	sadd.s32 $0x30, s17;
	s23 =	simm.s32 $0x1BED8  }
0x289: {  	[hbm4b:s22+s3] =	stream.linear.scatter [tilespmem:s23], [sflag:$0x4], $0x80, $0x38;
	[tilespmem:$0x1EC00] =	vst v63  }
0x28a: {  	s24 =	sadd.s32 $0x40, s17;
	s25 =	simm.s32 $0x1BF60  }
0x28b: {  	[hbm4b:s24+s3] =	stream.linear.scatter [tilespmem:s25], [sflag:$0x4], $0x80, $0x38;
	[tilespmem:$0x1EC00] =	vst v63  }
0x28c: {  	s21 =	sadd.s32 $0x50, s17;
	s22 =	simm.s32 $0x1BFE8  }
0x28d: {  	[hbm4b:s21+s3] =	stream.linear.scatter [tilespmem:s22], [sflag:$0x4], $0x80, $0x38;
	[tilespmem:$0x1EC00] =	vst v63  }
0x28e: {  	s23 =	sadd.s32 $0x60, s17;
	s24 =	simm.s32 $0x1C070  }
0x28f: {  	[hbm4b:s23+s3] =	stream.linear.scatter [tilespmem:s24], [sflag:$0x4], $0x80, $0x38;
	[tilespmem:$0x1EC00] =	vst v63  }
0x290: {  	s17 =	sadd.s32 $0x70, s17;
	s25 =	simm.s32 $0x1C0F8  }
0x291: {  	[hbm4b:s17+s3] =	stream.linear.scatter [tilespmem:s25], [sflag:$0x4], $0x80, $0x38;
	[tilespmem:$0x1EC00] =	vst v63  }
0x292: {  	s21 =	simm.s32 $0x1C180;
	s17 =	sadd.s32 s15, s12  }
0x293: {  	[hbm4b:s17+s3] =	stream.linear.scatter [tilespmem:s21], [sflag:$0x4], $0x80, $0x38;
	[tilespmem:$0x1EC00] =	vst v63  }
0x294: {  	s23 =	simm.s32 $0x1C208;
	s22 =	sadd.s32 $0x10, s17  }
0x295: {  	[hbm4b:s22+s3] =	stream.linear.scatter [tilespmem:s23], [sflag:$0x4], $0x80, $0x38;
	[tilespmem:$0x1EC00] =	vst v63  }
0x296: {  	s25 =	simm.s32 $0x1C290;
	s24 =	sadd.s32 $0x20, s17  }
0x297: {  	[hbm4b:s24+s3] =	stream.linear.scatter [tilespmem:s25], [sflag:$0x4], $0x80, $0x38;
	[tilespmem:$0x1EC00] =	vst v63  }
0x298: {  	s22 =	sadd.s32 $0x30, s17;
	s23 =	simm.s32 $0x1C318  }
0x299: {  	[hbm4b:s22+s3] =	stream.linear.scatter [tilespmem:s23], [sflag:$0x4], $0x80, $0x38;
	[tilespmem:$0x1EC00] =	vst v63  }
0x29a: {  	s24 =	sadd.s32 $0x40, s17;
	s25 =	simm.s32 $0x1C3A0  }
0x29b: {  	[hbm4b:s24+s3] =	stream.linear.scatter [tilespmem:s25], [sflag:$0x4], $0x80, $0x38;
	[tilespmem:$0x1EC00] =	vst v63  }
0x29c: {  	s21 =	sadd.s32 $0x50, s17;
	s22 =	simm.s32 $0x1C428  }
0x29d: {  	[hbm4b:s21+s3] =	stream.linear.scatter [tilespmem:s22], [sflag:$0x4], $0x80, $0x38;
	[tilespmem:$0x1EC00] =	vst v63  }
0x29e: {  	s23 =	sadd.s32 $0x60, s17;
	s24 =	simm.s32 $0x1C4B0  }
0x29f: {  	[hbm4b:s23+s3] =	stream.linear.scatter [tilespmem:s24], [sflag:$0x4], $0x80, $0x38;
	[tilespmem:$0x1EC00] =	vst v63  }
0x2a0: {  	s17 =	sadd.s32 $0x70, s17;
	s25 =	simm.s32 $0x1C538  }
0x2a1: {  	[hbm4b:s17+s3] =	stream.linear.scatter [tilespmem:s25], [sflag:$0x4], $0x80, $0x38;
	[tilespmem:$0x1EC00] =	vst v63  }
0x2a2: {  	s21 =	simm.s32 $0x1C5C0;
	s17 =	sadd.s32 s15, s13  }
0x2a3: {  	[hbm4b:s17+s3] =	stream.linear.scatter [tilespmem:s21], [sflag:$0x4], $0x80, $0x38;
	[tilespmem:$0x1EC00] =	vst v63  }
0x2a4: {  	s23 =	simm.s32 $0x1C648;
	s22 =	sadd.s32 $0x10, s17  }
0x2a5: {  	[hbm4b:s22+s3] =	stream.linear.scatter [tilespmem:s23], [sflag:$0x4], $0x80, $0x38;
	[tilespmem:$0x1EC00] =	vst v63  }
0x2a6: {  	s25 =	simm.s32 $0x1C6D0;
	s24 =	sadd.s32 $0x20, s17  }
0x2a7: {  	[hbm4b:s24+s3] =	stream.linear.scatter [tilespmem:s25], [sflag:$0x4], $0x80, $0x38;
	[tilespmem:$0x1EC00] =	vst v63  }
0x2a8: {  	s22 =	sadd.s32 $0x30, s17;
	s23 =	simm.s32 $0x1C758  }
0x2a9: {  	[hbm4b:s22+s3] =	stream.linear.scatter [tilespmem:s23], [sflag:$0x4], $0x80, $0x38;
	[tilespmem:$0x1EC00] =	vst v63  }
0x2aa: {  	s24 =	sadd.s32 $0x40, s17;
	s25 =	simm.s32 $0x1C7E0  }
0x2ab: {  	[hbm4b:s24+s3] =	stream.linear.scatter [tilespmem:s25], [sflag:$0x4], $0x80, $0x38;
	[tilespmem:$0x1EC00] =	vst v63  }
0x2ac: {  	s21 =	sadd.s32 $0x50, s17;
	s22 =	simm.s32 $0x1C868  }
0x2ad: {  	[hbm4b:s21+s3] =	stream.linear.scatter [tilespmem:s22], [sflag:$0x4], $0x80, $0x38;
	[tilespmem:$0x1EC00] =	vst v63  }
0x2ae: {  	s23 =	sadd.s32 $0x60, s17;
	s24 =	simm.s32 $0x1C8F0  }
0x2af: {  	[hbm4b:s23+s3] =	stream.linear.scatter [tilespmem:s24], [sflag:$0x4], $0x80, $0x38;
	[tilespmem:$0x1EC00] =	vst v63  }
0x2b0: {  	s15 =	sor.u32 $0x80, s15;
	s17 =	sadd.s32 $0x70, s17;
	s25 =	simm.s32 $0x1C978  }
0x2b1: {  	[hbm4b:s17+s3] =	stream.linear.scatter [tilespmem:s25], [sflag:$0x4], $0x80, $0x38;
	[tilespmem:$0x1EC00] =	vst v63  }
0x2b2: {  	s21 =	simm.s32 $0x1CA00;
	s17 =	sadd.s32 s2, s15  }
0x2b3: {  	[hbm4b:s17+s3] =	stream.linear.scatter [tilespmem:s21], [sflag:$0x4], $0x80, $0x38;
	[tilespmem:$0x1EC00] =	vst v63  }
0x2b4: {  	s23 =	simm.s32 $0x1CA88;
	s22 =	sadd.s32 $0x10, s17  }
0x2b5: {  	[hbm4b:s22+s3] =	stream.linear.scatter [tilespmem:s23], [sflag:$0x4], $0x80, $0x38;
	[tilespmem:$0x1EC00] =	vst v63  }
0x2b6: {  	s25 =	simm.s32 $0x1CB10;
	s24 =	sadd.s32 $0x20, s17  }
0x2b7: {  	[hbm4b:s24+s3] =	stream.linear.scatter [tilespmem:s25], [sflag:$0x4], $0x80, $0x38;
	[tilespmem:$0x1EC00] =	vst v63  }
0x2b8: {  	s22 =	sadd.s32 $0x30, s17;
	s23 =	simm.s32 $0x1CB98  }
0x2b9: {  	[hbm4b:s22+s3] =	stream.linear.scatter [tilespmem:s23], [sflag:$0x4], $0x80, $0x38;
	[tilespmem:$0x1EC00] =	vst v63  }
0x2ba: {  	s24 =	sadd.s32 $0x40, s17;
	s25 =	simm.s32 $0x1CC20  }
0x2bb: {  	[hbm4b:s24+s3] =	stream.linear.scatter [tilespmem:s25], [sflag:$0x4], $0x80, $0x38;
	[tilespmem:$0x1EC00] =	vst v63  }
0x2bc: {  	s21 =	sadd.s32 $0x50, s17;
	s22 =	simm.s32 $0x1CCA8  }
0x2bd: {  	[hbm4b:s21+s3] =	stream.linear.scatter [tilespmem:s22], [sflag:$0x4], $0x80, $0x38;
	[tilespmem:$0x1EC00] =	vst v63  }
0x2be: {  	s23 =	sadd.s32 $0x60, s17;
	s24 =	simm.s32 $0x1CD30  }
0x2bf: {  	[hbm4b:s23+s3] =	stream.linear.scatter [tilespmem:s24], [sflag:$0x4], $0x80, $0x38;
	[tilespmem:$0x1EC00] =	vst v63  }
0x2c0: {  	s17 =	sadd.s32 $0x70, s17;
	s25 =	simm.s32 $0x1CDB8  }
0x2c1: {  	[hbm4b:s17+s3] =	stream.linear.scatter [tilespmem:s25], [sflag:$0x4], $0x80, $0x38;
	[tilespmem:$0x1EC00] =	vst v63  }
0x2c2: {  	s21 =	simm.s32 $0x1CE40;
	s17 =	sadd.s32 s15, s7  }
0x2c3: {  	[hbm4b:s17+s3] =	stream.linear.scatter [tilespmem:s21], [sflag:$0x4], $0x80, $0x38;
	[tilespmem:$0x1EC00] =	vst v63  }
0x2c4: {  	s23 =	simm.s32 $0x1CEC8;
	s22 =	sadd.s32 $0x10, s17  }
0x2c5: {  	[hbm4b:s22+s3] =	stream.linear.scatter [tilespmem:s23], [sflag:$0x4], $0x80, $0x38;
	[tilespmem:$0x1EC00] =	vst v63  }
0x2c6: {  	s25 =	simm.s32 $0x1CF50;
	s24 =	sadd.s32 $0x20, s17  }
0x2c7: {  	[hbm4b:s24+s3] =	stream.linear.scatter [tilespmem:s25], [sflag:$0x4], $0x80, $0x38;
	[tilespmem:$0x1EC00] =	vst v63  }
0x2c8: {  	s22 =	sadd.s32 $0x30, s17;
	s23 =	simm.s32 $0x1CFD8  }
0x2c9: {  	[hbm4b:s22+s3] =	stream.linear.scatter [tilespmem:s23], [sflag:$0x4], $0x80, $0x38;
	[tilespmem:$0x1EC00] =	vst v63  }
0x2ca: {  	s24 =	sadd.s32 $0x40, s17;
	s25 =	simm.s32 $0x1D060  }
0x2cb: {  	[hbm4b:s24+s3] =	stream.linear.scatter [tilespmem:s25], [sflag:$0x4], $0x80, $0x38;
	[tilespmem:$0x1EC00] =	vst v63  }
0x2cc: {  	s21 =	sadd.s32 $0x50, s17;
	s22 =	simm.s32 $0x1D0E8  }
0x2cd: {  	[hbm4b:s21+s3] =	stream.linear.scatter [tilespmem:s22], [sflag:$0x4], $0x80, $0x38;
	[tilespmem:$0x1EC00] =	vst v63  }
0x2ce: {  	s23 =	sadd.s32 $0x60, s17;
	s24 =	simm.s32 $0x1D170  }
0x2cf: {  	[hbm4b:s23+s3] =	stream.linear.scatter [tilespmem:s24], [sflag:$0x4], $0x80, $0x38;
	[tilespmem:$0x1EC00] =	vst v63  }
0x2d0: {  	s17 =	sadd.s32 $0x70, s17;
	s25 =	simm.s32 $0x1D1F8  }
0x2d1: {  	[hbm4b:s17+s3] =	stream.linear.scatter [tilespmem:s25], [sflag:$0x4], $0x80, $0x38;
	[tilespmem:$0x1EC00] =	vst v63  }
0x2d2: {  	s21 =	simm.s32 $0x1D280;
	s17 =	sadd.s32 s15, s8  }
0x2d3: {  	[hbm4b:s17+s3] =	stream.linear.scatter [tilespmem:s21], [sflag:$0x4], $0x80, $0x38;
	[tilespmem:$0x1EC00] =	vst v63  }
0x2d4: {  	s23 =	simm.s32 $0x1D308;
	s22 =	sadd.s32 $0x10, s17  }
0x2d5: {  	[hbm4b:s22+s3] =	stream.linear.scatter [tilespmem:s23], [sflag:$0x4], $0x80, $0x38;
	[tilespmem:$0x1EC00] =	vst v63  }
0x2d6: {  	s25 =	simm.s32 $0x1D390;
	s24 =	sadd.s32 $0x20, s17  }
0x2d7: {  	[hbm4b:s24+s3] =	stream.linear.scatter [tilespmem:s25], [sflag:$0x4], $0x80, $0x38;
	[tilespmem:$0x1EC00] =	vst v63  }
0x2d8: {  	s22 =	sadd.s32 $0x30, s17;
	s23 =	simm.s32 $0x1D418  }
0x2d9: {  	[hbm4b:s22+s3] =	stream.linear.scatter [tilespmem:s23], [sflag:$0x4], $0x80, $0x38;
	[tilespmem:$0x1EC00] =	vst v63  }
0x2da: {  	s24 =	sadd.s32 $0x40, s17;
	s25 =	simm.s32 $0x1D4A0  }
0x2db: {  	[hbm4b:s24+s3] =	stream.linear.scatter [tilespmem:s25], [sflag:$0x4], $0x80, $0x38;
	[tilespmem:$0x1EC00] =	vst v63  }
0x2dc: {  	s21 =	sadd.s32 $0x50, s17;
	s22 =	simm.s32 $0x1D528  }
0x2dd: {  	[hbm4b:s21+s3] =	stream.linear.scatter [tilespmem:s22], [sflag:$0x4], $0x80, $0x38;
	[tilespmem:$0x1EC00] =	vst v63  }
0x2de: {  	s23 =	sadd.s32 $0x60, s17;
	s24 =	simm.s32 $0x1D5B0  }
0x2df: {  	[hbm4b:s23+s3] =	stream.linear.scatter [tilespmem:s24], [sflag:$0x4], $0x80, $0x38;
	[tilespmem:$0x1EC00] =	vst v63  }
0x2e0: {  	s17 =	sadd.s32 $0x70, s17;
	s25 =	simm.s32 $0x1D638  }
0x2e1: {  	[hbm4b:s17+s3] =	stream.linear.scatter [tilespmem:s25], [sflag:$0x4], $0x80, $0x38;
	[tilespmem:$0x1EC00] =	vst v63  }
0x2e2: {  	s21 =	simm.s32 $0x1D6C0;
	s17 =	sadd.s32 s15, s9  }
0x2e3: {  	[hbm4b:s17+s3] =	stream.linear.scatter [tilespmem:s21], [sflag:$0x4], $0x80, $0x38;
	[tilespmem:$0x1EC00] =	vst v63  }
0x2e4: {  	s23 =	simm.s32 $0x1D748;
	s22 =	sadd.s32 $0x10, s17  }
0x2e5: {  	[hbm4b:s22+s3] =	stream.linear.scatter [tilespmem:s23], [sflag:$0x4], $0x80, $0x38;
	[tilespmem:$0x1EC00] =	vst v63  }
0x2e6: {  	s25 =	simm.s32 $0x1D7D0;
	s24 =	sadd.s32 $0x20, s17  }
0x2e7: {  	[hbm4b:s24+s3] =	stream.linear.scatter [tilespmem:s25], [sflag:$0x4], $0x80, $0x38;
	[tilespmem:$0x1EC00] =	vst v63  }
0x2e8: {  	s22 =	sadd.s32 $0x30, s17;
	s23 =	simm.s32 $0x1D858  }
0x2e9: {  	[hbm4b:s22+s3] =	stream.linear.scatter [tilespmem:s23], [sflag:$0x4], $0x80, $0x38;
	[tilespmem:$0x1EC00] =	vst v63  }
0x2ea: {  	s24 =	sadd.s32 $0x40, s17;
	s25 =	simm.s32 $0x1D8E0  }
0x2eb: {  	[hbm4b:s24+s3] =	stream.linear.scatter [tilespmem:s25], [sflag:$0x4], $0x80, $0x38;
	[tilespmem:$0x1EC00] =	vst v63  }
0x2ec: {  	s21 =	sadd.s32 $0x50, s17;
	s22 =	simm.s32 $0x1D968  }
0x2ed: {  	[hbm4b:s21+s3] =	stream.linear.scatter [tilespmem:s22], [sflag:$0x4], $0x80, $0x38;
	[tilespmem:$0x1EC00] =	vst v63  }
0x2ee: {  	s23 =	sadd.s32 $0x60, s17;
	s24 =	simm.s32 $0x1D9F0  }
0x2ef: {  	[hbm4b:s23+s3] =	stream.linear.scatter [tilespmem:s24], [sflag:$0x4], $0x80, $0x38;
	[tilespmem:$0x1EC00] =	vst v63  }
0x2f0: {  	s17 =	sadd.s32 $0x70, s17;
	s25 =	simm.s32 $0x1DA78  }
0x2f1: {  	[hbm4b:s17+s3] =	stream.linear.scatter [tilespmem:s25], [sflag:$0x4], $0x80, $0x38;
	[tilespmem:$0x1EC00] =	vst v63  }
0x2f2: {  	s21 =	simm.s32 $0x1DB00;
	s17 =	sadd.s32 s15, s10  }
0x2f3: {  	[hbm4b:s17+s3] =	stream.linear.scatter [tilespmem:s21], [sflag:$0x4], $0x80, $0x38;
	[tilespmem:$0x1EC00] =	vst v63  }
0x2f4: {  	s23 =	simm.s32 $0x1DB88;
	s22 =	sadd.s32 $0x10, s17  }
0x2f5: {  	[hbm4b:s22+s3] =	stream.linear.scatter [tilespmem:s23], [sflag:$0x4], $0x80, $0x38;
	[tilespmem:$0x1EC00] =	vst v63  }
0x2f6: {  	s25 =	simm.s32 $0x1DC10;
	s24 =	sadd.s32 $0x20, s17  }
0x2f7: {  	[hbm4b:s24+s3] =	stream.linear.scatter [tilespmem:s25], [sflag:$0x4], $0x80, $0x38;
	[tilespmem:$0x1EC00] =	vst v63  }
0x2f8: {  	s22 =	sadd.s32 $0x30, s17;
	s23 =	simm.s32 $0x1DC98  }
0x2f9: {  	[hbm4b:s22+s3] =	stream.linear.scatter [tilespmem:s23], [sflag:$0x4], $0x80, $0x38;
	[tilespmem:$0x1EC00] =	vst v63  }
0x2fa: {  	s24 =	sadd.s32 $0x40, s17;
	s25 =	simm.s32 $0x1DD20  }
0x2fb: {  	[hbm4b:s24+s3] =	stream.linear.scatter [tilespmem:s25], [sflag:$0x4], $0x80, $0x38;
	[tilespmem:$0x1EC00] =	vst v63  }
0x2fc: {  	s21 =	sadd.s32 $0x50, s17;
	s22 =	simm.s32 $0x1DDA8  }
0x2fd: {  	[hbm4b:s21+s3] =	stream.linear.scatter [tilespmem:s22], [sflag:$0x4], $0x80, $0x38;
	[tilespmem:$0x1EC00] =	vst v63  }
0x2fe: {  	s23 =	sadd.s32 $0x60, s17;
	s24 =	simm.s32 $0x1DE30  }
0x2ff: {  	[hbm4b:s23+s3] =	stream.linear.scatter [tilespmem:s24], [sflag:$0x4], $0x80, $0x38;
	[tilespmem:$0x1EC00] =	vst v63  }
0x300: {  	s17 =	sadd.s32 $0x70, s17;
	s25 =	simm.s32 $0x1DEB8  }
0x301: {  	[hbm4b:s17+s3] =	stream.linear.scatter [tilespmem:s25], [sflag:$0x4], $0x80, $0x38;
	[tilespmem:$0x1EC00] =	vst v63  }
0x302: {  	s21 =	simm.s32 $0x1DF40;
	s17 =	sadd.s32 s15, s11  }
0x303: {  	[hbm4b:s17+s3] =	stream.linear.scatter [tilespmem:s21], [sflag:$0x4], $0x80, $0x38;
	[tilespmem:$0x1EC00] =	vst v63  }
0x304: {  	s23 =	simm.s32 $0x1DFC8;
	s22 =	sadd.s32 $0x10, s17  }
0x305: {  	[hbm4b:s22+s3] =	stream.linear.scatter [tilespmem:s23], [sflag:$0x4], $0x80, $0x38;
	[tilespmem:$0x1EC00] =	vst v63  }
0x306: {  	s25 =	simm.s32 $0x1E050;
	s24 =	sadd.s32 $0x20, s17  }
0x307: {  	[hbm4b:s24+s3] =	stream.linear.scatter [tilespmem:s25], [sflag:$0x4], $0x80, $0x38;
	[tilespmem:$0x1EC00] =	vst v63  }
0x308: {  	s22 =	sadd.s32 $0x30, s17;
	s23 =	simm.s32 $0x1E0D8  }
0x309: {  	[hbm4b:s22+s3] =	stream.linear.scatter [tilespmem:s23], [sflag:$0x4], $0x80, $0x38;
	[tilespmem:$0x1EC00] =	vst v63  }
0x30a: {  	s24 =	sadd.s32 $0x40, s17;
	s25 =	simm.s32 $0x1E160  }
0x30b: {  	[hbm4b:s24+s3] =	stream.linear.scatter [tilespmem:s25], [sflag:$0x4], $0x80, $0x38;
	[tilespmem:$0x1EC00] =	vst v63  }
0x30c: {  	s21 =	sadd.s32 $0x50, s17;
	s22 =	simm.s32 $0x1E1E8  }
0x30d: {  	[hbm4b:s21+s3] =	stream.linear.scatter [tilespmem:s22], [sflag:$0x4], $0x80, $0x38;
	[tilespmem:$0x1EC00] =	vst v63  }
0x30e: {  	s23 =	sadd.s32 $0x60, s17;
	s24 =	simm.s32 $0x1E270  }
0x30f: {  	[hbm4b:s23+s3] =	stream.linear.scatter [tilespmem:s24], [sflag:$0x4], $0x80, $0x38;
	[tilespmem:$0x1EC00] =	vst v63  }
0x310: {  	s17 =	sadd.s32 $0x70, s17;
	s25 =	simm.s32 $0x1E2F8  }
0x311: {  	[hbm4b:s17+s3] =	stream.linear.scatter [tilespmem:s25], [sflag:$0x4], $0x80, $0x38;
	[tilespmem:$0x1EC00] =	vst v63  }
0x312: {  	s21 =	simm.s32 $0x1E380;
	s17 =	sadd.s32 s15, s12  }
0x313: {  	[hbm4b:s17+s3] =	stream.linear.scatter [tilespmem:s21], [sflag:$0x4], $0x80, $0x38;
	[tilespmem:$0x1EC00] =	vst v63  }
0x314: {  	s23 =	simm.s32 $0x1E408;
	s22 =	sadd.s32 $0x10, s17  }
0x315: {  	[hbm4b:s22+s3] =	stream.linear.scatter [tilespmem:s23], [sflag:$0x4], $0x80, $0x38;
	[tilespmem:$0x1EC00] =	vst v63  }
0x316: {  	s25 =	simm.s32 $0x1E490;
	s24 =	sadd.s32 $0x20, s17  }
0x317: {  	[hbm4b:s24+s3] =	stream.linear.scatter [tilespmem:s25], [sflag:$0x4], $0x80, $0x38;
	[tilespmem:$0x1EC00] =	vst v63  }
0x318: {  	s22 =	sadd.s32 $0x30, s17;
	s23 =	simm.s32 $0x1E518  }
0x319: {  	[hbm4b:s22+s3] =	stream.linear.scatter [tilespmem:s23], [sflag:$0x4], $0x80, $0x38;
	[tilespmem:$0x1EC00] =	vst v63  }
0x31a: {  	s24 =	sadd.s32 $0x40, s17;
	s25 =	simm.s32 $0x1E5A0  }
0x31b: {  	[hbm4b:s24+s3] =	stream.linear.scatter [tilespmem:s25], [sflag:$0x4], $0x80, $0x38;
	[tilespmem:$0x1EC00] =	vst v63  }
0x31c: {  	s21 =	sadd.s32 $0x50, s17;
	s22 =	simm.s32 $0x1E628  }
0x31d: {  	[hbm4b:s21+s3] =	stream.linear.scatter [tilespmem:s22], [sflag:$0x4], $0x80, $0x38;
	[tilespmem:$0x1EC00] =	vst v63  }
0x31e: {  	s23 =	sadd.s32 $0x60, s17;
	s24 =	simm.s32 $0x1E6B0  }
0x31f: {  	[hbm4b:s23+s3] =	stream.linear.scatter [tilespmem:s24], [sflag:$0x4], $0x80, $0x38;
	[tilespmem:$0x1EC00] =	vst v63  }
0x320: {  	s17 =	sadd.s32 $0x70, s17;
	s25 =	simm.s32 $0x1E738  }
0x321: {  	[hbm4b:s17+s3] =	stream.linear.scatter [tilespmem:s25], [sflag:$0x4], $0x80, $0x38;
	[tilespmem:$0x1EC00] =	vst v63  }
0x322: {  	s15 =	sadd.s32 s15, s13;
	s21 =	simm.s32 $0x1E7C0  }
0x323: {  	[hbm4b:s15+s3] =	stream.linear.scatter [tilespmem:s21], [sflag:$0x4], $0x80, $0x38;
	[tilespmem:$0x1EC00] =	vst v63  }
0x324: {  	s22 =	sadd.s32 $0x10, s15;
	s23 =	simm.s32 $0x1E848  }
0x325: {  	[hbm4b:s22+s3] =	stream.linear.scatter [tilespmem:s23], [sflag:$0x4], $0x80, $0x38;
	[tilespmem:$0x1EC00] =	vst v63  }
0x326: {  	s24 =	sadd.s32 $0x20, s15;
	s25 =	simm.s32 $0x1E8D0  }
0x327: {  	[hbm4b:s24+s3] =	stream.linear.scatter [tilespmem:s25], [sflag:$0x4], $0x80, $0x38;
	[tilespmem:$0x1EC00] =	vst v63  }
0x328: {  	s21 =	sadd.s32 $0x30, s15  }
0x329: {  	[hbm4b:s21+s3] =	stream.linear.scatter [tilespmem:s26], [sflag:$0x4], $0x80, $0x38;
	[tilespmem:$0x1EC00] =	vst v63  }
0x32a: {  	s14 =	sadd.s32 $0x1, s14;
	s22 =	sadd.s32 $0x40, s15  }
0x32b: {  	[hbm4b:s22+s3] =	stream.linear.scatter [tilespmem:s28], [sflag:$0x4], $0x80, $0x38;
	[tilespmem:$0x1EC00] =	vst v63  }
0x32c: {  	p0 =	sne.s32 s14, $0x32;
	s23 =	sadd.s32 $0x50, s15  }
0x32d: {  	[hbm4b:s23+s3] =	stream.linear.scatter [tilespmem:s29], [sflag:$0x4], $0x80, $0x38;
	[tilespmem:$0x1EC00] =	vst v63  }
.Ltmp5:
0x32e: {  	_ = 	snop;
	(pc) =	sbr.rel @p0 .LBB2_2-.Ltmp5, $4  }
0x32f: {  	s24 =	sadd.s32 $0x60, s15;
	s25 =	simm.s32 $0x1EAF0  }
0x330: {  	[hbm4b:s24+s3] =	stream.linear.scatter [tilespmem:s25], [sflag:$0x4], $0x80, $0x38;
	[tilespmem:$0x1EC00] =	vst v63  }
0x331: {  	s15 =	sadd.s32 $0x70, s15  }
0x332: {  	[hbm4b:s15+s3] =	stream.linear.scatter [tilespmem:s0], [sflag:$0x4], $0x80, $0x38;
	[tilespmem:$0x1EC00] =	vst v63  }
0x333: {  	_ =	swait.ge [sflag:s6], $0x400  }
0x334: {  	[sflag:s6] =	ssyncset.done $0x0  }
0x335: {  	[sflag:s6] =	ssyncadd.s32 $0xFFFFFC00  }
0x336: {  	_ =	swait.ge [sflag:s6], $0x400  }
0x337: {  	[sflag:s6] =	ssyncset.done $0x0  }
0x338: {  	[sflag:s6] =	ssyncadd.s32 $0xFFFFFC00  }
0x339: {  	_ =	swait.ge [sflag:s6], $0x400  }
0x33a: {  	[sflag:s6] =	ssyncset.done $0x0  }
0x33b: {  	[sflag:s6] =	ssyncadd.s32 $0xFFFFFC00  }
0x33c: {  	_ =	swait.ge [sflag:s6], $0x400  }
0x33d: {  	[sflag:s6] =	ssyncset.done $0x0  }
0x33e: {  	[sflag:s6] =	ssyncadd.s32 $0xFFFFFC00  }
0x33f: {  	_ =	swait.ge [sflag:s6], $0x400  }
0x340: {  	[sflag:s6] =	ssyncset.done $0x0  }
0x341: {  	[sflag:s6] =	ssyncadd.s32 $0xFFFFFC00  }
0x342: {  	_ =	swait.ge [sflag:s6], $0x400  }
0x343: {  	[sflag:s6] =	ssyncset.done $0x0  }
0x344: {  	[sflag:s6] =	ssyncadd.s32 $0xFFFFFC00  }
0x345: {  	_ =	swait.ge [sflag:s6], $0x400  }
0x346: {  	[sflag:s6] =	ssyncset.done $0x0  }
0x347: {  	[sflag:s6] =	ssyncadd.s32 $0xFFFFFC00  }
0x348: {  	_ =	swait.ge [sflag:s6], $0x400  }
0x349: {  	[sflag:s6] =	ssyncset.done $0x0  }
0x34a: {  	[sflag:s6] =	ssyncadd.s32 $0xFFFFFC00  }
0x34b: {  	_ =	swait.ge [sflag:s6], $0x400  }
0x34c: {  	[sflag:s6] =	ssyncset.done $0x0  }
0x34d: {  	[sflag:s6] =	ssyncadd.s32 $0xFFFFFC00  }
0x34e: {  	_ =	swait.ge [sflag:s6], $0x400  }
0x34f: {  	[sflag:s6] =	ssyncset.done $0x0  }
0x350: {  	[sflag:s6] =	ssyncadd.s32 $0xFFFFFC00  }
0x351: {  	_ =	swait.ge [sflag:s6], $0x400  }
0x352: {  	[sflag:s6] =	ssyncset.done $0x0  }
0x353: {  	[sflag:s6] =	ssyncadd.s32 $0xFFFFFC00  }
0x354: {  	_ =	swait.ge [sflag:s6], $0x400  }
0x355: {  	[sflag:s6] =	ssyncset.done $0x0  }
0x356: {  	[sflag:s6] =	ssyncadd.s32 $0xFFFFFC00  }
0x357: {  	_ =	swait.ge [sflag:s6], $0x400  }
0x358: {  	[sflag:s6] =	ssyncset.done $0x0  }
0x359: {  	[sflag:s6] =	ssyncadd.s32 $0xFFFFFC00  }
0x35a: {  	_ =	swait.ge [sflag:s6], $0x400  }
0x35b: {  	[sflag:s6] =	ssyncset.done $0x0  }
0x35c: {  	[sflag:s6] =	ssyncadd.s32 $0xFFFFFC00  }
0x35d: {  	_ =	swait.ge [sflag:s6], $0x400  }
0x35e: {  	[sflag:s6] =	ssyncset.done $0x0  }
0x35f: {  	[sflag:s6] =	ssyncadd.s32 $0xFFFFFC00  }
0x360: {  	_ =	swait.ge [sflag:s6], $0x400  }
0x361: {  	[sflag:s6] =	ssyncset.done $0x0  }
0x362: {  	[sflag:s6] =	ssyncadd.s32 $0xFFFFFC00  }
0x363: {  	_ =	swait.ge [sflag:s31], $0x400  }
0x364: {  	[sflag:s31] =	ssyncset.done $0x0  }
0x365: {  	[sflag:s31] =	ssyncadd.s32 $0xFFFFFC00  }
0x366: {  	_ =	swait.ge [sflag:s31], $0x400  }
0x367: {  	[sflag:s31] =	ssyncset.done $0x0  }
0x368: {  	[sflag:s31] =	ssyncadd.s32 $0xFFFFFC00  }
0x369: {  	_ =	swait.ge [sflag:s31], $0x400  }
0x36a: {  	[sflag:s31] =	ssyncset.done $0x0  }
0x36b: {  	[sflag:s31] =	ssyncadd.s32 $0xFFFFFC00  }
0x36c: {  	_ =	swait.ge [sflag:s31], $0x400  }
0x36d: {  	[sflag:s31] =	ssyncset.done $0x0  }
0x36e: {  	[sflag:s31] =	ssyncadd.s32 $0xFFFFFC00  }
0x36f: {  	_ =	swait.ge [sflag:s31], $0x400  }
0x370: {  	[sflag:s31] =	ssyncset.done $0x0  }
0x371: {  	[sflag:s31] =	ssyncadd.s32 $0xFFFFFC00  }
0x372: {  	_ =	swait.ge [sflag:s31], $0x400  }
0x373: {  	[sflag:s31] =	ssyncset.done $0x0  }
0x374: {  	[sflag:s31] =	ssyncadd.s32 $0xFFFFFC00  }
0x375: {  	_ =	swait.ge [sflag:s31], $0x400  }
0x376: {  	[sflag:s31] =	ssyncset.done $0x0  }
0x377: {  	[sflag:s31] =	ssyncadd.s32 $0xFFFFFC00  }
0x378: {  	_ =	swait.ge [sflag:s31], $0x400  }
0x379: {  	[sflag:s31] =	ssyncset.done $0x0  }
0x37a: {  	[sflag:s31] =	ssyncadd.s32 $0xFFFFFC00  }
0x37b: {  	_ =	swait.ge [sflag:s31], $0x400  }
0x37c: {  	[sflag:s31] =	ssyncset.done $0x0  }
0x37d: {  	[sflag:s31] =	ssyncadd.s32 $0xFFFFFC00  }
0x37e: {  	_ =	swait.ge [sflag:s31], $0x400  }
0x37f: {  	[sflag:s31] =	ssyncset.done $0x0  }
0x380: {  	[sflag:s31] =	ssyncadd.s32 $0xFFFFFC00  }
0x381: {  	_ =	swait.ge [sflag:s31], $0x400  }
0x382: {  	[sflag:s31] =	ssyncset.done $0x0  }
0x383: {  	[sflag:s31] =	ssyncadd.s32 $0xFFFFFC00  }
0x384: {  	_ =	swait.ge [sflag:s31], $0x400  }
0x385: {  	[sflag:s31] =	ssyncset.done $0x0  }
0x386: {  	[sflag:s31] =	ssyncadd.s32 $0xFFFFFC00  }
0x387: {  	_ =	swait.ge [sflag:s31], $0x400  }
0x388: {  	[sflag:s31] =	ssyncset.done $0x0  }
0x389: {  	[sflag:s31] =	ssyncadd.s32 $0xFFFFFC00  }
0x38a: {  	_ =	swait.ge [sflag:s31], $0x400  }
0x38b: {  	[sflag:s31] =	ssyncset.done $0x0  }
0x38c: {  	[sflag:s31] =	ssyncadd.s32 $0xFFFFFC00  }
0x38d: {  	_ =	swait.ge [sflag:s31], $0x400  }
0x38e: {  	[sflag:s31] =	ssyncset.done $0x0  }
0x38f: {  	[sflag:s31] =	ssyncadd.s32 $0xFFFFFC00  }
0x390: {  	_ =	swait.ge [sflag:s31], $0x400  }
0x391: {  	s15 =	rddreg [dreg:$0x5]  }
0x392: {  	s14 =	rddreg [dreg:$0x4];
	s15 =	sadd.s32 $0x1, s15  }
0x393: {  	p0 =	sne.s32 s15, s14  }
.Ltmp6:
0x394: {  	_ = 	snop;
	(pc) =	sbr.rel @p0 .LBB2_1-.Ltmp6, $3  }
0x395: {  	_ =	sdelay $0x1  }
0x396: {  	[sflag:s31] =	ssyncset.done $0x0  }
0x397: {  	[sflag:s31] =	ssyncadd.s32 $0xFFFFFC00  }
0x398: {  	_ =	sfence.sel $0x180000  }
0x399: {  	[bflag:$0x0] =	sbarrier.arrive $0xFFFF  }
0x39a: {  	_ =	strace $0x90000047  }
0x39b: {  	s0 =	stileid.u32;
	[bflag:$0x2] =	sbarrier.arrive $0xFFFF  }
0x39c: {  	p0 =	sne.s32 s0, $0x0;
	s0 =	rddreg [dreg:$0x2]  }
0x39d: {  	s0 =	sadd.s32 @!p0 $0x100000, s0  }
0x39e: {  	[sflag:s0] =	ssyncadd.tile.s32 @!p0 $0x1;
	_ =	shalt  }
.Lfunc_end2:
_tile_overlayer_lowered:
.L_overlay_start_2:
0x39f: {  	(tag) =	ssettag $0x2  }
0x3a0: {  	s0 =	rddreg [dreg:$0x0];
	s2 =	stileid.u32  }
0x3a1: {  	s1 =	rddreg [dreg:$0x1];
	p0 =	sne.s32 s2, $0x0  }
0x3a2: {  	s3 =	rddreg [dreg:$0x2];
	[bflag:$0x3] =	sbarrier.arrive $0xFFFF;
	s2 =	simm.s32 @!p0 $0x1C05  }
0x3a3: {  	[timem:s3], [sflag:s2] =	dma.local @!p0 [hbm:s0], s1  }
0x3a4: {  	s0 =	simm.s32 @!p0 $0x5  }
0x3a5: {  	_ =	swait.ge @!p0 [sflag:s0], s1  }
0x3a6: {  	s1 =	ssub.s32 @!p0 $0x0, s1;
	[sflag:s0] =	ssyncset.done @!p0 $0x0  }
0x3a7: {  	[sflag:s0] =	ssyncadd.s32 @!p0 s1  }
0x3a8: {  	[bflag:$0x3] =	sbarrier.arrive $0xFFFF  }
0x3a9: {  	_ =	shalt  }

</sc_bundles>
